<compile_context>
chip_gen: v7x
topology: tpu7x:2x2x1
jax: 0.10.2.dev20260603
libtpu: 0.0.44.dev20260713+nightly
codegen_flags: <defaults>
</compile_context>

<pallas_src>
import functools

import jax
import jax.numpy as jnp
from jax import lax
from jax.experimental import pallas as pl
from jax.experimental.pallas import tpu as pltpu
from jax.experimental.pallas import tpu_sc as plsc

N_NODES = 10000
N_PAD = 10240
N_EDGES = 320000
E_PAD = 327680
F_DIM = 128
OUT_DIM = 64
EPS = 1e-5

SC_CORES = 2
SC_SUBCORES = 16
N_WORKERS = SC_CORES * SC_SUBCORES

ECHUNK = 128
EROWS_W = 80
EROWS_TOT = N_WORKERS * EROWS_W
RA_ROWS = 112
RB_ROWS = 2 * EROWS_W - RA_ROWS
CORE0_ROWS = SC_SUBCORES * RA_ROWS
SUB_ROWS = N_PAD // SC_SUBCORES

BM = 1000
GRID = N_NODES // BM


@functools.cache
def _sc_mesh():
    return plsc.VectorSubcoreMesh(
        core_axis_name="c", subcore_axis_name="s",
        num_cores=SC_CORES, num_subcores=SC_SUBCORES)


def _fill_const(ref, nrows, ncols, value):
    @pl.loop(0, nrows)
    def _(r):
        @pl.loop(0, ncols // 16)
        def _(c):
            ref[r, pl.ds(c * 16, 16)] = jnp.full((16,), value, jnp.float32)


def _sc_degree(dst3):

    @functools.partial(
        pl.kernel,
        out_type=jax.ShapeDtypeStruct((SC_CORES, N_PAD, F_DIM), jnp.float32),
        mesh=_sc_mesh(),
        scratch_types=[
            pltpu.VMEM((EROWS_W, ECHUNK), jnp.int32),
            pltpu.VMEM((ECHUNK, F_DIM), jnp.float32),
            pltpu.VMEM_SHARED((N_PAD, F_DIM), jnp.float32),
        ],
    )
    def k(dst_hbm, out_hbm, dst_v, ones_v, acc_sh):
        cid = lax.axis_index("c")
        sid = lax.axis_index("s")
        wid = sid * SC_CORES + cid

        _fill_const(ones_v, ECHUNK, F_DIM, 0.0)

        @pl.loop(0, SUB_ROWS // ECHUNK)
        def _(q):
            pltpu.sync_copy(
                ones_v,
                acc_sh.at[pl.ds(sid * SUB_ROWS + q * ECHUNK, ECHUNK)])

        _fill_const(ones_v, ECHUNK, F_DIM, 1.0)
        pltpu.sync_copy(dst_hbm.at[pl.ds(wid * EROWS_W, EROWS_W)], dst_v)
        plsc.subcore_barrier()

        @pl.loop(0, EROWS_W)
        def _(j):
            pltpu.sync_copy(ones_v, acc_sh.at[dst_v.at[j]], add=True)

        plsc.subcore_barrier()
        pltpu.sync_copy(
            acc_sh.at[pl.ds(sid * SUB_ROWS, SUB_ROWS)],
            out_hbm.at[cid].at[pl.ds(sid * SUB_ROWS, SUB_ROWS)])

    return k(dst3)


SPAN = 8
NSPAN = EROWS_W // SPAN


def _sc_edge_aggregate(xs, src3, dst3):
    @functools.partial(
        pl.kernel,
        out_type=jax.ShapeDtypeStruct((SC_CORES, N_PAD, F_DIM), jnp.float32),
        mesh=_sc_mesh(),
        scratch_types=[
            pltpu.VMEM((SPAN, ECHUNK), jnp.int32),
            pltpu.VMEM((SPAN, ECHUNK), jnp.int32),
            pltpu.VMEM((SPAN, ECHUNK), jnp.int32),
            pltpu.VMEM((SPAN, ECHUNK), jnp.int32),
            pltpu.VMEM((ECHUNK, F_DIM), jnp.float32),
            pltpu.VMEM((ECHUNK, F_DIM), jnp.float32),
            pltpu.SemaphoreType.DMA,
            pltpu.VMEM_SHARED((N_PAD, F_DIM), jnp.float32),
        ],
    )
    def k(xs_hbm, src_hbm, dst_hbm, out_hbm, src_a, dst_a, src_b, dst_b,
          rows_a, rows_b, sem, acc_sh):
        cid = lax.axis_index("c")
        sid = lax.axis_index("s")
        nspan = jnp.where(cid == 0, RA_ROWS // SPAN, RB_ROWS // SPAN)
        nchunks = nspan * SPAN
        row_base = jnp.where(cid == 0, sid * RA_ROWS,
                             CORE0_ROWS + sid * RB_ROWS)

        def idx_slice(off):
            return pl.ds(pl.multiple_of(row_base + off, SPAN), SPAN)

        _fill_const(rows_a, ECHUNK, F_DIM, 0.0)

        @pl.loop(0, SUB_ROWS // ECHUNK)
        def _(q):
            pltpu.sync_copy(
                rows_a,
                acc_sh.at[pl.ds(sid * SUB_ROWS + q * ECHUNK, ECHUNK)])

        pltpu.sync_copy(src_hbm.at[idx_slice(0)], src_a)
        pltpu.sync_copy(dst_hbm.at[idx_slice(0)], dst_a)
        plsc.subcore_barrier()

        def wait_gather(buf):
            pltpu.make_async_copy(xs_hbm.at[pl.ds(0, ECHUNK)], buf,
                                  sem).wait()

        pltpu.async_copy(xs_hbm.at[src_a.at[0]], rows_a, sem)

        @pl.loop(0, nspan, step=2)
        def _(s):
            for p in (0, 1):
                sp = s + p
                src_c, dst_c = (src_a, dst_a) if p == 0 else (src_b, dst_b)
                src_n, dst_n = (src_b, dst_b) if p == 0 else (src_a, dst_a)
                for r in range(SPAN):
                    j = sp * SPAN + r
                    cur, nxt = (rows_a, rows_b) if r % 2 == 0 \
                        else (rows_b, rows_a)
                    wait_gather(cur)
                    if r < SPAN - 1:
                        pltpu.async_copy(
                            xs_hbm.at[src_c.at[r + 1]], nxt, sem)
                    else:
                        @pl.when(j + 1 < nchunks)
                        def _():
                            pltpu.async_copy(
                                xs_hbm.at[src_n.at[0]], nxt, sem)
                    if r == 1:
                        @pl.when(sp + 1 < nspan)
                        def _():
                            off = (sp + 1) * SPAN
                            pltpu.sync_copy(
                                src_hbm.at[idx_slice(off)], src_n)
                            pltpu.sync_copy(
                                dst_hbm.at[idx_slice(off)], dst_n)
                    pltpu.sync_copy(cur, acc_sh.at[dst_c.at[r]], add=True)

        plsc.subcore_barrier()
        pltpu.sync_copy(
            acc_sh.at[pl.ds(sid * SUB_ROWS, SUB_ROWS)],
            out_hbm.at[cid].at[pl.ds(sid * SUB_ROWS, SUB_ROWS)])

    return k(xs, src3, dst3)


def _dot(a, b):
    return jax.lax.dot_general(
        a, b, (((1,), (0,)), ((), ())),
        precision=jax.lax.Precision.HIGHEST,
        preferred_element_type=jnp.float32)


def _k1_matmul_scale(x, W1, deg2):

    def body(x_ref, w_ref, d_ref, xs_ref, dinv_ref):
        deg = d_ref[0, :, 0:1] + d_ref[1, :, 0:1] + 1.0
        dinv = lax.rsqrt(deg)
        dinv_ref[...] = jnp.broadcast_to(dinv, (dinv.shape[0], 16))
        xs_ref[...] = _dot(x_ref[...], w_ref[...]) * dinv

    return pl.pallas_call(
        body,
        grid=(GRID,),
        in_specs=[
            pl.BlockSpec((BM, F_DIM), lambda i: (i, 0)),
            pl.BlockSpec((F_DIM, F_DIM), lambda i: (0, 0)),
            pl.BlockSpec((2, BM, F_DIM), lambda i: (0, i, 0)),
        ],
        out_specs=[
            pl.BlockSpec((BM, F_DIM), lambda i: (i, 0)),
            pl.BlockSpec((BM, 16), lambda i: (i, 0)),
        ],
        out_shape=[
            jax.ShapeDtypeStruct((N_NODES, F_DIM), jnp.float32),
            jax.ShapeDtypeStruct((N_NODES, 16), jnp.float32),
        ],
        compiler_params=pltpu.CompilerParams(
            dimension_semantics=("parallel",)),
    )(x, W1, deg2)


def _k2_combine_stats(parts, xs, dinv, b):

    def body(p_ref, xs_ref, dinv_ref, b_ref, h_ref, st_ref):
        h = (p_ref[0] + p_ref[1] + xs_ref[...]) * dinv_ref[..., 0:1] \
            + b_ref[...]
        h_ref[...] = h
        s1 = jnp.sum(h, axis=0, keepdims=True)
        s2 = jnp.sum(h * h, axis=0, keepdims=True)
        st_ref[...] = jnp.concatenate([s1, s2], axis=0)[None]

    return pl.pallas_call(
        body,
        grid=(GRID,),
        in_specs=[
            pl.BlockSpec((2, BM, F_DIM), lambda i: (0, i, 0)),
            pl.BlockSpec((BM, F_DIM), lambda i: (i, 0)),
            pl.BlockSpec((BM, 16), lambda i: (i, 0)),
            pl.BlockSpec((1, F_DIM), lambda i: (0, 0)),
        ],
        out_specs=[
            pl.BlockSpec((BM, F_DIM), lambda i: (i, 0)),
            pl.BlockSpec((1, 2, F_DIM), lambda i: (i, 0, 0)),
        ],
        out_shape=[
            jax.ShapeDtypeStruct((N_NODES, F_DIM), jnp.float32),
            jax.ShapeDtypeStruct((GRID, 2, F_DIM), jnp.float32),
        ],
        compiler_params=pltpu.CompilerParams(
            dimension_semantics=("parallel",)),
    )(parts, xs, dinv, b)


def _bn_coeffs(st, g, be):
    stats = jnp.sum(st, axis=0)
    m = stats[0:1] / N_NODES
    v = stats[1:2] / N_NODES - m * m
    a = g * lax.rsqrt(v + EPS)
    return m, a, be - m * a


def _k3_bn_relu_matmul_scale(h, st, g, be, W2, dinv):

    def body(h_ref, st_ref, g_ref, be_ref, w_ref, dinv_ref, xs_ref):
        _, a, c = _bn_coeffs(st_ref[...], g_ref[...], be_ref[...])
        hn = jnp.maximum(h_ref[...] * a + c, 0.0)
        xs_ref[...] = _dot(hn, w_ref[...]) * dinv_ref[..., 0:1]

    return pl.pallas_call(
        body,
        grid=(GRID,),
        in_specs=[
            pl.BlockSpec((BM, F_DIM), lambda i: (i, 0)),
            pl.BlockSpec((GRID, 2, F_DIM), lambda i: (0, 0, 0)),
            pl.BlockSpec((1, F_DIM), lambda i: (0, 0)),
            pl.BlockSpec((1, F_DIM), lambda i: (0, 0)),
            pl.BlockSpec((F_DIM, F_DIM), lambda i: (0, 0)),
            pl.BlockSpec((BM, 16), lambda i: (i, 0)),
        ],
        out_specs=pl.BlockSpec((BM, F_DIM), lambda i: (i, 0)),
        out_shape=jax.ShapeDtypeStruct((N_NODES, F_DIM), jnp.float32),
        compiler_params=pltpu.CompilerParams(
            dimension_semantics=("parallel",)),
    )(h, st, g, be, W2, dinv)


def _k5_classifier(h, st, g, be, x, Wc, bc):

    def body(h_ref, st_ref, g_ref, be_ref, x_ref, wc_ref, bc_ref, o_ref):
        _, a, c = _bn_coeffs(st_ref[...], g_ref[...], be_ref[...])
        hn = jnp.maximum(h_ref[...] * a + c, 0.0)
        z = (_dot(hn, wc_ref[0:F_DIM]) + _dot(x_ref[...], wc_ref[F_DIM:])
             + bc_ref[...])
        mx = jnp.max(z, axis=1, keepdims=True)
        e = jnp.exp(z - mx)
        lse = jnp.log(jnp.sum(e, axis=1, keepdims=True)) + mx
        o_ref[...] = z - lse

    return pl.pallas_call(
        body,
        grid=(GRID,),
        in_specs=[
            pl.BlockSpec((BM, F_DIM), lambda i: (i, 0)),
            pl.BlockSpec((GRID, 2, F_DIM), lambda i: (0, 0, 0)),
            pl.BlockSpec((1, F_DIM), lambda i: (0, 0)),
            pl.BlockSpec((1, F_DIM), lambda i: (0, 0)),
            pl.BlockSpec((BM, F_DIM), lambda i: (i, 0)),
            pl.BlockSpec((2 * F_DIM, OUT_DIM), lambda i: (0, 0)),
            pl.BlockSpec((1, OUT_DIM), lambda i: (0, 0)),
        ],
        out_specs=pl.BlockSpec((BM, OUT_DIM), lambda i: (i, 0)),
        out_shape=jax.ShapeDtypeStruct((N_NODES, OUT_DIM), jnp.float32),
        compiler_params=pltpu.CompilerParams(
            dimension_semantics=("parallel",)),
    )(h, st, g, be, x, Wc, bc)


def kernel(x, edge_index, W1, b1, g1, be1, W2, b2, g2, be2, Wc, bc):
    pad_src = jnp.zeros((1, E_PAD - N_EDGES), edge_index.dtype)
    pad_dst = (N_NODES + jnp.arange(E_PAD - N_EDGES, dtype=edge_index.dtype)
               % (N_PAD - N_NODES))[None]
    ei = jnp.concatenate([edge_index, jnp.concatenate([pad_src, pad_dst])],
                         axis=1)
    src3 = ei[0].reshape(EROWS_TOT, ECHUNK)
    dst3 = ei[1].reshape(EROWS_TOT, ECHUNK)
    b1r = b1.reshape(1, F_DIM)
    g1r = g1.reshape(1, F_DIM)
    be1r = be1.reshape(1, F_DIM)
    b2r = b2.reshape(1, F_DIM)
    g2r = g2.reshape(1, F_DIM)
    be2r = be2.reshape(1, F_DIM)
    bcr = bc.reshape(1, OUT_DIM)

    deg2 = _sc_degree(dst3)
    xs1, dinv = _k1_matmul_scale(x, W1, deg2)
    p1 = _sc_edge_aggregate(xs1, src3, dst3)
    h1, st1 = _k2_combine_stats(p1, xs1, dinv, b1r)
    xs2 = _k3_bn_relu_matmul_scale(h1, st1, g1r, be1r, W2, dinv)
    p2 = _sc_edge_aggregate(xs2, src3, dst3)
    h2, st2 = _k2_combine_stats(p2, xs2, dinv, b2r)
    return _k5_classifier(h2, st2, g2r, be2r, x, Wc, bcr)

# --- scband reference (transcript-rebuilt; emitter-appended) ---
"""Pipeline reference for scband-gcn-8160437862466 (READ-ONLY COPY).

The authoritative reference and input builder live on the scoring server;
editing this copy changes nothing except your own understanding.
"""

import jax, jax.numpy as jnp
import numpy as np

N = 10000
E = 320000
F_IN = 128
HID = 128
OUT = 64


def setup_inputs(seed: int = 0) -> dict:
    key = jax.random.key(seed)
    ks = jax.random.split(key, 16)
    x = jax.random.normal(ks[0], (N, F_IN), dtype=jnp.float32)
    edge_index = jax.random.randint(ks[1], (2, E), 0, N, dtype=jnp.int32)
    s1 = 1.0 / np.sqrt(F_IN)
    s2 = 1.0 / np.sqrt(HID)
    sc = 1.0 / np.sqrt(HID + F_IN)
    W1 = jax.random.uniform(ks[2], (F_IN, HID), jnp.float32, -s1, s1)
    b1 = jnp.zeros((HID,), jnp.float32)
    g1 = jnp.ones((HID,), jnp.float32)
    be1 = jnp.zeros((HID,), jnp.float32)
    W2 = jax.random.uniform(ks[3], (HID, HID), jnp.float32, -s2, s2)
    b2 = jnp.zeros((HID,), jnp.float32)
    g2 = jnp.ones((HID,), jnp.float32)
    be2 = jnp.zeros((HID,), jnp.float32)
    Wc = jax.random.uniform(ks[4], (HID + F_IN, OUT), jnp.float32, -sc, sc)
    bc = jax.random.uniform(ks[5], (OUT,), jnp.float32, -sc, sc)
    return {"x": x, "edge_index": edge_index, "W1": W1, "b1": b1, "g1": g1, "be1": be1,
            "W2": W2, "b2": b2, "g2": g2, "be2": be2, "Wc": Wc, "bc": bc}


def _gcn_conv(x, edge_index, W, b):
    n = x.shape[0]
    src = edge_index[0]
    dst = edge_index[1]
    loop = jnp.arange(n, dtype=src.dtype)
    src_f = jnp.concatenate([src, loop])
    dst_f = jnp.concatenate([dst, loop])
    deg = jnp.zeros((n,), jnp.float32).at[dst_f].add(1.0)
    dinv = jnp.where(deg > 0, jax.lax.rsqrt(jnp.maximum(deg, 1e-12)), 0.0)
    norm = dinv[src_f] * dinv[dst_f]
    xw = x @ W
    msg = jnp.take(xw, src_f, axis=0) * norm[:, None]
    out = jax.ops.segment_sum(msg, dst_f, num_segments=n)
    return out + b


def _bn(x, g, b, eps=1e-5):
    m = jnp.mean(x, axis=0)
    v = jnp.var(x, axis=0)
    return (x - m) * jax.lax.rsqrt(v + eps) * g + b


def reference(x, edge_index, W1, b1, g1, be1, W2, b2, g2, be2, Wc, bc):
    x_input = x
    h = _gcn_conv(x, edge_index, W1, b1)
    h = _bn(h, g1, be1)
    h = jax.nn.relu(h)
    # dropout omitted (deterministic reference)
    h = _gcn_conv(h, edge_index, W2, b2)
    h = _bn(h, g2, be2)
    h = jax.nn.relu(h)
    h = jnp.concatenate([h, x_input], axis=1)
    h = h @ Wc + bc
    return jax.nn.log_softmax(h, axis=1)

if __name__ == "__main__":
    import jax
    _d = setup_inputs()
    print(jax.jit(kernel)(*tuple(_d.values())))

</pallas_src>

<mosaic_0001>
#map = affine_map<(d0, d1) -> (0, 0)>
#map1 = affine_map<(d0, d1) -> (0, 0, 0)>
module attributes {stable_mosaic.version = 14 : i64} {
  func.func @k(%arg0: i32, %arg1: i32, %arg2: memref<10000x128xf32, #tpu.memory_space<hbm>>, %arg3: memref<2560x128xi32, #tpu.memory_space<hbm>>, %arg4: memref<2560x128xi32, #tpu.memory_space<hbm>>, %arg5: memref<2x10240x128xf32, #tpu.memory_space<hbm>>, %arg6: memref<8x128xi32, #tpu.memory_space<vmem>>, %arg7: memref<8x128xi32, #tpu.memory_space<vmem>>, %arg8: memref<8x128xi32, #tpu.memory_space<vmem>>, %arg9: memref<8x128xi32, #tpu.memory_space<vmem>>, %arg10: memref<128x128xf32, #tpu.memory_space<vmem>>, %arg11: memref<128x128xf32, #tpu.memory_space<vmem>>, %arg12: memref<!tpu.dma_semaphore, #tpu.memory_space<semaphore_mem>>, %arg13: memref<10240x128xf32, #tpu.memory_space<vmem_shared>>) attributes {dimension_semantics = [#tpu.dimension_semantics<core_parallel>, #tpu.dimension_semantics<subcore_parallel>], iteration_bounds = array<i64: 2, 16>, scalar_prefetch = 0 : i64, scratch_operands = 8 : i64, tpu.core_type = #tpu.core_type<sc_vector_subcore>, window_params = [{transform_indices = #map}, {transform_indices = #map}, {transform_indices = #map}, {transform_indices = #map1}]} {
    %eq3A = arith.constant 0 : i32
    %eq3A_0 = arith.cmpi eq, %arg0, %eq3A : i32
    %jit3A = arith.constant 14 : i32
    %jit3A_1 = arith.constant 6 : i32
    %select_n3A = arith.select %eq3A_0, %jit3A, %jit3A_1 : i32
    %mul3A = arith.constant 8 : i32
    %mul3A_2 = arith.muli %select_n3A, %mul3A : i32
    %eq3A_3 = arith.constant 0 : i32
    %eq3A_4 = arith.cmpi eq, %arg0, %eq3A_3 : i32
    %mul3A_5 = arith.constant 112 : i32
    %mul3A_6 = arith.muli %arg1, %mul3A_5 : i32
    %mul3A_7 = arith.constant 48 : i32
    %mul3A_8 = arith.muli %arg1, %mul3A_7 : i32
    %add3A = arith.constant 1792 : i32
    %add3A_9 = arith.addi %add3A, %mul3A_8 : i32
    %select_n3A_10 = arith.select %eq3A_4, %mul3A_6, %add3A_9 : i32
    %scan3A = arith.constant 0 : i32
    %scan3A_11 = arith.constant 128 : i32
    %scan3A_12 = arith.addi %scan3A, %scan3A_11 : i32
    %scan3A_13 = arith.constant 1 : i32
    scf.for %scan3A_52 = %scan3A to %scan3A_12 step %scan3A_13  : i32 {
      %mul3A_53 = arith.constant 1 : i32
      %mul3A_54 = arith.muli %scan3A_52, %mul3A_53 : i32
      %add3A_55 = arith.constant 0 : i32
      %add3A_56 = arith.addi %add3A_55, %mul3A_54 : i32
      %scan3A_57 = arith.constant 0 : i32
      %scan3A_58 = arith.constant 8 : i32
      %scan3A_59 = arith.addi %scan3A_57, %scan3A_58 : i32
      %scan3A_60 = arith.constant 1 : i32
      scf.for %scan3A_62 = %scan3A_57 to %scan3A_59 step %scan3A_60  : i32 {
        %mul3A_63 = arith.constant 1 : i32
        %mul3A_64 = arith.muli %scan3A_62, %mul3A_63 : i32
        %add3A_65 = arith.constant 0 : i32
        %add3A_66 = arith.addi %add3A_65, %mul3A_64 : i32
        %broadcast_in_dim3A = arith.constant 0.000000e+00 : f32
        %broadcast_in_dim3A_67 = vector.broadcast %broadcast_in_dim3A : f32 to vector<16xf32>
        %mul3A_68 = arith.constant 16 : i32
        %mul3A_69 = arith.muli %add3A_66, %mul3A_68 : i32
        %swap3A = arith.index_cast %add3A_56 : i32 to index
        %swap3A_70 = arith.index_cast %mul3A_69 : i32 to index
        %swap3A_71 = tpu.vector_load %arg10[%swap3A, %swap3A_70] {strides = array<i32>} : memref<128x128xf32, #tpu.memory_space<vmem>>, vector<1x16xf32>,
        %swap3A_72 = vector.shape_cast %swap3A_71 : vector<1x16xf32> to vector<16xf32>
        %swap3A_73 = vector.shape_cast %broadcast_in_dim3A_67 : vector<16xf32> to vector<1x16xf32>
        tpu.vector_store %arg10[%swap3A, %swap3A_70], %swap3A_73 {strides = array<i32>} : memref<128x128xf32, #tpu.memory_space<vmem>>, vector<1x16xf32>,
      }
      %scan3A_61 = arith.constant 8 : i32
    }
    %scan3A_14 = arith.constant 128 : i32
    %scan3A_15 = arith.constant 0 : i32
    %scan3A_16 = arith.constant 5 : i32
    %scan3A_17 = arith.addi %scan3A_15, %scan3A_16 : i32
    %scan3A_18 = arith.constant 1 : i32
    scf.for %scan3A_52 = %scan3A_15 to %scan3A_17 step %scan3A_18  : i32 {
      %mul3A_53 = arith.constant 1 : i32
      %mul3A_54 = arith.muli %scan3A_52, %mul3A_53 : i32
      %add3A_55 = arith.constant 0 : i32
      %add3A_56 = arith.addi %add3A_55, %mul3A_54 : i32
      %mul3A_57 = arith.constant 640 : i32
      %mul3A_58 = arith.muli %arg1, %mul3A_57 : i32
      %mul3A_59 = arith.constant 128 : i32
      %mul3A_60 = arith.muli %add3A_56, %mul3A_59 : i32
      %add3A_61 = arith.addi %mul3A_58, %mul3A_60 : i32
      "tpu.region"() ({
        %run_scoped3A = tpu.sem_alloc : memref<!tpu.dma_semaphore, #tpu.memory_space<semaphore_mem>>
        %dma_start3A_62 = arith.constant 0 : i32
        %dma_start3A_63 = tpu.memref_slice %arg13[%add3A_61, %dma_start3A_62] : memref<10240x128xf32, #tpu.memory_space<vmem_shared>> -> memref<128x128xf32, #tpu.memory_space<vmem_shared>>
        %dma_start3A_64 = arith.constant 0 : i32
        %dma_start3A_65 = tpu.memref_slice %arg13[%add3A_61, %dma_start3A_64] : memref<10240x128xf32, #tpu.memory_space<vmem_shared>> -> memref<128x128xf32, #tpu.memory_space<vmem_shared>>
        tpu.enqueue_dma source(%arg10 : memref<128x128xf32, #tpu.memory_space<vmem>>) target(%dma_start3A_65 : memref<128x128xf32, #tpu.memory_space<vmem_shared>>) target_semaphore(%run_scoped3A : memref<!tpu.dma_semaphore, #tpu.memory_space<semaphore_mem>>)
        %dma_wait3A = arith.constant 0 : i32
        %dma_wait3A_66 = tpu.memref_slice %arg13[%add3A_61, %dma_wait3A] : memref<10240x128xf32, #tpu.memory_space<vmem_shared>> -> memref<128x128xf32, #tpu.memory_space<vmem_shared>>
        %dma_wait3A_67 = arith.constant 0 : i32
        %dma_wait3A_68 = tpu.memref_slice %arg13[%add3A_61, %dma_wait3A_67] : memref<10240x128xf32, #tpu.memory_space<vmem_shared>> -> memref<128x128xf32, #tpu.memory_space<vmem_shared>>
        tpu.wait_dma2 semaphore(%run_scoped3A : memref<!tpu.dma_semaphore, #tpu.memory_space<semaphore_mem>>) src(%arg10 : memref<128x128xf32, #tpu.memory_space<vmem>>) dst(%dma_wait3A_68 : memref<128x128xf32, #tpu.memory_space<vmem_shared>>)
        tpu.yield
      }) : () -> ()
    }
    %scan3A_19 = arith.constant 5 : i32
    %add3A_20 = arith.constant 0 : i32
    %add3A_21 = arith.addi %select_n3A_10, %add3A_20 : i32
    %multiple_of3A = tpu.assume_multiple %add3A_21, 8 : i32
    "tpu.region"() ({
      %run_scoped3A = tpu.sem_alloc : memref<!tpu.dma_semaphore, #tpu.memory_space<semaphore_mem>>
      %dma_start3A_52 = arith.constant 0 : i32
      %dma_start3A_53 = tpu.memref_slice %arg3[%multiple_of3A, %dma_start3A_52] : memref<2560x128xi32, #tpu.memory_space<hbm>> -> memref<8x128xi32, #tpu.memory_space<hbm>>
      %dma_start3A_54 = arith.constant 0 : i32
      %dma_start3A_55 = tpu.memref_slice %arg3[%multiple_of3A, %dma_start3A_54] : memref<2560x128xi32, #tpu.memory_space<hbm>> -> memref<8x128xi32, #tpu.memory_space<hbm>>
      tpu.enqueue_dma source(%dma_start3A_55 : memref<8x128xi32, #tpu.memory_space<hbm>>) target(%arg6 : memref<8x128xi32, #tpu.memory_space<vmem>>) target_semaphore(%run_scoped3A : memref<!tpu.dma_semaphore, #tpu.memory_space<semaphore_mem>>)
      %dma_wait3A = arith.constant 0 : i32
      %dma_wait3A_56 = tpu.memref_slice %arg3[%multiple_of3A, %dma_wait3A] : memref<2560x128xi32, #tpu.memory_space<hbm>> -> memref<8x128xi32, #tpu.memory_space<hbm>>
      %dma_wait3A_57 = arith.constant 0 : i32
      %dma_wait3A_58 = tpu.memref_slice %arg3[%multiple_of3A, %dma_wait3A_57] : memref<2560x128xi32, #tpu.memory_space<hbm>> -> memref<8x128xi32, #tpu.memory_space<hbm>>
      tpu.wait_dma2 semaphore(%run_scoped3A : memref<!tpu.dma_semaphore, #tpu.memory_space<semaphore_mem>>) src(%dma_wait3A_58 : memref<8x128xi32, #tpu.memory_space<hbm>>) dst(%arg6 : memref<8x128xi32, #tpu.memory_space<vmem>>)
      tpu.yield
    }) : () -> ()
    %add3A_22 = arith.constant 0 : i32
    %add3A_23 = arith.addi %select_n3A_10, %add3A_22 : i32
    %multiple_of3A_24 = tpu.assume_multiple %add3A_23, 8 : i32
    "tpu.region"() ({
      %run_scoped3A = tpu.sem_alloc : memref<!tpu.dma_semaphore, #tpu.memory_space<semaphore_mem>>
      %dma_start3A_52 = arith.constant 0 : i32
      %dma_start3A_53 = tpu.memref_slice %arg4[%multiple_of3A_24, %dma_start3A_52] : memref<2560x128xi32, #tpu.memory_space<hbm>> -> memref<8x128xi32, #tpu.memory_space<hbm>>
      %dma_start3A_54 = arith.constant 0 : i32
      %dma_start3A_55 = tpu.memref_slice %arg4[%multiple_of3A_24, %dma_start3A_54] : memref<2560x128xi32, #tpu.memory_space<hbm>> -> memref<8x128xi32, #tpu.memory_space<hbm>>
      tpu.enqueue_dma source(%dma_start3A_55 : memref<8x128xi32, #tpu.memory_space<hbm>>) target(%arg7 : memref<8x128xi32, #tpu.memory_space<vmem>>) target_semaphore(%run_scoped3A : memref<!tpu.dma_semaphore, #tpu.memory_space<semaphore_mem>>)
      %dma_wait3A = arith.constant 0 : i32
      %dma_wait3A_56 = tpu.memref_slice %arg4[%multiple_of3A_24, %dma_wait3A] : memref<2560x128xi32, #tpu.memory_space<hbm>> -> memref<8x128xi32, #tpu.memory_space<hbm>>
      %dma_wait3A_57 = arith.constant 0 : i32
      %dma_wait3A_58 = tpu.memref_slice %arg4[%multiple_of3A_24, %dma_wait3A_57] : memref<2560x128xi32, #tpu.memory_space<hbm>> -> memref<8x128xi32, #tpu.memory_space<hbm>>
      tpu.wait_dma2 semaphore(%run_scoped3A : memref<!tpu.dma_semaphore, #tpu.memory_space<semaphore_mem>>) src(%dma_wait3A_58 : memref<8x128xi32, #tpu.memory_space<hbm>>) dst(%arg7 : memref<8x128xi32, #tpu.memory_space<vmem>>)
      tpu.yield
    }) : () -> ()
    %barrier3A = arith.constant 0 : index
    tpu.barrier barrier_id(%barrier3A)
    %dma_start3A = arith.constant 0 : i32
    %dma_start3A_25 = arith.constant 0 : i32
    %dma_start3A_26 = tpu.memref_slice %arg6[%dma_start3A, %dma_start3A_25] : memref<8x128xi32, #tpu.memory_space<vmem>> -> memref<1x128xi32, #tpu.memory_space<vmem>>
    %dma_start3A_27 = tpu.memref_squeeze %dma_start3A_26 : memref<1x128xi32, #tpu.memory_space<vmem>> -> memref<128xi32, #tpu.memory_space<vmem>>
    %dma_start3A_28 = arith.constant 0 : i32
    %dma_start3A_29 = arith.constant 0 : i32
    %dma_start3A_30 = tpu.memref_slice %arg2[%dma_start3A_28, %dma_start3A_29] : memref<10000x128xf32, #tpu.memory_space<hbm>> -> memref<10000x128xf32, #tpu.memory_space<hbm>>
    tpu.enqueue_indirect_dma source(%dma_start3A_30 : memref<10000x128xf32, #tpu.memory_space<hbm>>) target(%arg10 : memref<128x128xf32, #tpu.memory_space<vmem>>) offsets(%dma_start3A_27 : memref<128xi32, #tpu.memory_space<vmem>>) semaphore(%arg12 : memref<!tpu.dma_semaphore, #tpu.memory_space<semaphore_mem>>)
    %sub3A = arith.constant 0 : i32
    %sub3A_31 = arith.subi %select_n3A, %sub3A : i32
    %sub3A_32 = arith.constant 2 : i32
    %sub3A_33 = arith.constant 1 : i32
    %sub3A_34 = arith.subi %sub3A_32, %sub3A_33 : i32
    %add3A_35 = arith.addi %sub3A_31, %sub3A_34 : i32
    %div3A = arith.constant 2 : i32
    %div3A_36 = arith.divsi %add3A_35, %div3A : i32
    %while3A = arith.constant 2 : i32
    %while3A_37 = arith.constant 0 : i32
    %while3A_38 = arith.constant 0 : i32
    %while3A_39 = arith.subi %div3A_36, %while3A_38 : i32
    %while3A_40 = arith.addi %while3A_38, %while3A_39 : i32
    %while3A_41 = arith.constant 1 : i32
    %while3A_42 = arith.divsi %while3A_39, %while3A_41 : i32
    %while3A_43 = arith.muli %while3A_42, %while3A_41 : i32
    %while3A_44 = arith.addi %while3A_38, %while3A_43 : i32
    %while3A_45 = arith.constant 1 : i32
    scf.for %while3A_52 = %while3A_38 to %while3A_44 step %while3A_45  : i32 {
      %mul3A_53 = arith.muli %while3A_52, %while3A : i32
      %add3A_54 = arith.addi %while3A_37, %mul3A_53 : i32
      %add3A_55 = arith.constant 0 : i32
      %add3A_56 = arith.addi %add3A_54, %add3A_55 : i32
      %mul3A_57 = arith.constant 8 : i32
      %mul3A_58 = arith.muli %add3A_56, %mul3A_57 : i32
      %add3A_59 = arith.constant 0 : i32
      %add3A_60 = arith.addi %mul3A_58, %add3A_59 : i32
      %dma_wait3A = arith.constant 0 : i32
      %dma_wait3A_61 = arith.constant 0 : i32
      %dma_wait3A_62 = tpu.memref_slice %arg2[%dma_wait3A, %dma_wait3A_61] : memref<10000x128xf32, #tpu.memory_space<hbm>> -> memref<128x128xf32, #tpu.memory_space<hbm>>
      %dma_wait3A_63 = arith.constant 0 : i32
      %dma_wait3A_64 = arith.constant 0 : i32
      %dma_wait3A_65 = tpu.memref_slice %arg2[%dma_wait3A_63, %dma_wait3A_64] : memref<10000x128xf32, #tpu.memory_space<hbm>> -> memref<128x128xf32, #tpu.memory_space<hbm>>
      tpu.wait_dma2 semaphore(%arg12 : memref<!tpu.dma_semaphore, #tpu.memory_space<semaphore_mem>>) src(%dma_wait3A_65 : memref<128x128xf32, #tpu.memory_space<hbm>>) dst(%arg10 : memref<128x128xf32, #tpu.memory_space<vmem>>)
      %dma_start3A_66 = arith.constant 1 : i32
      %dma_start3A_67 = arith.constant 0 : i32
      %dma_start3A_68 = tpu.memref_slice %arg6[%dma_start3A_66, %dma_start3A_67] : memref<8x128xi32, #tpu.memory_space<vmem>> -> memref<1x128xi32, #tpu.memory_space<vmem>>
      %dma_start3A_69 = tpu.memref_squeeze %dma_start3A_68 : memref<1x128xi32, #tpu.memory_space<vmem>> -> memref<128xi32, #tpu.memory_space<vmem>>
      %dma_start3A_70 = arith.constant 0 : i32
      %dma_start3A_71 = arith.constant 0 : i32
      %dma_start3A_72 = tpu.memref_slice %arg2[%dma_start3A_70, %dma_start3A_71] : memref<10000x128xf32, #tpu.memory_space<hbm>> -> memref<10000x128xf32, #tpu.memory_space<hbm>>
      tpu.enqueue_indirect_dma source(%dma_start3A_72 : memref<10000x128xf32, #tpu.memory_space<hbm>>) target(%arg11 : memref<128x128xf32, #tpu.memory_space<vmem>>) offsets(%dma_start3A_69 : memref<128xi32, #tpu.memory_space<vmem>>) semaphore(%arg12 : memref<!tpu.dma_semaphore, #tpu.memory_space<semaphore_mem>>)
      %run_scoped3A = arith.constant 0 : i32
      "tpu.region"() ({
        %run_scoped3A_352 = tpu.sem_alloc : memref<!tpu.dma_semaphore, #tpu.memory_space<semaphore_mem>>
        %dma_start3A_353 = arith.constant 0 : i32
        %dma_start3A_354 = tpu.memref_slice %arg7[%run_scoped3A, %dma_start3A_353] : memref<8x128xi32, #tpu.memory_space<vmem>> -> memref<1x128xi32, #tpu.memory_space<vmem>>
        %dma_start3A_355 = tpu.memref_squeeze %dma_start3A_354 : memref<1x128xi32, #tpu.memory_space<vmem>> -> memref<128xi32, #tpu.memory_space<vmem>>
        %dma_start3A_356 = arith.constant 0 : i32
        %dma_start3A_357 = arith.constant 0 : i32
        %dma_start3A_358 = tpu.memref_slice %arg13[%dma_start3A_356, %dma_start3A_357] : memref<10240x128xf32, #tpu.memory_space<vmem_shared>> -> memref<10240x128xf32, #tpu.memory_space<vmem_shared>>
        tpu.enqueue_indirect_dma source(%arg10 : memref<128x128xf32, #tpu.memory_space<vmem>>) target(%dma_start3A_358 : memref<10240x128xf32, #tpu.memory_space<vmem_shared>>) offsets(%dma_start3A_355 : memref<128xi32, #tpu.memory_space<vmem>>) semaphore(%run_scoped3A_352 : memref<!tpu.dma_semaphore, #tpu.memory_space<semaphore_mem>>) {add = true}
        %dma_wait3A_359 = arith.constant 0 : i32
        %dma_wait3A_360 = tpu.memref_slice %arg7[%run_scoped3A, %dma_wait3A_359] : memref<8x128xi32, #tpu.memory_space<vmem>> -> memref<1x128xi32, #tpu.memory_space<vmem>>
        %dma_wait3A_361 = tpu.memref_squeeze %dma_wait3A_360 : memref<1x128xi32, #tpu.memory_space<vmem>> -> memref<128xi32, #tpu.memory_space<vmem>>
        %dma_wait3A_362 = arith.constant 0 : i32
        %dma_wait3A_363 = arith.constant 0 : i32
        %dma_wait3A_364 = tpu.memref_slice %arg13[%dma_wait3A_362, %dma_wait3A_363] : memref<10240x128xf32, #tpu.memory_space<vmem_shared>> -> memref<10240x128xf32, #tpu.memory_space<vmem_shared>>
        tpu.wait_indirect_dma semaphore(%run_scoped3A_352 : memref<!tpu.dma_semaphore, #tpu.memory_space<semaphore_mem>>) src(%arg10 : memref<128x128xf32, #tpu.memory_space<vmem>>) dst(%dma_wait3A_364 : memref<10240x128xf32, #tpu.memory_space<vmem_shared>>)
        tpu.yield
      }) : () -> ()
      %mul3A_73 = arith.constant 8 : i32
      %mul3A_74 = arith.muli %add3A_56, %mul3A_73 : i32
      %add3A_75 = arith.constant 1 : i32
      %add3A_76 = arith.addi %mul3A_74, %add3A_75 : i32
      %dma_wait3A_77 = arith.constant 0 : i32
      %dma_wait3A_78 = arith.constant 0 : i32
      %dma_wait3A_79 = tpu.memref_slice %arg2[%dma_wait3A_77, %dma_wait3A_78] : memref<10000x128xf32, #tpu.memory_space<hbm>> -> memref<128x128xf32, #tpu.memory_space<hbm>>
      %dma_wait3A_80 = arith.constant 0 : i32
      %dma_wait3A_81 = arith.constant 0 : i32
      %dma_wait3A_82 = tpu.memref_slice %arg2[%dma_wait3A_80, %dma_wait3A_81] : memref<10000x128xf32, #tpu.memory_space<hbm>> -> memref<128x128xf32, #tpu.memory_space<hbm>>
      tpu.wait_dma2 semaphore(%arg12 : memref<!tpu.dma_semaphore, #tpu.memory_space<semaphore_mem>>) src(%dma_wait3A_82 : memref<128x128xf32, #tpu.memory_space<hbm>>) dst(%arg11 : memref<128x128xf32, #tpu.memory_space<vmem>>)
      %dma_start3A_83 = arith.constant 2 : i32
      %dma_start3A_84 = arith.constant 0 : i32
      %dma_start3A_85 = tpu.memref_slice %arg6[%dma_start3A_83, %dma_start3A_84] : memref<8x128xi32, #tpu.memory_space<vmem>> -> memref<1x128xi32, #tpu.memory_space<vmem>>
      %dma_start3A_86 = tpu.memref_squeeze %dma_start3A_85 : memref<1x128xi32, #tpu.memory_space<vmem>> -> memref<128xi32, #tpu.memory_space<vmem>>
      %dma_start3A_87 = arith.constant 0 : i32
      %dma_start3A_88 = arith.constant 0 : i32
      %dma_start3A_89 = tpu.memref_slice %arg2[%dma_start3A_87, %dma_start3A_88] : memref<10000x128xf32, #tpu.memory_space<hbm>> -> memref<10000x128xf32, #tpu.memory_space<hbm>>
      tpu.enqueue_indirect_dma source(%dma_start3A_89 : memref<10000x128xf32, #tpu.memory_space<hbm>>) target(%arg10 : memref<128x128xf32, #tpu.memory_space<vmem>>) offsets(%dma_start3A_86 : memref<128xi32, #tpu.memory_space<vmem>>) semaphore(%arg12 : memref<!tpu.dma_semaphore, #tpu.memory_space<semaphore_mem>>)
      %add3A_90 = arith.constant 1 : i32
      %add3A_91 = arith.addi %add3A_56, %add3A_90 : i32
      %lt3A = arith.cmpi slt, %add3A_91, %select_n3A : i32
      %convert_element_type3A = arith.extui %lt3A : i1 to i32
      %cond3A = arith.constant 0 : i32
      %cond3A_92 = arith.cmpi ne, %convert_element_type3A, %cond3A : i32
      scf.if %cond3A_92 {
        %add3A_352 = arith.constant 1 : i32
        %add3A_353 = arith.addi %add3A_56, %add3A_352 : i32
        %mul3A_354 = arith.constant 8 : i32
        %mul3A_355 = arith.muli %add3A_353, %mul3A_354 : i32
        %add3A_356 = arith.addi %select_n3A_10, %mul3A_355 : i32
        %multiple_of3A_357 = tpu.assume_multiple %add3A_356, 8 : i32
        "tpu.region"() ({
          %run_scoped3A_360 = tpu.sem_alloc : memref<!tpu.dma_semaphore, #tpu.memory_space<semaphore_mem>>
          %dma_start3A_361 = arith.constant 0 : i32
          %dma_start3A_362 = tpu.memref_slice %arg3[%multiple_of3A_357, %dma_start3A_361] : memref<2560x128xi32, #tpu.memory_space<hbm>> -> memref<8x128xi32, #tpu.memory_space<hbm>>
          %dma_start3A_363 = arith.constant 0 : i32
          %dma_start3A_364 = tpu.memref_slice %arg3[%multiple_of3A_357, %dma_start3A_363] : memref<2560x128xi32, #tpu.memory_space<hbm>> -> memref<8x128xi32, #tpu.memory_space<hbm>>
          tpu.enqueue_dma source(%dma_start3A_364 : memref<8x128xi32, #tpu.memory_space<hbm>>) target(%arg8 : memref<8x128xi32, #tpu.memory_space<vmem>>) target_semaphore(%run_scoped3A_360 : memref<!tpu.dma_semaphore, #tpu.memory_space<semaphore_mem>>)
          %dma_wait3A_365 = arith.constant 0 : i32
          %dma_wait3A_366 = tpu.memref_slice %arg3[%multiple_of3A_357, %dma_wait3A_365] : memref<2560x128xi32, #tpu.memory_space<hbm>> -> memref<8x128xi32, #tpu.memory_space<hbm>>
          %dma_wait3A_367 = arith.constant 0 : i32
          %dma_wait3A_368 = tpu.memref_slice %arg3[%multiple_of3A_357, %dma_wait3A_367] : memref<2560x128xi32, #tpu.memory_space<hbm>> -> memref<8x128xi32, #tpu.memory_space<hbm>>
          tpu.wait_dma2 semaphore(%run_scoped3A_360 : memref<!tpu.dma_semaphore, #tpu.memory_space<semaphore_mem>>) src(%dma_wait3A_368 : memref<8x128xi32, #tpu.memory_space<hbm>>) dst(%arg8 : memref<8x128xi32, #tpu.memory_space<vmem>>)
          tpu.yield
        }) : () -> ()
        %add3A_358 = arith.addi %select_n3A_10, %mul3A_355 : i32
        %multiple_of3A_359 = tpu.assume_multiple %add3A_358, 8 : i32
        "tpu.region"() ({
          %run_scoped3A_360 = tpu.sem_alloc : memref<!tpu.dma_semaphore, #tpu.memory_space<semaphore_mem>>
          %dma_start3A_361 = arith.constant 0 : i32
          %dma_start3A_362 = tpu.memref_slice %arg4[%multiple_of3A_359, %dma_start3A_361] : memref<2560x128xi32, #tpu.memory_space<hbm>> -> memref<8x128xi32, #tpu.memory_space<hbm>>
          %dma_start3A_363 = arith.constant 0 : i32
          %dma_start3A_364 = tpu.memref_slice %arg4[%multiple_of3A_359, %dma_start3A_363] : memref<2560x128xi32, #tpu.memory_space<hbm>> -> memref<8x128xi32, #tpu.memory_space<hbm>>
          tpu.enqueue_dma source(%dma_start3A_364 : memref<8x128xi32, #tpu.memory_space<hbm>>) target(%arg9 : memref<8x128xi32, #tpu.memory_space<vmem>>) target_semaphore(%run_scoped3A_360 : memref<!tpu.dma_semaphore, #tpu.memory_space<semaphore_mem>>)
          %dma_wait3A_365 = arith.constant 0 : i32
          %dma_wait3A_366 = tpu.memref_slice %arg4[%multiple_of3A_359, %dma_wait3A_365] : memref<2560x128xi32, #tpu.memory_space<hbm>> -> memref<8x128xi32, #tpu.memory_space<hbm>>
          %dma_wait3A_367 = arith.constant 0 : i32
          %dma_wait3A_368 = tpu.memref_slice %arg4[%multiple_of3A_359, %dma_wait3A_367] : memref<2560x128xi32, #tpu.memory_space<hbm>> -> memref<8x128xi32, #tpu.memory_space<hbm>>
          tpu.wait_dma2 semaphore(%run_scoped3A_360 : memref<!tpu.dma_semaphore, #tpu.memory_space<semaphore_mem>>) src(%dma_wait3A_368 : memref<8x128xi32, #tpu.memory_space<hbm>>) dst(%arg9 : memref<8x128xi32, #tpu.memory_space<vmem>>)
          tpu.yield
        }) : () -> ()
      } else {
      }
      %run_scoped3A_93 = arith.constant 1 : i32
      "tpu.region"() ({
        %run_scoped3A_352 = tpu.sem_alloc : memref<!tpu.dma_semaphore, #tpu.memory_space<semaphore_mem>>
        %dma_start3A_353 = arith.constant 0 : i32
        %dma_start3A_354 = tpu.memref_slice %arg7[%run_scoped3A_93, %dma_start3A_353] : memref<8x128xi32, #tpu.memory_space<vmem>> -> memref<1x128xi32, #tpu.memory_space<vmem>>
        %dma_start3A_355 = tpu.memref_squeeze %dma_start3A_354 : memref<1x128xi32, #tpu.memory_space<vmem>> -> memref<128xi32, #tpu.memory_space<vmem>>
        %dma_start3A_356 = arith.constant 0 : i32
        %dma_start3A_357 = arith.constant 0 : i32
        %dma_start3A_358 = tpu.memref_slice %arg13[%dma_start3A_356, %dma_start3A_357] : memref<10240x128xf32, #tpu.memory_space<vmem_shared>> -> memref<10240x128xf32, #tpu.memory_space<vmem_shared>>
        tpu.enqueue_indirect_dma source(%arg11 : memref<128x128xf32, #tpu.memory_space<vmem>>) target(%dma_start3A_358 : memref<10240x128xf32, #tpu.memory_space<vmem_shared>>) offsets(%dma_start3A_355 : memref<128xi32, #tpu.memory_space<vmem>>) semaphore(%run_scoped3A_352 : memref<!tpu.dma_semaphore, #tpu.memory_space<semaphore_mem>>) {add = true}
        %dma_wait3A_359 = arith.constant 0 : i32
        %dma_wait3A_360 = tpu.memref_slice %arg7[%run_scoped3A_93, %dma_wait3A_359] : memref<8x128xi32, #tpu.memory_space<vmem>> -> memref<1x128xi32, #tpu.memory_space<vmem>>
        %dma_wait3A_361 = tpu.memref_squeeze %dma_wait3A_360 : memref<1x128xi32, #tpu.memory_space<vmem>> -> memref<128xi32, #tpu.memory_space<vmem>>
        %dma_wait3A_362 = arith.constant 0 : i32
        %dma_wait3A_363 = arith.constant 0 : i32
        %dma_wait3A_364 = tpu.memref_slice %arg13[%dma_wait3A_362, %dma_wait3A_363] : memref<10240x128xf32, #tpu.memory_space<vmem_shared>> -> memref<10240x128xf32, #tpu.memory_space<vmem_shared>>
        tpu.wait_indirect_dma semaphore(%run_scoped3A_352 : memref<!tpu.dma_semaphore, #tpu.memory_space<semaphore_mem>>) src(%arg11 : memref<128x128xf32, #tpu.memory_space<vmem>>) dst(%dma_wait3A_364 : memref<10240x128xf32, #tpu.memory_space<vmem_shared>>)
        tpu.yield
      }) : () -> ()
      %mul3A_94 = arith.constant 8 : i32
      %mul3A_95 = arith.muli %add3A_56, %mul3A_94 : i32
      %add3A_96 = arith.constant 2 : i32
      %add3A_97 = arith.addi %mul3A_95, %add3A_96 : i32
      %dma_wait3A_98 = arith.constant 0 : i32
      %dma_wait3A_99 = arith.constant 0 : i32
      %dma_wait3A_100 = tpu.memref_slice %arg2[%dma_wait3A_98, %dma_wait3A_99] : memref<10000x128xf32, #tpu.memory_space<hbm>> -> memref<128x128xf32, #tpu.memory_space<hbm>>
      %dma_wait3A_101 = arith.constant 0 : i32
      %dma_wait3A_102 = arith.constant 0 : i32
      %dma_wait3A_103 = tpu.memref_slice %arg2[%dma_wait3A_101, %dma_wait3A_102] : memref<10000x128xf32, #tpu.memory_space<hbm>> -> memref<128x128xf32, #tpu.memory_space<hbm>>
      tpu.wait_dma2 semaphore(%arg12 : memref<!tpu.dma_semaphore, #tpu.memory_space<semaphore_mem>>) src(%dma_wait3A_103 : memref<128x128xf32, #tpu.memory_space<hbm>>) dst(%arg10 : memref<128x128xf32, #tpu.memory_space<vmem>>)
      %dma_start3A_104 = arith.constant 3 : i32
      %dma_start3A_105 = arith.constant 0 : i32
      %dma_start3A_106 = tpu.memref_slice %arg6[%dma_start3A_104, %dma_start3A_105] : memref<8x128xi32, #tpu.memory_space<vmem>> -> memref<1x128xi32, #tpu.memory_space<vmem>>
      %dma_start3A_107 = tpu.memref_squeeze %dma_start3A_106 : memref<1x128xi32, #tpu.memory_space<vmem>> -> memref<128xi32, #tpu.memory_space<vmem>>
      %dma_start3A_108 = arith.constant 0 : i32
      %dma_start3A_109 = arith.constant 0 : i32
      %dma_start3A_110 = tpu.memref_slice %arg2[%dma_start3A_108, %dma_start3A_109] : memref<10000x128xf32, #tpu.memory_space<hbm>> -> memref<10000x128xf32, #tpu.memory_space<hbm>>
      tpu.enqueue_indirect_dma source(%dma_start3A_110 : memref<10000x128xf32, #tpu.memory_space<hbm>>) target(%arg11 : memref<128x128xf32, #tpu.memory_space<vmem>>) offsets(%dma_start3A_107 : memref<128xi32, #tpu.memory_space<vmem>>) semaphore(%arg12 : memref<!tpu.dma_semaphore, #tpu.memory_space<semaphore_mem>>)
      %run_scoped3A_111 = arith.constant 2 : i32
      "tpu.region"() ({
        %run_scoped3A_352 = tpu.sem_alloc : memref<!tpu.dma_semaphore, #tpu.memory_space<semaphore_mem>>
        %dma_start3A_353 = arith.constant 0 : i32
        %dma_start3A_354 = tpu.memref_slice %arg7[%run_scoped3A_111, %dma_start3A_353] : memref<8x128xi32, #tpu.memory_space<vmem>> -> memref<1x128xi32, #tpu.memory_space<vmem>>
        %dma_start3A_355 = tpu.memref_squeeze %dma_start3A_354 : memref<1x128xi32, #tpu.memory_space<vmem>> -> memref<128xi32, #tpu.memory_space<vmem>>
        %dma_start3A_356 = arith.constant 0 : i32
        %dma_start3A_357 = arith.constant 0 : i32
        %dma_start3A_358 = tpu.memref_slice %arg13[%dma_start3A_356, %dma_start3A_357] : memref<10240x128xf32, #tpu.memory_space<vmem_shared>> -> memref<10240x128xf32, #tpu.memory_space<vmem_shared>>
        tpu.enqueue_indirect_dma source(%arg10 : memref<128x128xf32, #tpu.memory_space<vmem>>) target(%dma_start3A_358 : memref<10240x128xf32, #tpu.memory_space<vmem_shared>>) offsets(%dma_start3A_355 : memref<128xi32, #tpu.memory_space<vmem>>) semaphore(%run_scoped3A_352 : memref<!tpu.dma_semaphore, #tpu.memory_space<semaphore_mem>>) {add = true}
        %dma_wait3A_359 = arith.constant 0 : i32
        %dma_wait3A_360 = tpu.memref_slice %arg7[%run_scoped3A_111, %dma_wait3A_359] : memref<8x128xi32, #tpu.memory_space<vmem>> -> memref<1x128xi32, #tpu.memory_space<vmem>>
        %dma_wait3A_361 = tpu.memref_squeeze %dma_wait3A_360 : memref<1x128xi32, #tpu.memory_space<vmem>> -> memref<128xi32, #tpu.memory_space<vmem>>
        %dma_wait3A_362 = arith.constant 0 : i32
        %dma_wait3A_363 = arith.constant 0 : i32
        %dma_wait3A_364 = tpu.memref_slice %arg13[%dma_wait3A_362, %dma_wait3A_363] : memref<10240x128xf32, #tpu.memory_space<vmem_shared>> -> memref<10240x128xf32, #tpu.memory_space<vmem_shared>>
        tpu.wait_indirect_dma semaphore(%run_scoped3A_352 : memref<!tpu.dma_semaphore, #tpu.memory_space<semaphore_mem>>) src(%arg10 : memref<128x128xf32, #tpu.memory_space<vmem>>) dst(%dma_wait3A_364 : memref<10240x128xf32, #tpu.memory_space<vmem_shared>>)
        tpu.yield
      }) : () -> ()
      %mul3A_112 = arith.constant 8 : i32
      %mul3A_113 = arith.muli %add3A_56, %mul3A_112 : i32
      %add3A_114 = arith.constant 3 : i32
      %add3A_115 = arith.addi %mul3A_113, %add3A_114 : i32
      %dma_wait3A_116 = arith.constant 0 : i32
      %dma_wait3A_117 = arith.constant 0 : i32
      %dma_wait3A_118 = tpu.memref_slice %arg2[%dma_wait3A_116, %dma_wait3A_117] : memref<10000x128xf32, #tpu.memory_space<hbm>> -> memref<128x128xf32, #tpu.memory_space<hbm>>
      %dma_wait3A_119 = arith.constant 0 : i32
      %dma_wait3A_120 = arith.constant 0 : i32
      %dma_wait3A_121 = tpu.memref_slice %arg2[%dma_wait3A_119, %dma_wait3A_120] : memref<10000x128xf32, #tpu.memory_space<hbm>> -> memref<128x128xf32, #tpu.memory_space<hbm>>
      tpu.wait_dma2 semaphore(%arg12 : memref<!tpu.dma_semaphore, #tpu.memory_space<semaphore_mem>>) src(%dma_wait3A_121 : memref<128x128xf32, #tpu.memory_space<hbm>>) dst(%arg11 : memref<128x128xf32, #tpu.memory_space<vmem>>)
      %dma_start3A_122 = arith.constant 4 : i32
      %dma_start3A_123 = arith.constant 0 : i32
      %dma_start3A_124 = tpu.memref_slice %arg6[%dma_start3A_122, %dma_start3A_123] : memref<8x128xi32, #tpu.memory_space<vmem>> -> memref<1x128xi32, #tpu.memory_space<vmem>>
      %dma_start3A_125 = tpu.memref_squeeze %dma_start3A_124 : memref<1x128xi32, #tpu.memory_space<vmem>> -> memref<128xi32, #tpu.memory_space<vmem>>
      %dma_start3A_126 = arith.constant 0 : i32
      %dma_start3A_127 = arith.constant 0 : i32
      %dma_start3A_128 = tpu.memref_slice %arg2[%dma_start3A_126, %dma_start3A_127] : memref<10000x128xf32, #tpu.memory_space<hbm>> -> memref<10000x128xf32, #tpu.memory_space<hbm>>
      tpu.enqueue_indirect_dma source(%dma_start3A_128 : memref<10000x128xf32, #tpu.memory_space<hbm>>) target(%arg10 : memref<128x128xf32, #tpu.memory_space<vmem>>) offsets(%dma_start3A_125 : memref<128xi32, #tpu.memory_space<vmem>>) semaphore(%arg12 : memref<!tpu.dma_semaphore, #tpu.memory_space<semaphore_mem>>)
      %run_scoped3A_129 = arith.constant 3 : i32
      "tpu.region"() ({
        %run_scoped3A_352 = tpu.sem_alloc : memref<!tpu.dma_semaphore, #tpu.memory_space<semaphore_mem>>
        %dma_start3A_353 = arith.constant 0 : i32
        %dma_start3A_354 = tpu.memref_slice %arg7[%run_scoped3A_129, %dma_start3A_353] : memref<8x128xi32, #tpu.memory_space<vmem>> -> memref<1x128xi32, #tpu.memory_space<vmem>>
        %dma_start3A_355 = tpu.memref_squeeze %dma_start3A_354 : memref<1x128xi32, #tpu.memory_space<vmem>> -> memref<128xi32, #tpu.memory_space<vmem>>
        %dma_start3A_356 = arith.constant 0 : i32
        %dma_start3A_357 = arith.constant 0 : i32
        %dma_start3A_358 = tpu.memref_slice %arg13[%dma_start3A_356, %dma_start3A_357] : memref<10240x128xf32, #tpu.memory_space<vmem_shared>> -> memref<10240x128xf32, #tpu.memory_space<vmem_shared>>
        tpu.enqueue_indirect_dma source(%arg11 : memref<128x128xf32, #tpu.memory_space<vmem>>) target(%dma_start3A_358 : memref<10240x128xf32, #tpu.memory_space<vmem_shared>>) offsets(%dma_start3A_355 : memref<128xi32, #tpu.memory_space<vmem>>) semaphore(%run_scoped3A_352 : memref<!tpu.dma_semaphore, #tpu.memory_space<semaphore_mem>>) {add = true}
        %dma_wait3A_359 = arith.constant 0 : i32
        %dma_wait3A_360 = tpu.memref_slice %arg7[%run_scoped3A_129, %dma_wait3A_359] : memref<8x128xi32, #tpu.memory_space<vmem>> -> memref<1x128xi32, #tpu.memory_space<vmem>>
        %dma_wait3A_361 = tpu.memref_squeeze %dma_wait3A_360 : memref<1x128xi32, #tpu.memory_space<vmem>> -> memref<128xi32, #tpu.memory_space<vmem>>
        %dma_wait3A_362 = arith.constant 0 : i32
        %dma_wait3A_363 = arith.constant 0 : i32
        %dma_wait3A_364 = tpu.memref_slice %arg13[%dma_wait3A_362, %dma_wait3A_363] : memref<10240x128xf32, #tpu.memory_space<vmem_shared>> -> memref<10240x128xf32, #tpu.memory_space<vmem_shared>>
        tpu.wait_indirect_dma semaphore(%run_scoped3A_352 : memref<!tpu.dma_semaphore, #tpu.memory_space<semaphore_mem>>) src(%arg11 : memref<128x128xf32, #tpu.memory_space<vmem>>) dst(%dma_wait3A_364 : memref<10240x128xf32, #tpu.memory_space<vmem_shared>>)
        tpu.yield
      }) : () -> ()
      %mul3A_130 = arith.constant 8 : i32
      %mul3A_131 = arith.muli %add3A_56, %mul3A_130 : i32
      %add3A_132 = arith.constant 4 : i32
      %add3A_133 = arith.addi %mul3A_131, %add3A_132 : i32
      %dma_wait3A_134 = arith.constant 0 : i32
      %dma_wait3A_135 = arith.constant 0 : i32
      %dma_wait3A_136 = tpu.memref_slice %arg2[%dma_wait3A_134, %dma_wait3A_135] : memref<10000x128xf32, #tpu.memory_space<hbm>> -> memref<128x128xf32, #tpu.memory_space<hbm>>
      %dma_wait3A_137 = arith.constant 0 : i32
      %dma_wait3A_138 = arith.constant 0 : i32
      %dma_wait3A_139 = tpu.memref_slice %arg2[%dma_wait3A_137, %dma_wait3A_138] : memref<10000x128xf32, #tpu.memory_space<hbm>> -> memref<128x128xf32, #tpu.memory_space<hbm>>
      tpu.wait_dma2 semaphore(%arg12 : memref<!tpu.dma_semaphore, #tpu.memory_space<semaphore_mem>>) src(%dma_wait3A_139 : memref<128x128xf32, #tpu.memory_space<hbm>>) dst(%arg10 : memref<128x128xf32, #tpu.memory_space<vmem>>)
      %dma_start3A_140 = arith.constant 5 : i32
      %dma_start3A_141 = arith.constant 0 : i32
      %dma_start3A_142 = tpu.memref_slice %arg6[%dma_start3A_140, %dma_start3A_141] : memref<8x128xi32, #tpu.memory_space<vmem>> -> memref<1x128xi32, #tpu.memory_space<vmem>>
      %dma_start3A_143 = tpu.memref_squeeze %dma_start3A_142 : memref<1x128xi32, #tpu.memory_space<vmem>> -> memref<128xi32, #tpu.memory_space<vmem>>
      %dma_start3A_144 = arith.constant 0 : i32
      %dma_start3A_145 = arith.constant 0 : i32
      %dma_start3A_146 = tpu.memref_slice %arg2[%dma_start3A_144, %dma_start3A_145] : memref<10000x128xf32, #tpu.memory_space<hbm>> -> memref<10000x128xf32, #tpu.memory_space<hbm>>
      tpu.enqueue_indirect_dma source(%dma_start3A_146 : memref<10000x128xf32, #tpu.memory_space<hbm>>) target(%arg11 : memref<128x128xf32, #tpu.memory_space<vmem>>) offsets(%dma_start3A_143 : memref<128xi32, #tpu.memory_space<vmem>>) semaphore(%arg12 : memref<!tpu.dma_semaphore, #tpu.memory_space<semaphore_mem>>)
      %run_scoped3A_147 = arith.constant 4 : i32
      "tpu.region"() ({
        %run_scoped3A_352 = tpu.sem_alloc : memref<!tpu.dma_semaphore, #tpu.memory_space<semaphore_mem>>
        %dma_start3A_353 = arith.constant 0 : i32
        %dma_start3A_354 = tpu.memref_slice %arg7[%run_scoped3A_147, %dma_start3A_353] : memref<8x128xi32, #tpu.memory_space<vmem>> -> memref<1x128xi32, #tpu.memory_space<vmem>>
        %dma_start3A_355 = tpu.memref_squeeze %dma_start3A_354 : memref<1x128xi32, #tpu.memory_space<vmem>> -> memref<128xi32, #tpu.memory_space<vmem>>
        %dma_start3A_356 = arith.constant 0 : i32
        %dma_start3A_357 = arith.constant 0 : i32
        %dma_start3A_358 = tpu.memref_slice %arg13[%dma_start3A_356, %dma_start3A_357] : memref<10240x128xf32, #tpu.memory_space<vmem_shared>> -> memref<10240x128xf32, #tpu.memory_space<vmem_shared>>
        tpu.enqueue_indirect_dma source(%arg10 : memref<128x128xf32, #tpu.memory_space<vmem>>) target(%dma_start3A_358 : memref<10240x128xf32, #tpu.memory_space<vmem_shared>>) offsets(%dma_start3A_355 : memref<128xi32, #tpu.memory_space<vmem>>) semaphore(%run_scoped3A_352 : memref<!tpu.dma_semaphore, #tpu.memory_space<semaphore_mem>>) {add = true}
        %dma_wait3A_359 = arith.constant 0 : i32
        %dma_wait3A_360 = tpu.memref_slice %arg7[%run_scoped3A_147, %dma_wait3A_359] : memref<8x128xi32, #tpu.memory_space<vmem>> -> memref<1x128xi32, #tpu.memory_space<vmem>>
        %dma_wait3A_361 = tpu.memref_squeeze %dma_wait3A_360 : memref<1x128xi32, #tpu.memory_space<vmem>> -> memref<128xi32, #tpu.memory_space<vmem>>
        %dma_wait3A_362 = arith.constant 0 : i32
        %dma_wait3A_363 = arith.constant 0 : i32
        %dma_wait3A_364 = tpu.memref_slice %arg13[%dma_wait3A_362, %dma_wait3A_363] : memref<10240x128xf32, #tpu.memory_space<vmem_shared>> -> memref<10240x128xf32, #tpu.memory_space<vmem_shared>>
        tpu.wait_indirect_dma semaphore(%run_scoped3A_352 : memref<!tpu.dma_semaphore, #tpu.memory_space<semaphore_mem>>) src(%arg10 : memref<128x128xf32, #tpu.memory_space<vmem>>) dst(%dma_wait3A_364 : memref<10240x128xf32, #tpu.memory_space<vmem_shared>>)
        tpu.yield
      }) : () -> ()
      %mul3A_148 = arith.constant 8 : i32
      %mul3A_149 = arith.muli %add3A_56, %mul3A_148 : i32
      %add3A_150 = arith.constant 5 : i32
      %add3A_151 = arith.addi %mul3A_149, %add3A_150 : i32
      %dma_wait3A_152 = arith.constant 0 : i32
      %dma_wait3A_153 = arith.constant 0 : i32
      %dma_wait3A_154 = tpu.memref_slice %arg2[%dma_wait3A_152, %dma_wait3A_153] : memref<10000x128xf32, #tpu.memory_space<hbm>> -> memref<128x128xf32, #tpu.memory_space<hbm>>
      %dma_wait3A_155 = arith.constant 0 : i32
      %dma_wait3A_156 = arith.constant 0 : i32
      %dma_wait3A_157 = tpu.memref_slice %arg2[%dma_wait3A_155, %dma_wait3A_156] : memref<10000x128xf32, #tpu.memory_space<hbm>> -> memref<128x128xf32, #tpu.memory_space<hbm>>
      tpu.wait_dma2 semaphore(%arg12 : memref<!tpu.dma_semaphore, #tpu.memory_space<semaphore_mem>>) src(%dma_wait3A_157 : memref<128x128xf32, #tpu.memory_space<hbm>>) dst(%arg11 : memref<128x128xf32, #tpu.memory_space<vmem>>)
      %dma_start3A_158 = arith.constant 6 : i32
      %dma_start3A_159 = arith.constant 0 : i32
      %dma_start3A_160 = tpu.memref_slice %arg6[%dma_start3A_158, %dma_start3A_159] : memref<8x128xi32, #tpu.memory_space<vmem>> -> memref<1x128xi32, #tpu.memory_space<vmem>>
      %dma_start3A_161 = tpu.memref_squeeze %dma_start3A_160 : memref<1x128xi32, #tpu.memory_space<vmem>> -> memref<128xi32, #tpu.memory_space<vmem>>
      %dma_start3A_162 = arith.constant 0 : i32
      %dma_start3A_163 = arith.constant 0 : i32
      %dma_start3A_164 = tpu.memref_slice %arg2[%dma_start3A_162, %dma_start3A_163] : memref<10000x128xf32, #tpu.memory_space<hbm>> -> memref<10000x128xf32, #tpu.memory_space<hbm>>
      tpu.enqueue_indirect_dma source(%dma_start3A_164 : memref<10000x128xf32, #tpu.memory_space<hbm>>) target(%arg10 : memref<128x128xf32, #tpu.memory_space<vmem>>) offsets(%dma_start3A_161 : memref<128xi32, #tpu.memory_space<vmem>>) semaphore(%arg12 : memref<!tpu.dma_semaphore, #tpu.memory_space<semaphore_mem>>)
      %run_scoped3A_165 = arith.constant 5 : i32
      "tpu.region"() ({
        %run_scoped3A_352 = tpu.sem_alloc : memref<!tpu.dma_semaphore, #tpu.memory_space<semaphore_mem>>
        %dma_start3A_353 = arith.constant 0 : i32
        %dma_start3A_354 = tpu.memref_slice %arg7[%run_scoped3A_165, %dma_start3A_353] : memref<8x128xi32, #tpu.memory_space<vmem>> -> memref<1x128xi32, #tpu.memory_space<vmem>>
        %dma_start3A_355 = tpu.memref_squeeze %dma_start3A_354 : memref<1x128xi32, #tpu.memory_space<vmem>> -> memref<128xi32, #tpu.memory_space<vmem>>
        %dma_start3A_356 = arith.constant 0 : i32
        %dma_start3A_357 = arith.constant 0 : i32
        %dma_start3A_358 = tpu.memref_slice %arg13[%dma_start3A_356, %dma_start3A_357] : memref<10240x128xf32, #tpu.memory_space<vmem_shared>> -> memref<10240x128xf32, #tpu.memory_space<vmem_shared>>
        tpu.enqueue_indirect_dma source(%arg11 : memref<128x128xf32, #tpu.memory_space<vmem>>) target(%dma_start3A_358 : memref<10240x128xf32, #tpu.memory_space<vmem_shared>>) offsets(%dma_start3A_355 : memref<128xi32, #tpu.memory_space<vmem>>) semaphore(%run_scoped3A_352 : memref<!tpu.dma_semaphore, #tpu.memory_space<semaphore_mem>>) {add = true}
        %dma_wait3A_359 = arith.constant 0 : i32
        %dma_wait3A_360 = tpu.memref_slice %arg7[%run_scoped3A_165, %dma_wait3A_359] : memref<8x128xi32, #tpu.memory_space<vmem>> -> memref<1x128xi32, #tpu.memory_space<vmem>>
        %dma_wait3A_361 = tpu.memref_squeeze %dma_wait3A_360 : memref<1x128xi32, #tpu.memory_space<vmem>> -> memref<128xi32, #tpu.memory_space<vmem>>
        %dma_wait3A_362 = arith.constant 0 : i32
        %dma_wait3A_363 = arith.constant 0 : i32
        %dma_wait3A_364 = tpu.memref_slice %arg13[%dma_wait3A_362, %dma_wait3A_363] : memref<10240x128xf32, #tpu.memory_space<vmem_shared>> -> memref<10240x128xf32, #tpu.memory_space<vmem_shared>>
        tpu.wait_indirect_dma semaphore(%run_scoped3A_352 : memref<!tpu.dma_semaphore, #tpu.memory_space<semaphore_mem>>) src(%arg11 : memref<128x128xf32, #tpu.memory_space<vmem>>) dst(%dma_wait3A_364 : memref<10240x128xf32, #tpu.memory_space<vmem_shared>>)
        tpu.yield
      }) : () -> ()
      %mul3A_166 = arith.constant 8 : i32
      %mul3A_167 = arith.muli %add3A_56, %mul3A_166 : i32
      %add3A_168 = arith.constant 6 : i32
      %add3A_169 = arith.addi %mul3A_167, %add3A_168 : i32
      %dma_wait3A_170 = arith.constant 0 : i32
      %dma_wait3A_171 = arith.constant 0 : i32
      %dma_wait3A_172 = tpu.memref_slice %arg2[%dma_wait3A_170, %dma_wait3A_171] : memref<10000x128xf32, #tpu.memory_space<hbm>> -> memref<128x128xf32, #tpu.memory_space<hbm>>
      %dma_wait3A_173 = arith.constant 0 : i32
      %dma_wait3A_174 = arith.constant 0 : i32
      %dma_wait3A_175 = tpu.memref_slice %arg2[%dma_wait3A_173, %dma_wait3A_174] : memref<10000x128xf32, #tpu.memory_space<hbm>> -> memref<128x128xf32, #tpu.memory_space<hbm>>
      tpu.wait_dma2 semaphore(%arg12 : memref<!tpu.dma_semaphore, #tpu.memory_space<semaphore_mem>>) src(%dma_wait3A_175 : memref<128x128xf32, #tpu.memory_space<hbm>>) dst(%arg10 : memref<128x128xf32, #tpu.memory_space<vmem>>)
      %dma_start3A_176 = arith.constant 7 : i32
      %dma_start3A_177 = arith.constant 0 : i32
      %dma_start3A_178 = tpu.memref_slice %arg6[%dma_start3A_176, %dma_start3A_177] : memref<8x128xi32, #tpu.memory_space<vmem>> -> memref<1x128xi32, #tpu.memory_space<vmem>>
      %dma_start3A_179 = tpu.memref_squeeze %dma_start3A_178 : memref<1x128xi32, #tpu.memory_space<vmem>> -> memref<128xi32, #tpu.memory_space<vmem>>
      %dma_start3A_180 = arith.constant 0 : i32
      %dma_start3A_181 = arith.constant 0 : i32
      %dma_start3A_182 = tpu.memref_slice %arg2[%dma_start3A_180, %dma_start3A_181] : memref<10000x128xf32, #tpu.memory_space<hbm>> -> memref<10000x128xf32, #tpu.memory_space<hbm>>
      tpu.enqueue_indirect_dma source(%dma_start3A_182 : memref<10000x128xf32, #tpu.memory_space<hbm>>) target(%arg11 : memref<128x128xf32, #tpu.memory_space<vmem>>) offsets(%dma_start3A_179 : memref<128xi32, #tpu.memory_space<vmem>>) semaphore(%arg12 : memref<!tpu.dma_semaphore, #tpu.memory_space<semaphore_mem>>)
      %run_scoped3A_183 = arith.constant 6 : i32
      "tpu.region"() ({
        %run_scoped3A_352 = tpu.sem_alloc : memref<!tpu.dma_semaphore, #tpu.memory_space<semaphore_mem>>
        %dma_start3A_353 = arith.constant 0 : i32
        %dma_start3A_354 = tpu.memref_slice %arg7[%run_scoped3A_183, %dma_start3A_353] : memref<8x128xi32, #tpu.memory_space<vmem>> -> memref<1x128xi32, #tpu.memory_space<vmem>>
        %dma_start3A_355 = tpu.memref_squeeze %dma_start3A_354 : memref<1x128xi32, #tpu.memory_space<vmem>> -> memref<128xi32, #tpu.memory_space<vmem>>
        %dma_start3A_356 = arith.constant 0 : i32
        %dma_start3A_357 = arith.constant 0 : i32
        %dma_start3A_358 = tpu.memref_slice %arg13[%dma_start3A_356, %dma_start3A_357] : memref<10240x128xf32, #tpu.memory_space<vmem_shared>> -> memref<10240x128xf32, #tpu.memory_space<vmem_shared>>
        tpu.enqueue_indirect_dma source(%arg10 : memref<128x128xf32, #tpu.memory_space<vmem>>) target(%dma_start3A_358 : memref<10240x128xf32, #tpu.memory_space<vmem_shared>>) offsets(%dma_start3A_355 : memref<128xi32, #tpu.memory_space<vmem>>) semaphore(%run_scoped3A_352 : memref<!tpu.dma_semaphore, #tpu.memory_space<semaphore_mem>>) {add = true}
        %dma_wait3A_359 = arith.constant 0 : i32
        %dma_wait3A_360 = tpu.memref_slice %arg7[%run_scoped3A_183, %dma_wait3A_359] : memref<8x128xi32, #tpu.memory_space<vmem>> -> memref<1x128xi32, #tpu.memory_space<vmem>>
        %dma_wait3A_361 = tpu.memref_squeeze %dma_wait3A_360 : memref<1x128xi32, #tpu.memory_space<vmem>> -> memref<128xi32, #tpu.memory_space<vmem>>
        %dma_wait3A_362 = arith.constant 0 : i32
        %dma_wait3A_363 = arith.constant 0 : i32
        %dma_wait3A_364 = tpu.memref_slice %arg13[%dma_wait3A_362, %dma_wait3A_363] : memref<10240x128xf32, #tpu.memory_space<vmem_shared>> -> memref<10240x128xf32, #tpu.memory_space<vmem_shared>>
        tpu.wait_indirect_dma semaphore(%run_scoped3A_352 : memref<!tpu.dma_semaphore, #tpu.memory_space<semaphore_mem>>) src(%arg10 : memref<128x128xf32, #tpu.memory_space<vmem>>) dst(%dma_wait3A_364 : memref<10240x128xf32, #tpu.memory_space<vmem_shared>>)
        tpu.yield
      }) : () -> ()
      %mul3A_184 = arith.constant 8 : i32
      %mul3A_185 = arith.muli %add3A_56, %mul3A_184 : i32
      %add3A_186 = arith.constant 7 : i32
      %add3A_187 = arith.addi %mul3A_185, %add3A_186 : i32
      %dma_wait3A_188 = arith.constant 0 : i32
      %dma_wait3A_189 = arith.constant 0 : i32
      %dma_wait3A_190 = tpu.memref_slice %arg2[%dma_wait3A_188, %dma_wait3A_189] : memref<10000x128xf32, #tpu.memory_space<hbm>> -> memref<128x128xf32, #tpu.memory_space<hbm>>
      %dma_wait3A_191 = arith.constant 0 : i32
      %dma_wait3A_192 = arith.constant 0 : i32
      %dma_wait3A_193 = tpu.memref_slice %arg2[%dma_wait3A_191, %dma_wait3A_192] : memref<10000x128xf32, #tpu.memory_space<hbm>> -> memref<128x128xf32, #tpu.memory_space<hbm>>
      tpu.wait_dma2 semaphore(%arg12 : memref<!tpu.dma_semaphore, #tpu.memory_space<semaphore_mem>>) src(%dma_wait3A_193 : memref<128x128xf32, #tpu.memory_space<hbm>>) dst(%arg11 : memref<128x128xf32, #tpu.memory_space<vmem>>)
      %add3A_194 = arith.constant 1 : i32
      %add3A_195 = arith.addi %add3A_187, %add3A_194 : i32
      %lt3A_196 = arith.cmpi slt, %add3A_195, %mul3A_2 : i32
      %convert_element_type3A_197 = arith.extui %lt3A_196 : i1 to i32
      %cond3A_198 = arith.constant 0 : i32
      %cond3A_199 = arith.cmpi ne, %convert_element_type3A_197, %cond3A_198 : i32
      scf.if %cond3A_199 {
        %dma_start3A_352 = arith.constant 0 : i32
        %dma_start3A_353 = arith.constant 0 : i32
        %dma_start3A_354 = tpu.memref_slice %arg8[%dma_start3A_352, %dma_start3A_353] : memref<8x128xi32, #tpu.memory_space<vmem>> -> memref<1x128xi32, #tpu.memory_space<vmem>>
        %dma_start3A_355 = tpu.memref_squeeze %dma_start3A_354 : memref<1x128xi32, #tpu.memory_space<vmem>> -> memref<128xi32, #tpu.memory_space<vmem>>
        %dma_start3A_356 = arith.constant 0 : i32
        %dma_start3A_357 = arith.constant 0 : i32
        %dma_start3A_358 = tpu.memref_slice %arg2[%dma_start3A_356, %dma_start3A_357] : memref<10000x128xf32, #tpu.memory_space<hbm>> -> memref<10000x128xf32, #tpu.memory_space<hbm>>
        tpu.enqueue_indirect_dma source(%dma_start3A_358 : memref<10000x128xf32, #tpu.memory_space<hbm>>) target(%arg10 : memref<128x128xf32, #tpu.memory_space<vmem>>) offsets(%dma_start3A_355 : memref<128xi32, #tpu.memory_space<vmem>>) semaphore(%arg12 : memref<!tpu.dma_semaphore, #tpu.memory_space<semaphore_mem>>)
      } else {
      }
      %run_scoped3A_200 = arith.constant 7 : i32
      "tpu.region"() ({
        %run_scoped3A_352 = tpu.sem_alloc : memref<!tpu.dma_semaphore, #tpu.memory_space<semaphore_mem>>
        %dma_start3A_353 = arith.constant 0 : i32
        %dma_start3A_354 = tpu.memref_slice %arg7[%run_scoped3A_200, %dma_start3A_353] : memref<8x128xi32, #tpu.memory_space<vmem>> -> memref<1x128xi32, #tpu.memory_space<vmem>>
        %dma_start3A_355 = tpu.memref_squeeze %dma_start3A_354 : memref<1x128xi32, #tpu.memory_space<vmem>> -> memref<128xi32, #tpu.memory_space<vmem>>
        %dma_start3A_356 = arith.constant 0 : i32
        %dma_start3A_357 = arith.constant 0 : i32
        %dma_start3A_358 = tpu.memref_slice %arg13[%dma_start3A_356, %dma_start3A_357] : memref<10240x128xf32, #tpu.memory_space<vmem_shared>> -> memref<10240x128xf32, #tpu.memory_space<vmem_shared>>
        tpu.enqueue_indirect_dma source(%arg11 : memref<128x128xf32, #tpu.memory_space<vmem>>) target(%dma_start3A_358 : memref<10240x128xf32, #tpu.memory_space<vmem_shared>>) offsets(%dma_start3A_355 : memref<128xi32, #tpu.memory_space<vmem>>) semaphore(%run_scoped3A_352 : memref<!tpu.dma_semaphore, #tpu.memory_space<semaphore_mem>>) {add = true}
        %dma_wait3A_359 = arith.constant 0 : i32
        %dma_wait3A_360 = tpu.memref_slice %arg7[%run_scoped3A_200, %dma_wait3A_359] : memref<8x128xi32, #tpu.memory_space<vmem>> -> memref<1x128xi32, #tpu.memory_space<vmem>>
        %dma_wait3A_361 = tpu.memref_squeeze %dma_wait3A_360 : memref<1x128xi32, #tpu.memory_space<vmem>> -> memref<128xi32, #tpu.memory_space<vmem>>
        %dma_wait3A_362 = arith.constant 0 : i32
        %dma_wait3A_363 = arith.constant 0 : i32
        %dma_wait3A_364 = tpu.memref_slice %arg13[%dma_wait3A_362, %dma_wait3A_363] : memref<10240x128xf32, #tpu.memory_space<vmem_shared>> -> memref<10240x128xf32, #tpu.memory_space<vmem_shared>>
        tpu.wait_indirect_dma semaphore(%run_scoped3A_352 : memref<!tpu.dma_semaphore, #tpu.memory_space<semaphore_mem>>) src(%arg11 : memref<128x128xf32, #tpu.memory_space<vmem>>) dst(%dma_wait3A_364 : memref<10240x128xf32, #tpu.memory_space<vmem_shared>>)
        tpu.yield
      }) : () -> ()
      %add3A_201 = arith.constant 1 : i32
      %add3A_202 = arith.addi %add3A_54, %add3A_201 : i32
      %mul3A_203 = arith.constant 8 : i32
      %mul3A_204 = arith.muli %add3A_202, %mul3A_203 : i32
      %add3A_205 = arith.constant 0 : i32
      %add3A_206 = arith.addi %mul3A_204, %add3A_205 : i32
      %dma_wait3A_207 = arith.constant 0 : i32
      %dma_wait3A_208 = arith.constant 0 : i32
      %dma_wait3A_209 = tpu.memref_slice %arg2[%dma_wait3A_207, %dma_wait3A_208] : memref<10000x128xf32, #tpu.memory_space<hbm>> -> memref<128x128xf32, #tpu.memory_space<hbm>>
      %dma_wait3A_210 = arith.constant 0 : i32
      %dma_wait3A_211 = arith.constant 0 : i32
      %dma_wait3A_212 = tpu.memref_slice %arg2[%dma_wait3A_210, %dma_wait3A_211] : memref<10000x128xf32, #tpu.memory_space<hbm>> -> memref<128x128xf32, #tpu.memory_space<hbm>>
      tpu.wait_dma2 semaphore(%arg12 : memref<!tpu.dma_semaphore, #tpu.memory_space<semaphore_mem>>) src(%dma_wait3A_212 : memref<128x128xf32, #tpu.memory_space<hbm>>) dst(%arg10 : memref<128x128xf32, #tpu.memory_space<vmem>>)
      %dma_start3A_213 = arith.constant 1 : i32
      %dma_start3A_214 = arith.constant 0 : i32
      %dma_start3A_215 = tpu.memref_slice %arg8[%dma_start3A_213, %dma_start3A_214] : memref<8x128xi32, #tpu.memory_space<vmem>> -> memref<1x128xi32, #tpu.memory_space<vmem>>
      %dma_start3A_216 = tpu.memref_squeeze %dma_start3A_215 : memref<1x128xi32, #tpu.memory_space<vmem>> -> memref<128xi32, #tpu.memory_space<vmem>>
      %dma_start3A_217 = arith.constant 0 : i32
      %dma_start3A_218 = arith.constant 0 : i32
      %dma_start3A_219 = tpu.memref_slice %arg2[%dma_start3A_217, %dma_start3A_218] : memref<10000x128xf32, #tpu.memory_space<hbm>> -> memref<10000x128xf32, #tpu.memory_space<hbm>>
      tpu.enqueue_indirect_dma source(%dma_start3A_219 : memref<10000x128xf32, #tpu.memory_space<hbm>>) target(%arg11 : memref<128x128xf32, #tpu.memory_space<vmem>>) offsets(%dma_start3A_216 : memref<128xi32, #tpu.memory_space<vmem>>) semaphore(%arg12 : memref<!tpu.dma_semaphore, #tpu.memory_space<semaphore_mem>>)
      %run_scoped3A_220 = arith.constant 0 : i32
      "tpu.region"() ({
        %run_scoped3A_352 = tpu.sem_alloc : memref<!tpu.dma_semaphore, #tpu.memory_space<semaphore_mem>>
        %dma_start3A_353 = arith.constant 0 : i32
        %dma_start3A_354 = tpu.memref_slice %arg9[%run_scoped3A_220, %dma_start3A_353] : memref<8x128xi32, #tpu.memory_space<vmem>> -> memref<1x128xi32, #tpu.memory_space<vmem>>
        %dma_start3A_355 = tpu.memref_squeeze %dma_start3A_354 : memref<1x128xi32, #tpu.memory_space<vmem>> -> memref<128xi32, #tpu.memory_space<vmem>>
        %dma_start3A_356 = arith.constant 0 : i32
        %dma_start3A_357 = arith.constant 0 : i32
        %dma_start3A_358 = tpu.memref_slice %arg13[%dma_start3A_356, %dma_start3A_357] : memref<10240x128xf32, #tpu.memory_space<vmem_shared>> -> memref<10240x128xf32, #tpu.memory_space<vmem_shared>>
        tpu.enqueue_indirect_dma source(%arg10 : memref<128x128xf32, #tpu.memory_space<vmem>>) target(%dma_start3A_358 : memref<10240x128xf32, #tpu.memory_space<vmem_shared>>) offsets(%dma_start3A_355 : memref<128xi32, #tpu.memory_space<vmem>>) semaphore(%run_scoped3A_352 : memref<!tpu.dma_semaphore, #tpu.memory_space<semaphore_mem>>) {add = true}
        %dma_wait3A_359 = arith.constant 0 : i32
        %dma_wait3A_360 = tpu.memref_slice %arg9[%run_scoped3A_220, %dma_wait3A_359] : memref<8x128xi32, #tpu.memory_space<vmem>> -> memref<1x128xi32, #tpu.memory_space<vmem>>
        %dma_wait3A_361 = tpu.memref_squeeze %dma_wait3A_360 : memref<1x128xi32, #tpu.memory_space<vmem>> -> memref<128xi32, #tpu.memory_space<vmem>>
        %dma_wait3A_362 = arith.constant 0 : i32
        %dma_wait3A_363 = arith.constant 0 : i32
        %dma_wait3A_364 = tpu.memref_slice %arg13[%dma_wait3A_362, %dma_wait3A_363] : memref<10240x128xf32, #tpu.memory_space<vmem_shared>> -> memref<10240x128xf32, #tpu.memory_space<vmem_shared>>
        tpu.wait_indirect_dma semaphore(%run_scoped3A_352 : memref<!tpu.dma_semaphore, #tpu.memory_space<semaphore_mem>>) src(%arg10 : memref<128x128xf32, #tpu.memory_space<vmem>>) dst(%dma_wait3A_364 : memref<10240x128xf32, #tpu.memory_space<vmem_shared>>)
        tpu.yield
      }) : () -> ()
      %mul3A_221 = arith.constant 8 : i32
      %mul3A_222 = arith.muli %add3A_202, %mul3A_221 : i32
      %add3A_223 = arith.constant 1 : i32
      %add3A_224 = arith.addi %mul3A_222, %add3A_223 : i32
      %dma_wait3A_225 = arith.constant 0 : i32
      %dma_wait3A_226 = arith.constant 0 : i32
      %dma_wait3A_227 = tpu.memref_slice %arg2[%dma_wait3A_225, %dma_wait3A_226] : memref<10000x128xf32, #tpu.memory_space<hbm>> -> memref<128x128xf32, #tpu.memory_space<hbm>>
      %dma_wait3A_228 = arith.constant 0 : i32
      %dma_wait3A_229 = arith.constant 0 : i32
      %dma_wait3A_230 = tpu.memref_slice %arg2[%dma_wait3A_228, %dma_wait3A_229] : memref<10000x128xf32, #tpu.memory_space<hbm>> -> memref<128x128xf32, #tpu.memory_space<hbm>>
      tpu.wait_dma2 semaphore(%arg12 : memref<!tpu.dma_semaphore, #tpu.memory_space<semaphore_mem>>) src(%dma_wait3A_230 : memref<128x128xf32, #tpu.memory_space<hbm>>) dst(%arg11 : memref<128x128xf32, #tpu.memory_space<vmem>>)
      %dma_start3A_231 = arith.constant 2 : i32
      %dma_start3A_232 = arith.constant 0 : i32
      %dma_start3A_233 = tpu.memref_slice %arg8[%dma_start3A_231, %dma_start3A_232] : memref<8x128xi32, #tpu.memory_space<vmem>> -> memref<1x128xi32, #tpu.memory_space<vmem>>
      %dma_start3A_234 = tpu.memref_squeeze %dma_start3A_233 : memref<1x128xi32, #tpu.memory_space<vmem>> -> memref<128xi32, #tpu.memory_space<vmem>>
      %dma_start3A_235 = arith.constant 0 : i32
      %dma_start3A_236 = arith.constant 0 : i32
      %dma_start3A_237 = tpu.memref_slice %arg2[%dma_start3A_235, %dma_start3A_236] : memref<10000x128xf32, #tpu.memory_space<hbm>> -> memref<10000x128xf32, #tpu.memory_space<hbm>>
      tpu.enqueue_indirect_dma source(%dma_start3A_237 : memref<10000x128xf32, #tpu.memory_space<hbm>>) target(%arg10 : memref<128x128xf32, #tpu.memory_space<vmem>>) offsets(%dma_start3A_234 : memref<128xi32, #tpu.memory_space<vmem>>) semaphore(%arg12 : memref<!tpu.dma_semaphore, #tpu.memory_space<semaphore_mem>>)
      %add3A_238 = arith.constant 1 : i32
      %add3A_239 = arith.addi %add3A_202, %add3A_238 : i32
      %lt3A_240 = arith.cmpi slt, %add3A_239, %select_n3A : i32
      %convert_element_type3A_241 = arith.extui %lt3A_240 : i1 to i32
      %cond3A_242 = arith.constant 0 : i32
      %cond3A_243 = arith.cmpi ne, %convert_element_type3A_241, %cond3A_242 : i32
      scf.if %cond3A_243 {
        %add3A_352 = arith.constant 1 : i32
        %add3A_353 = arith.addi %add3A_202, %add3A_352 : i32
        %mul3A_354 = arith.constant 8 : i32
        %mul3A_355 = arith.muli %add3A_353, %mul3A_354 : i32
        %add3A_356 = arith.addi %select_n3A_10, %mul3A_355 : i32
        %multiple_of3A_357 = tpu.assume_multiple %add3A_356, 8 : i32
        "tpu.region"() ({
          %run_scoped3A_360 = tpu.sem_alloc : memref<!tpu.dma_semaphore, #tpu.memory_space<semaphore_mem>>
          %dma_start3A_361 = arith.constant 0 : i32
          %dma_start3A_362 = tpu.memref_slice %arg3[%multiple_of3A_357, %dma_start3A_361] : memref<2560x128xi32, #tpu.memory_space<hbm>> -> memref<8x128xi32, #tpu.memory_space<hbm>>
          %dma_start3A_363 = arith.constant 0 : i32
          %dma_start3A_364 = tpu.memref_slice %arg3[%multiple_of3A_357, %dma_start3A_363] : memref<2560x128xi32, #tpu.memory_space<hbm>> -> memref<8x128xi32, #tpu.memory_space<hbm>>
          tpu.enqueue_dma source(%dma_start3A_364 : memref<8x128xi32, #tpu.memory_space<hbm>>) target(%arg6 : memref<8x128xi32, #tpu.memory_space<vmem>>) target_semaphore(%run_scoped3A_360 : memref<!tpu.dma_semaphore, #tpu.memory_space<semaphore_mem>>)
          %dma_wait3A_365 = arith.constant 0 : i32
          %dma_wait3A_366 = tpu.memref_slice %arg3[%multiple_of3A_357, %dma_wait3A_365] : memref<2560x128xi32, #tpu.memory_space<hbm>> -> memref<8x128xi32, #tpu.memory_space<hbm>>
          %dma_wait3A_367 = arith.constant 0 : i32
          %dma_wait3A_368 = tpu.memref_slice %arg3[%multiple_of3A_357, %dma_wait3A_367] : memref<2560x128xi32, #tpu.memory_space<hbm>> -> memref<8x128xi32, #tpu.memory_space<hbm>>
          tpu.wait_dma2 semaphore(%run_scoped3A_360 : memref<!tpu.dma_semaphore, #tpu.memory_space<semaphore_mem>>) src(%dma_wait3A_368 : memref<8x128xi32, #tpu.memory_space<hbm>>) dst(%arg6 : memref<8x128xi32, #tpu.memory_space<vmem>>)
          tpu.yield
        }) : () -> ()
        %add3A_358 = arith.addi %select_n3A_10, %mul3A_355 : i32
        %multiple_of3A_359 = tpu.assume_multiple %add3A_358, 8 : i32
        "tpu.region"() ({
          %run_scoped3A_360 = tpu.sem_alloc : memref<!tpu.dma_semaphore, #tpu.memory_space<semaphore_mem>>
          %dma_start3A_361 = arith.constant 0 : i32
          %dma_start3A_362 = tpu.memref_slice %arg4[%multiple_of3A_359, %dma_start3A_361] : memref<2560x128xi32, #tpu.memory_space<hbm>> -> memref<8x128xi32, #tpu.memory_space<hbm>>
          %dma_start3A_363 = arith.constant 0 : i32
          %dma_start3A_364 = tpu.memref_slice %arg4[%multiple_of3A_359, %dma_start3A_363] : memref<2560x128xi32, #tpu.memory_space<hbm>> -> memref<8x128xi32, #tpu.memory_space<hbm>>
          tpu.enqueue_dma source(%dma_start3A_364 : memref<8x128xi32, #tpu.memory_space<hbm>>) target(%arg7 : memref<8x128xi32, #tpu.memory_space<vmem>>) target_semaphore(%run_scoped3A_360 : memref<!tpu.dma_semaphore, #tpu.memory_space<semaphore_mem>>)
          %dma_wait3A_365 = arith.constant 0 : i32
          %dma_wait3A_366 = tpu.memref_slice %arg4[%multiple_of3A_359, %dma_wait3A_365] : memref<2560x128xi32, #tpu.memory_space<hbm>> -> memref<8x128xi32, #tpu.memory_space<hbm>>
          %dma_wait3A_367 = arith.constant 0 : i32
          %dma_wait3A_368 = tpu.memref_slice %arg4[%multiple_of3A_359, %dma_wait3A_367] : memref<2560x128xi32, #tpu.memory_space<hbm>> -> memref<8x128xi32, #tpu.memory_space<hbm>>
          tpu.wait_dma2 semaphore(%run_scoped3A_360 : memref<!tpu.dma_semaphore, #tpu.memory_space<semaphore_mem>>) src(%dma_wait3A_368 : memref<8x128xi32, #tpu.memory_space<hbm>>) dst(%arg7 : memref<8x128xi32, #tpu.memory_space<vmem>>)
          tpu.yield
        }) : () -> ()
      } else {
      }
      %run_scoped3A_244 = arith.constant 1 : i32
      "tpu.region"() ({
        %run_scoped3A_352 = tpu.sem_alloc : memref<!tpu.dma_semaphore, #tpu.memory_space<semaphore_mem>>
        %dma_start3A_353 = arith.constant 0 : i32
        %dma_start3A_354 = tpu.memref_slice %arg9[%run_scoped3A_244, %dma_start3A_353] : memref<8x128xi32, #tpu.memory_space<vmem>> -> memref<1x128xi32, #tpu.memory_space<vmem>>
        %dma_start3A_355 = tpu.memref_squeeze %dma_start3A_354 : memref<1x128xi32, #tpu.memory_space<vmem>> -> memref<128xi32, #tpu.memory_space<vmem>>
        %dma_start3A_356 = arith.constant 0 : i32
        %dma_start3A_357 = arith.constant 0 : i32
        %dma_start3A_358 = tpu.memref_slice %arg13[%dma_start3A_356, %dma_start3A_357] : memref<10240x128xf32, #tpu.memory_space<vmem_shared>> -> memref<10240x128xf32, #tpu.memory_space<vmem_shared>>
        tpu.enqueue_indirect_dma source(%arg11 : memref<128x128xf32, #tpu.memory_space<vmem>>) target(%dma_start3A_358 : memref<10240x128xf32, #tpu.memory_space<vmem_shared>>) offsets(%dma_start3A_355 : memref<128xi32, #tpu.memory_space<vmem>>) semaphore(%run_scoped3A_352 : memref<!tpu.dma_semaphore, #tpu.memory_space<semaphore_mem>>) {add = true}
        %dma_wait3A_359 = arith.constant 0 : i32
        %dma_wait3A_360 = tpu.memref_slice %arg9[%run_scoped3A_244, %dma_wait3A_359] : memref<8x128xi32, #tpu.memory_space<vmem>> -> memref<1x128xi32, #tpu.memory_space<vmem>>
        %dma_wait3A_361 = tpu.memref_squeeze %dma_wait3A_360 : memref<1x128xi32, #tpu.memory_space<vmem>> -> memref<128xi32, #tpu.memory_space<vmem>>
        %dma_wait3A_362 = arith.constant 0 : i32
        %dma_wait3A_363 = arith.constant 0 : i32
        %dma_wait3A_364 = tpu.memref_slice %arg13[%dma_wait3A_362, %dma_wait3A_363] : memref<10240x128xf32, #tpu.memory_space<vmem_shared>> -> memref<10240x128xf32, #tpu.memory_space<vmem_shared>>
        tpu.wait_indirect_dma semaphore(%run_scoped3A_352 : memref<!tpu.dma_semaphore, #tpu.memory_space<semaphore_mem>>) src(%arg11 : memref<128x128xf32, #tpu.memory_space<vmem>>) dst(%dma_wait3A_364 : memref<10240x128xf32, #tpu.memory_space<vmem_shared>>)
        tpu.yield
      }) : () -> ()
      %mul3A_245 = arith.constant 8 : i32
      %mul3A_246 = arith.muli %add3A_202, %mul3A_245 : i32
      %add3A_247 = arith.constant 2 : i32
      %add3A_248 = arith.addi %mul3A_246, %add3A_247 : i32
      %dma_wait3A_249 = arith.constant 0 : i32
      %dma_wait3A_250 = arith.constant 0 : i32
      %dma_wait3A_251 = tpu.memref_slice %arg2[%dma_wait3A_249, %dma_wait3A_250] : memref<10000x128xf32, #tpu.memory_space<hbm>> -> memref<128x128xf32, #tpu.memory_space<hbm>>
      %dma_wait3A_252 = arith.constant 0 : i32
      %dma_wait3A_253 = arith.constant 0 : i32
      %dma_wait3A_254 = tpu.memref_slice %arg2[%dma_wait3A_252, %dma_wait3A_253] : memref<10000x128xf32, #tpu.memory_space<hbm>> -> memref<128x128xf32, #tpu.memory_space<hbm>>
      tpu.wait_dma2 semaphore(%arg12 : memref<!tpu.dma_semaphore, #tpu.memory_space<semaphore_mem>>) src(%dma_wait3A_254 : memref<128x128xf32, #tpu.memory_space<hbm>>) dst(%arg10 : memref<128x128xf32, #tpu.memory_space<vmem>>)
      %dma_start3A_255 = arith.constant 3 : i32
      %dma_start3A_256 = arith.constant 0 : i32
      %dma_start3A_257 = tpu.memref_slice %arg8[%dma_start3A_255, %dma_start3A_256] : memref<8x128xi32, #tpu.memory_space<vmem>> -> memref<1x128xi32, #tpu.memory_space<vmem>>
      %dma_start3A_258 = tpu.memref_squeeze %dma_start3A_257 : memref<1x128xi32, #tpu.memory_space<vmem>> -> memref<128xi32, #tpu.memory_space<vmem>>
      %dma_start3A_259 = arith.constant 0 : i32
      %dma_start3A_260 = arith.constant 0 : i32
      %dma_start3A_261 = tpu.memref_slice %arg2[%dma_start3A_259, %dma_start3A_260] : memref<10000x128xf32, #tpu.memory_space<hbm>> -> memref<10000x128xf32, #tpu.memory_space<hbm>>
      tpu.enqueue_indirect_dma source(%dma_start3A_261 : memref<10000x128xf32, #tpu.memory_space<hbm>>) target(%arg11 : memref<128x128xf32, #tpu.memory_space<vmem>>) offsets(%dma_start3A_258 : memref<128xi32, #tpu.memory_space<vmem>>) semaphore(%arg12 : memref<!tpu.dma_semaphore, #tpu.memory_space<semaphore_mem>>)
      %run_scoped3A_262 = arith.constant 2 : i32
      "tpu.region"() ({
        %run_scoped3A_352 = tpu.sem_alloc : memref<!tpu.dma_semaphore, #tpu.memory_space<semaphore_mem>>
        %dma_start3A_353 = arith.constant 0 : i32
        %dma_start3A_354 = tpu.memref_slice %arg9[%run_scoped3A_262, %dma_start3A_353] : memref<8x128xi32, #tpu.memory_space<vmem>> -> memref<1x128xi32, #tpu.memory_space<vmem>>
        %dma_start3A_355 = tpu.memref_squeeze %dma_start3A_354 : memref<1x128xi32, #tpu.memory_space<vmem>> -> memref<128xi32, #tpu.memory_space<vmem>>
        %dma_start3A_356 = arith.constant 0 : i32
        %dma_start3A_357 = arith.constant 0 : i32
        %dma_start3A_358 = tpu.memref_slice %arg13[%dma_start3A_356, %dma_start3A_357] : memref<10240x128xf32, #tpu.memory_space<vmem_shared>> -> memref<10240x128xf32, #tpu.memory_space<vmem_shared>>
        tpu.enqueue_indirect_dma source(%arg10 : memref<128x128xf32, #tpu.memory_space<vmem>>) target(%dma_start3A_358 : memref<10240x128xf32, #tpu.memory_space<vmem_shared>>) offsets(%dma_start3A_355 : memref<128xi32, #tpu.memory_space<vmem>>) semaphore(%run_scoped3A_352 : memref<!tpu.dma_semaphore, #tpu.memory_space<semaphore_mem>>) {add = true}
        %dma_wait3A_359 = arith.constant 0 : i32
        %dma_wait3A_360 = tpu.memref_slice %arg9[%run_scoped3A_262, %dma_wait3A_359] : memref<8x128xi32, #tpu.memory_space<vmem>> -> memref<1x128xi32, #tpu.memory_space<vmem>>
        %dma_wait3A_361 = tpu.memref_squeeze %dma_wait3A_360 : memref<1x128xi32, #tpu.memory_space<vmem>> -> memref<128xi32, #tpu.memory_space<vmem>>
        %dma_wait3A_362 = arith.constant 0 : i32
        %dma_wait3A_363 = arith.constant 0 : i32
        %dma_wait3A_364 = tpu.memref_slice %arg13[%dma_wait3A_362, %dma_wait3A_363] : memref<10240x128xf32, #tpu.memory_space<vmem_shared>> -> memref<10240x128xf32, #tpu.memory_space<vmem_shared>>
        tpu.wait_indirect_dma semaphore(%run_scoped3A_352 : memref<!tpu.dma_semaphore, #tpu.memory_space<semaphore_mem>>) src(%arg10 : memref<128x128xf32, #tpu.memory_space<vmem>>) dst(%dma_wait3A_364 : memref<10240x128xf32, #tpu.memory_space<vmem_shared>>)
        tpu.yield
      }) : () -> ()
      %mul3A_263 = arith.constant 8 : i32
      %mul3A_264 = arith.muli %add3A_202, %mul3A_263 : i32
      %add3A_265 = arith.constant 3 : i32
      %add3A_266 = arith.addi %mul3A_264, %add3A_265 : i32
      %dma_wait3A_267 = arith.constant 0 : i32
      %dma_wait3A_268 = arith.constant 0 : i32
      %dma_wait3A_269 = tpu.memref_slice %arg2[%dma_wait3A_267, %dma_wait3A_268] : memref<10000x128xf32, #tpu.memory_space<hbm>> -> memref<128x128xf32, #tpu.memory_space<hbm>>
      %dma_wait3A_270 = arith.constant 0 : i32
      %dma_wait3A_271 = arith.constant 0 : i32
      %dma_wait3A_272 = tpu.memref_slice %arg2[%dma_wait3A_270, %dma_wait3A_271] : memref<10000x128xf32, #tpu.memory_space<hbm>> -> memref<128x128xf32, #tpu.memory_space<hbm>>
      tpu.wait_dma2 semaphore(%arg12 : memref<!tpu.dma_semaphore, #tpu.memory_space<semaphore_mem>>) src(%dma_wait3A_272 : memref<128x128xf32, #tpu.memory_space<hbm>>) dst(%arg11 : memref<128x128xf32, #tpu.memory_space<vmem>>)
      %dma_start3A_273 = arith.constant 4 : i32
      %dma_start3A_274 = arith.constant 0 : i32
      %dma_start3A_275 = tpu.memref_slice %arg8[%dma_start3A_273, %dma_start3A_274] : memref<8x128xi32, #tpu.memory_space<vmem>> -> memref<1x128xi32, #tpu.memory_space<vmem>>
      %dma_start3A_276 = tpu.memref_squeeze %dma_start3A_275 : memref<1x128xi32, #tpu.memory_space<vmem>> -> memref<128xi32, #tpu.memory_space<vmem>>
      %dma_start3A_277 = arith.constant 0 : i32
      %dma_start3A_278 = arith.constant 0 : i32
      %dma_start3A_279 = tpu.memref_slice %arg2[%dma_start3A_277, %dma_start3A_278] : memref<10000x128xf32, #tpu.memory_space<hbm>> -> memref<10000x128xf32, #tpu.memory_space<hbm>>
      tpu.enqueue_indirect_dma source(%dma_start3A_279 : memref<10000x128xf32, #tpu.memory_space<hbm>>) target(%arg10 : memref<128x128xf32, #tpu.memory_space<vmem>>) offsets(%dma_start3A_276 : memref<128xi32, #tpu.memory_space<vmem>>) semaphore(%arg12 : memref<!tpu.dma_semaphore, #tpu.memory_space<semaphore_mem>>)
      %run_scoped3A_280 = arith.constant 3 : i32
      "tpu.region"() ({
        %run_scoped3A_352 = tpu.sem_alloc : memref<!tpu.dma_semaphore, #tpu.memory_space<semaphore_mem>>
        %dma_start3A_353 = arith.constant 0 : i32
        %dma_start3A_354 = tpu.memref_slice %arg9[%run_scoped3A_280, %dma_start3A_353] : memref<8x128xi32, #tpu.memory_space<vmem>> -> memref<1x128xi32, #tpu.memory_space<vmem>>
        %dma_start3A_355 = tpu.memref_squeeze %dma_start3A_354 : memref<1x128xi32, #tpu.memory_space<vmem>> -> memref<128xi32, #tpu.memory_space<vmem>>
        %dma_start3A_356 = arith.constant 0 : i32
        %dma_start3A_357 = arith.constant 0 : i32
        %dma_start3A_358 = tpu.memref_slice %arg13[%dma_start3A_356, %dma_start3A_357] : memref<10240x128xf32, #tpu.memory_space<vmem_shared>> -> memref<10240x128xf32, #tpu.memory_space<vmem_shared>>
        tpu.enqueue_indirect_dma source(%arg11 : memref<128x128xf32, #tpu.memory_space<vmem>>) target(%dma_start3A_358 : memref<10240x128xf32, #tpu.memory_space<vmem_shared>>) offsets(%dma_start3A_355 : memref<128xi32, #tpu.memory_space<vmem>>) semaphore(%run_scoped3A_352 : memref<!tpu.dma_semaphore, #tpu.memory_space<semaphore_mem>>) {add = true}
        %dma_wait3A_359 = arith.constant 0 : i32
        %dma_wait3A_360 = tpu.memref_slice %arg9[%run_scoped3A_280, %dma_wait3A_359] : memref<8x128xi32, #tpu.memory_space<vmem>> -> memref<1x128xi32, #tpu.memory_space<vmem>>
        %dma_wait3A_361 = tpu.memref_squeeze %dma_wait3A_360 : memref<1x128xi32, #tpu.memory_space<vmem>> -> memref<128xi32, #tpu.memory_space<vmem>>
        %dma_wait3A_362 = arith.constant 0 : i32
        %dma_wait3A_363 = arith.constant 0 : i32
        %dma_wait3A_364 = tpu.memref_slice %arg13[%dma_wait3A_362, %dma_wait3A_363] : memref<10240x128xf32, #tpu.memory_space<vmem_shared>> -> memref<10240x128xf32, #tpu.memory_space<vmem_shared>>
        tpu.wait_indirect_dma semaphore(%run_scoped3A_352 : memref<!tpu.dma_semaphore, #tpu.memory_space<semaphore_mem>>) src(%arg11 : memref<128x128xf32, #tpu.memory_space<vmem>>) dst(%dma_wait3A_364 : memref<10240x128xf32, #tpu.memory_space<vmem_shared>>)
        tpu.yield
      }) : () -> ()
      %mul3A_281 = arith.constant 8 : i32
      %mul3A_282 = arith.muli %add3A_202, %mul3A_281 : i32
      %add3A_283 = arith.constant 4 : i32
      %add3A_284 = arith.addi %mul3A_282, %add3A_283 : i32
      %dma_wait3A_285 = arith.constant 0 : i32
      %dma_wait3A_286 = arith.constant 0 : i32
      %dma_wait3A_287 = tpu.memref_slice %arg2[%dma_wait3A_285, %dma_wait3A_286] : memref<10000x128xf32, #tpu.memory_space<hbm>> -> memref<128x128xf32, #tpu.memory_space<hbm>>
      %dma_wait3A_288 = arith.constant 0 : i32
      %dma_wait3A_289 = arith.constant 0 : i32
      %dma_wait3A_290 = tpu.memref_slice %arg2[%dma_wait3A_288, %dma_wait3A_289] : memref<10000x128xf32, #tpu.memory_space<hbm>> -> memref<128x128xf32, #tpu.memory_space<hbm>>
      tpu.wait_dma2 semaphore(%arg12 : memref<!tpu.dma_semaphore, #tpu.memory_space<semaphore_mem>>) src(%dma_wait3A_290 : memref<128x128xf32, #tpu.memory_space<hbm>>) dst(%arg10 : memref<128x128xf32, #tpu.memory_space<vmem>>)
      %dma_start3A_291 = arith.constant 5 : i32
      %dma_start3A_292 = arith.constant 0 : i32
      %dma_start3A_293 = tpu.memref_slice %arg8[%dma_start3A_291, %dma_start3A_292] : memref<8x128xi32, #tpu.memory_space<vmem>> -> memref<1x128xi32, #tpu.memory_space<vmem>>
      %dma_start3A_294 = tpu.memref_squeeze %dma_start3A_293 : memref<1x128xi32, #tpu.memory_space<vmem>> -> memref<128xi32, #tpu.memory_space<vmem>>
      %dma_start3A_295 = arith.constant 0 : i32
      %dma_start3A_296 = arith.constant 0 : i32
      %dma_start3A_297 = tpu.memref_slice %arg2[%dma_start3A_295, %dma_start3A_296] : memref<10000x128xf32, #tpu.memory_space<hbm>> -> memref<10000x128xf32, #tpu.memory_space<hbm>>
      tpu.enqueue_indirect_dma source(%dma_start3A_297 : memref<10000x128xf32, #tpu.memory_space<hbm>>) target(%arg11 : memref<128x128xf32, #tpu.memory_space<vmem>>) offsets(%dma_start3A_294 : memref<128xi32, #tpu.memory_space<vmem>>) semaphore(%arg12 : memref<!tpu.dma_semaphore, #tpu.memory_space<semaphore_mem>>)
      %run_scoped3A_298 = arith.constant 4 : i32
      "tpu.region"() ({
        %run_scoped3A_352 = tpu.sem_alloc : memref<!tpu.dma_semaphore, #tpu.memory_space<semaphore_mem>>
        %dma_start3A_353 = arith.constant 0 : i32
        %dma_start3A_354 = tpu.memref_slice %arg9[%run_scoped3A_298, %dma_start3A_353] : memref<8x128xi32, #tpu.memory_space<vmem>> -> memref<1x128xi32, #tpu.memory_space<vmem>>
        %dma_start3A_355 = tpu.memref_squeeze %dma_start3A_354 : memref<1x128xi32, #tpu.memory_space<vmem>> -> memref<128xi32, #tpu.memory_space<vmem>>
        %dma_start3A_356 = arith.constant 0 : i32
        %dma_start3A_357 = arith.constant 0 : i32
        %dma_start3A_358 = tpu.memref_slice %arg13[%dma_start3A_356, %dma_start3A_357] : memref<10240x128xf32, #tpu.memory_space<vmem_shared>> -> memref<10240x128xf32, #tpu.memory_space<vmem_shared>>
        tpu.enqueue_indirect_dma source(%arg10 : memref<128x128xf32, #tpu.memory_space<vmem>>) target(%dma_start3A_358 : memref<10240x128xf32, #tpu.memory_space<vmem_shared>>) offsets(%dma_start3A_355 : memref<128xi32, #tpu.memory_space<vmem>>) semaphore(%run_scoped3A_352 : memref<!tpu.dma_semaphore, #tpu.memory_space<semaphore_mem>>) {add = true}
        %dma_wait3A_359 = arith.constant 0 : i32
        %dma_wait3A_360 = tpu.memref_slice %arg9[%run_scoped3A_298, %dma_wait3A_359] : memref<8x128xi32, #tpu.memory_space<vmem>> -> memref<1x128xi32, #tpu.memory_space<vmem>>
        %dma_wait3A_361 = tpu.memref_squeeze %dma_wait3A_360 : memref<1x128xi32, #tpu.memory_space<vmem>> -> memref<128xi32, #tpu.memory_space<vmem>>
        %dma_wait3A_362 = arith.constant 0 : i32
        %dma_wait3A_363 = arith.constant 0 : i32
        %dma_wait3A_364 = tpu.memref_slice %arg13[%dma_wait3A_362, %dma_wait3A_363] : memref<10240x128xf32, #tpu.memory_space<vmem_shared>> -> memref<10240x128xf32, #tpu.memory_space<vmem_shared>>
        tpu.wait_indirect_dma semaphore(%run_scoped3A_352 : memref<!tpu.dma_semaphore, #tpu.memory_space<semaphore_mem>>) src(%arg10 : memref<128x128xf32, #tpu.memory_space<vmem>>) dst(%dma_wait3A_364 : memref<10240x128xf32, #tpu.memory_space<vmem_shared>>)
        tpu.yield
      }) : () -> ()
      %mul3A_299 = arith.constant 8 : i32
      %mul3A_300 = arith.muli %add3A_202, %mul3A_299 : i32
      %add3A_301 = arith.constant 5 : i32
      %add3A_302 = arith.addi %mul3A_300, %add3A_301 : i32
      %dma_wait3A_303 = arith.constant 0 : i32
      %dma_wait3A_304 = arith.constant 0 : i32
      %dma_wait3A_305 = tpu.memref_slice %arg2[%dma_wait3A_303, %dma_wait3A_304] : memref<10000x128xf32, #tpu.memory_space<hbm>> -> memref<128x128xf32, #tpu.memory_space<hbm>>
      %dma_wait3A_306 = arith.constant 0 : i32
      %dma_wait3A_307 = arith.constant 0 : i32
      %dma_wait3A_308 = tpu.memref_slice %arg2[%dma_wait3A_306, %dma_wait3A_307] : memref<10000x128xf32, #tpu.memory_space<hbm>> -> memref<128x128xf32, #tpu.memory_space<hbm>>
      tpu.wait_dma2 semaphore(%arg12 : memref<!tpu.dma_semaphore, #tpu.memory_space<semaphore_mem>>) src(%dma_wait3A_308 : memref<128x128xf32, #tpu.memory_space<hbm>>) dst(%arg11 : memref<128x128xf32, #tpu.memory_space<vmem>>)
      %dma_start3A_309 = arith.constant 6 : i32
      %dma_start3A_310 = arith.constant 0 : i32
      %dma_start3A_311 = tpu.memref_slice %arg8[%dma_start3A_309, %dma_start3A_310] : memref<8x128xi32, #tpu.memory_space<vmem>> -> memref<1x128xi32, #tpu.memory_space<vmem>>
      %dma_start3A_312 = tpu.memref_squeeze %dma_start3A_311 : memref<1x128xi32, #tpu.memory_space<vmem>> -> memref<128xi32, #tpu.memory_space<vmem>>
      %dma_start3A_313 = arith.constant 0 : i32
      %dma_start3A_314 = arith.constant 0 : i32
      %dma_start3A_315 = tpu.memref_slice %arg2[%dma_start3A_313, %dma_start3A_314] : memref<10000x128xf32, #tpu.memory_space<hbm>> -> memref<10000x128xf32, #tpu.memory_space<hbm>>
      tpu.enqueue_indirect_dma source(%dma_start3A_315 : memref<10000x128xf32, #tpu.memory_space<hbm>>) target(%arg10 : memref<128x128xf32, #tpu.memory_space<vmem>>) offsets(%dma_start3A_312 : memref<128xi32, #tpu.memory_space<vmem>>) semaphore(%arg12 : memref<!tpu.dma_semaphore, #tpu.memory_space<semaphore_mem>>)
      %run_scoped3A_316 = arith.constant 5 : i32
      "tpu.region"() ({
        %run_scoped3A_352 = tpu.sem_alloc : memref<!tpu.dma_semaphore, #tpu.memory_space<semaphore_mem>>
        %dma_start3A_353 = arith.constant 0 : i32
        %dma_start3A_354 = tpu.memref_slice %arg9[%run_scoped3A_316, %dma_start3A_353] : memref<8x128xi32, #tpu.memory_space<vmem>> -> memref<1x128xi32, #tpu.memory_space<vmem>>
        %dma_start3A_355 = tpu.memref_squeeze %dma_start3A_354 : memref<1x128xi32, #tpu.memory_space<vmem>> -> memref<128xi32, #tpu.memory_space<vmem>>
        %dma_start3A_356 = arith.constant 0 : i32
        %dma_start3A_357 = arith.constant 0 : i32
        %dma_start3A_358 = tpu.memref_slice %arg13[%dma_start3A_356, %dma_start3A_357] : memref<10240x128xf32, #tpu.memory_space<vmem_shared>> -> memref<10240x128xf32, #tpu.memory_space<vmem_shared>>
        tpu.enqueue_indirect_dma source(%arg11 : memref<128x128xf32, #tpu.memory_space<vmem>>) target(%dma_start3A_358 : memref<10240x128xf32, #tpu.memory_space<vmem_shared>>) offsets(%dma_start3A_355 : memref<128xi32, #tpu.memory_space<vmem>>) semaphore(%run_scoped3A_352 : memref<!tpu.dma_semaphore, #tpu.memory_space<semaphore_mem>>) {add = true}
        %dma_wait3A_359 = arith.constant 0 : i32
        %dma_wait3A_360 = tpu.memref_slice %arg9[%run_scoped3A_316, %dma_wait3A_359] : memref<8x128xi32, #tpu.memory_space<vmem>> -> memref<1x128xi32, #tpu.memory_space<vmem>>
        %dma_wait3A_361 = tpu.memref_squeeze %dma_wait3A_360 : memref<1x128xi32, #tpu.memory_space<vmem>> -> memref<128xi32, #tpu.memory_space<vmem>>
        %dma_wait3A_362 = arith.constant 0 : i32
        %dma_wait3A_363 = arith.constant 0 : i32
        %dma_wait3A_364 = tpu.memref_slice %arg13[%dma_wait3A_362, %dma_wait3A_363] : memref<10240x128xf32, #tpu.memory_space<vmem_shared>> -> memref<10240x128xf32, #tpu.memory_space<vmem_shared>>
        tpu.wait_indirect_dma semaphore(%run_scoped3A_352 : memref<!tpu.dma_semaphore, #tpu.memory_space<semaphore_mem>>) src(%arg11 : memref<128x128xf32, #tpu.memory_space<vmem>>) dst(%dma_wait3A_364 : memref<10240x128xf32, #tpu.memory_space<vmem_shared>>)
        tpu.yield
      }) : () -> ()
      %mul3A_317 = arith.constant 8 : i32
      %mul3A_318 = arith.muli %add3A_202, %mul3A_317 : i32
      %add3A_319 = arith.constant 6 : i32
      %add3A_320 = arith.addi %mul3A_318, %add3A_319 : i32
      %dma_wait3A_321 = arith.constant 0 : i32
      %dma_wait3A_322 = arith.constant 0 : i32
      %dma_wait3A_323 = tpu.memref_slice %arg2[%dma_wait3A_321, %dma_wait3A_322] : memref<10000x128xf32, #tpu.memory_space<hbm>> -> memref<128x128xf32, #tpu.memory_space<hbm>>
      %dma_wait3A_324 = arith.constant 0 : i32
      %dma_wait3A_325 = arith.constant 0 : i32
      %dma_wait3A_326 = tpu.memref_slice %arg2[%dma_wait3A_324, %dma_wait3A_325] : memref<10000x128xf32, #tpu.memory_space<hbm>> -> memref<128x128xf32, #tpu.memory_space<hbm>>
      tpu.wait_dma2 semaphore(%arg12 : memref<!tpu.dma_semaphore, #tpu.memory_space<semaphore_mem>>) src(%dma_wait3A_326 : memref<128x128xf32, #tpu.memory_space<hbm>>) dst(%arg10 : memref<128x128xf32, #tpu.memory_space<vmem>>)
      %dma_start3A_327 = arith.constant 7 : i32
      %dma_start3A_328 = arith.constant 0 : i32
      %dma_start3A_329 = tpu.memref_slice %arg8[%dma_start3A_327, %dma_start3A_328] : memref<8x128xi32, #tpu.memory_space<vmem>> -> memref<1x128xi32, #tpu.memory_space<vmem>>
      %dma_start3A_330 = tpu.memref_squeeze %dma_start3A_329 : memref<1x128xi32, #tpu.memory_space<vmem>> -> memref<128xi32, #tpu.memory_space<vmem>>
      %dma_start3A_331 = arith.constant 0 : i32
      %dma_start3A_332 = arith.constant 0 : i32
      %dma_start3A_333 = tpu.memref_slice %arg2[%dma_start3A_331, %dma_start3A_332] : memref<10000x128xf32, #tpu.memory_space<hbm>> -> memref<10000x128xf32, #tpu.memory_space<hbm>>
      tpu.enqueue_indirect_dma source(%dma_start3A_333 : memref<10000x128xf32, #tpu.memory_space<hbm>>) target(%arg11 : memref<128x128xf32, #tpu.memory_space<vmem>>) offsets(%dma_start3A_330 : memref<128xi32, #tpu.memory_space<vmem>>) semaphore(%arg12 : memref<!tpu.dma_semaphore, #tpu.memory_space<semaphore_mem>>)
      %run_scoped3A_334 = arith.constant 6 : i32
      "tpu.region"() ({
        %run_scoped3A_352 = tpu.sem_alloc : memref<!tpu.dma_semaphore, #tpu.memory_space<semaphore_mem>>
        %dma_start3A_353 = arith.constant 0 : i32
        %dma_start3A_354 = tpu.memref_slice %arg9[%run_scoped3A_334, %dma_start3A_353] : memref<8x128xi32, #tpu.memory_space<vmem>> -> memref<1x128xi32, #tpu.memory_space<vmem>>
        %dma_start3A_355 = tpu.memref_squeeze %dma_start3A_354 : memref<1x128xi32, #tpu.memory_space<vmem>> -> memref<128xi32, #tpu.memory_space<vmem>>
        %dma_start3A_356 = arith.constant 0 : i32
        %dma_start3A_357 = arith.constant 0 : i32
        %dma_start3A_358 = tpu.memref_slice %arg13[%dma_start3A_356, %dma_start3A_357] : memref<10240x128xf32, #tpu.memory_space<vmem_shared>> -> memref<10240x128xf32, #tpu.memory_space<vmem_shared>>
        tpu.enqueue_indirect_dma source(%arg10 : memref<128x128xf32, #tpu.memory_space<vmem>>) target(%dma_start3A_358 : memref<10240x128xf32, #tpu.memory_space<vmem_shared>>) offsets(%dma_start3A_355 : memref<128xi32, #tpu.memory_space<vmem>>) semaphore(%run_scoped3A_352 : memref<!tpu.dma_semaphore, #tpu.memory_space<semaphore_mem>>) {add = true}
        %dma_wait3A_359 = arith.constant 0 : i32
        %dma_wait3A_360 = tpu.memref_slice %arg9[%run_scoped3A_334, %dma_wait3A_359] : memref<8x128xi32, #tpu.memory_space<vmem>> -> memref<1x128xi32, #tpu.memory_space<vmem>>
        %dma_wait3A_361 = tpu.memref_squeeze %dma_wait3A_360 : memref<1x128xi32, #tpu.memory_space<vmem>> -> memref<128xi32, #tpu.memory_space<vmem>>
        %dma_wait3A_362 = arith.constant 0 : i32
        %dma_wait3A_363 = arith.constant 0 : i32
        %dma_wait3A_364 = tpu.memref_slice %arg13[%dma_wait3A_362, %dma_wait3A_363] : memref<10240x128xf32, #tpu.memory_space<vmem_shared>> -> memref<10240x128xf32, #tpu.memory_space<vmem_shared>>
        tpu.wait_indirect_dma semaphore(%run_scoped3A_352 : memref<!tpu.dma_semaphore, #tpu.memory_space<semaphore_mem>>) src(%arg10 : memref<128x128xf32, #tpu.memory_space<vmem>>) dst(%dma_wait3A_364 : memref<10240x128xf32, #tpu.memory_space<vmem_shared>>)
        tpu.yield
      }) : () -> ()
      %mul3A_335 = arith.constant 8 : i32
      %mul3A_336 = arith.muli %add3A_202, %mul3A_335 : i32
      %add3A_337 = arith.constant 7 : i32
      %add3A_338 = arith.addi %mul3A_336, %add3A_337 : i32
      %dma_wait3A_339 = arith.constant 0 : i32
      %dma_wait3A_340 = arith.constant 0 : i32
      %dma_wait3A_341 = tpu.memref_slice %arg2[%dma_wait3A_339, %dma_wait3A_340] : memref<10000x128xf32, #tpu.memory_space<hbm>> -> memref<128x128xf32, #tpu.memory_space<hbm>>
      %dma_wait3A_342 = arith.constant 0 : i32
      %dma_wait3A_343 = arith.constant 0 : i32
      %dma_wait3A_344 = tpu.memref_slice %arg2[%dma_wait3A_342, %dma_wait3A_343] : memref<10000x128xf32, #tpu.memory_space<hbm>> -> memref<128x128xf32, #tpu.memory_space<hbm>>
      tpu.wait_dma2 semaphore(%arg12 : memref<!tpu.dma_semaphore, #tpu.memory_space<semaphore_mem>>) src(%dma_wait3A_344 : memref<128x128xf32, #tpu.memory_space<hbm>>) dst(%arg11 : memref<128x128xf32, #tpu.memory_space<vmem>>)
      %add3A_345 = arith.constant 1 : i32
      %add3A_346 = arith.addi %add3A_338, %add3A_345 : i32
      %lt3A_347 = arith.cmpi slt, %add3A_346, %mul3A_2 : i32
      %convert_element_type3A_348 = arith.extui %lt3A_347 : i1 to i32
      %cond3A_349 = arith.constant 0 : i32
      %cond3A_350 = arith.cmpi ne, %convert_element_type3A_348, %cond3A_349 : i32
      scf.if %cond3A_350 {
        %dma_start3A_352 = arith.constant 0 : i32
        %dma_start3A_353 = arith.constant 0 : i32
        %dma_start3A_354 = tpu.memref_slice %arg6[%dma_start3A_352, %dma_start3A_353] : memref<8x128xi32, #tpu.memory_space<vmem>> -> memref<1x128xi32, #tpu.memory_space<vmem>>
        %dma_start3A_355 = tpu.memref_squeeze %dma_start3A_354 : memref<1x128xi32, #tpu.memory_space<vmem>> -> memref<128xi32, #tpu.memory_space<vmem>>
        %dma_start3A_356 = arith.constant 0 : i32
        %dma_start3A_357 = arith.constant 0 : i32
        %dma_start3A_358 = tpu.memref_slice %arg2[%dma_start3A_356, %dma_start3A_357] : memref<10000x128xf32, #tpu.memory_space<hbm>> -> memref<10000x128xf32, #tpu.memory_space<hbm>>
        tpu.enqueue_indirect_dma source(%dma_start3A_358 : memref<10000x128xf32, #tpu.memory_space<hbm>>) target(%arg10 : memref<128x128xf32, #tpu.memory_space<vmem>>) offsets(%dma_start3A_355 : memref<128xi32, #tpu.memory_space<vmem>>) semaphore(%arg12 : memref<!tpu.dma_semaphore, #tpu.memory_space<semaphore_mem>>)
      } else {
      }
      %run_scoped3A_351 = arith.constant 7 : i32
      "tpu.region"() ({
        %run_scoped3A_352 = tpu.sem_alloc : memref<!tpu.dma_semaphore, #tpu.memory_space<semaphore_mem>>
        %dma_start3A_353 = arith.constant 0 : i32
        %dma_start3A_354 = tpu.memref_slice %arg9[%run_scoped3A_351, %dma_start3A_353] : memref<8x128xi32, #tpu.memory_space<vmem>> -> memref<1x128xi32, #tpu.memory_space<vmem>>
        %dma_start3A_355 = tpu.memref_squeeze %dma_start3A_354 : memref<1x128xi32, #tpu.memory_space<vmem>> -> memref<128xi32, #tpu.memory_space<vmem>>
        %dma_start3A_356 = arith.constant 0 : i32
        %dma_start3A_357 = arith.constant 0 : i32
        %dma_start3A_358 = tpu.memref_slice %arg13[%dma_start3A_356, %dma_start3A_357] : memref<10240x128xf32, #tpu.memory_space<vmem_shared>> -> memref<10240x128xf32, #tpu.memory_space<vmem_shared>>
        tpu.enqueue_indirect_dma source(%arg11 : memref<128x128xf32, #tpu.memory_space<vmem>>) target(%dma_start3A_358 : memref<10240x128xf32, #tpu.memory_space<vmem_shared>>) offsets(%dma_start3A_355 : memref<128xi32, #tpu.memory_space<vmem>>) semaphore(%run_scoped3A_352 : memref<!tpu.dma_semaphore, #tpu.memory_space<semaphore_mem>>) {add = true}
        %dma_wait3A_359 = arith.constant 0 : i32
        %dma_wait3A_360 = tpu.memref_slice %arg9[%run_scoped3A_351, %dma_wait3A_359] : memref<8x128xi32, #tpu.memory_space<vmem>> -> memref<1x128xi32, #tpu.memory_space<vmem>>
        %dma_wait3A_361 = tpu.memref_squeeze %dma_wait3A_360 : memref<1x128xi32, #tpu.memory_space<vmem>> -> memref<128xi32, #tpu.memory_space<vmem>>
        %dma_wait3A_362 = arith.constant 0 : i32
        %dma_wait3A_363 = arith.constant 0 : i32
        %dma_wait3A_364 = tpu.memref_slice %arg13[%dma_wait3A_362, %dma_wait3A_363] : memref<10240x128xf32, #tpu.memory_space<vmem_shared>> -> memref<10240x128xf32, #tpu.memory_space<vmem_shared>>
        tpu.wait_indirect_dma semaphore(%run_scoped3A_352 : memref<!tpu.dma_semaphore, #tpu.memory_space<semaphore_mem>>) src(%arg11 : memref<128x128xf32, #tpu.memory_space<vmem>>) dst(%dma_wait3A_364 : memref<10240x128xf32, #tpu.memory_space<vmem_shared>>)
        tpu.yield
      }) : () -> ()
    }
    %while3A_46 = arith.constant 1 : i32
    scf.for %while3A_52 = %while3A_44 to %while3A_40 step %while3A_46  : i32 {
      %mul3A_53 = arith.muli %while3A_52, %while3A : i32
      %add3A_54 = arith.addi %while3A_37, %mul3A_53 : i32
      %add3A_55 = arith.constant 0 : i32
      %add3A_56 = arith.addi %add3A_54, %add3A_55 : i32
      %mul3A_57 = arith.constant 8 : i32
      %mul3A_58 = arith.muli %add3A_56, %mul3A_57 : i32
      %add3A_59 = arith.constant 0 : i32
      %add3A_60 = arith.addi %mul3A_58, %add3A_59 : i32
      %dma_wait3A = arith.constant 0 : i32
      %dma_wait3A_61 = arith.constant 0 : i32
      %dma_wait3A_62 = tpu.memref_slice %arg2[%dma_wait3A, %dma_wait3A_61] : memref<10000x128xf32, #tpu.memory_space<hbm>> -> memref<128x128xf32, #tpu.memory_space<hbm>>
      %dma_wait3A_63 = arith.constant 0 : i32
      %dma_wait3A_64 = arith.constant 0 : i32
      %dma_wait3A_65 = tpu.memref_slice %arg2[%dma_wait3A_63, %dma_wait3A_64] : memref<10000x128xf32, #tpu.memory_space<hbm>> -> memref<128x128xf32, #tpu.memory_space<hbm>>
      tpu.wait_dma2 semaphore(%arg12 : memref<!tpu.dma_semaphore, #tpu.memory_space<semaphore_mem>>) src(%dma_wait3A_65 : memref<128x128xf32, #tpu.memory_space<hbm>>) dst(%arg10 : memref<128x128xf32, #tpu.memory_space<vmem>>)
      %dma_start3A_66 = arith.constant 1 : i32
      %dma_start3A_67 = arith.constant 0 : i32
      %dma_start3A_68 = tpu.memref_slice %arg6[%dma_start3A_66, %dma_start3A_67] : memref<8x128xi32, #tpu.memory_space<vmem>> -> memref<1x128xi32, #tpu.memory_space<vmem>>
      %dma_start3A_69 = tpu.memref_squeeze %dma_start3A_68 : memref<1x128xi32, #tpu.memory_space<vmem>> -> memref<128xi32, #tpu.memory_space<vmem>>
      %dma_start3A_70 = arith.constant 0 : i32
      %dma_start3A_71 = arith.constant 0 : i32
      %dma_start3A_72 = tpu.memref_slice %arg2[%dma_start3A_70, %dma_start3A_71] : memref<10000x128xf32, #tpu.memory_space<hbm>> -> memref<10000x128xf32, #tpu.memory_space<hbm>>
      tpu.enqueue_indirect_dma source(%dma_start3A_72 : memref<10000x128xf32, #tpu.memory_space<hbm>>) target(%arg11 : memref<128x128xf32, #tpu.memory_space<vmem>>) offsets(%dma_start3A_69 : memref<128xi32, #tpu.memory_space<vmem>>) semaphore(%arg12 : memref<!tpu.dma_semaphore, #tpu.memory_space<semaphore_mem>>)
      %run_scoped3A = arith.constant 0 : i32
      "tpu.region"() ({
        %run_scoped3A_352 = tpu.sem_alloc : memref<!tpu.dma_semaphore, #tpu.memory_space<semaphore_mem>>
        %dma_start3A_353 = arith.constant 0 : i32
        %dma_start3A_354 = tpu.memref_slice %arg7[%run_scoped3A, %dma_start3A_353] : memref<8x128xi32, #tpu.memory_space<vmem>> -> memref<1x128xi32, #tpu.memory_space<vmem>>
        %dma_start3A_355 = tpu.memref_squeeze %dma_start3A_354 : memref<1x128xi32, #tpu.memory_space<vmem>> -> memref<128xi32, #tpu.memory_space<vmem>>
        %dma_start3A_356 = arith.constant 0 : i32
        %dma_start3A_357 = arith.constant 0 : i32
        %dma_start3A_358 = tpu.memref_slice %arg13[%dma_start3A_356, %dma_start3A_357] : memref<10240x128xf32, #tpu.memory_space<vmem_shared>> -> memref<10240x128xf32, #tpu.memory_space<vmem_shared>>
        tpu.enqueue_indirect_dma source(%arg10 : memref<128x128xf32, #tpu.memory_space<vmem>>) target(%dma_start3A_358 : memref<10240x128xf32, #tpu.memory_space<vmem_shared>>) offsets(%dma_start3A_355 : memref<128xi32, #tpu.memory_space<vmem>>) semaphore(%run_scoped3A_352 : memref<!tpu.dma_semaphore, #tpu.memory_space<semaphore_mem>>) {add = true}
        %dma_wait3A_359 = arith.constant 0 : i32
        %dma_wait3A_360 = tpu.memref_slice %arg7[%run_scoped3A, %dma_wait3A_359] : memref<8x128xi32, #tpu.memory_space<vmem>> -> memref<1x128xi32, #tpu.memory_space<vmem>>
        %dma_wait3A_361 = tpu.memref_squeeze %dma_wait3A_360 : memref<1x128xi32, #tpu.memory_space<vmem>> -> memref<128xi32, #tpu.memory_space<vmem>>
        %dma_wait3A_362 = arith.constant 0 : i32
        %dma_wait3A_363 = arith.constant 0 : i32
        %dma_wait3A_364 = tpu.memref_slice %arg13[%dma_wait3A_362, %dma_wait3A_363] : memref<10240x128xf32, #tpu.memory_space<vmem_shared>> -> memref<10240x128xf32, #tpu.memory_space<vmem_shared>>
        tpu.wait_indirect_dma semaphore(%run_scoped3A_352 : memref<!tpu.dma_semaphore, #tpu.memory_space<semaphore_mem>>) src(%arg10 : memref<128x128xf32, #tpu.memory_space<vmem>>) dst(%dma_wait3A_364 : memref<10240x128xf32, #tpu.memory_space<vmem_shared>>)
        tpu.yield
      }) : () -> ()
      %mul3A_73 = arith.constant 8 : i32
      %mul3A_74 = arith.muli %add3A_56, %mul3A_73 : i32
      %add3A_75 = arith.constant 1 : i32
      %add3A_76 = arith.addi %mul3A_74, %add3A_75 : i32
      %dma_wait3A_77 = arith.constant 0 : i32
      %dma_wait3A_78 = arith.constant 0 : i32
      %dma_wait3A_79 = tpu.memref_slice %arg2[%dma_wait3A_77, %dma_wait3A_78] : memref<10000x128xf32, #tpu.memory_space<hbm>> -> memref<128x128xf32, #tpu.memory_space<hbm>>
      %dma_wait3A_80 = arith.constant 0 : i32
      %dma_wait3A_81 = arith.constant 0 : i32
      %dma_wait3A_82 = tpu.memref_slice %arg2[%dma_wait3A_80, %dma_wait3A_81] : memref<10000x128xf32, #tpu.memory_space<hbm>> -> memref<128x128xf32, #tpu.memory_space<hbm>>
      tpu.wait_dma2 semaphore(%arg12 : memref<!tpu.dma_semaphore, #tpu.memory_space<semaphore_mem>>) src(%dma_wait3A_82 : memref<128x128xf32, #tpu.memory_space<hbm>>) dst(%arg11 : memref<128x128xf32, #tpu.memory_space<vmem>>)
      %dma_start3A_83 = arith.constant 2 : i32
      %dma_start3A_84 = arith.constant 0 : i32
      %dma_start3A_85 = tpu.memref_slice %arg6[%dma_start3A_83, %dma_start3A_84] : memref<8x128xi32, #tpu.memory_space<vmem>> -> memref<1x128xi32, #tpu.memory_space<vmem>>
      %dma_start3A_86 = tpu.memref_squeeze %dma_start3A_85 : memref<1x128xi32, #tpu.memory_space<vmem>> -> memref<128xi32, #tpu.memory_space<vmem>>
      %dma_start3A_87 = arith.constant 0 : i32
      %dma_start3A_88 = arith.constant 0 : i32
      %dma_start3A_89 = tpu.memref_slice %arg2[%dma_start3A_87, %dma_start3A_88] : memref<10000x128xf32, #tpu.memory_space<hbm>> -> memref<10000x128xf32, #tpu.memory_space<hbm>>
      tpu.enqueue_indirect_dma source(%dma_start3A_89 : memref<10000x128xf32, #tpu.memory_space<hbm>>) target(%arg10 : memref<128x128xf32, #tpu.memory_space<vmem>>) offsets(%dma_start3A_86 : memref<128xi32, #tpu.memory_space<vmem>>) semaphore(%arg12 : memref<!tpu.dma_semaphore, #tpu.memory_space<semaphore_mem>>)
      %add3A_90 = arith.constant 1 : i32
      %add3A_91 = arith.addi %add3A_56, %add3A_90 : i32
      %lt3A = arith.cmpi slt, %add3A_91, %select_n3A : i32
      %convert_element_type3A = arith.extui %lt3A : i1 to i32
      %cond3A = arith.constant 0 : i32
      %cond3A_92 = arith.cmpi ne, %convert_element_type3A, %cond3A : i32
      scf.if %cond3A_92 {
        %add3A_352 = arith.constant 1 : i32
        %add3A_353 = arith.addi %add3A_56, %add3A_352 : i32
        %mul3A_354 = arith.constant 8 : i32
        %mul3A_355 = arith.muli %add3A_353, %mul3A_354 : i32
        %add3A_356 = arith.addi %select_n3A_10, %mul3A_355 : i32
        %multiple_of3A_357 = tpu.assume_multiple %add3A_356, 8 : i32
        "tpu.region"() ({
          %run_scoped3A_360 = tpu.sem_alloc : memref<!tpu.dma_semaphore, #tpu.memory_space<semaphore_mem>>
          %dma_start3A_361 = arith.constant 0 : i32
          %dma_start3A_362 = tpu.memref_slice %arg3[%multiple_of3A_357, %dma_start3A_361] : memref<2560x128xi32, #tpu.memory_space<hbm>> -> memref<8x128xi32, #tpu.memory_space<hbm>>
          %dma_start3A_363 = arith.constant 0 : i32
          %dma_start3A_364 = tpu.memref_slice %arg3[%multiple_of3A_357, %dma_start3A_363] : memref<2560x128xi32, #tpu.memory_space<hbm>> -> memref<8x128xi32, #tpu.memory_space<hbm>>
          tpu.enqueue_dma source(%dma_start3A_364 : memref<8x128xi32, #tpu.memory_space<hbm>>) target(%arg8 : memref<8x128xi32, #tpu.memory_space<vmem>>) target_semaphore(%run_scoped3A_360 : memref<!tpu.dma_semaphore, #tpu.memory_space<semaphore_mem>>)
          %dma_wait3A_365 = arith.constant 0 : i32
          %dma_wait3A_366 = tpu.memref_slice %arg3[%multiple_of3A_357, %dma_wait3A_365] : memref<2560x128xi32, #tpu.memory_space<hbm>> -> memref<8x128xi32, #tpu.memory_space<hbm>>
          %dma_wait3A_367 = arith.constant 0 : i32
          %dma_wait3A_368 = tpu.memref_slice %arg3[%multiple_of3A_357, %dma_wait3A_367] : memref<2560x128xi32, #tpu.memory_space<hbm>> -> memref<8x128xi32, #tpu.memory_space<hbm>>
          tpu.wait_dma2 semaphore(%run_scoped3A_360 : memref<!tpu.dma_semaphore, #tpu.memory_space<semaphore_mem>>) src(%dma_wait3A_368 : memref<8x128xi32, #tpu.memory_space<hbm>>) dst(%arg8 : memref<8x128xi32, #tpu.memory_space<vmem>>)
          tpu.yield
        }) : () -> ()
        %add3A_358 = arith.addi %select_n3A_10, %mul3A_355 : i32
        %multiple_of3A_359 = tpu.assume_multiple %add3A_358, 8 : i32
        "tpu.region"() ({
          %run_scoped3A_360 = tpu.sem_alloc : memref<!tpu.dma_semaphore, #tpu.memory_space<semaphore_mem>>
          %dma_start3A_361 = arith.constant 0 : i32
          %dma_start3A_362 = tpu.memref_slice %arg4[%multiple_of3A_359, %dma_start3A_361] : memref<2560x128xi32, #tpu.memory_space<hbm>> -> memref<8x128xi32, #tpu.memory_space<hbm>>
          %dma_start3A_363 = arith.constant 0 : i32
          %dma_start3A_364 = tpu.memref_slice %arg4[%multiple_of3A_359, %dma_start3A_363] : memref<2560x128xi32, #tpu.memory_space<hbm>> -> memref<8x128xi32, #tpu.memory_space<hbm>>
          tpu.enqueue_dma source(%dma_start3A_364 : memref<8x128xi32, #tpu.memory_space<hbm>>) target(%arg9 : memref<8x128xi32, #tpu.memory_space<vmem>>) target_semaphore(%run_scoped3A_360 : memref<!tpu.dma_semaphore, #tpu.memory_space<semaphore_mem>>)
          %dma_wait3A_365 = arith.constant 0 : i32
          %dma_wait3A_366 = tpu.memref_slice %arg4[%multiple_of3A_359, %dma_wait3A_365] : memref<2560x128xi32, #tpu.memory_space<hbm>> -> memref<8x128xi32, #tpu.memory_space<hbm>>
          %dma_wait3A_367 = arith.constant 0 : i32
          %dma_wait3A_368 = tpu.memref_slice %arg4[%multiple_of3A_359, %dma_wait3A_367] : memref<2560x128xi32, #tpu.memory_space<hbm>> -> memref<8x128xi32, #tpu.memory_space<hbm>>
          tpu.wait_dma2 semaphore(%run_scoped3A_360 : memref<!tpu.dma_semaphore, #tpu.memory_space<semaphore_mem>>) src(%dma_wait3A_368 : memref<8x128xi32, #tpu.memory_space<hbm>>) dst(%arg9 : memref<8x128xi32, #tpu.memory_space<vmem>>)
          tpu.yield
        }) : () -> ()
      } else {
      }
      %run_scoped3A_93 = arith.constant 1 : i32
      "tpu.region"() ({
        %run_scoped3A_352 = tpu.sem_alloc : memref<!tpu.dma_semaphore, #tpu.memory_space<semaphore_mem>>
        %dma_start3A_353 = arith.constant 0 : i32
        %dma_start3A_354 = tpu.memref_slice %arg7[%run_scoped3A_93, %dma_start3A_353] : memref<8x128xi32, #tpu.memory_space<vmem>> -> memref<1x128xi32, #tpu.memory_space<vmem>>
        %dma_start3A_355 = tpu.memref_squeeze %dma_start3A_354 : memref<1x128xi32, #tpu.memory_space<vmem>> -> memref<128xi32, #tpu.memory_space<vmem>>
        %dma_start3A_356 = arith.constant 0 : i32
        %dma_start3A_357 = arith.constant 0 : i32
        %dma_start3A_358 = tpu.memref_slice %arg13[%dma_start3A_356, %dma_start3A_357] : memref<10240x128xf32, #tpu.memory_space<vmem_shared>> -> memref<10240x128xf32, #tpu.memory_space<vmem_shared>>
        tpu.enqueue_indirect_dma source(%arg11 : memref<128x128xf32, #tpu.memory_space<vmem>>) target(%dma_start3A_358 : memref<10240x128xf32, #tpu.memory_space<vmem_shared>>) offsets(%dma_start3A_355 : memref<128xi32, #tpu.memory_space<vmem>>) semaphore(%run_scoped3A_352 : memref<!tpu.dma_semaphore, #tpu.memory_space<semaphore_mem>>) {add = true}
        %dma_wait3A_359 = arith.constant 0 : i32
        %dma_wait3A_360 = tpu.memref_slice %arg7[%run_scoped3A_93, %dma_wait3A_359] : memref<8x128xi32, #tpu.memory_space<vmem>> -> memref<1x128xi32, #tpu.memory_space<vmem>>
        %dma_wait3A_361 = tpu.memref_squeeze %dma_wait3A_360 : memref<1x128xi32, #tpu.memory_space<vmem>> -> memref<128xi32, #tpu.memory_space<vmem>>
        %dma_wait3A_362 = arith.constant 0 : i32
        %dma_wait3A_363 = arith.constant 0 : i32
        %dma_wait3A_364 = tpu.memref_slice %arg13[%dma_wait3A_362, %dma_wait3A_363] : memref<10240x128xf32, #tpu.memory_space<vmem_shared>> -> memref<10240x128xf32, #tpu.memory_space<vmem_shared>>
        tpu.wait_indirect_dma semaphore(%run_scoped3A_352 : memref<!tpu.dma_semaphore, #tpu.memory_space<semaphore_mem>>) src(%arg11 : memref<128x128xf32, #tpu.memory_space<vmem>>) dst(%dma_wait3A_364 : memref<10240x128xf32, #tpu.memory_space<vmem_shared>>)
        tpu.yield
      }) : () -> ()
      %mul3A_94 = arith.constant 8 : i32
      %mul3A_95 = arith.muli %add3A_56, %mul3A_94 : i32
      %add3A_96 = arith.constant 2 : i32
      %add3A_97 = arith.addi %mul3A_95, %add3A_96 : i32
      %dma_wait3A_98 = arith.constant 0 : i32
      %dma_wait3A_99 = arith.constant 0 : i32
      %dma_wait3A_100 = tpu.memref_slice %arg2[%dma_wait3A_98, %dma_wait3A_99] : memref<10000x128xf32, #tpu.memory_space<hbm>> -> memref<128x128xf32, #tpu.memory_space<hbm>>
      %dma_wait3A_101 = arith.constant 0 : i32
      %dma_wait3A_102 = arith.constant 0 : i32
      %dma_wait3A_103 = tpu.memref_slice %arg2[%dma_wait3A_101, %dma_wait3A_102] : memref<10000x128xf32, #tpu.memory_space<hbm>> -> memref<128x128xf32, #tpu.memory_space<hbm>>
      tpu.wait_dma2 semaphore(%arg12 : memref<!tpu.dma_semaphore, #tpu.memory_space<semaphore_mem>>) src(%dma_wait3A_103 : memref<128x128xf32, #tpu.memory_space<hbm>>) dst(%arg10 : memref<128x128xf32, #tpu.memory_space<vmem>>)
      %dma_start3A_104 = arith.constant 3 : i32
      %dma_start3A_105 = arith.constant 0 : i32
      %dma_start3A_106 = tpu.memref_slice %arg6[%dma_start3A_104, %dma_start3A_105] : memref<8x128xi32, #tpu.memory_space<vmem>> -> memref<1x128xi32, #tpu.memory_space<vmem>>
      %dma_start3A_107 = tpu.memref_squeeze %dma_start3A_106 : memref<1x128xi32, #tpu.memory_space<vmem>> -> memref<128xi32, #tpu.memory_space<vmem>>
      %dma_start3A_108 = arith.constant 0 : i32
      %dma_start3A_109 = arith.constant 0 : i32
      %dma_start3A_110 = tpu.memref_slice %arg2[%dma_start3A_108, %dma_start3A_109] : memref<10000x128xf32, #tpu.memory_space<hbm>> -> memref<10000x128xf32, #tpu.memory_space<hbm>>
      tpu.enqueue_indirect_dma source(%dma_start3A_110 : memref<10000x128xf32, #tpu.memory_space<hbm>>) target(%arg11 : memref<128x128xf32, #tpu.memory_space<vmem>>) offsets(%dma_start3A_107 : memref<128xi32, #tpu.memory_space<vmem>>) semaphore(%arg12 : memref<!tpu.dma_semaphore, #tpu.memory_space<semaphore_mem>>)
      %run_scoped3A_111 = arith.constant 2 : i32
      "tpu.region"() ({
        %run_scoped3A_352 = tpu.sem_alloc : memref<!tpu.dma_semaphore, #tpu.memory_space<semaphore_mem>>
        %dma_start3A_353 = arith.constant 0 : i32
        %dma_start3A_354 = tpu.memref_slice %arg7[%run_scoped3A_111, %dma_start3A_353] : memref<8x128xi32, #tpu.memory_space<vmem>> -> memref<1x128xi32, #tpu.memory_space<vmem>>
        %dma_start3A_355 = tpu.memref_squeeze %dma_start3A_354 : memref<1x128xi32, #tpu.memory_space<vmem>> -> memref<128xi32, #tpu.memory_space<vmem>>
        %dma_start3A_356 = arith.constant 0 : i32
        %dma_start3A_357 = arith.constant 0 : i32
        %dma_start3A_358 = tpu.memref_slice %arg13[%dma_start3A_356, %dma_start3A_357] : memref<10240x128xf32, #tpu.memory_space<vmem_shared>> -> memref<10240x128xf32, #tpu.memory_space<vmem_shared>>
        tpu.enqueue_indirect_dma source(%arg10 : memref<128x128xf32, #tpu.memory_space<vmem>>) target(%dma_start3A_358 : memref<10240x128xf32, #tpu.memory_space<vmem_shared>>) offsets(%dma_start3A_355 : memref<128xi32, #tpu.memory_space<vmem>>) semaphore(%run_scoped3A_352 : memref<!tpu.dma_semaphore, #tpu.memory_space<semaphore_mem>>) {add = true}
        %dma_wait3A_359 = arith.constant 0 : i32
        %dma_wait3A_360 = tpu.memref_slice %arg7[%run_scoped3A_111, %dma_wait3A_359] : memref<8x128xi32, #tpu.memory_space<vmem>> -> memref<1x128xi32, #tpu.memory_space<vmem>>
        %dma_wait3A_361 = tpu.memref_squeeze %dma_wait3A_360 : memref<1x128xi32, #tpu.memory_space<vmem>> -> memref<128xi32, #tpu.memory_space<vmem>>
        %dma_wait3A_362 = arith.constant 0 : i32
        %dma_wait3A_363 = arith.constant 0 : i32
        %dma_wait3A_364 = tpu.memref_slice %arg13[%dma_wait3A_362, %dma_wait3A_363] : memref<10240x128xf32, #tpu.memory_space<vmem_shared>> -> memref<10240x128xf32, #tpu.memory_space<vmem_shared>>
        tpu.wait_indirect_dma semaphore(%run_scoped3A_352 : memref<!tpu.dma_semaphore, #tpu.memory_space<semaphore_mem>>) src(%arg10 : memref<128x128xf32, #tpu.memory_space<vmem>>) dst(%dma_wait3A_364 : memref<10240x128xf32, #tpu.memory_space<vmem_shared>>)
        tpu.yield
      }) : () -> ()
      %mul3A_112 = arith.constant 8 : i32
      %mul3A_113 = arith.muli %add3A_56, %mul3A_112 : i32
      %add3A_114 = arith.constant 3 : i32
      %add3A_115 = arith.addi %mul3A_113, %add3A_114 : i32
      %dma_wait3A_116 = arith.constant 0 : i32
      %dma_wait3A_117 = arith.constant 0 : i32
      %dma_wait3A_118 = tpu.memref_slice %arg2[%dma_wait3A_116, %dma_wait3A_117] : memref<10000x128xf32, #tpu.memory_space<hbm>> -> memref<128x128xf32, #tpu.memory_space<hbm>>
      %dma_wait3A_119 = arith.constant 0 : i32
      %dma_wait3A_120 = arith.constant 0 : i32
      %dma_wait3A_121 = tpu.memref_slice %arg2[%dma_wait3A_119, %dma_wait3A_120] : memref<10000x128xf32, #tpu.memory_space<hbm>> -> memref<128x128xf32, #tpu.memory_space<hbm>>
      tpu.wait_dma2 semaphore(%arg12 : memref<!tpu.dma_semaphore, #tpu.memory_space<semaphore_mem>>) src(%dma_wait3A_121 : memref<128x128xf32, #tpu.memory_space<hbm>>) dst(%arg11 : memref<128x128xf32, #tpu.memory_space<vmem>>)
      %dma_start3A_122 = arith.constant 4 : i32
      %dma_start3A_123 = arith.constant 0 : i32
      %dma_start3A_124 = tpu.memref_slice %arg6[%dma_start3A_122, %dma_start3A_123] : memref<8x128xi32, #tpu.memory_space<vmem>> -> memref<1x128xi32, #tpu.memory_space<vmem>>
      %dma_start3A_125 = tpu.memref_squeeze %dma_start3A_124 : memref<1x128xi32, #tpu.memory_space<vmem>> -> memref<128xi32, #tpu.memory_space<vmem>>
      %dma_start3A_126 = arith.constant 0 : i32
      %dma_start3A_127 = arith.constant 0 : i32
      %dma_start3A_128 = tpu.memref_slice %arg2[%dma_start3A_126, %dma_start3A_127] : memref<10000x128xf32, #tpu.memory_space<hbm>> -> memref<10000x128xf32, #tpu.memory_space<hbm>>
      tpu.enqueue_indirect_dma source(%dma_start3A_128 : memref<10000x128xf32, #tpu.memory_space<hbm>>) target(%arg10 : memref<128x128xf32, #tpu.memory_space<vmem>>) offsets(%dma_start3A_125 : memref<128xi32, #tpu.memory_space<vmem>>) semaphore(%arg12 : memref<!tpu.dma_semaphore, #tpu.memory_space<semaphore_mem>>)
      %run_scoped3A_129 = arith.constant 3 : i32
      "tpu.region"() ({
        %run_scoped3A_352 = tpu.sem_alloc : memref<!tpu.dma_semaphore, #tpu.memory_space<semaphore_mem>>
        %dma_start3A_353 = arith.constant 0 : i32
        %dma_start3A_354 = tpu.memref_slice %arg7[%run_scoped3A_129, %dma_start3A_353] : memref<8x128xi32, #tpu.memory_space<vmem>> -> memref<1x128xi32, #tpu.memory_space<vmem>>
        %dma_start3A_355 = tpu.memref_squeeze %dma_start3A_354 : memref<1x128xi32, #tpu.memory_space<vmem>> -> memref<128xi32, #tpu.memory_space<vmem>>
        %dma_start3A_356 = arith.constant 0 : i32
        %dma_start3A_357 = arith.constant 0 : i32
        %dma_start3A_358 = tpu.memref_slice %arg13[%dma_start3A_356, %dma_start3A_357] : memref<10240x128xf32, #tpu.memory_space<vmem_shared>> -> memref<10240x128xf32, #tpu.memory_space<vmem_shared>>
        tpu.enqueue_indirect_dma source(%arg11 : memref<128x128xf32, #tpu.memory_space<vmem>>) target(%dma_start3A_358 : memref<10240x128xf32, #tpu.memory_space<vmem_shared>>) offsets(%dma_start3A_355 : memref<128xi32, #tpu.memory_space<vmem>>) semaphore(%run_scoped3A_352 : memref<!tpu.dma_semaphore, #tpu.memory_space<semaphore_mem>>) {add = true}
        %dma_wait3A_359 = arith.constant 0 : i32
        %dma_wait3A_360 = tpu.memref_slice %arg7[%run_scoped3A_129, %dma_wait3A_359] : memref<8x128xi32, #tpu.memory_space<vmem>> -> memref<1x128xi32, #tpu.memory_space<vmem>>
        %dma_wait3A_361 = tpu.memref_squeeze %dma_wait3A_360 : memref<1x128xi32, #tpu.memory_space<vmem>> -> memref<128xi32, #tpu.memory_space<vmem>>
        %dma_wait3A_362 = arith.constant 0 : i32
        %dma_wait3A_363 = arith.constant 0 : i32
        %dma_wait3A_364 = tpu.memref_slice %arg13[%dma_wait3A_362, %dma_wait3A_363] : memref<10240x128xf32, #tpu.memory_space<vmem_shared>> -> memref<10240x128xf32, #tpu.memory_space<vmem_shared>>
        tpu.wait_indirect_dma semaphore(%run_scoped3A_352 : memref<!tpu.dma_semaphore, #tpu.memory_space<semaphore_mem>>) src(%arg11 : memref<128x128xf32, #tpu.memory_space<vmem>>) dst(%dma_wait3A_364 : memref<10240x128xf32, #tpu.memory_space<vmem_shared>>)
        tpu.yield
      }) : () -> ()
      %mul3A_130 = arith.constant 8 : i32
      %mul3A_131 = arith.muli %add3A_56, %mul3A_130 : i32
      %add3A_132 = arith.constant 4 : i32
      %add3A_133 = arith.addi %mul3A_131, %add3A_132 : i32
      %dma_wait3A_134 = arith.constant 0 : i32
      %dma_wait3A_135 = arith.constant 0 : i32
      %dma_wait3A_136 = tpu.memref_slice %arg2[%dma_wait3A_134, %dma_wait3A_135] : memref<10000x128xf32, #tpu.memory_space<hbm>> -> memref<128x128xf32, #tpu.memory_space<hbm>>
      %dma_wait3A_137 = arith.constant 0 : i32
      %dma_wait3A_138 = arith.constant 0 : i32
      %dma_wait3A_139 = tpu.memref_slice %arg2[%dma_wait3A_137, %dma_wait3A_138] : memref<10000x128xf32, #tpu.memory_space<hbm>> -> memref<128x128xf32, #tpu.memory_space<hbm>>
      tpu.wait_dma2 semaphore(%arg12 : memref<!tpu.dma_semaphore, #tpu.memory_space<semaphore_mem>>) src(%dma_wait3A_139 : memref<128x128xf32, #tpu.memory_space<hbm>>) dst(%arg10 : memref<128x128xf32, #tpu.memory_space<vmem>>)
      %dma_start3A_140 = arith.constant 5 : i32
      %dma_start3A_141 = arith.constant 0 : i32
      %dma_start3A_142 = tpu.memref_slice %arg6[%dma_start3A_140, %dma_start3A_141] : memref<8x128xi32, #tpu.memory_space<vmem>> -> memref<1x128xi32, #tpu.memory_space<vmem>>
      %dma_start3A_143 = tpu.memref_squeeze %dma_start3A_142 : memref<1x128xi32, #tpu.memory_space<vmem>> -> memref<128xi32, #tpu.memory_space<vmem>>
      %dma_start3A_144 = arith.constant 0 : i32
      %dma_start3A_145 = arith.constant 0 : i32
      %dma_start3A_146 = tpu.memref_slice %arg2[%dma_start3A_144, %dma_start3A_145] : memref<10000x128xf32, #tpu.memory_space<hbm>> -> memref<10000x128xf32, #tpu.memory_space<hbm>>
      tpu.enqueue_indirect_dma source(%dma_start3A_146 : memref<10000x128xf32, #tpu.memory_space<hbm>>) target(%arg11 : memref<128x128xf32, #tpu.memory_space<vmem>>) offsets(%dma_start3A_143 : memref<128xi32, #tpu.memory_space<vmem>>) semaphore(%arg12 : memref<!tpu.dma_semaphore, #tpu.memory_space<semaphore_mem>>)
      %run_scoped3A_147 = arith.constant 4 : i32
      "tpu.region"() ({
        %run_scoped3A_352 = tpu.sem_alloc : memref<!tpu.dma_semaphore, #tpu.memory_space<semaphore_mem>>
        %dma_start3A_353 = arith.constant 0 : i32
        %dma_start3A_354 = tpu.memref_slice %arg7[%run_scoped3A_147, %dma_start3A_353] : memref<8x128xi32, #tpu.memory_space<vmem>> -> memref<1x128xi32, #tpu.memory_space<vmem>>
        %dma_start3A_355 = tpu.memref_squeeze %dma_start3A_354 : memref<1x128xi32, #tpu.memory_space<vmem>> -> memref<128xi32, #tpu.memory_space<vmem>>
        %dma_start3A_356 = arith.constant 0 : i32
        %dma_start3A_357 = arith.constant 0 : i32
        %dma_start3A_358 = tpu.memref_slice %arg13[%dma_start3A_356, %dma_start3A_357] : memref<10240x128xf32, #tpu.memory_space<vmem_shared>> -> memref<10240x128xf32, #tpu.memory_space<vmem_shared>>
        tpu.enqueue_indirect_dma source(%arg10 : memref<128x128xf32, #tpu.memory_space<vmem>>) target(%dma_start3A_358 : memref<10240x128xf32, #tpu.memory_space<vmem_shared>>) offsets(%dma_start3A_355 : memref<128xi32, #tpu.memory_space<vmem>>) semaphore(%run_scoped3A_352 : memref<!tpu.dma_semaphore, #tpu.memory_space<semaphore_mem>>) {add = true}
        %dma_wait3A_359 = arith.constant 0 : i32
        %dma_wait3A_360 = tpu.memref_slice %arg7[%run_scoped3A_147, %dma_wait3A_359] : memref<8x128xi32, #tpu.memory_space<vmem>> -> memref<1x128xi32, #tpu.memory_space<vmem>>
        %dma_wait3A_361 = tpu.memref_squeeze %dma_wait3A_360 : memref<1x128xi32, #tpu.memory_space<vmem>> -> memref<128xi32, #tpu.memory_space<vmem>>
        %dma_wait3A_362 = arith.constant 0 : i32
        %dma_wait3A_363 = arith.constant 0 : i32
        %dma_wait3A_364 = tpu.memref_slice %arg13[%dma_wait3A_362, %dma_wait3A_363] : memref<10240x128xf32, #tpu.memory_space<vmem_shared>> -> memref<10240x128xf32, #tpu.memory_space<vmem_shared>>
        tpu.wait_indirect_dma semaphore(%run_scoped3A_352 : memref<!tpu.dma_semaphore, #tpu.memory_space<semaphore_mem>>) src(%arg10 : memref<128x128xf32, #tpu.memory_space<vmem>>) dst(%dma_wait3A_364 : memref<10240x128xf32, #tpu.memory_space<vmem_shared>>)
        tpu.yield
      }) : () -> ()
      %mul3A_148 = arith.constant 8 : i32
      %mul3A_149 = arith.muli %add3A_56, %mul3A_148 : i32
      %add3A_150 = arith.constant 5 : i32
      %add3A_151 = arith.addi %mul3A_149, %add3A_150 : i32
      %dma_wait3A_152 = arith.constant 0 : i32
      %dma_wait3A_153 = arith.constant 0 : i32
      %dma_wait3A_154 = tpu.memref_slice %arg2[%dma_wait3A_152, %dma_wait3A_153] : memref<10000x128xf32, #tpu.memory_space<hbm>> -> memref<128x128xf32, #tpu.memory_space<hbm>>
      %dma_wait3A_155 = arith.constant 0 : i32
      %dma_wait3A_156 = arith.constant 0 : i32
      %dma_wait3A_157 = tpu.memref_slice %arg2[%dma_wait3A_155, %dma_wait3A_156] : memref<10000x128xf32, #tpu.memory_space<hbm>> -> memref<128x128xf32, #tpu.memory_space<hbm>>
      tpu.wait_dma2 semaphore(%arg12 : memref<!tpu.dma_semaphore, #tpu.memory_space<semaphore_mem>>) src(%dma_wait3A_157 : memref<128x128xf32, #tpu.memory_space<hbm>>) dst(%arg11 : memref<128x128xf32, #tpu.memory_space<vmem>>)
      %dma_start3A_158 = arith.constant 6 : i32
      %dma_start3A_159 = arith.constant 0 : i32
      %dma_start3A_160 = tpu.memref_slice %arg6[%dma_start3A_158, %dma_start3A_159] : memref<8x128xi32, #tpu.memory_space<vmem>> -> memref<1x128xi32, #tpu.memory_space<vmem>>
      %dma_start3A_161 = tpu.memref_squeeze %dma_start3A_160 : memref<1x128xi32, #tpu.memory_space<vmem>> -> memref<128xi32, #tpu.memory_space<vmem>>
      %dma_start3A_162 = arith.constant 0 : i32
      %dma_start3A_163 = arith.constant 0 : i32
      %dma_start3A_164 = tpu.memref_slice %arg2[%dma_start3A_162, %dma_start3A_163] : memref<10000x128xf32, #tpu.memory_space<hbm>> -> memref<10000x128xf32, #tpu.memory_space<hbm>>
      tpu.enqueue_indirect_dma source(%dma_start3A_164 : memref<10000x128xf32, #tpu.memory_space<hbm>>) target(%arg10 : memref<128x128xf32, #tpu.memory_space<vmem>>) offsets(%dma_start3A_161 : memref<128xi32, #tpu.memory_space<vmem>>) semaphore(%arg12 : memref<!tpu.dma_semaphore, #tpu.memory_space<semaphore_mem>>)
      %run_scoped3A_165 = arith.constant 5 : i32
      "tpu.region"() ({
        %run_scoped3A_352 = tpu.sem_alloc : memref<!tpu.dma_semaphore, #tpu.memory_space<semaphore_mem>>
        %dma_start3A_353 = arith.constant 0 : i32
        %dma_start3A_354 = tpu.memref_slice %arg7[%run_scoped3A_165, %dma_start3A_353] : memref<8x128xi32, #tpu.memory_space<vmem>> -> memref<1x128xi32, #tpu.memory_space<vmem>>
        %dma_start3A_355 = tpu.memref_squeeze %dma_start3A_354 : memref<1x128xi32, #tpu.memory_space<vmem>> -> memref<128xi32, #tpu.memory_space<vmem>>
        %dma_start3A_356 = arith.constant 0 : i32
        %dma_start3A_357 = arith.constant 0 : i32
        %dma_start3A_358 = tpu.memref_slice %arg13[%dma_start3A_356, %dma_start3A_357] : memref<10240x128xf32, #tpu.memory_space<vmem_shared>> -> memref<10240x128xf32, #tpu.memory_space<vmem_shared>>
        tpu.enqueue_indirect_dma source(%arg11 : memref<128x128xf32, #tpu.memory_space<vmem>>) target(%dma_start3A_358 : memref<10240x128xf32, #tpu.memory_space<vmem_shared>>) offsets(%dma_start3A_355 : memref<128xi32, #tpu.memory_space<vmem>>) semaphore(%run_scoped3A_352 : memref<!tpu.dma_semaphore, #tpu.memory_space<semaphore_mem>>) {add = true}
        %dma_wait3A_359 = arith.constant 0 : i32
        %dma_wait3A_360 = tpu.memref_slice %arg7[%run_scoped3A_165, %dma_wait3A_359] : memref<8x128xi32, #tpu.memory_space<vmem>> -> memref<1x128xi32, #tpu.memory_space<vmem>>
        %dma_wait3A_361 = tpu.memref_squeeze %dma_wait3A_360 : memref<1x128xi32, #tpu.memory_space<vmem>> -> memref<128xi32, #tpu.memory_space<vmem>>
        %dma_wait3A_362 = arith.constant 0 : i32
        %dma_wait3A_363 = arith.constant 0 : i32
        %dma_wait3A_364 = tpu.memref_slice %arg13[%dma_wait3A_362, %dma_wait3A_363] : memref<10240x128xf32, #tpu.memory_space<vmem_shared>> -> memref<10240x128xf32, #tpu.memory_space<vmem_shared>>
        tpu.wait_indirect_dma semaphore(%run_scoped3A_352 : memref<!tpu.dma_semaphore, #tpu.memory_space<semaphore_mem>>) src(%arg11 : memref<128x128xf32, #tpu.memory_space<vmem>>) dst(%dma_wait3A_364 : memref<10240x128xf32, #tpu.memory_space<vmem_shared>>)
        tpu.yield
      }) : () -> ()
      %mul3A_166 = arith.constant 8 : i32
      %mul3A_167 = arith.muli %add3A_56, %mul3A_166 : i32
      %add3A_168 = arith.constant 6 : i32
      %add3A_169 = arith.addi %mul3A_167, %add3A_168 : i32
      %dma_wait3A_170 = arith.constant 0 : i32
      %dma_wait3A_171 = arith.constant 0 : i32
      %dma_wait3A_172 = tpu.memref_slice %arg2[%dma_wait3A_170, %dma_wait3A_171] : memref<10000x128xf32, #tpu.memory_space<hbm>> -> memref<128x128xf32, #tpu.memory_space<hbm>>
      %dma_wait3A_173 = arith.constant 0 : i32
      %dma_wait3A_174 = arith.constant 0 : i32
      %dma_wait3A_175 = tpu.memref_slice %arg2[%dma_wait3A_173, %dma_wait3A_174] : memref<10000x128xf32, #tpu.memory_space<hbm>> -> memref<128x128xf32, #tpu.memory_space<hbm>>
      tpu.wait_dma2 semaphore(%arg12 : memref<!tpu.dma_semaphore, #tpu.memory_space<semaphore_mem>>) src(%dma_wait3A_175 : memref<128x128xf32, #tpu.memory_space<hbm>>) dst(%arg10 : memref<128x128xf32, #tpu.memory_space<vmem>>)
      %dma_start3A_176 = arith.constant 7 : i32
      %dma_start3A_177 = arith.constant 0 : i32
      %dma_start3A_178 = tpu.memref_slice %arg6[%dma_start3A_176, %dma_start3A_177] : memref<8x128xi32, #tpu.memory_space<vmem>> -> memref<1x128xi32, #tpu.memory_space<vmem>>
      %dma_start3A_179 = tpu.memref_squeeze %dma_start3A_178 : memref<1x128xi32, #tpu.memory_space<vmem>> -> memref<128xi32, #tpu.memory_space<vmem>>
      %dma_start3A_180 = arith.constant 0 : i32
      %dma_start3A_181 = arith.constant 0 : i32
      %dma_start3A_182 = tpu.memref_slice %arg2[%dma_start3A_180, %dma_start3A_181] : memref<10000x128xf32, #tpu.memory_space<hbm>> -> memref<10000x128xf32, #tpu.memory_space<hbm>>
      tpu.enqueue_indirect_dma source(%dma_start3A_182 : memref<10000x128xf32, #tpu.memory_space<hbm>>) target(%arg11 : memref<128x128xf32, #tpu.memory_space<vmem>>) offsets(%dma_start3A_179 : memref<128xi32, #tpu.memory_space<vmem>>) semaphore(%arg12 : memref<!tpu.dma_semaphore, #tpu.memory_space<semaphore_mem>>)
      %run_scoped3A_183 = arith.constant 6 : i32
      "tpu.region"() ({
        %run_scoped3A_352 = tpu.sem_alloc : memref<!tpu.dma_semaphore, #tpu.memory_space<semaphore_mem>>
        %dma_start3A_353 = arith.constant 0 : i32
        %dma_start3A_354 = tpu.memref_slice %arg7[%run_scoped3A_183, %dma_start3A_353] : memref<8x128xi32, #tpu.memory_space<vmem>> -> memref<1x128xi32, #tpu.memory_space<vmem>>
        %dma_start3A_355 = tpu.memref_squeeze %dma_start3A_354 : memref<1x128xi32, #tpu.memory_space<vmem>> -> memref<128xi32, #tpu.memory_space<vmem>>
        %dma_start3A_356 = arith.constant 0 : i32
        %dma_start3A_357 = arith.constant 0 : i32
        %dma_start3A_358 = tpu.memref_slice %arg13[%dma_start3A_356, %dma_start3A_357] : memref<10240x128xf32, #tpu.memory_space<vmem_shared>> -> memref<10240x128xf32, #tpu.memory_space<vmem_shared>>
        tpu.enqueue_indirect_dma source(%arg10 : memref<128x128xf32, #tpu.memory_space<vmem>>) target(%dma_start3A_358 : memref<10240x128xf32, #tpu.memory_space<vmem_shared>>) offsets(%dma_start3A_355 : memref<128xi32, #tpu.memory_space<vmem>>) semaphore(%run_scoped3A_352 : memref<!tpu.dma_semaphore, #tpu.memory_space<semaphore_mem>>) {add = true}
        %dma_wait3A_359 = arith.constant 0 : i32
        %dma_wait3A_360 = tpu.memref_slice %arg7[%run_scoped3A_183, %dma_wait3A_359] : memref<8x128xi32, #tpu.memory_space<vmem>> -> memref<1x128xi32, #tpu.memory_space<vmem>>
        %dma_wait3A_361 = tpu.memref_squeeze %dma_wait3A_360 : memref<1x128xi32, #tpu.memory_space<vmem>> -> memref<128xi32, #tpu.memory_space<vmem>>
        %dma_wait3A_362 = arith.constant 0 : i32
        %dma_wait3A_363 = arith.constant 0 : i32
        %dma_wait3A_364 = tpu.memref_slice %arg13[%dma_wait3A_362, %dma_wait3A_363] : memref<10240x128xf32, #tpu.memory_space<vmem_shared>> -> memref<10240x128xf32, #tpu.memory_space<vmem_shared>>
        tpu.wait_indirect_dma semaphore(%run_scoped3A_352 : memref<!tpu.dma_semaphore, #tpu.memory_space<semaphore_mem>>) src(%arg10 : memref<128x128xf32, #tpu.memory_space<vmem>>) dst(%dma_wait3A_364 : memref<10240x128xf32, #tpu.memory_space<vmem_shared>>)
        tpu.yield
      }) : () -> ()
      %mul3A_184 = arith.constant 8 : i32
      %mul3A_185 = arith.muli %add3A_56, %mul3A_184 : i32
      %add3A_186 = arith.constant 7 : i32
      %add3A_187 = arith.addi %mul3A_185, %add3A_186 : i32
      %dma_wait3A_188 = arith.constant 0 : i32
      %dma_wait3A_189 = arith.constant 0 : i32
      %dma_wait3A_190 = tpu.memref_slice %arg2[%dma_wait3A_188, %dma_wait3A_189] : memref<10000x128xf32, #tpu.memory_space<hbm>> -> memref<128x128xf32, #tpu.memory_space<hbm>>
      %dma_wait3A_191 = arith.constant 0 : i32
      %dma_wait3A_192 = arith.constant 0 : i32
      %dma_wait3A_193 = tpu.memref_slice %arg2[%dma_wait3A_191, %dma_wait3A_192] : memref<10000x128xf32, #tpu.memory_space<hbm>> -> memref<128x128xf32, #tpu.memory_space<hbm>>
      tpu.wait_dma2 semaphore(%arg12 : memref<!tpu.dma_semaphore, #tpu.memory_space<semaphore_mem>>) src(%dma_wait3A_193 : memref<128x128xf32, #tpu.memory_space<hbm>>) dst(%arg11 : memref<128x128xf32, #tpu.memory_space<vmem>>)
      %add3A_194 = arith.constant 1 : i32
      %add3A_195 = arith.addi %add3A_187, %add3A_194 : i32
      %lt3A_196 = arith.cmpi slt, %add3A_195, %mul3A_2 : i32
      %convert_element_type3A_197 = arith.extui %lt3A_196 : i1 to i32
      %cond3A_198 = arith.constant 0 : i32
      %cond3A_199 = arith.cmpi ne, %convert_element_type3A_197, %cond3A_198 : i32
      scf.if %cond3A_199 {
        %dma_start3A_352 = arith.constant 0 : i32
        %dma_start3A_353 = arith.constant 0 : i32
        %dma_start3A_354 = tpu.memref_slice %arg8[%dma_start3A_352, %dma_start3A_353] : memref<8x128xi32, #tpu.memory_space<vmem>> -> memref<1x128xi32, #tpu.memory_space<vmem>>
        %dma_start3A_355 = tpu.memref_squeeze %dma_start3A_354 : memref<1x128xi32, #tpu.memory_space<vmem>> -> memref<128xi32, #tpu.memory_space<vmem>>
        %dma_start3A_356 = arith.constant 0 : i32
        %dma_start3A_357 = arith.constant 0 : i32
        %dma_start3A_358 = tpu.memref_slice %arg2[%dma_start3A_356, %dma_start3A_357] : memref<10000x128xf32, #tpu.memory_space<hbm>> -> memref<10000x128xf32, #tpu.memory_space<hbm>>
        tpu.enqueue_indirect_dma source(%dma_start3A_358 : memref<10000x128xf32, #tpu.memory_space<hbm>>) target(%arg10 : memref<128x128xf32, #tpu.memory_space<vmem>>) offsets(%dma_start3A_355 : memref<128xi32, #tpu.memory_space<vmem>>) semaphore(%arg12 : memref<!tpu.dma_semaphore, #tpu.memory_space<semaphore_mem>>)
      } else {
      }
      %run_scoped3A_200 = arith.constant 7 : i32
      "tpu.region"() ({
        %run_scoped3A_352 = tpu.sem_alloc : memref<!tpu.dma_semaphore, #tpu.memory_space<semaphore_mem>>
        %dma_start3A_353 = arith.constant 0 : i32
        %dma_start3A_354 = tpu.memref_slice %arg7[%run_scoped3A_200, %dma_start3A_353] : memref<8x128xi32, #tpu.memory_space<vmem>> -> memref<1x128xi32, #tpu.memory_space<vmem>>
        %dma_start3A_355 = tpu.memref_squeeze %dma_start3A_354 : memref<1x128xi32, #tpu.memory_space<vmem>> -> memref<128xi32, #tpu.memory_space<vmem>>
        %dma_start3A_356 = arith.constant 0 : i32
        %dma_start3A_357 = arith.constant 0 : i32
        %dma_start3A_358 = tpu.memref_slice %arg13[%dma_start3A_356, %dma_start3A_357] : memref<10240x128xf32, #tpu.memory_space<vmem_shared>> -> memref<10240x128xf32, #tpu.memory_space<vmem_shared>>
        tpu.enqueue_indirect_dma source(%arg11 : memref<128x128xf32, #tpu.memory_space<vmem>>) target(%dma_start3A_358 : memref<10240x128xf32, #tpu.memory_space<vmem_shared>>) offsets(%dma_start3A_355 : memref<128xi32, #tpu.memory_space<vmem>>) semaphore(%run_scoped3A_352 : memref<!tpu.dma_semaphore, #tpu.memory_space<semaphore_mem>>) {add = true}
        %dma_wait3A_359 = arith.constant 0 : i32
        %dma_wait3A_360 = tpu.memref_slice %arg7[%run_scoped3A_200, %dma_wait3A_359] : memref<8x128xi32, #tpu.memory_space<vmem>> -> memref<1x128xi32, #tpu.memory_space<vmem>>
        %dma_wait3A_361 = tpu.memref_squeeze %dma_wait3A_360 : memref<1x128xi32, #tpu.memory_space<vmem>> -> memref<128xi32, #tpu.memory_space<vmem>>
        %dma_wait3A_362 = arith.constant 0 : i32
        %dma_wait3A_363 = arith.constant 0 : i32
        %dma_wait3A_364 = tpu.memref_slice %arg13[%dma_wait3A_362, %dma_wait3A_363] : memref<10240x128xf32, #tpu.memory_space<vmem_shared>> -> memref<10240x128xf32, #tpu.memory_space<vmem_shared>>
        tpu.wait_indirect_dma semaphore(%run_scoped3A_352 : memref<!tpu.dma_semaphore, #tpu.memory_space<semaphore_mem>>) src(%arg11 : memref<128x128xf32, #tpu.memory_space<vmem>>) dst(%dma_wait3A_364 : memref<10240x128xf32, #tpu.memory_space<vmem_shared>>)
        tpu.yield
      }) : () -> ()
      %add3A_201 = arith.constant 1 : i32
      %add3A_202 = arith.addi %add3A_54, %add3A_201 : i32
      %mul3A_203 = arith.constant 8 : i32
      %mul3A_204 = arith.muli %add3A_202, %mul3A_203 : i32
      %add3A_205 = arith.constant 0 : i32
      %add3A_206 = arith.addi %mul3A_204, %add3A_205 : i32
      %dma_wait3A_207 = arith.constant 0 : i32
      %dma_wait3A_208 = arith.constant 0 : i32
      %dma_wait3A_209 = tpu.memref_slice %arg2[%dma_wait3A_207, %dma_wait3A_208] : memref<10000x128xf32, #tpu.memory_space<hbm>> -> memref<128x128xf32, #tpu.memory_space<hbm>>
      %dma_wait3A_210 = arith.constant 0 : i32
      %dma_wait3A_211 = arith.constant 0 : i32
      %dma_wait3A_212 = tpu.memref_slice %arg2[%dma_wait3A_210, %dma_wait3A_211] : memref<10000x128xf32, #tpu.memory_space<hbm>> -> memref<128x128xf32, #tpu.memory_space<hbm>>
      tpu.wait_dma2 semaphore(%arg12 : memref<!tpu.dma_semaphore, #tpu.memory_space<semaphore_mem>>) src(%dma_wait3A_212 : memref<128x128xf32, #tpu.memory_space<hbm>>) dst(%arg10 : memref<128x128xf32, #tpu.memory_space<vmem>>)
      %dma_start3A_213 = arith.constant 1 : i32
      %dma_start3A_214 = arith.constant 0 : i32
      %dma_start3A_215 = tpu.memref_slice %arg8[%dma_start3A_213, %dma_start3A_214] : memref<8x128xi32, #tpu.memory_space<vmem>> -> memref<1x128xi32, #tpu.memory_space<vmem>>
      %dma_start3A_216 = tpu.memref_squeeze %dma_start3A_215 : memref<1x128xi32, #tpu.memory_space<vmem>> -> memref<128xi32, #tpu.memory_space<vmem>>
      %dma_start3A_217 = arith.constant 0 : i32
      %dma_start3A_218 = arith.constant 0 : i32
      %dma_start3A_219 = tpu.memref_slice %arg2[%dma_start3A_217, %dma_start3A_218] : memref<10000x128xf32, #tpu.memory_space<hbm>> -> memref<10000x128xf32, #tpu.memory_space<hbm>>
      tpu.enqueue_indirect_dma source(%dma_start3A_219 : memref<10000x128xf32, #tpu.memory_space<hbm>>) target(%arg11 : memref<128x128xf32, #tpu.memory_space<vmem>>) offsets(%dma_start3A_216 : memref<128xi32, #tpu.memory_space<vmem>>) semaphore(%arg12 : memref<!tpu.dma_semaphore, #tpu.memory_space<semaphore_mem>>)
      %run_scoped3A_220 = arith.constant 0 : i32
      "tpu.region"() ({
        %run_scoped3A_352 = tpu.sem_alloc : memref<!tpu.dma_semaphore, #tpu.memory_space<semaphore_mem>>
        %dma_start3A_353 = arith.constant 0 : i32
        %dma_start3A_354 = tpu.memref_slice %arg9[%run_scoped3A_220, %dma_start3A_353] : memref<8x128xi32, #tpu.memory_space<vmem>> -> memref<1x128xi32, #tpu.memory_space<vmem>>
        %dma_start3A_355 = tpu.memref_squeeze %dma_start3A_354 : memref<1x128xi32, #tpu.memory_space<vmem>> -> memref<128xi32, #tpu.memory_space<vmem>>
        %dma_start3A_356 = arith.constant 0 : i32
        %dma_start3A_357 = arith.constant 0 : i32
        %dma_start3A_358 = tpu.memref_slice %arg13[%dma_start3A_356, %dma_start3A_357] : memref<10240x128xf32, #tpu.memory_space<vmem_shared>> -> memref<10240x128xf32, #tpu.memory_space<vmem_shared>>
        tpu.enqueue_indirect_dma source(%arg10 : memref<128x128xf32, #tpu.memory_space<vmem>>) target(%dma_start3A_358 : memref<10240x128xf32, #tpu.memory_space<vmem_shared>>) offsets(%dma_start3A_355 : memref<128xi32, #tpu.memory_space<vmem>>) semaphore(%run_scoped3A_352 : memref<!tpu.dma_semaphore, #tpu.memory_space<semaphore_mem>>) {add = true}
        %dma_wait3A_359 = arith.constant 0 : i32
        %dma_wait3A_360 = tpu.memref_slice %arg9[%run_scoped3A_220, %dma_wait3A_359] : memref<8x128xi32, #tpu.memory_space<vmem>> -> memref<1x128xi32, #tpu.memory_space<vmem>>
        %dma_wait3A_361 = tpu.memref_squeeze %dma_wait3A_360 : memref<1x128xi32, #tpu.memory_space<vmem>> -> memref<128xi32, #tpu.memory_space<vmem>>
        %dma_wait3A_362 = arith.constant 0 : i32
        %dma_wait3A_363 = arith.constant 0 : i32
        %dma_wait3A_364 = tpu.memref_slice %arg13[%dma_wait3A_362, %dma_wait3A_363] : memref<10240x128xf32, #tpu.memory_space<vmem_shared>> -> memref<10240x128xf32, #tpu.memory_space<vmem_shared>>
        tpu.wait_indirect_dma semaphore(%run_scoped3A_352 : memref<!tpu.dma_semaphore, #tpu.memory_space<semaphore_mem>>) src(%arg10 : memref<128x128xf32, #tpu.memory_space<vmem>>) dst(%dma_wait3A_364 : memref<10240x128xf32, #tpu.memory_space<vmem_shared>>)
        tpu.yield
      }) : () -> ()
      %mul3A_221 = arith.constant 8 : i32
      %mul3A_222 = arith.muli %add3A_202, %mul3A_221 : i32
      %add3A_223 = arith.constant 1 : i32
      %add3A_224 = arith.addi %mul3A_222, %add3A_223 : i32
      %dma_wait3A_225 = arith.constant 0 : i32
      %dma_wait3A_226 = arith.constant 0 : i32
      %dma_wait3A_227 = tpu.memref_slice %arg2[%dma_wait3A_225, %dma_wait3A_226] : memref<10000x128xf32, #tpu.memory_space<hbm>> -> memref<128x128xf32, #tpu.memory_space<hbm>>
      %dma_wait3A_228 = arith.constant 0 : i32
      %dma_wait3A_229 = arith.constant 0 : i32
      %dma_wait3A_230 = tpu.memref_slice %arg2[%dma_wait3A_228, %dma_wait3A_229] : memref<10000x128xf32, #tpu.memory_space<hbm>> -> memref<128x128xf32, #tpu.memory_space<hbm>>
      tpu.wait_dma2 semaphore(%arg12 : memref<!tpu.dma_semaphore, #tpu.memory_space<semaphore_mem>>) src(%dma_wait3A_230 : memref<128x128xf32, #tpu.memory_space<hbm>>) dst(%arg11 : memref<128x128xf32, #tpu.memory_space<vmem>>)
      %dma_start3A_231 = arith.constant 2 : i32
      %dma_start3A_232 = arith.constant 0 : i32
      %dma_start3A_233 = tpu.memref_slice %arg8[%dma_start3A_231, %dma_start3A_232] : memref<8x128xi32, #tpu.memory_space<vmem>> -> memref<1x128xi32, #tpu.memory_space<vmem>>
      %dma_start3A_234 = tpu.memref_squeeze %dma_start3A_233 : memref<1x128xi32, #tpu.memory_space<vmem>> -> memref<128xi32, #tpu.memory_space<vmem>>
      %dma_start3A_235 = arith.constant 0 : i32
      %dma_start3A_236 = arith.constant 0 : i32
      %dma_start3A_237 = tpu.memref_slice %arg2[%dma_start3A_235, %dma_start3A_236] : memref<10000x128xf32, #tpu.memory_space<hbm>> -> memref<10000x128xf32, #tpu.memory_space<hbm>>
      tpu.enqueue_indirect_dma source(%dma_start3A_237 : memref<10000x128xf32, #tpu.memory_space<hbm>>) target(%arg10 : memref<128x128xf32, #tpu.memory_space<vmem>>) offsets(%dma_start3A_234 : memref<128xi32, #tpu.memory_space<vmem>>) semaphore(%arg12 : memref<!tpu.dma_semaphore, #tpu.memory_space<semaphore_mem>>)
      %add3A_238 = arith.constant 1 : i32
      %add3A_239 = arith.addi %add3A_202, %add3A_238 : i32
      %lt3A_240 = arith.cmpi slt, %add3A_239, %select_n3A : i32
      %convert_element_type3A_241 = arith.extui %lt3A_240 : i1 to i32
      %cond3A_242 = arith.constant 0 : i32
      %cond3A_243 = arith.cmpi ne, %convert_element_type3A_241, %cond3A_242 : i32
      scf.if %cond3A_243 {
        %add3A_352 = arith.constant 1 : i32
        %add3A_353 = arith.addi %add3A_202, %add3A_352 : i32
        %mul3A_354 = arith.constant 8 : i32
        %mul3A_355 = arith.muli %add3A_353, %mul3A_354 : i32
        %add3A_356 = arith.addi %select_n3A_10, %mul3A_355 : i32
        %multiple_of3A_357 = tpu.assume_multiple %add3A_356, 8 : i32
        "tpu.region"() ({
          %run_scoped3A_360 = tpu.sem_alloc : memref<!tpu.dma_semaphore, #tpu.memory_space<semaphore_mem>>
          %dma_start3A_361 = arith.constant 0 : i32
          %dma_start3A_362 = tpu.memref_slice %arg3[%multiple_of3A_357, %dma_start3A_361] : memref<2560x128xi32, #tpu.memory_space<hbm>> -> memref<8x128xi32, #tpu.memory_space<hbm>>
          %dma_start3A_363 = arith.constant 0 : i32
          %dma_start3A_364 = tpu.memref_slice %arg3[%multiple_of3A_357, %dma_start3A_363] : memref<2560x128xi32, #tpu.memory_space<hbm>> -> memref<8x128xi32, #tpu.memory_space<hbm>>
          tpu.enqueue_dma source(%dma_start3A_364 : memref<8x128xi32, #tpu.memory_space<hbm>>) target(%arg6 : memref<8x128xi32, #tpu.memory_space<vmem>>) target_semaphore(%run_scoped3A_360 : memref<!tpu.dma_semaphore, #tpu.memory_space<semaphore_mem>>)
          %dma_wait3A_365 = arith.constant 0 : i32
          %dma_wait3A_366 = tpu.memref_slice %arg3[%multiple_of3A_357, %dma_wait3A_365] : memref<2560x128xi32, #tpu.memory_space<hbm>> -> memref<8x128xi32, #tpu.memory_space<hbm>>
          %dma_wait3A_367 = arith.constant 0 : i32
          %dma_wait3A_368 = tpu.memref_slice %arg3[%multiple_of3A_357, %dma_wait3A_367] : memref<2560x128xi32, #tpu.memory_space<hbm>> -> memref<8x128xi32, #tpu.memory_space<hbm>>
          tpu.wait_dma2 semaphore(%run_scoped3A_360 : memref<!tpu.dma_semaphore, #tpu.memory_space<semaphore_mem>>) src(%dma_wait3A_368 : memref<8x128xi32, #tpu.memory_space<hbm>>) dst(%arg6 : memref<8x128xi32, #tpu.memory_space<vmem>>)
          tpu.yield
        }) : () -> ()
        %add3A_358 = arith.addi %select_n3A_10, %mul3A_355 : i32
        %multiple_of3A_359 = tpu.assume_multiple %add3A_358, 8 : i32
        "tpu.region"() ({
          %run_scoped3A_360 = tpu.sem_alloc : memref<!tpu.dma_semaphore, #tpu.memory_space<semaphore_mem>>
          %dma_start3A_361 = arith.constant 0 : i32
          %dma_start3A_362 = tpu.memref_slice %arg4[%multiple_of3A_359, %dma_start3A_361] : memref<2560x128xi32, #tpu.memory_space<hbm>> -> memref<8x128xi32, #tpu.memory_space<hbm>>
          %dma_start3A_363 = arith.constant 0 : i32
          %dma_start3A_364 = tpu.memref_slice %arg4[%multiple_of3A_359, %dma_start3A_363] : memref<2560x128xi32, #tpu.memory_space<hbm>> -> memref<8x128xi32, #tpu.memory_space<hbm>>
          tpu.enqueue_dma source(%dma_start3A_364 : memref<8x128xi32, #tpu.memory_space<hbm>>) target(%arg7 : memref<8x128xi32, #tpu.memory_space<vmem>>) target_semaphore(%run_scoped3A_360 : memref<!tpu.dma_semaphore, #tpu.memory_space<semaphore_mem>>)
          %dma_wait3A_365 = arith.constant 0 : i32
          %dma_wait3A_366 = tpu.memref_slice %arg4[%multiple_of3A_359, %dma_wait3A_365] : memref<2560x128xi32, #tpu.memory_space<hbm>> -> memref<8x128xi32, #tpu.memory_space<hbm>>
          %dma_wait3A_367 = arith.constant 0 : i32
          %dma_wait3A_368 = tpu.memref_slice %arg4[%multiple_of3A_359, %dma_wait3A_367] : memref<2560x128xi32, #tpu.memory_space<hbm>> -> memref<8x128xi32, #tpu.memory_space<hbm>>
          tpu.wait_dma2 semaphore(%run_scoped3A_360 : memref<!tpu.dma_semaphore, #tpu.memory_space<semaphore_mem>>) src(%dma_wait3A_368 : memref<8x128xi32, #tpu.memory_space<hbm>>) dst(%arg7 : memref<8x128xi32, #tpu.memory_space<vmem>>)
          tpu.yield
        }) : () -> ()
      } else {
      }
      %run_scoped3A_244 = arith.constant 1 : i32
      "tpu.region"() ({
        %run_scoped3A_352 = tpu.sem_alloc : memref<!tpu.dma_semaphore, #tpu.memory_space<semaphore_mem>>
        %dma_start3A_353 = arith.constant 0 : i32
        %dma_start3A_354 = tpu.memref_slice %arg9[%run_scoped3A_244, %dma_start3A_353] : memref<8x128xi32, #tpu.memory_space<vmem>> -> memref<1x128xi32, #tpu.memory_space<vmem>>
        %dma_start3A_355 = tpu.memref_squeeze %dma_start3A_354 : memref<1x128xi32, #tpu.memory_space<vmem>> -> memref<128xi32, #tpu.memory_space<vmem>>
        %dma_start3A_356 = arith.constant 0 : i32
        %dma_start3A_357 = arith.constant 0 : i32
        %dma_start3A_358 = tpu.memref_slice %arg13[%dma_start3A_356, %dma_start3A_357] : memref<10240x128xf32, #tpu.memory_space<vmem_shared>> -> memref<10240x128xf32, #tpu.memory_space<vmem_shared>>
        tpu.enqueue_indirect_dma source(%arg11 : memref<128x128xf32, #tpu.memory_space<vmem>>) target(%dma_start3A_358 : memref<10240x128xf32, #tpu.memory_space<vmem_shared>>) offsets(%dma_start3A_355 : memref<128xi32, #tpu.memory_space<vmem>>) semaphore(%run_scoped3A_352 : memref<!tpu.dma_semaphore, #tpu.memory_space<semaphore_mem>>) {add = true}
        %dma_wait3A_359 = arith.constant 0 : i32
        %dma_wait3A_360 = tpu.memref_slice %arg9[%run_scoped3A_244, %dma_wait3A_359] : memref<8x128xi32, #tpu.memory_space<vmem>> -> memref<1x128xi32, #tpu.memory_space<vmem>>
        %dma_wait3A_361 = tpu.memref_squeeze %dma_wait3A_360 : memref<1x128xi32, #tpu.memory_space<vmem>> -> memref<128xi32, #tpu.memory_space<vmem>>
        %dma_wait3A_362 = arith.constant 0 : i32
        %dma_wait3A_363 = arith.constant 0 : i32
        %dma_wait3A_364 = tpu.memref_slice %arg13[%dma_wait3A_362, %dma_wait3A_363] : memref<10240x128xf32, #tpu.memory_space<vmem_shared>> -> memref<10240x128xf32, #tpu.memory_space<vmem_shared>>
        tpu.wait_indirect_dma semaphore(%run_scoped3A_352 : memref<!tpu.dma_semaphore, #tpu.memory_space<semaphore_mem>>) src(%arg11 : memref<128x128xf32, #tpu.memory_space<vmem>>) dst(%dma_wait3A_364 : memref<10240x128xf32, #tpu.memory_space<vmem_shared>>)
        tpu.yield
      }) : () -> ()
      %mul3A_245 = arith.constant 8 : i32
      %mul3A_246 = arith.muli %add3A_202, %mul3A_245 : i32
      %add3A_247 = arith.constant 2 : i32
      %add3A_248 = arith.addi %mul3A_246, %add3A_247 : i32
      %dma_wait3A_249 = arith.constant 0 : i32
      %dma_wait3A_250 = arith.constant 0 : i32
      %dma_wait3A_251 = tpu.memref_slice %arg2[%dma_wait3A_249, %dma_wait3A_250] : memref<10000x128xf32, #tpu.memory_space<hbm>> -> memref<128x128xf32, #tpu.memory_space<hbm>>
      %dma_wait3A_252 = arith.constant 0 : i32
      %dma_wait3A_253 = arith.constant 0 : i32
      %dma_wait3A_254 = tpu.memref_slice %arg2[%dma_wait3A_252, %dma_wait3A_253] : memref<10000x128xf32, #tpu.memory_space<hbm>> -> memref<128x128xf32, #tpu.memory_space<hbm>>
      tpu.wait_dma2 semaphore(%arg12 : memref<!tpu.dma_semaphore, #tpu.memory_space<semaphore_mem>>) src(%dma_wait3A_254 : memref<128x128xf32, #tpu.memory_space<hbm>>) dst(%arg10 : memref<128x128xf32, #tpu.memory_space<vmem>>)
      %dma_start3A_255 = arith.constant 3 : i32
      %dma_start3A_256 = arith.constant 0 : i32
      %dma_start3A_257 = tpu.memref_slice %arg8[%dma_start3A_255, %dma_start3A_256] : memref<8x128xi32, #tpu.memory_space<vmem>> -> memref<1x128xi32, #tpu.memory_space<vmem>>
      %dma_start3A_258 = tpu.memref_squeeze %dma_start3A_257 : memref<1x128xi32, #tpu.memory_space<vmem>> -> memref<128xi32, #tpu.memory_space<vmem>>
      %dma_start3A_259 = arith.constant 0 : i32
      %dma_start3A_260 = arith.constant 0 : i32
      %dma_start3A_261 = tpu.memref_slice %arg2[%dma_start3A_259, %dma_start3A_260] : memref<10000x128xf32, #tpu.memory_space<hbm>> -> memref<10000x128xf32, #tpu.memory_space<hbm>>
      tpu.enqueue_indirect_dma source(%dma_start3A_261 : memref<10000x128xf32, #tpu.memory_space<hbm>>) target(%arg11 : memref<128x128xf32, #tpu.memory_space<vmem>>) offsets(%dma_start3A_258 : memref<128xi32, #tpu.memory_space<vmem>>) semaphore(%arg12 : memref<!tpu.dma_semaphore, #tpu.memory_space<semaphore_mem>>)
      %run_scoped3A_262 = arith.constant 2 : i32
      "tpu.region"() ({
        %run_scoped3A_352 = tpu.sem_alloc : memref<!tpu.dma_semaphore, #tpu.memory_space<semaphore_mem>>
        %dma_start3A_353 = arith.constant 0 : i32
        %dma_start3A_354 = tpu.memref_slice %arg9[%run_scoped3A_262, %dma_start3A_353] : memref<8x128xi32, #tpu.memory_space<vmem>> -> memref<1x128xi32, #tpu.memory_space<vmem>>
        %dma_start3A_355 = tpu.memref_squeeze %dma_start3A_354 : memref<1x128xi32, #tpu.memory_space<vmem>> -> memref<128xi32, #tpu.memory_space<vmem>>
        %dma_start3A_356 = arith.constant 0 : i32
        %dma_start3A_357 = arith.constant 0 : i32
        %dma_start3A_358 = tpu.memref_slice %arg13[%dma_start3A_356, %dma_start3A_357] : memref<10240x128xf32, #tpu.memory_space<vmem_shared>> -> memref<10240x128xf32, #tpu.memory_space<vmem_shared>>
        tpu.enqueue_indirect_dma source(%arg10 : memref<128x128xf32, #tpu.memory_space<vmem>>) target(%dma_start3A_358 : memref<10240x128xf32, #tpu.memory_space<vmem_shared>>) offsets(%dma_start3A_355 : memref<128xi32, #tpu.memory_space<vmem>>) semaphore(%run_scoped3A_352 : memref<!tpu.dma_semaphore, #tpu.memory_space<semaphore_mem>>) {add = true}
        %dma_wait3A_359 = arith.constant 0 : i32
        %dma_wait3A_360 = tpu.memref_slice %arg9[%run_scoped3A_262, %dma_wait3A_359] : memref<8x128xi32, #tpu.memory_space<vmem>> -> memref<1x128xi32, #tpu.memory_space<vmem>>
        %dma_wait3A_361 = tpu.memref_squeeze %dma_wait3A_360 : memref<1x128xi32, #tpu.memory_space<vmem>> -> memref<128xi32, #tpu.memory_space<vmem>>
        %dma_wait3A_362 = arith.constant 0 : i32
        %dma_wait3A_363 = arith.constant 0 : i32
        %dma_wait3A_364 = tpu.memref_slice %arg13[%dma_wait3A_362, %dma_wait3A_363] : memref<10240x128xf32, #tpu.memory_space<vmem_shared>> -> memref<10240x128xf32, #tpu.memory_space<vmem_shared>>
        tpu.wait_indirect_dma semaphore(%run_scoped3A_352 : memref<!tpu.dma_semaphore, #tpu.memory_space<semaphore_mem>>) src(%arg10 : memref<128x128xf32, #tpu.memory_space<vmem>>) dst(%dma_wait3A_364 : memref<10240x128xf32, #tpu.memory_space<vmem_shared>>)
        tpu.yield
      }) : () -> ()
      %mul3A_263 = arith.constant 8 : i32
      %mul3A_264 = arith.muli %add3A_202, %mul3A_263 : i32
      %add3A_265 = arith.constant 3 : i32
      %add3A_266 = arith.addi %mul3A_264, %add3A_265 : i32
      %dma_wait3A_267 = arith.constant 0 : i32
      %dma_wait3A_268 = arith.constant 0 : i32
      %dma_wait3A_269 = tpu.memref_slice %arg2[%dma_wait3A_267, %dma_wait3A_268] : memref<10000x128xf32, #tpu.memory_space<hbm>> -> memref<128x128xf32, #tpu.memory_space<hbm>>
      %dma_wait3A_270 = arith.constant 0 : i32
      %dma_wait3A_271 = arith.constant 0 : i32
      %dma_wait3A_272 = tpu.memref_slice %arg2[%dma_wait3A_270, %dma_wait3A_271] : memref<10000x128xf32, #tpu.memory_space<hbm>> -> memref<128x128xf32, #tpu.memory_space<hbm>>
      tpu.wait_dma2 semaphore(%arg12 : memref<!tpu.dma_semaphore, #tpu.memory_space<semaphore_mem>>) src(%dma_wait3A_272 : memref<128x128xf32, #tpu.memory_space<hbm>>) dst(%arg11 : memref<128x128xf32, #tpu.memory_space<vmem>>)
      %dma_start3A_273 = arith.constant 4 : i32
      %dma_start3A_274 = arith.constant 0 : i32
      %dma_start3A_275 = tpu.memref_slice %arg8[%dma_start3A_273, %dma_start3A_274] : memref<8x128xi32, #tpu.memory_space<vmem>> -> memref<1x128xi32, #tpu.memory_space<vmem>>
      %dma_start3A_276 = tpu.memref_squeeze %dma_start3A_275 : memref<1x128xi32, #tpu.memory_space<vmem>> -> memref<128xi32, #tpu.memory_space<vmem>>
      %dma_start3A_277 = arith.constant 0 : i32
      %dma_start3A_278 = arith.constant 0 : i32
      %dma_start3A_279 = tpu.memref_slice %arg2[%dma_start3A_277, %dma_start3A_278] : memref<10000x128xf32, #tpu.memory_space<hbm>> -> memref<10000x128xf32, #tpu.memory_space<hbm>>
      tpu.enqueue_indirect_dma source(%dma_start3A_279 : memref<10000x128xf32, #tpu.memory_space<hbm>>) target(%arg10 : memref<128x128xf32, #tpu.memory_space<vmem>>) offsets(%dma_start3A_276 : memref<128xi32, #tpu.memory_space<vmem>>) semaphore(%arg12 : memref<!tpu.dma_semaphore, #tpu.memory_space<semaphore_mem>>)
      %run_scoped3A_280 = arith.constant 3 : i32
      "tpu.region"() ({
        %run_scoped3A_352 = tpu.sem_alloc : memref<!tpu.dma_semaphore, #tpu.memory_space<semaphore_mem>>
        %dma_start3A_353 = arith.constant 0 : i32
        %dma_start3A_354 = tpu.memref_slice %arg9[%run_scoped3A_280, %dma_start3A_353] : memref<8x128xi32, #tpu.memory_space<vmem>> -> memref<1x128xi32, #tpu.memory_space<vmem>>
        %dma_start3A_355 = tpu.memref_squeeze %dma_start3A_354 : memref<1x128xi32, #tpu.memory_space<vmem>> -> memref<128xi32, #tpu.memory_space<vmem>>
        %dma_start3A_356 = arith.constant 0 : i32
        %dma_start3A_357 = arith.constant 0 : i32
        %dma_start3A_358 = tpu.memref_slice %arg13[%dma_start3A_356, %dma_start3A_357] : memref<10240x128xf32, #tpu.memory_space<vmem_shared>> -> memref<10240x128xf32, #tpu.memory_space<vmem_shared>>
        tpu.enqueue_indirect_dma source(%arg11 : memref<128x128xf32, #tpu.memory_space<vmem>>) target(%dma_start3A_358 : memref<10240x128xf32, #tpu.memory_space<vmem_shared>>) offsets(%dma_start3A_355 : memref<128xi32, #tpu.memory_space<vmem>>) semaphore(%run_scoped3A_352 : memref<!tpu.dma_semaphore, #tpu.memory_space<semaphore_mem>>) {add = true}
        %dma_wait3A_359 = arith.constant 0 : i32
        %dma_wait3A_360 = tpu.memref_slice %arg9[%run_scoped3A_280, %dma_wait3A_359] : memref<8x128xi32, #tpu.memory_space<vmem>> -> memref<1x128xi32, #tpu.memory_space<vmem>>
        %dma_wait3A_361 = tpu.memref_squeeze %dma_wait3A_360 : memref<1x128xi32, #tpu.memory_space<vmem>> -> memref<128xi32, #tpu.memory_space<vmem>>
        %dma_wait3A_362 = arith.constant 0 : i32
        %dma_wait3A_363 = arith.constant 0 : i32
        %dma_wait3A_364 = tpu.memref_slice %arg13[%dma_wait3A_362, %dma_wait3A_363] : memref<10240x128xf32, #tpu.memory_space<vmem_shared>> -> memref<10240x128xf32, #tpu.memory_space<vmem_shared>>
        tpu.wait_indirect_dma semaphore(%run_scoped3A_352 : memref<!tpu.dma_semaphore, #tpu.memory_space<semaphore_mem>>) src(%arg11 : memref<128x128xf32, #tpu.memory_space<vmem>>) dst(%dma_wait3A_364 : memref<10240x128xf32, #tpu.memory_space<vmem_shared>>)
        tpu.yield
      }) : () -> ()
      %mul3A_281 = arith.constant 8 : i32
      %mul3A_282 = arith.muli %add3A_202, %mul3A_281 : i32
      %add3A_283 = arith.constant 4 : i32
      %add3A_284 = arith.addi %mul3A_282, %add3A_283 : i32
      %dma_wait3A_285 = arith.constant 0 : i32
      %dma_wait3A_286 = arith.constant 0 : i32
      %dma_wait3A_287 = tpu.memref_slice %arg2[%dma_wait3A_285, %dma_wait3A_286] : memref<10000x128xf32, #tpu.memory_space<hbm>> -> memref<128x128xf32, #tpu.memory_space<hbm>>
      %dma_wait3A_288 = arith.constant 0 : i32
      %dma_wait3A_289 = arith.constant 0 : i32
      %dma_wait3A_290 = tpu.memref_slice %arg2[%dma_wait3A_288, %dma_wait3A_289] : memref<10000x128xf32, #tpu.memory_space<hbm>> -> memref<128x128xf32, #tpu.memory_space<hbm>>
      tpu.wait_dma2 semaphore(%arg12 : memref<!tpu.dma_semaphore, #tpu.memory_space<semaphore_mem>>) src(%dma_wait3A_290 : memref<128x128xf32, #tpu.memory_space<hbm>>) dst(%arg10 : memref<128x128xf32, #tpu.memory_space<vmem>>)
      %dma_start3A_291 = arith.constant 5 : i32
      %dma_start3A_292 = arith.constant 0 : i32
      %dma_start3A_293 = tpu.memref_slice %arg8[%dma_start3A_291, %dma_start3A_292] : memref<8x128xi32, #tpu.memory_space<vmem>> -> memref<1x128xi32, #tpu.memory_space<vmem>>
      %dma_start3A_294 = tpu.memref_squeeze %dma_start3A_293 : memref<1x128xi32, #tpu.memory_space<vmem>> -> memref<128xi32, #tpu.memory_space<vmem>>
      %dma_start3A_295 = arith.constant 0 : i32
      %dma_start3A_296 = arith.constant 0 : i32
      %dma_start3A_297 = tpu.memref_slice %arg2[%dma_start3A_295, %dma_start3A_296] : memref<10000x128xf32, #tpu.memory_space<hbm>> -> memref<10000x128xf32, #tpu.memory_space<hbm>>
      tpu.enqueue_indirect_dma source(%dma_start3A_297 : memref<10000x128xf32, #tpu.memory_space<hbm>>) target(%arg11 : memref<128x128xf32, #tpu.memory_space<vmem>>) offsets(%dma_start3A_294 : memref<128xi32, #tpu.memory_space<vmem>>) semaphore(%arg12 : memref<!tpu.dma_semaphore, #tpu.memory_space<semaphore_mem>>)
      %run_scoped3A_298 = arith.constant 4 : i32
      "tpu.region"() ({
        %run_scoped3A_352 = tpu.sem_alloc : memref<!tpu.dma_semaphore, #tpu.memory_space<semaphore_mem>>
        %dma_start3A_353 = arith.constant 0 : i32
        %dma_start3A_354 = tpu.memref_slice %arg9[%run_scoped3A_298, %dma_start3A_353] : memref<8x128xi32, #tpu.memory_space<vmem>> -> memref<1x128xi32, #tpu.memory_space<vmem>>
        %dma_start3A_355 = tpu.memref_squeeze %dma_start3A_354 : memref<1x128xi32, #tpu.memory_space<vmem>> -> memref<128xi32, #tpu.memory_space<vmem>>
        %dma_start3A_356 = arith.constant 0 : i32
        %dma_start3A_357 = arith.constant 0 : i32
        %dma_start3A_358 = tpu.memref_slice %arg13[%dma_start3A_356, %dma_start3A_357] : memref<10240x128xf32, #tpu.memory_space<vmem_shared>> -> memref<10240x128xf32, #tpu.memory_space<vmem_shared>>
        tpu.enqueue_indirect_dma source(%arg10 : memref<128x128xf32, #tpu.memory_space<vmem>>) target(%dma_start3A_358 : memref<10240x128xf32, #tpu.memory_space<vmem_shared>>) offsets(%dma_start3A_355 : memref<128xi32, #tpu.memory_space<vmem>>) semaphore(%run_scoped3A_352 : memref<!tpu.dma_semaphore, #tpu.memory_space<semaphore_mem>>) {add = true}
        %dma_wait3A_359 = arith.constant 0 : i32
        %dma_wait3A_360 = tpu.memref_slice %arg9[%run_scoped3A_298, %dma_wait3A_359] : memref<8x128xi32, #tpu.memory_space<vmem>> -> memref<1x128xi32, #tpu.memory_space<vmem>>
        %dma_wait3A_361 = tpu.memref_squeeze %dma_wait3A_360 : memref<1x128xi32, #tpu.memory_space<vmem>> -> memref<128xi32, #tpu.memory_space<vmem>>
        %dma_wait3A_362 = arith.constant 0 : i32
        %dma_wait3A_363 = arith.constant 0 : i32
        %dma_wait3A_364 = tpu.memref_slice %arg13[%dma_wait3A_362, %dma_wait3A_363] : memref<10240x128xf32, #tpu.memory_space<vmem_shared>> -> memref<10240x128xf32, #tpu.memory_space<vmem_shared>>
        tpu.wait_indirect_dma semaphore(%run_scoped3A_352 : memref<!tpu.dma_semaphore, #tpu.memory_space<semaphore_mem>>) src(%arg10 : memref<128x128xf32, #tpu.memory_space<vmem>>) dst(%dma_wait3A_364 : memref<10240x128xf32, #tpu.memory_space<vmem_shared>>)
        tpu.yield
      }) : () -> ()
      %mul3A_299 = arith.constant 8 : i32
      %mul3A_300 = arith.muli %add3A_202, %mul3A_299 : i32
      %add3A_301 = arith.constant 5 : i32
      %add3A_302 = arith.addi %mul3A_300, %add3A_301 : i32
      %dma_wait3A_303 = arith.constant 0 : i32
      %dma_wait3A_304 = arith.constant 0 : i32
      %dma_wait3A_305 = tpu.memref_slice %arg2[%dma_wait3A_303, %dma_wait3A_304] : memref<10000x128xf32, #tpu.memory_space<hbm>> -> memref<128x128xf32, #tpu.memory_space<hbm>>
      %dma_wait3A_306 = arith.constant 0 : i32
      %dma_wait3A_307 = arith.constant 0 : i32
      %dma_wait3A_308 = tpu.memref_slice %arg2[%dma_wait3A_306, %dma_wait3A_307] : memref<10000x128xf32, #tpu.memory_space<hbm>> -> memref<128x128xf32, #tpu.memory_space<hbm>>
      tpu.wait_dma2 semaphore(%arg12 : memref<!tpu.dma_semaphore, #tpu.memory_space<semaphore_mem>>) src(%dma_wait3A_308 : memref<128x128xf32, #tpu.memory_space<hbm>>) dst(%arg11 : memref<128x128xf32, #tpu.memory_space<vmem>>)
      %dma_start3A_309 = arith.constant 6 : i32
      %dma_start3A_310 = arith.constant 0 : i32
      %dma_start3A_311 = tpu.memref_slice %arg8[%dma_start3A_309, %dma_start3A_310] : memref<8x128xi32, #tpu.memory_space<vmem>> -> memref<1x128xi32, #tpu.memory_space<vmem>>
      %dma_start3A_312 = tpu.memref_squeeze %dma_start3A_311 : memref<1x128xi32, #tpu.memory_space<vmem>> -> memref<128xi32, #tpu.memory_space<vmem>>
      %dma_start3A_313 = arith.constant 0 : i32
      %dma_start3A_314 = arith.constant 0 : i32
      %dma_start3A_315 = tpu.memref_slice %arg2[%dma_start3A_313, %dma_start3A_314] : memref<10000x128xf32, #tpu.memory_space<hbm>> -> memref<10000x128xf32, #tpu.memory_space<hbm>>
      tpu.enqueue_indirect_dma source(%dma_start3A_315 : memref<10000x128xf32, #tpu.memory_space<hbm>>) target(%arg10 : memref<128x128xf32, #tpu.memory_space<vmem>>) offsets(%dma_start3A_312 : memref<128xi32, #tpu.memory_space<vmem>>) semaphore(%arg12 : memref<!tpu.dma_semaphore, #tpu.memory_space<semaphore_mem>>)
      %run_scoped3A_316 = arith.constant 5 : i32
      "tpu.region"() ({
        %run_scoped3A_352 = tpu.sem_alloc : memref<!tpu.dma_semaphore, #tpu.memory_space<semaphore_mem>>
        %dma_start3A_353 = arith.constant 0 : i32
        %dma_start3A_354 = tpu.memref_slice %arg9[%run_scoped3A_316, %dma_start3A_353] : memref<8x128xi32, #tpu.memory_space<vmem>> -> memref<1x128xi32, #tpu.memory_space<vmem>>
        %dma_start3A_355 = tpu.memref_squeeze %dma_start3A_354 : memref<1x128xi32, #tpu.memory_space<vmem>> -> memref<128xi32, #tpu.memory_space<vmem>>
        %dma_start3A_356 = arith.constant 0 : i32
        %dma_start3A_357 = arith.constant 0 : i32
        %dma_start3A_358 = tpu.memref_slice %arg13[%dma_start3A_356, %dma_start3A_357] : memref<10240x128xf32, #tpu.memory_space<vmem_shared>> -> memref<10240x128xf32, #tpu.memory_space<vmem_shared>>
        tpu.enqueue_indirect_dma source(%arg11 : memref<128x128xf32, #tpu.memory_space<vmem>>) target(%dma_start3A_358 : memref<10240x128xf32, #tpu.memory_space<vmem_shared>>) offsets(%dma_start3A_355 : memref<128xi32, #tpu.memory_space<vmem>>) semaphore(%run_scoped3A_352 : memref<!tpu.dma_semaphore, #tpu.memory_space<semaphore_mem>>) {add = true}
        %dma_wait3A_359 = arith.constant 0 : i32
        %dma_wait3A_360 = tpu.memref_slice %arg9[%run_scoped3A_316, %dma_wait3A_359] : memref<8x128xi32, #tpu.memory_space<vmem>> -> memref<1x128xi32, #tpu.memory_space<vmem>>
        %dma_wait3A_361 = tpu.memref_squeeze %dma_wait3A_360 : memref<1x128xi32, #tpu.memory_space<vmem>> -> memref<128xi32, #tpu.memory_space<vmem>>
        %dma_wait3A_362 = arith.constant 0 : i32
        %dma_wait3A_363 = arith.constant 0 : i32
        %dma_wait3A_364 = tpu.memref_slice %arg13[%dma_wait3A_362, %dma_wait3A_363] : memref<10240x128xf32, #tpu.memory_space<vmem_shared>> -> memref<10240x128xf32, #tpu.memory_space<vmem_shared>>
        tpu.wait_indirect_dma semaphore(%run_scoped3A_352 : memref<!tpu.dma_semaphore, #tpu.memory_space<semaphore_mem>>) src(%arg11 : memref<128x128xf32, #tpu.memory_space<vmem>>) dst(%dma_wait3A_364 : memref<10240x128xf32, #tpu.memory_space<vmem_shared>>)
        tpu.yield
      }) : () -> ()
      %mul3A_317 = arith.constant 8 : i32
      %mul3A_318 = arith.muli %add3A_202, %mul3A_317 : i32
      %add3A_319 = arith.constant 6 : i32
      %add3A_320 = arith.addi %mul3A_318, %add3A_319 : i32
      %dma_wait3A_321 = arith.constant 0 : i32
      %dma_wait3A_322 = arith.constant 0 : i32
      %dma_wait3A_323 = tpu.memref_slice %arg2[%dma_wait3A_321, %dma_wait3A_322] : memref<10000x128xf32, #tpu.memory_space<hbm>> -> memref<128x128xf32, #tpu.memory_space<hbm>>
      %dma_wait3A_324 = arith.constant 0 : i32
      %dma_wait3A_325 = arith.constant 0 : i32
      %dma_wait3A_326 = tpu.memref_slice %arg2[%dma_wait3A_324, %dma_wait3A_325] : memref<10000x128xf32, #tpu.memory_space<hbm>> -> memref<128x128xf32, #tpu.memory_space<hbm>>
      tpu.wait_dma2 semaphore(%arg12 : memref<!tpu.dma_semaphore, #tpu.memory_space<semaphore_mem>>) src(%dma_wait3A_326 : memref<128x128xf32, #tpu.memory_space<hbm>>) dst(%arg10 : memref<128x128xf32, #tpu.memory_space<vmem>>)
      %dma_start3A_327 = arith.constant 7 : i32
      %dma_start3A_328 = arith.constant 0 : i32
      %dma_start3A_329 = tpu.memref_slice %arg8[%dma_start3A_327, %dma_start3A_328] : memref<8x128xi32, #tpu.memory_space<vmem>> -> memref<1x128xi32, #tpu.memory_space<vmem>>
      %dma_start3A_330 = tpu.memref_squeeze %dma_start3A_329 : memref<1x128xi32, #tpu.memory_space<vmem>> -> memref<128xi32, #tpu.memory_space<vmem>>
      %dma_start3A_331 = arith.constant 0 : i32
      %dma_start3A_332 = arith.constant 0 : i32
      %dma_start3A_333 = tpu.memref_slice %arg2[%dma_start3A_331, %dma_start3A_332] : memref<10000x128xf32, #tpu.memory_space<hbm>> -> memref<10000x128xf32, #tpu.memory_space<hbm>>
      tpu.enqueue_indirect_dma source(%dma_start3A_333 : memref<10000x128xf32, #tpu.memory_space<hbm>>) target(%arg11 : memref<128x128xf32, #tpu.memory_space<vmem>>) offsets(%dma_start3A_330 : memref<128xi32, #tpu.memory_space<vmem>>) semaphore(%arg12 : memref<!tpu.dma_semaphore, #tpu.memory_space<semaphore_mem>>)
      %run_scoped3A_334 = arith.constant 6 : i32
      "tpu.region"() ({
        %run_scoped3A_352 = tpu.sem_alloc : memref<!tpu.dma_semaphore, #tpu.memory_space<semaphore_mem>>
        %dma_start3A_353 = arith.constant 0 : i32
        %dma_start3A_354 = tpu.memref_slice %arg9[%run_scoped3A_334, %dma_start3A_353] : memref<8x128xi32, #tpu.memory_space<vmem>> -> memref<1x128xi32, #tpu.memory_space<vmem>>
        %dma_start3A_355 = tpu.memref_squeeze %dma_start3A_354 : memref<1x128xi32, #tpu.memory_space<vmem>> -> memref<128xi32, #tpu.memory_space<vmem>>
        %dma_start3A_356 = arith.constant 0 : i32
        %dma_start3A_357 = arith.constant 0 : i32
        %dma_start3A_358 = tpu.memref_slice %arg13[%dma_start3A_356, %dma_start3A_357] : memref<10240x128xf32, #tpu.memory_space<vmem_shared>> -> memref<10240x128xf32, #tpu.memory_space<vmem_shared>>
        tpu.enqueue_indirect_dma source(%arg10 : memref<128x128xf32, #tpu.memory_space<vmem>>) target(%dma_start3A_358 : memref<10240x128xf32, #tpu.memory_space<vmem_shared>>) offsets(%dma_start3A_355 : memref<128xi32, #tpu.memory_space<vmem>>) semaphore(%run_scoped3A_352 : memref<!tpu.dma_semaphore, #tpu.memory_space<semaphore_mem>>) {add = true}
        %dma_wait3A_359 = arith.constant 0 : i32
        %dma_wait3A_360 = tpu.memref_slice %arg9[%run_scoped3A_334, %dma_wait3A_359] : memref<8x128xi32, #tpu.memory_space<vmem>> -> memref<1x128xi32, #tpu.memory_space<vmem>>
        %dma_wait3A_361 = tpu.memref_squeeze %dma_wait3A_360 : memref<1x128xi32, #tpu.memory_space<vmem>> -> memref<128xi32, #tpu.memory_space<vmem>>
        %dma_wait3A_362 = arith.constant 0 : i32
        %dma_wait3A_363 = arith.constant 0 : i32
        %dma_wait3A_364 = tpu.memref_slice %arg13[%dma_wait3A_362, %dma_wait3A_363] : memref<10240x128xf32, #tpu.memory_space<vmem_shared>> -> memref<10240x128xf32, #tpu.memory_space<vmem_shared>>
        tpu.wait_indirect_dma semaphore(%run_scoped3A_352 : memref<!tpu.dma_semaphore, #tpu.memory_space<semaphore_mem>>) src(%arg10 : memref<128x128xf32, #tpu.memory_space<vmem>>) dst(%dma_wait3A_364 : memref<10240x128xf32, #tpu.memory_space<vmem_shared>>)
        tpu.yield
      }) : () -> ()
      %mul3A_335 = arith.constant 8 : i32
      %mul3A_336 = arith.muli %add3A_202, %mul3A_335 : i32
      %add3A_337 = arith.constant 7 : i32
      %add3A_338 = arith.addi %mul3A_336, %add3A_337 : i32
      %dma_wait3A_339 = arith.constant 0 : i32
      %dma_wait3A_340 = arith.constant 0 : i32
      %dma_wait3A_341 = tpu.memref_slice %arg2[%dma_wait3A_339, %dma_wait3A_340] : memref<10000x128xf32, #tpu.memory_space<hbm>> -> memref<128x128xf32, #tpu.memory_space<hbm>>
      %dma_wait3A_342 = arith.constant 0 : i32
      %dma_wait3A_343 = arith.constant 0 : i32
      %dma_wait3A_344 = tpu.memref_slice %arg2[%dma_wait3A_342, %dma_wait3A_343] : memref<10000x128xf32, #tpu.memory_space<hbm>> -> memref<128x128xf32, #tpu.memory_space<hbm>>
      tpu.wait_dma2 semaphore(%arg12 : memref<!tpu.dma_semaphore, #tpu.memory_space<semaphore_mem>>) src(%dma_wait3A_344 : memref<128x128xf32, #tpu.memory_space<hbm>>) dst(%arg11 : memref<128x128xf32, #tpu.memory_space<vmem>>)
      %add3A_345 = arith.constant 1 : i32
      %add3A_346 = arith.addi %add3A_338, %add3A_345 : i32
      %lt3A_347 = arith.cmpi slt, %add3A_346, %mul3A_2 : i32
      %convert_element_type3A_348 = arith.extui %lt3A_347 : i1 to i32
      %cond3A_349 = arith.constant 0 : i32
      %cond3A_350 = arith.cmpi ne, %convert_element_type3A_348, %cond3A_349 : i32
      scf.if %cond3A_350 {
        %dma_start3A_352 = arith.constant 0 : i32
        %dma_start3A_353 = arith.constant 0 : i32
        %dma_start3A_354 = tpu.memref_slice %arg6[%dma_start3A_352, %dma_start3A_353] : memref<8x128xi32, #tpu.memory_space<vmem>> -> memref<1x128xi32, #tpu.memory_space<vmem>>
        %dma_start3A_355 = tpu.memref_squeeze %dma_start3A_354 : memref<1x128xi32, #tpu.memory_space<vmem>> -> memref<128xi32, #tpu.memory_space<vmem>>
        %dma_start3A_356 = arith.constant 0 : i32
        %dma_start3A_357 = arith.constant 0 : i32
        %dma_start3A_358 = tpu.memref_slice %arg2[%dma_start3A_356, %dma_start3A_357] : memref<10000x128xf32, #tpu.memory_space<hbm>> -> memref<10000x128xf32, #tpu.memory_space<hbm>>
        tpu.enqueue_indirect_dma source(%dma_start3A_358 : memref<10000x128xf32, #tpu.memory_space<hbm>>) target(%arg10 : memref<128x128xf32, #tpu.memory_space<vmem>>) offsets(%dma_start3A_355 : memref<128xi32, #tpu.memory_space<vmem>>) semaphore(%arg12 : memref<!tpu.dma_semaphore, #tpu.memory_space<semaphore_mem>>)
      } else {
      }
      %run_scoped3A_351 = arith.constant 7 : i32
      "tpu.region"() ({
        %run_scoped3A_352 = tpu.sem_alloc : memref<!tpu.dma_semaphore, #tpu.memory_space<semaphore_mem>>
        %dma_start3A_353 = arith.constant 0 : i32
        %dma_start3A_354 = tpu.memref_slice %arg9[%run_scoped3A_351, %dma_start3A_353] : memref<8x128xi32, #tpu.memory_space<vmem>> -> memref<1x128xi32, #tpu.memory_space<vmem>>
        %dma_start3A_355 = tpu.memref_squeeze %dma_start3A_354 : memref<1x128xi32, #tpu.memory_space<vmem>> -> memref<128xi32, #tpu.memory_space<vmem>>
        %dma_start3A_356 = arith.constant 0 : i32
        %dma_start3A_357 = arith.constant 0 : i32
        %dma_start3A_358 = tpu.memref_slice %arg13[%dma_start3A_356, %dma_start3A_357] : memref<10240x128xf32, #tpu.memory_space<vmem_shared>> -> memref<10240x128xf32, #tpu.memory_space<vmem_shared>>
        tpu.enqueue_indirect_dma source(%arg11 : memref<128x128xf32, #tpu.memory_space<vmem>>) target(%dma_start3A_358 : memref<10240x128xf32, #tpu.memory_space<vmem_shared>>) offsets(%dma_start3A_355 : memref<128xi32, #tpu.memory_space<vmem>>) semaphore(%run_scoped3A_352 : memref<!tpu.dma_semaphore, #tpu.memory_space<semaphore_mem>>) {add = true}
        %dma_wait3A_359 = arith.constant 0 : i32
        %dma_wait3A_360 = tpu.memref_slice %arg9[%run_scoped3A_351, %dma_wait3A_359] : memref<8x128xi32, #tpu.memory_space<vmem>> -> memref<1x128xi32, #tpu.memory_space<vmem>>
        %dma_wait3A_361 = tpu.memref_squeeze %dma_wait3A_360 : memref<1x128xi32, #tpu.memory_space<vmem>> -> memref<128xi32, #tpu.memory_space<vmem>>
        %dma_wait3A_362 = arith.constant 0 : i32
        %dma_wait3A_363 = arith.constant 0 : i32
        %dma_wait3A_364 = tpu.memref_slice %arg13[%dma_wait3A_362, %dma_wait3A_363] : memref<10240x128xf32, #tpu.memory_space<vmem_shared>> -> memref<10240x128xf32, #tpu.memory_space<vmem_shared>>
        tpu.wait_indirect_dma semaphore(%run_scoped3A_352 : memref<!tpu.dma_semaphore, #tpu.memory_space<semaphore_mem>>) src(%arg11 : memref<128x128xf32, #tpu.memory_space<vmem>>) dst(%dma_wait3A_364 : memref<10240x128xf32, #tpu.memory_space<vmem_shared>>)
        tpu.yield
      }) : () -> ()
    }
    %barrier3A_47 = arith.constant 0 : index
    tpu.barrier barrier_id(%barrier3A_47)
    %mul3A_48 = arith.constant 640 : i32
    %mul3A_49 = arith.muli %arg1, %mul3A_48 : i32
    %mul3A_50 = arith.constant 640 : i32
    %mul3A_51 = arith.muli %arg1, %mul3A_50 : i32
    "tpu.region"() ({
      %run_scoped3A = tpu.sem_alloc : memref<!tpu.dma_semaphore, #tpu.memory_space<semaphore_mem>>
      %dma_start3A_52 = arith.constant 0 : i32
      %dma_start3A_53 = arith.constant 0 : i32
      %dma_start3A_54 = tpu.memref_slice %arg5[%arg0, %dma_start3A_52, %dma_start3A_53] : memref<2x10240x128xf32, #tpu.memory_space<hbm>> -> memref<1x10240x128xf32, #tpu.memory_space<hbm>>
      %dma_start3A_55 = tpu.memref_squeeze %dma_start3A_54 : memref<1x10240x128xf32, #tpu.memory_space<hbm>> -> memref<10240x128xf32, #tpu.memory_space<hbm>>
      %dma_start3A_56 = arith.constant 0 : i32
      %dma_start3A_57 = tpu.memref_slice %dma_start3A_55[%mul3A_51, %dma_start3A_56] : memref<10240x128xf32, #tpu.memory_space<hbm>> -> memref<640x128xf32, #tpu.memory_space<hbm>>
      %dma_start3A_58 = arith.constant 0 : i32
      %dma_start3A_59 = tpu.memref_slice %arg13[%mul3A_49, %dma_start3A_58] : memref<10240x128xf32, #tpu.memory_space<vmem_shared>> -> memref<640x128xf32, #tpu.memory_space<vmem_shared>>
      tpu.enqueue_dma source(%dma_start3A_59 : memref<640x128xf32, #tpu.memory_space<vmem_shared>>) target(%dma_start3A_57 : memref<640x128xf32, #tpu.memory_space<hbm>>) target_semaphore(%run_scoped3A : memref<!tpu.dma_semaphore, #tpu.memory_space<semaphore_mem>>)
      %dma_wait3A = arith.constant 0 : i32
      %dma_wait3A_60 = arith.constant 0 : i32
      %dma_wait3A_61 = tpu.memref_slice %arg5[%arg0, %dma_wait3A, %dma_wait3A_60] : memref<2x10240x128xf32, #tpu.memory_space<hbm>> -> memref<1x10240x128xf32, #tpu.memory_space<hbm>>
      %dma_wait3A_62 = tpu.memref_squeeze %dma_wait3A_61 : memref<1x10240x128xf32, #tpu.memory_space<hbm>> -> memref<10240x128xf32, #tpu.memory_space<hbm>>
      %dma_wait3A_63 = arith.constant 0 : i32
      %dma_wait3A_64 = tpu.memref_slice %dma_wait3A_62[%mul3A_51, %dma_wait3A_63] : memref<10240x128xf32, #tpu.memory_space<hbm>> -> memref<640x128xf32, #tpu.memory_space<hbm>>
      %dma_wait3A_65 = arith.constant 0 : i32
      %dma_wait3A_66 = tpu.memref_slice %arg13[%mul3A_49, %dma_wait3A_65] : memref<10240x128xf32, #tpu.memory_space<vmem_shared>> -> memref<640x128xf32, #tpu.memory_space<vmem_shared>>
      tpu.wait_dma2 semaphore(%run_scoped3A : memref<!tpu.dma_semaphore, #tpu.memory_space<semaphore_mem>>) src(%dma_wait3A_66 : memref<640x128xf32, #tpu.memory_space<vmem_shared>>) dst(%dma_wait3A_64 : memref<640x128xf32, #tpu.memory_space<hbm>>)
      tpu.yield
    }) : () -> ()
    return
  }
}

#map = affine_map<(d0, d1) -> (0, 0)>
#map1 = affine_map<(d0, d1) -> (0, 0, 0)>
module attributes {stable_mosaic.version = 14 : i64} {
  func.func @k(%arg0: i32, %arg1: i32, %arg2: memref<2560x128xi32, #tpu.memory_space<hbm>>, %arg3: memref<2x10240x128xf32, #tpu.memory_space<hbm>>, %arg4: memref<80x128xi32, #tpu.memory_space<vmem>>, %arg5: memref<128x128xf32, #tpu.memory_space<vmem>>, %arg6: memref<10240x128xf32, #tpu.memory_space<vmem_shared>>) attributes {dimension_semantics = [#tpu.dimension_semantics<core_parallel>, #tpu.dimension_semantics<subcore_parallel>], iteration_bounds = array<i64: 2, 16>, scalar_prefetch = 0 : i64, scratch_operands = 3 : i64, tpu.core_type = #tpu.core_type<sc_vector_subcore>, window_params = [{transform_indices = #map}, {transform_indices = #map1}]} {
    %mul3A = arith.constant 2 : i32
    %mul3A_0 = arith.muli %arg1, %mul3A : i32
    %add3A = arith.addi %mul3A_0, %arg0 : i32
    %scan3A = arith.constant 0 : i32
    %scan3A_1 = arith.constant 128 : i32
    %scan3A_2 = arith.addi %scan3A, %scan3A_1 : i32
    %scan3A_3 = arith.constant 1 : i32
    scf.for %scan3A_27 = %scan3A to %scan3A_2 step %scan3A_3  : i32 {
      %mul3A_28 = arith.constant 1 : i32
      %mul3A_29 = arith.muli %scan3A_27, %mul3A_28 : i32
      %add3A_30 = arith.constant 0 : i32
      %add3A_31 = arith.addi %add3A_30, %mul3A_29 : i32
      %scan3A_32 = arith.constant 0 : i32
      %scan3A_33 = arith.constant 8 : i32
      %scan3A_34 = arith.addi %scan3A_32, %scan3A_33 : i32
      %scan3A_35 = arith.constant 1 : i32
      scf.for %scan3A_37 = %scan3A_32 to %scan3A_34 step %scan3A_35  : i32 {
        %mul3A_38 = arith.constant 1 : i32
        %mul3A_39 = arith.muli %scan3A_37, %mul3A_38 : i32
        %add3A_40 = arith.constant 0 : i32
        %add3A_41 = arith.addi %add3A_40, %mul3A_39 : i32
        %broadcast_in_dim3A = arith.constant 0.000000e+00 : f32
        %broadcast_in_dim3A_42 = vector.broadcast %broadcast_in_dim3A : f32 to vector<16xf32>
        %mul3A_43 = arith.constant 16 : i32
        %mul3A_44 = arith.muli %add3A_41, %mul3A_43 : i32
        %swap3A = arith.index_cast %add3A_31 : i32 to index
        %swap3A_45 = arith.index_cast %mul3A_44 : i32 to index
        %swap3A_46 = tpu.vector_load %arg5[%swap3A, %swap3A_45] {strides = array<i32>} : memref<128x128xf32, #tpu.memory_space<vmem>>, vector<1x16xf32>,
        %swap3A_47 = vector.shape_cast %swap3A_46 : vector<1x16xf32> to vector<16xf32>
        %swap3A_48 = vector.shape_cast %broadcast_in_dim3A_42 : vector<16xf32> to vector<1x16xf32>
        tpu.vector_store %arg5[%swap3A, %swap3A_45], %swap3A_48 {strides = array<i32>} : memref<128x128xf32, #tpu.memory_space<vmem>>, vector<1x16xf32>,
      }
      %scan3A_36 = arith.constant 8 : i32
    }
    %scan3A_4 = arith.constant 128 : i32
    %scan3A_5 = arith.constant 0 : i32
    %scan3A_6 = arith.constant 5 : i32
    %scan3A_7 = arith.addi %scan3A_5, %scan3A_6 : i32
    %scan3A_8 = arith.constant 1 : i32
    scf.for %scan3A_27 = %scan3A_5 to %scan3A_7 step %scan3A_8  : i32 {
      %mul3A_28 = arith.constant 1 : i32
      %mul3A_29 = arith.muli %scan3A_27, %mul3A_28 : i32
      %add3A_30 = arith.constant 0 : i32
      %add3A_31 = arith.addi %add3A_30, %mul3A_29 : i32
      %mul3A_32 = arith.constant 640 : i32
      %mul3A_33 = arith.muli %arg1, %mul3A_32 : i32
      %mul3A_34 = arith.constant 128 : i32
      %mul3A_35 = arith.muli %add3A_31, %mul3A_34 : i32
      %add3A_36 = arith.addi %mul3A_33, %mul3A_35 : i32
      "tpu.region"() ({
        %run_scoped3A = tpu.sem_alloc : memref<!tpu.dma_semaphore, #tpu.memory_space<semaphore_mem>>
        %dma_start3A = arith.constant 0 : i32
        %dma_start3A_37 = tpu.memref_slice %arg6[%add3A_36, %dma_start3A] : memref<10240x128xf32, #tpu.memory_space<vmem_shared>> -> memref<128x128xf32, #tpu.memory_space<vmem_shared>>
        %dma_start3A_38 = arith.constant 0 : i32
        %dma_start3A_39 = tpu.memref_slice %arg6[%add3A_36, %dma_start3A_38] : memref<10240x128xf32, #tpu.memory_space<vmem_shared>> -> memref<128x128xf32, #tpu.memory_space<vmem_shared>>
        tpu.enqueue_dma source(%arg5 : memref<128x128xf32, #tpu.memory_space<vmem>>) target(%dma_start3A_39 : memref<128x128xf32, #tpu.memory_space<vmem_shared>>) target_semaphore(%run_scoped3A : memref<!tpu.dma_semaphore, #tpu.memory_space<semaphore_mem>>)
        %dma_wait3A = arith.constant 0 : i32
        %dma_wait3A_40 = tpu.memref_slice %arg6[%add3A_36, %dma_wait3A] : memref<10240x128xf32, #tpu.memory_space<vmem_shared>> -> memref<128x128xf32, #tpu.memory_space<vmem_shared>>
        %dma_wait3A_41 = arith.constant 0 : i32
        %dma_wait3A_42 = tpu.memref_slice %arg6[%add3A_36, %dma_wait3A_41] : memref<10240x128xf32, #tpu.memory_space<vmem_shared>> -> memref<128x128xf32, #tpu.memory_space<vmem_shared>>
        tpu.wait_dma2 semaphore(%run_scoped3A : memref<!tpu.dma_semaphore, #tpu.memory_space<semaphore_mem>>) src(%arg5 : memref<128x128xf32, #tpu.memory_space<vmem>>) dst(%dma_wait3A_42 : memref<128x128xf32, #tpu.memory_space<vmem_shared>>)
        tpu.yield
      }) : () -> ()
    }
    %scan3A_9 = arith.constant 5 : i32
    %scan3A_10 = arith.constant 0 : i32
    %scan3A_11 = arith.constant 128 : i32
    %scan3A_12 = arith.addi %scan3A_10, %scan3A_11 : i32
    %scan3A_13 = arith.constant 1 : i32
    scf.for %scan3A_27 = %scan3A_10 to %scan3A_12 step %scan3A_13  : i32 {
      %mul3A_28 = arith.constant 1 : i32
      %mul3A_29 = arith.muli %scan3A_27, %mul3A_28 : i32
      %add3A_30 = arith.constant 0 : i32
      %add3A_31 = arith.addi %add3A_30, %mul3A_29 : i32
      %scan3A_32 = arith.constant 0 : i32
      %scan3A_33 = arith.constant 8 : i32
      %scan3A_34 = arith.addi %scan3A_32, %scan3A_33 : i32
      %scan3A_35 = arith.constant 1 : i32
      scf.for %scan3A_37 = %scan3A_32 to %scan3A_34 step %scan3A_35  : i32 {
        %mul3A_38 = arith.constant 1 : i32
        %mul3A_39 = arith.muli %scan3A_37, %mul3A_38 : i32
        %add3A_40 = arith.constant 0 : i32
        %add3A_41 = arith.addi %add3A_40, %mul3A_39 : i32
        %broadcast_in_dim3A = arith.constant 1.000000e+00 : f32
        %broadcast_in_dim3A_42 = vector.broadcast %broadcast_in_dim3A : f32 to vector<16xf32>
        %mul3A_43 = arith.constant 16 : i32
        %mul3A_44 = arith.muli %add3A_41, %mul3A_43 : i32
        %swap3A = arith.index_cast %add3A_31 : i32 to index
        %swap3A_45 = arith.index_cast %mul3A_44 : i32 to index
        %swap3A_46 = tpu.vector_load %arg5[%swap3A, %swap3A_45] {strides = array<i32>} : memref<128x128xf32, #tpu.memory_space<vmem>>, vector<1x16xf32>,
        %swap3A_47 = vector.shape_cast %swap3A_46 : vector<1x16xf32> to vector<16xf32>
        %swap3A_48 = vector.shape_cast %broadcast_in_dim3A_42 : vector<16xf32> to vector<1x16xf32>
        tpu.vector_store %arg5[%swap3A, %swap3A_45], %swap3A_48 {strides = array<i32>} : memref<128x128xf32, #tpu.memory_space<vmem>>, vector<1x16xf32>,
      }
      %scan3A_36 = arith.constant 8 : i32
    }
    %scan3A_14 = arith.constant 128 : i32
    %mul3A_15 = arith.constant 80 : i32
    %mul3A_16 = arith.muli %add3A, %mul3A_15 : i32
    "tpu.region"() ({
      %run_scoped3A = tpu.sem_alloc : memref<!tpu.dma_semaphore, #tpu.memory_space<semaphore_mem>>
      %dma_start3A = arith.constant 0 : i32
      %dma_start3A_27 = tpu.memref_slice %arg2[%mul3A_16, %dma_start3A] : memref<2560x128xi32, #tpu.memory_space<hbm>> -> memref<80x128xi32, #tpu.memory_space<hbm>>
      %dma_start3A_28 = arith.constant 0 : i32
      %dma_start3A_29 = tpu.memref_slice %arg2[%mul3A_16, %dma_start3A_28] : memref<2560x128xi32, #tpu.memory_space<hbm>> -> memref<80x128xi32, #tpu.memory_space<hbm>>
      tpu.enqueue_dma source(%dma_start3A_29 : memref<80x128xi32, #tpu.memory_space<hbm>>) target(%arg4 : memref<80x128xi32, #tpu.memory_space<vmem>>) target_semaphore(%run_scoped3A : memref<!tpu.dma_semaphore, #tpu.memory_space<semaphore_mem>>)
      %dma_wait3A = arith.constant 0 : i32
      %dma_wait3A_30 = tpu.memref_slice %arg2[%mul3A_16, %dma_wait3A] : memref<2560x128xi32, #tpu.memory_space<hbm>> -> memref<80x128xi32, #tpu.memory_space<hbm>>
      %dma_wait3A_31 = arith.constant 0 : i32
      %dma_wait3A_32 = tpu.memref_slice %arg2[%mul3A_16, %dma_wait3A_31] : memref<2560x128xi32, #tpu.memory_space<hbm>> -> memref<80x128xi32, #tpu.memory_space<hbm>>
      tpu.wait_dma2 semaphore(%run_scoped3A : memref<!tpu.dma_semaphore, #tpu.memory_space<semaphore_mem>>) src(%dma_wait3A_32 : memref<80x128xi32, #tpu.memory_space<hbm>>) dst(%arg4 : memref<80x128xi32, #tpu.memory_space<vmem>>)
      tpu.yield
    }) : () -> ()
    %barrier3A = arith.constant 0 : index
    tpu.barrier barrier_id(%barrier3A)
    %scan3A_17 = arith.constant 0 : i32
    %scan3A_18 = arith.constant 80 : i32
    %scan3A_19 = arith.addi %scan3A_17, %scan3A_18 : i32
    %scan3A_20 = arith.constant 1 : i32
    scf.for %scan3A_27 = %scan3A_17 to %scan3A_19 step %scan3A_20  : i32 {
      %mul3A_28 = arith.constant 1 : i32
      %mul3A_29 = arith.muli %scan3A_27, %mul3A_28 : i32
      %add3A_30 = arith.constant 0 : i32
      %add3A_31 = arith.addi %add3A_30, %mul3A_29 : i32
      "tpu.region"() ({
        %run_scoped3A = tpu.sem_alloc : memref<!tpu.dma_semaphore, #tpu.memory_space<semaphore_mem>>
        %dma_start3A = arith.constant 0 : i32
        %dma_start3A_32 = tpu.memref_slice %arg4[%add3A_31, %dma_start3A] : memref<80x128xi32, #tpu.memory_space<vmem>> -> memref<1x128xi32, #tpu.memory_space<vmem>>
        %dma_start3A_33 = tpu.memref_squeeze %dma_start3A_32 : memref<1x128xi32, #tpu.memory_space<vmem>> -> memref<128xi32, #tpu.memory_space<vmem>>
        %dma_start3A_34 = arith.constant 0 : i32
        %dma_start3A_35 = arith.constant 0 : i32
        %dma_start3A_36 = tpu.memref_slice %arg6[%dma_start3A_34, %dma_start3A_35] : memref<10240x128xf32, #tpu.memory_space<vmem_shared>> -> memref<10240x128xf32, #tpu.memory_space<vmem_shared>>
        tpu.enqueue_indirect_dma source(%arg5 : memref<128x128xf32, #tpu.memory_space<vmem>>) target(%dma_start3A_36 : memref<10240x128xf32, #tpu.memory_space<vmem_shared>>) offsets(%dma_start3A_33 : memref<128xi32, #tpu.memory_space<vmem>>) semaphore(%run_scoped3A : memref<!tpu.dma_semaphore, #tpu.memory_space<semaphore_mem>>) {add = true}
        %dma_wait3A = arith.constant 0 : i32
        %dma_wait3A_37 = tpu.memref_slice %arg4[%add3A_31, %dma_wait3A] : memref<80x128xi32, #tpu.memory_space<vmem>> -> memref<1x128xi32, #tpu.memory_space<vmem>>
        %dma_wait3A_38 = tpu.memref_squeeze %dma_wait3A_37 : memref<1x128xi32, #tpu.memory_space<vmem>> -> memref<128xi32, #tpu.memory_space<vmem>>
        %dma_wait3A_39 = arith.constant 0 : i32
        %dma_wait3A_40 = arith.constant 0 : i32
        %dma_wait3A_41 = tpu.memref_slice %arg6[%dma_wait3A_39, %dma_wait3A_40] : memref<10240x128xf32, #tpu.memory_space<vmem_shared>> -> memref<10240x128xf32, #tpu.memory_space<vmem_shared>>
        tpu.wait_indirect_dma semaphore(%run_scoped3A : memref<!tpu.dma_semaphore, #tpu.memory_space<semaphore_mem>>) src(%arg5 : memref<128x128xf32, #tpu.memory_space<vmem>>) dst(%dma_wait3A_41 : memref<10240x128xf32, #tpu.memory_space<vmem_shared>>)
        tpu.yield
      }) : () -> ()
    }
    %scan3A_21 = arith.constant 80 : i32
    %barrier3A_22 = arith.constant 0 : index
    tpu.barrier barrier_id(%barrier3A_22)
    %mul3A_23 = arith.constant 640 : i32
    %mul3A_24 = arith.muli %arg1, %mul3A_23 : i32
    %mul3A_25 = arith.constant 640 : i32
    %mul3A_26 = arith.muli %arg1, %mul3A_25 : i32
    "tpu.region"() ({
      %run_scoped3A = tpu.sem_alloc : memref<!tpu.dma_semaphore, #tpu.memory_space<semaphore_mem>>
      %dma_start3A = arith.constant 0 : i32
      %dma_start3A_27 = arith.constant 0 : i32
      %dma_start3A_28 = tpu.memref_slice %arg3[%arg0, %dma_start3A, %dma_start3A_27] : memref<2x10240x128xf32, #tpu.memory_space<hbm>> -> memref<1x10240x128xf32, #tpu.memory_space<hbm>>
      %dma_start3A_29 = tpu.memref_squeeze %dma_start3A_28 : memref<1x10240x128xf32, #tpu.memory_space<hbm>> -> memref<10240x128xf32, #tpu.memory_space<hbm>>
      %dma_start3A_30 = arith.constant 0 : i32
      %dma_start3A_31 = tpu.memref_slice %dma_start3A_29[%mul3A_26, %dma_start3A_30] : memref<10240x128xf32, #tpu.memory_space<hbm>> -> memref<640x128xf32, #tpu.memory_space<hbm>>
      %dma_start3A_32 = arith.constant 0 : i32
      %dma_start3A_33 = tpu.memref_slice %arg6[%mul3A_24, %dma_start3A_32] : memref<10240x128xf32, #tpu.memory_space<vmem_shared>> -> memref<640x128xf32, #tpu.memory_space<vmem_shared>>
      tpu.enqueue_dma source(%dma_start3A_33 : memref<640x128xf32, #tpu.memory_space<vmem_shared>>) target(%dma_start3A_31 : memref<640x128xf32, #tpu.memory_space<hbm>>) target_semaphore(%run_scoped3A : memref<!tpu.dma_semaphore, #tpu.memory_space<semaphore_mem>>)
      %dma_wait3A = arith.constant 0 : i32
      %dma_wait3A_34 = arith.constant 0 : i32
      %dma_wait3A_35 = tpu.memref_slice %arg3[%arg0, %dma_wait3A, %dma_wait3A_34] : memref<2x10240x128xf32, #tpu.memory_space<hbm>> -> memref<1x10240x128xf32, #tpu.memory_space<hbm>>
      %dma_wait3A_36 = tpu.memref_squeeze %dma_wait3A_35 : memref<1x10240x128xf32, #tpu.memory_space<hbm>> -> memref<10240x128xf32, #tpu.memory_space<hbm>>
      %dma_wait3A_37 = arith.constant 0 : i32
      %dma_wait3A_38 = tpu.memref_slice %dma_wait3A_36[%mul3A_26, %dma_wait3A_37] : memref<10240x128xf32, #tpu.memory_space<hbm>> -> memref<640x128xf32, #tpu.memory_space<hbm>>
      %dma_wait3A_39 = arith.constant 0 : i32
      %dma_wait3A_40 = tpu.memref_slice %arg6[%mul3A_24, %dma_wait3A_39] : memref<10240x128xf32, #tpu.memory_space<vmem_shared>> -> memref<640x128xf32, #tpu.memory_space<vmem_shared>>
      tpu.wait_dma2 semaphore(%run_scoped3A : memref<!tpu.dma_semaphore, #tpu.memory_space<semaphore_mem>>) src(%dma_wait3A_40 : memref<640x128xf32, #tpu.memory_space<vmem_shared>>) dst(%dma_wait3A_38 : memref<640x128xf32, #tpu.memory_space<hbm>>)
      tpu.yield
    }) : () -> ()
    return
  }
}

#map = affine_map<(d0, d1) -> (0, 0)>
#map1 = affine_map<(d0, d1) -> (0, 0, 0)>
module attributes {stable_mosaic.version = 14 : i64} {
  func.func @k(%arg0: i32, %arg1: i32, %arg2: memref<10000x128xf32, #tpu.memory_space<hbm>>, %arg3: memref<2560x128xi32, #tpu.memory_space<hbm>>, %arg4: memref<2560x128xi32, #tpu.memory_space<hbm>>, %arg5: memref<2x10240x128xf32, #tpu.memory_space<hbm>>, %arg6: memref<8x128xi32, #tpu.memory_space<vmem>>, %arg7: memref<8x128xi32, #tpu.memory_space<vmem>>, %arg8: memref<8x128xi32, #tpu.memory_space<vmem>>, %arg9: memref<8x128xi32, #tpu.memory_space<vmem>>, %arg10: memref<128x128xf32, #tpu.memory_space<vmem>>, %arg11: memref<128x128xf32, #tpu.memory_space<vmem>>, %arg12: memref<!tpu.dma_semaphore, #tpu.memory_space<semaphore_mem>>, %arg13: memref<10240x128xf32, #tpu.memory_space<vmem_shared>>) attributes {dimension_semantics = [#tpu.dimension_semantics<core_parallel>, #tpu.dimension_semantics<subcore_parallel>], iteration_bounds = array<i64: 2, 16>, scalar_prefetch = 0 : i64, scratch_operands = 8 : i64, tpu.core_type = #tpu.core_type<sc_vector_subcore>, window_params = [{transform_indices = #map}, {transform_indices = #map}, {transform_indices = #map}, {transform_indices = #map1}]} {
    %eq3A = arith.constant 0 : i32
    %eq3A_0 = arith.cmpi eq, %arg0, %eq3A : i32
    %jit3A = arith.constant 14 : i32
    %jit3A_1 = arith.constant 6 : i32
    %select_n3A = arith.select %eq3A_0, %jit3A, %jit3A_1 : i32
    %mul3A = arith.constant 8 : i32
    %mul3A_2 = arith.muli %select_n3A, %mul3A : i32
    %eq3A_3 = arith.constant 0 : i32
    %eq3A_4 = arith.cmpi eq, %arg0, %eq3A_3 : i32
    %mul3A_5 = arith.constant 112 : i32
    %mul3A_6 = arith.muli %arg1, %mul3A_5 : i32
    %mul3A_7 = arith.constant 48 : i32
    %mul3A_8 = arith.muli %arg1, %mul3A_7 : i32
    %add3A = arith.constant 1792 : i32
    %add3A_9 = arith.addi %add3A, %mul3A_8 : i32
    %select_n3A_10 = arith.select %eq3A_4, %mul3A_6, %add3A_9 : i32
    %scan3A = arith.constant 0 : i32
    %scan3A_11 = arith.constant 128 : i32
    %scan3A_12 = arith.addi %scan3A, %scan3A_11 : i32
    %scan3A_13 = arith.constant 1 : i32
    scf.for %scan3A_52 = %scan3A to %scan3A_12 step %scan3A_13  : i32 {
      %mul3A_53 = arith.constant 1 : i32
      %mul3A_54 = arith.muli %scan3A_52, %mul3A_53 : i32
      %add3A_55 = arith.constant 0 : i32
      %add3A_56 = arith.addi %add3A_55, %mul3A_54 : i32
      %scan3A_57 = arith.constant 0 : i32
      %scan3A_58 = arith.constant 8 : i32
      %scan3A_59 = arith.addi %scan3A_57, %scan3A_58 : i32
      %scan3A_60 = arith.constant 1 : i32
      scf.for %scan3A_62 = %scan3A_57 to %scan3A_59 step %scan3A_60  : i32 {
        %mul3A_63 = arith.constant 1 : i32
        %mul3A_64 = arith.muli %scan3A_62, %mul3A_63 : i32
        %add3A_65 = arith.constant 0 : i32
        %add3A_66 = arith.addi %add3A_65, %mul3A_64 : i32
        %broadcast_in_dim3A = arith.constant 0.000000e+00 : f32
        %broadcast_in_dim3A_67 = vector.broadcast %broadcast_in_dim3A : f32 to vector<16xf32>
        %mul3A_68 = arith.constant 16 : i32
        %mul3A_69 = arith.muli %add3A_66, %mul3A_68 : i32
        %swap3A = arith.index_cast %add3A_56 : i32 to index
        %swap3A_70 = arith.index_cast %mul3A_69 : i32 to index
        %swap3A_71 = tpu.vector_load %arg10[%swap3A, %swap3A_70] {strides = array<i32>} : memref<128x128xf32, #tpu.memory_space<vmem>>, vector<1x16xf32>,
        %swap3A_72 = vector.shape_cast %swap3A_71 : vector<1x16xf32> to vector<16xf32>
        %swap3A_73 = vector.shape_cast %broadcast_in_dim3A_67 : vector<16xf32> to vector<1x16xf32>
        tpu.vector_store %arg10[%swap3A, %swap3A_70], %swap3A_73 {strides = array<i32>} : memref<128x128xf32, #tpu.memory_space<vmem>>, vector<1x16xf32>,
      }
      %scan3A_61 = arith.constant 8 : i32
    }
    %scan3A_14 = arith.constant 128 : i32
    %scan3A_15 = arith.constant 0 : i32
    %scan3A_16 = arith.constant 5 : i32
    %scan3A_17 = arith.addi %scan3A_15, %scan3A_16 : i32
    %scan3A_18 = arith.constant 1 : i32
    scf.for %scan3A_52 = %scan3A_15 to %scan3A_17 step %scan3A_18  : i32 {
      %mul3A_53 = arith.constant 1 : i32
      %mul3A_54 = arith.muli %scan3A_52, %mul3A_53 : i32
      %add3A_55 = arith.constant 0 : i32
      %add3A_56 = arith.addi %add3A_55, %mul3A_54 : i32
      %mul3A_57 = arith.constant 640 : i32
      %mul3A_58 = arith.muli %arg1, %mul3A_57 : i32
      %mul3A_59 = arith.constant 128 : i32
      %mul3A_60 = arith.muli %add3A_56, %mul3A_59 : i32
      %add3A_61 = arith.addi %mul3A_58, %mul3A_60 : i32
      "tpu.region"() ({
        %run_scoped3A = tpu.sem_alloc : memref<!tpu.dma_semaphore, #tpu.memory_space<semaphore_mem>>
        %dma_start3A_62 = arith.constant 0 : i32
        %dma_start3A_63 = tpu.memref_slice %arg13[%add3A_61, %dma_start3A_62] : memref<10240x128xf32, #tpu.memory_space<vmem_shared>> -> memref<128x128xf32, #tpu.memory_space<vmem_shared>>
        %dma_start3A_64 = arith.constant 0 : i32
        %dma_start3A_65 = tpu.memref_slice %arg13[%add3A_61, %dma_start3A_64] : memref<10240x128xf32, #tpu.memory_space<vmem_shared>> -> memref<128x128xf32, #tpu.memory_space<vmem_shared>>
        tpu.enqueue_dma source(%arg10 : memref<128x128xf32, #tpu.memory_space<vmem>>) target(%dma_start3A_65 : memref<128x128xf32, #tpu.memory_space<vmem_shared>>) target_semaphore(%run_scoped3A : memref<!tpu.dma_semaphore, #tpu.memory_space<semaphore_mem>>)
        %dma_wait3A = arith.constant 0 : i32
        %dma_wait3A_66 = tpu.memref_slice %arg13[%add3A_61, %dma_wait3A] : memref<10240x128xf32, #tpu.memory_space<vmem_shared>> -> memref<128x128xf32, #tpu.memory_space<vmem_shared>>
        %dma_wait3A_67 = arith.constant 0 : i32
        %dma_wait3A_68 = tpu.memref_slice %arg13[%add3A_61, %dma_wait3A_67] : memref<10240x128xf32, #tpu.memory_space<vmem_shared>> -> memref<128x128xf32, #tpu.memory_space<vmem_shared>>
        tpu.wait_dma2 semaphore(%run_scoped3A : memref<!tpu.dma_semaphore, #tpu.memory_space<semaphore_mem>>) src(%arg10 : memref<128x128xf32, #tpu.memory_space<vmem>>) dst(%dma_wait3A_68 : memref<128x128xf32, #tpu.memory_space<vmem_shared>>)
        tpu.yield
      }) : () -> ()
    }
    %scan3A_19 = arith.constant 5 : i32
    %add3A_20 = arith.constant 0 : i32
    %add3A_21 = arith.addi %select_n3A_10, %add3A_20 : i32
    %multiple_of3A = tpu.assume_multiple %add3A_21, 8 : i32
    "tpu.region"() ({
      %run_scoped3A = tpu.sem_alloc : memref<!tpu.dma_semaphore, #tpu.memory_space<semaphore_mem>>
      %dma_start3A_52 = arith.constant 0 : i32
      %dma_start3A_53 = tpu.memref_slice %arg3[%multiple_of3A, %dma_start3A_52] : memref<2560x128xi32, #tpu.memory_space<hbm>> -> memref<8x128xi32, #tpu.memory_space<hbm>>
      %dma_start3A_54 = arith.constant 0 : i32
      %dma_start3A_55 = tpu.memref_slice %arg3[%multiple_of3A, %dma_start3A_54] : memref<2560x128xi32, #tpu.memory_space<hbm>> -> memref<8x128xi32, #tpu.memory_space<hbm>>
      tpu.enqueue_dma source(%dma_start3A_55 : memref<8x128xi32, #tpu.memory_space<hbm>>) target(%arg6 : memref<8x128xi32, #tpu.memory_space<vmem>>) target_semaphore(%run_scoped3A : memref<!tpu.dma_semaphore, #tpu.memory_space<semaphore_mem>>)
      %dma_wait3A = arith.constant 0 : i32
      %dma_wait3A_56 = tpu.memref_slice %arg3[%multiple_of3A, %dma_wait3A] : memref<2560x128xi32, #tpu.memory_space<hbm>> -> memref<8x128xi32, #tpu.memory_space<hbm>>
      %dma_wait3A_57 = arith.constant 0 : i32
      %dma_wait3A_58 = tpu.memref_slice %arg3[%multiple_of3A, %dma_wait3A_57] : memref<2560x128xi32, #tpu.memory_space<hbm>> -> memref<8x128xi32, #tpu.memory_space<hbm>>
      tpu.wait_dma2 semaphore(%run_scoped3A : memref<!tpu.dma_semaphore, #tpu.memory_space<semaphore_mem>>) src(%dma_wait3A_58 : memref<8x128xi32, #tpu.memory_space<hbm>>) dst(%arg6 : memref<8x128xi32, #tpu.memory_space<vmem>>)
      tpu.yield
    }) : () -> ()
    %add3A_22 = arith.constant 0 : i32
    %add3A_23 = arith.addi %select_n3A_10, %add3A_22 : i32
    %multiple_of3A_24 = tpu.assume_multiple %add3A_23, 8 : i32
    "tpu.region"() ({
      %run_scoped3A = tpu.sem_alloc : memref<!tpu.dma_semaphore, #tpu.memory_space<semaphore_mem>>
      %dma_start3A_52 = arith.constant 0 : i32
      %dma_start3A_53 = tpu.memref_slice %arg4[%multiple_of3A_24, %dma_start3A_52] : memref<2560x128xi32, #tpu.memory_space<hbm>> -> memref<8x128xi32, #tpu.memory_space<hbm>>
      %dma_start3A_54 = arith.constant 0 : i32
      %dma_start3A_55 = tpu.memref_slice %arg4[%multiple_of3A_24, %dma_start3A_54] : memref<2560x128xi32, #tpu.memory_space<hbm>> -> memref<8x128xi32, #tpu.memory_space<hbm>>
      tpu.enqueue_dma source(%dma_start3A_55 : memref<8x128xi32, #tpu.memory_space<hbm>>) target(%arg7 : memref<8x128xi32, #tpu.memory_space<vmem>>) target_semaphore(%run_scoped3A : memref<!tpu.dma_semaphore, #tpu.memory_space<semaphore_mem>>)
      %dma_wait3A = arith.constant 0 : i32
      %dma_wait3A_56 = tpu.memref_slice %arg4[%multiple_of3A_24, %dma_wait3A] : memref<2560x128xi32, #tpu.memory_space<hbm>> -> memref<8x128xi32, #tpu.memory_space<hbm>>
      %dma_wait3A_57 = arith.constant 0 : i32
      %dma_wait3A_58 = tpu.memref_slice %arg4[%multiple_of3A_24, %dma_wait3A_57] : memref<2560x128xi32, #tpu.memory_space<hbm>> -> memref<8x128xi32, #tpu.memory_space<hbm>>
      tpu.wait_dma2 semaphore(%run_scoped3A : memref<!tpu.dma_semaphore, #tpu.memory_space<semaphore_mem>>) src(%dma_wait3A_58 : memref<8x128xi32, #tpu.memory_space<hbm>>) dst(%arg7 : memref<8x128xi32, #tpu.memory_space<vmem>>)
      tpu.yield
    }) : () -> ()
    %barrier3A = arith.constant 0 : index
    tpu.barrier barrier_id(%barrier3A)
    %dma_start3A = arith.constant 0 : i32
    %dma_start3A_25 = arith.constant 0 : i32
    %dma_start3A_26 = tpu.memref_slice %arg6[%dma_start3A, %dma_start3A_25] : memref<8x128xi32, #tpu.memory_space<vmem>> -> memref<1x128xi32, #tpu.memory_space<vmem>>
    %dma_start3A_27 = tpu.memref_squeeze %dma_start3A_26 : memref<1x128xi32, #tpu.memory_space<vmem>> -> memref<128xi32, #tpu.memory_space<vmem>>
    %dma_start3A_28 = arith.constant 0 : i32
    %dma_start3A_29 = arith.constant 0 : i32
    %dma_start3A_30 = tpu.memref_slice %arg2[%dma_start3A_28, %dma_start3A_29] : memref<10000x128xf32, #tpu.memory_space<hbm>> -> memref<10000x128xf32, #tpu.memory_space<hbm>>
    tpu.enqueue_indirect_dma source(%dma_start3A_30 : memref<10000x128xf32, #tpu.memory_space<hbm>>) target(%arg10 : memref<128x128xf32, #tpu.memory_space<vmem>>) offsets(%dma_start3A_27 : memref<128xi32, #tpu.memory_space<vmem>>) semaphore(%arg12 : memref<!tpu.dma_semaphore, #tpu.memory_space<semaphore_mem>>)
    %sub3A = arith.constant 0 : i32
    %sub3A_31 = arith.subi %select_n3A, %sub3A : i32
    %sub3A_32 = arith.constant 2 : i32
    %sub3A_33 = arith.constant 1 : i32
    %sub3A_34 = arith.subi %sub3A_32, %sub3A_33 : i32
    %add3A_35 = arith.addi %sub3A_31, %sub3A_34 : i32
    %div3A = arith.constant 2 : i32
    %div3A_36 = arith.divsi %add3A_35, %div3A : i32
    %while3A = arith.constant 2 : i32
    %while3A_37 = arith.constant 0 : i32
    %while3A_38 = arith.constant 0 : i32
    %while3A_39 = arith.subi %div3A_36, %while3A_38 : i32
    %while3A_40 = arith.addi %while3A_38, %while3A_39 : i32
    %while3A_41 = arith.constant 1 : i32
    %while3A_42 = arith.divsi %while3A_39, %while3A_41 : i32
    %while3A_43 = arith.muli %while3A_42, %while3A_41 : i32
    %while3A_44 = arith.addi %while3A_38, %while3A_43 : i32
    %while3A_45 = arith.constant 1 : i32
    scf.for %while3A_52 = %while3A_38 to %while3A_44 step %while3A_45  : i32 {
      %mul3A_53 = arith.muli %while3A_52, %while3A : i32
      %add3A_54 = arith.addi %while3A_37, %mul3A_53 : i32
      %add3A_55 = arith.constant 0 : i32
      %add3A_56 = arith.addi %add3A_54, %add3A_55 : i32
      %mul3A_57 = arith.constant 8 : i32
      %mul3A_58 = arith.muli %add3A_56, %mul3A_57 : i32
      %add3A_59 = arith.constant 0 : i32
      %add3A_60 = arith.addi %mul3A_58, %add3A_59 : i32
      %dma_wait3A = arith.constant 0 : i32
      %dma_wait3A_61 = arith.constant 0 : i32
      %dma_wait3A_62 = tpu.memref_slice %arg2[%dma_wait3A, %dma_wait3A_61] : memref<10000x128xf32, #tpu.memory_space<hbm>> -> memref<128x128xf32, #tpu.memory_space<hbm>>
      %dma_wait3A_63 = arith.constant 0 : i32
      %dma_wait3A_64 = arith.constant 0 : i32
      %dma_wait3A_65 = tpu.memref_slice %arg2[%dma_wait3A_63, %dma_wait3A_64] : memref<10000x128xf32, #tpu.memory_space<hbm>> -> memref<128x128xf32, #tpu.memory_space<hbm>>
      tpu.wait_dma2 semaphore(%arg12 : memref<!tpu.dma_semaphore, #tpu.memory_space<semaphore_mem>>) src(%dma_wait3A_65 : memref<128x128xf32, #tpu.memory_space<hbm>>) dst(%arg10 : memref<128x128xf32, #tpu.memory_space<vmem>>)
      %dma_start3A_66 = arith.constant 1 : i32
      %dma_start3A_67 = arith.constant 0 : i32
      %dma_start3A_68 = tpu.memref_slice %arg6[%dma_start3A_66, %dma_start3A_67] : memref<8x128xi32, #tpu.memory_space<vmem>> -> memref<1x128xi32, #tpu.memory_space<vmem>>
      %dma_start3A_69 = tpu.memref_squeeze %dma_start3A_68 : memref<1x128xi32, #tpu.memory_space<vmem>> -> memref<128xi32, #tpu.memory_space<vmem>>
      %dma_start3A_70 = arith.constant 0 : i32
      %dma_start3A_71 = arith.constant 0 : i32
      %dma_start3A_72 = tpu.memref_slice %arg2[%dma_start3A_70, %dma_start3A_71] : memref<10000x128xf32, #tpu.memory_space<hbm>> -> memref<10000x128xf32, #tpu.memory_space<hbm>>
      tpu.enqueue_indirect_dma source(%dma_start3A_72 : memref<10000x128xf32, #tpu.memory_space<hbm>>) target(%arg11 : memref<128x128xf32, #tpu.memory_space<vmem>>) offsets(%dma_start3A_69 : memref<128xi32, #tpu.memory_space<vmem>>) semaphore(%arg12 : memref<!tpu.dma_semaphore, #tpu.memory_space<semaphore_mem>>)
      %run_scoped3A = arith.constant 0 : i32
      "tpu.region"() ({
        %run_scoped3A_352 = tpu.sem_alloc : memref<!tpu.dma_semaphore, #tpu.memory_space<semaphore_mem>>
        %dma_start3A_353 = arith.constant 0 : i32
        %dma_start3A_354 = tpu.memref_slice %arg7[%run_scoped3A, %dma_start3A_353] : memref<8x128xi32, #tpu.memory_space<vmem>> -> memref<1x128xi32, #tpu.memory_space<vmem>>
        %dma_start3A_355 = tpu.memref_squeeze %dma_start3A_354 : memref<1x128xi32, #tpu.memory_space<vmem>> -> memref<128xi32, #tpu.memory_space<vmem>>
        %dma_start3A_356 = arith.constant 0 : i32
        %dma_start3A_357 = arith.constant 0 : i32
        %dma_start3A_358 = tpu.memref_slice %arg13[%dma_start3A_356, %dma_start3A_357] : memref<10240x128xf32, #tpu.memory_space<vmem_shared>> -> memref<10240x128xf32, #tpu.memory_space<vmem_shared>>
        tpu.enqueue_indirect_dma source(%arg10 : memref<128x128xf32, #tpu.memory_space<vmem>>) target(%dma_start3A_358 : memref<10240x128xf32, #tpu.memory_space<vmem_shared>>) offsets(%dma_start3A_355 : memref<128xi32, #tpu.memory_space<vmem>>) semaphore(%run_scoped3A_352 : memref<!tpu.dma_semaphore, #tpu.memory_space<semaphore_mem>>) {add = true}
        %dma_wait3A_359 = arith.constant 0 : i32
        %dma_wait3A_360 = tpu.memref_slice %arg7[%run_scoped3A, %dma_wait3A_359] : memref<8x128xi32, #tpu.memory_space<vmem>> -> memref<1x128xi32, #tpu.memory_space<vmem>>
        %dma_wait3A_361 = tpu.memref_squeeze %dma_wait3A_360 : memref<1x128xi32, #tpu.memory_space<vmem>> -> memref<128xi32, #tpu.memory_space<vmem>>
        %dma_wait3A_362 = arith.constant 0 : i32
        %dma_wait3A_363 = arith.constant 0 : i32
        %dma_wait3A_364 = tpu.memref_slice %arg13[%dma_wait3A_362, %dma_wait3A_363] : memref<10240x128xf32, #tpu.memory_space<vmem_shared>> -> memref<10240x128xf32, #tpu.memory_space<vmem_shared>>
        tpu.wait_indirect_dma semaphore(%run_scoped3A_352 : memref<!tpu.dma_semaphore, #tpu.memory_space<semaphore_mem>>) src(%arg10 : memref<128x128xf32, #tpu.memory_space<vmem>>) dst(%dma_wait3A_364 : memref<10240x128xf32, #tpu.memory_space<vmem_shared>>)
        tpu.yield
      }) : () -> ()
      %mul3A_73 = arith.constant 8 : i32
      %mul3A_74 = arith.muli %add3A_56, %mul3A_73 : i32
      %add3A_75 = arith.constant 1 : i32
      %add3A_76 = arith.addi %mul3A_74, %add3A_75 : i32
      %dma_wait3A_77 = arith.constant 0 : i32
      %dma_wait3A_78 = arith.constant 0 : i32
      %dma_wait3A_79 = tpu.memref_slice %arg2[%dma_wait3A_77, %dma_wait3A_78] : memref<10000x128xf32, #tpu.memory_space<hbm>> -> memref<128x128xf32, #tpu.memory_space<hbm>>
      %dma_wait3A_80 = arith.constant 0 : i32
      %dma_wait3A_81 = arith.constant 0 : i32
      %dma_wait3A_82 = tpu.memref_slice %arg2[%dma_wait3A_80, %dma_wait3A_81] : memref<10000x128xf32, #tpu.memory_space<hbm>> -> memref<128x128xf32, #tpu.memory_space<hbm>>
      tpu.wait_dma2 semaphore(%arg12 : memref<!tpu.dma_semaphore, #tpu.memory_space<semaphore_mem>>) src(%dma_wait3A_82 : memref<128x128xf32, #tpu.memory_space<hbm>>) dst(%arg11 : memref<128x128xf32, #tpu.memory_space<vmem>>)
      %dma_start3A_83 = arith.constant 2 : i32
      %dma_start3A_84 = arith.constant 0 : i32
      %dma_start3A_85 = tpu.memref_slice %arg6[%dma_start3A_83, %dma_start3A_84] : memref<8x128xi32, #tpu.memory_space<vmem>> -> memref<1x128xi32, #tpu.memory_space<vmem>>
      %dma_start3A_86 = tpu.memref_squeeze %dma_start3A_85 : memref<1x128xi32, #tpu.memory_space<vmem>> -> memref<128xi32, #tpu.memory_space<vmem>>
      %dma_start3A_87 = arith.constant 0 : i32
      %dma_start3A_88 = arith.constant 0 : i32
      %dma_start3A_89 = tpu.memref_slice %arg2[%dma_start3A_87, %dma_start3A_88] : memref<10000x128xf32, #tpu.memory_space<hbm>> -> memref<10000x128xf32, #tpu.memory_space<hbm>>
      tpu.enqueue_indirect_dma source(%dma_start3A_89 : memref<10000x128xf32, #tpu.memory_space<hbm>>) target(%arg10 : memref<128x128xf32, #tpu.memory_space<vmem>>) offsets(%dma_start3A_86 : memref<128xi32, #tpu.memory_space<vmem>>) semaphore(%arg12 : memref<!tpu.dma_semaphore, #tpu.memory_space<semaphore_mem>>)
      %add3A_90 = arith.constant 1 : i32
      %add3A_91 = arith.addi %add3A_56, %add3A_90 : i32
      %lt3A = arith.cmpi slt, %add3A_91, %select_n3A : i32
      %convert_element_type3A = arith.extui %lt3A : i1 to i32
      %cond3A = arith.constant 0 : i32
      %cond3A_92 = arith.cmpi ne, %convert_element_type3A, %cond3A : i32
      scf.if %cond3A_92 {
        %add3A_352 = arith.constant 1 : i32
        %add3A_353 = arith.addi %add3A_56, %add3A_352 : i32
        %mul3A_354 = arith.constant 8 : i32
        %mul3A_355 = arith.muli %add3A_353, %mul3A_354 : i32
        %add3A_356 = arith.addi %select_n3A_10, %mul3A_355 : i32
        %multiple_of3A_357 = tpu.assume_multiple %add3A_356, 8 : i32
        "tpu.region"() ({
          %run_scoped3A_360 = tpu.sem_alloc : memref<!tpu.dma_semaphore, #tpu.memory_space<semaphore_mem>>
          %dma_start3A_361 = arith.constant 0 : i32
          %dma_start3A_362 = tpu.memref_slice %arg3[%multiple_of3A_357, %dma_start3A_361] : memref<2560x128xi32, #tpu.memory_space<hbm>> -> memref<8x128xi32, #tpu.memory_space<hbm>>
          %dma_start3A_363 = arith.constant 0 : i32
          %dma_start3A_364 = tpu.memref_slice %arg3[%multiple_of3A_357, %dma_start3A_363] : memref<2560x128xi32, #tpu.memory_space<hbm>> -> memref<8x128xi32, #tpu.memory_space<hbm>>
          tpu.enqueue_dma source(%dma_start3A_364 : memref<8x128xi32, #tpu.memory_space<hbm>>) target(%arg8 : memref<8x128xi32, #tpu.memory_space<vmem>>) target_semaphore(%run_scoped3A_360 : memref<!tpu.dma_semaphore, #tpu.memory_space<semaphore_mem>>)
          %dma_wait3A_365 = arith.constant 0 : i32
          %dma_wait3A_366 = tpu.memref_slice %arg3[%multiple_of3A_357, %dma_wait3A_365] : memref<2560x128xi32, #tpu.memory_space<hbm>> -> memref<8x128xi32, #tpu.memory_space<hbm>>
          %dma_wait3A_367 = arith.constant 0 : i32
          %dma_wait3A_368 = tpu.memref_slice %arg3[%multiple_of3A_357, %dma_wait3A_367] : memref<2560x128xi32, #tpu.memory_space<hbm>> -> memref<8x128xi32, #tpu.memory_space<hbm>>
          tpu.wait_dma2 semaphore(%run_scoped3A_360 : memref<!tpu.dma_semaphore, #tpu.memory_space<semaphore_mem>>) src(%dma_wait3A_368 : memref<8x128xi32, #tpu.memory_space<hbm>>) dst(%arg8 : memref<8x128xi32, #tpu.memory_space<vmem>>)
          tpu.yield
        }) : () -> ()
        %add3A_358 = arith.addi %select_n3A_10, %mul3A_355 : i32
        %multiple_of3A_359 = tpu.assume_multiple %add3A_358, 8 : i32
        "tpu.region"() ({
          %run_scoped3A_360 = tpu.sem_alloc : memref<!tpu.dma_semaphore, #tpu.memory_space<semaphore_mem>>
          %dma_start3A_361 = arith.constant 0 : i32
          %dma_start3A_362 = tpu.memref_slice %arg4[%multiple_of3A_359, %dma_start3A_361] : memref<2560x128xi32, #tpu.memory_space<hbm>> -> memref<8x128xi32, #tpu.memory_space<hbm>>
          %dma_start3A_363 = arith.constant 0 : i32
          %dma_start3A_364 = tpu.memref_slice %arg4[%multiple_of3A_359, %dma_start3A_363] : memref<2560x128xi32, #tpu.memory_space<hbm>> -> memref<8x128xi32, #tpu.memory_space<hbm>>
          tpu.enqueue_dma source(%dma_start3A_364 : memref<8x128xi32, #tpu.memory_space<hbm>>) target(%arg9 : memref<8x128xi32, #tpu.memory_space<vmem>>) target_semaphore(%run_scoped3A_360 : memref<!tpu.dma_semaphore, #tpu.memory_space<semaphore_mem>>)
          %dma_wait3A_365 = arith.constant 0 : i32
          %dma_wait3A_366 = tpu.memref_slice %arg4[%multiple_of3A_359, %dma_wait3A_365] : memref<2560x128xi32, #tpu.memory_space<hbm>> -> memref<8x128xi32, #tpu.memory_space<hbm>>
          %dma_wait3A_367 = arith.constant 0 : i32
          %dma_wait3A_368 = tpu.memref_slice %arg4[%multiple_of3A_359, %dma_wait3A_367] : memref<2560x128xi32, #tpu.memory_space<hbm>> -> memref<8x128xi32, #tpu.memory_space<hbm>>
          tpu.wait_dma2 semaphore(%run_scoped3A_360 : memref<!tpu.dma_semaphore, #tpu.memory_space<semaphore_mem>>) src(%dma_wait3A_368 : memref<8x128xi32, #tpu.memory_space<hbm>>) dst(%arg9 : memref<8x128xi32, #tpu.memory_space<vmem>>)
          tpu.yield
        }) : () -> ()
      } else {
      }
      %run_scoped3A_93 = arith.constant 1 : i32
      "tpu.region"() ({
        %run_scoped3A_352 = tpu.sem_alloc : memref<!tpu.dma_semaphore, #tpu.memory_space<semaphore_mem>>
        %dma_start3A_353 = arith.constant 0 : i32
        %dma_start3A_354 = tpu.memref_slice %arg7[%run_scoped3A_93, %dma_start3A_353] : memref<8x128xi32, #tpu.memory_space<vmem>> -> memref<1x128xi32, #tpu.memory_space<vmem>>
        %dma_start3A_355 = tpu.memref_squeeze %dma_start3A_354 : memref<1x128xi32, #tpu.memory_space<vmem>> -> memref<128xi32, #tpu.memory_space<vmem>>
        %dma_start3A_356 = arith.constant 0 : i32
        %dma_start3A_357 = arith.constant 0 : i32
        %dma_start3A_358 = tpu.memref_slice %arg13[%dma_start3A_356, %dma_start3A_357] : memref<10240x128xf32, #tpu.memory_space<vmem_shared>> -> memref<10240x128xf32, #tpu.memory_space<vmem_shared>>
        tpu.enqueue_indirect_dma source(%arg11 : memref<128x128xf32, #tpu.memory_space<vmem>>) target(%dma_start3A_358 : memref<10240x128xf32, #tpu.memory_space<vmem_shared>>) offsets(%dma_start3A_355 : memref<128xi32, #tpu.memory_space<vmem>>) semaphore(%run_scoped3A_352 : memref<!tpu.dma_semaphore, #tpu.memory_space<semaphore_mem>>) {add = true}
        %dma_wait3A_359 = arith.constant 0 : i32
        %dma_wait3A_360 = tpu.memref_slice %arg7[%run_scoped3A_93, %dma_wait3A_359] : memref<8x128xi32, #tpu.memory_space<vmem>> -> memref<1x128xi32, #tpu.memory_space<vmem>>
        %dma_wait3A_361 = tpu.memref_squeeze %dma_wait3A_360 : memref<1x128xi32, #tpu.memory_space<vmem>> -> memref<128xi32, #tpu.memory_space<vmem>>
        %dma_wait3A_362 = arith.constant 0 : i32
        %dma_wait3A_363 = arith.constant 0 : i32
        %dma_wait3A_364 = tpu.memref_slice %arg13[%dma_wait3A_362, %dma_wait3A_363] : memref<10240x128xf32, #tpu.memory_space<vmem_shared>> -> memref<10240x128xf32, #tpu.memory_space<vmem_shared>>
        tpu.wait_indirect_dma semaphore(%run_scoped3A_352 : memref<!tpu.dma_semaphore, #tpu.memory_space<semaphore_mem>>) src(%arg11 : memref<128x128xf32, #tpu.memory_space<vmem>>) dst(%dma_wait3A_364 : memref<10240x128xf32, #tpu.memory_space<vmem_shared>>)
        tpu.yield
      }) : () -> ()
      %mul3A_94 = arith.constant 8 : i32
      %mul3A_95 = arith.muli %add3A_56, %mul3A_94 : i32
      %add3A_96 = arith.constant 2 : i32
      %add3A_97 = arith.addi %mul3A_95, %add3A_96 : i32
      %dma_wait3A_98 = arith.constant 0 : i32
      %dma_wait3A_99 = arith.constant 0 : i32
      %dma_wait3A_100 = tpu.memref_slice %arg2[%dma_wait3A_98, %dma_wait3A_99] : memref<10000x128xf32, #tpu.memory_space<hbm>> -> memref<128x128xf32, #tpu.memory_space<hbm>>
      %dma_wait3A_101 = arith.constant 0 : i32
      %dma_wait3A_102 = arith.constant 0 : i32
      %dma_wait3A_103 = tpu.memref_slice %arg2[%dma_wait3A_101, %dma_wait3A_102] : memref<10000x128xf32, #tpu.memory_space<hbm>> -> memref<128x128xf32, #tpu.memory_space<hbm>>
      tpu.wait_dma2 semaphore(%arg12 : memref<!tpu.dma_semaphore, #tpu.memory_space<semaphore_mem>>) src(%dma_wait3A_103 : memref<128x128xf32, #tpu.memory_space<hbm>>) dst(%arg10 : memref<128x128xf32, #tpu.memory_space<vmem>>)
      %dma_start3A_104 = arith.constant 3 : i32
      %dma_start3A_105 = arith.constant 0 : i32
      %dma_start3A_106 = tpu.memref_slice %arg6[%dma_start3A_104, %dma_start3A_105] : memref<8x128xi32, #tpu.memory_space<vmem>> -> memref<1x128xi32, #tpu.memory_space<vmem>>
      %dma_start3A_107 = tpu.memref_squeeze %dma_start3A_106 : memref<1x128xi32, #tpu.memory_space<vmem>> -> memref<128xi32, #tpu.memory_space<vmem>>
      %dma_start3A_108 = arith.constant 0 : i32
      %dma_start3A_109 = arith.constant 0 : i32
      %dma_start3A_110 = tpu.memref_slice %arg2[%dma_start3A_108, %dma_start3A_109] : memref<10000x128xf32, #tpu.memory_space<hbm>> -> memref<10000x128xf32, #tpu.memory_space<hbm>>
      tpu.enqueue_indirect_dma source(%dma_start3A_110 : memref<10000x128xf32, #tpu.memory_space<hbm>>) target(%arg11 : memref<128x128xf32, #tpu.memory_space<vmem>>) offsets(%dma_start3A_107 : memref<128xi32, #tpu.memory_space<vmem>>) semaphore(%arg12 : memref<!tpu.dma_semaphore, #tpu.memory_space<semaphore_mem>>)
      %run_scoped3A_111 = arith.constant 2 : i32
      "tpu.region"() ({
        %run_scoped3A_352 = tpu.sem_alloc : memref<!tpu.dma_semaphore, #tpu.memory_space<semaphore_mem>>
        %dma_start3A_353 = arith.constant 0 : i32
        %dma_start3A_354 = tpu.memref_slice %arg7[%run_scoped3A_111, %dma_start3A_353] : memref<8x128xi32, #tpu.memory_space<vmem>> -> memref<1x128xi32, #tpu.memory_space<vmem>>
        %dma_start3A_355 = tpu.memref_squeeze %dma_start3A_354 : memref<1x128xi32, #tpu.memory_space<vmem>> -> memref<128xi32, #tpu.memory_space<vmem>>
        %dma_start3A_356 = arith.constant 0 : i32
        %dma_start3A_357 = arith.constant 0 : i32
        %dma_start3A_358 = tpu.memref_slice %arg13[%dma_start3A_356, %dma_start3A_357] : memref<10240x128xf32, #tpu.memory_space<vmem_shared>> -> memref<10240x128xf32, #tpu.memory_space<vmem_shared>>
        tpu.enqueue_indirect_dma source(%arg10 : memref<128x128xf32, #tpu.memory_space<vmem>>) target(%dma_start3A_358 : memref<10240x128xf32, #tpu.memory_space<vmem_shared>>) offsets(%dma_start3A_355 : memref<128xi32, #tpu.memory_space<vmem>>) semaphore(%run_scoped3A_352 : memref<!tpu.dma_semaphore, #tpu.memory_space<semaphore_mem>>) {add = true}
        %dma_wait3A_359 = arith.constant 0 : i32
        %dma_wait3A_360 = tpu.memref_slice %arg7[%run_scoped3A_111, %dma_wait3A_359] : memref<8x128xi32, #tpu.memory_space<vmem>> -> memref<1x128xi32, #tpu.memory_space<vmem>>
        %dma_wait3A_361 = tpu.memref_squeeze %dma_wait3A_360 : memref<1x128xi32, #tpu.memory_space<vmem>> -> memref<128xi32, #tpu.memory_space<vmem>>
        %dma_wait3A_362 = arith.constant 0 : i32
        %dma_wait3A_363 = arith.constant 0 : i32
        %dma_wait3A_364 = tpu.memref_slice %arg13[%dma_wait3A_362, %dma_wait3A_363] : memref<10240x128xf32, #tpu.memory_space<vmem_shared>> -> memref<10240x128xf32, #tpu.memory_space<vmem_shared>>
        tpu.wait_indirect_dma semaphore(%run_scoped3A_352 : memref<!tpu.dma_semaphore, #tpu.memory_space<semaphore_mem>>) src(%arg10 : memref<128x128xf32, #tpu.memory_space<vmem>>) dst(%dma_wait3A_364 : memref<10240x128xf32, #tpu.memory_space<vmem_shared>>)
        tpu.yield
      }) : () -> ()
      %mul3A_112 = arith.constant 8 : i32
      %mul3A_113 = arith.muli %add3A_56, %mul3A_112 : i32
      %add3A_114 = arith.constant 3 : i32
      %add3A_115 = arith.addi %mul3A_113, %add3A_114 : i32
      %dma_wait3A_116 = arith.constant 0 : i32
      %dma_wait3A_117 = arith.constant 0 : i32
      %dma_wait3A_118 = tpu.memref_slice %arg2[%dma_wait3A_116, %dma_wait3A_117] : memref<10000x128xf32, #tpu.memory_space<hbm>> -> memref<128x128xf32, #tpu.memory_space<hbm>>
      %dma_wait3A_119 = arith.constant 0 : i32
      %dma_wait3A_120 = arith.constant 0 : i32
      %dma_wait3A_121 = tpu.memref_slice %arg2[%dma_wait3A_119, %dma_wait3A_120] : memref<10000x128xf32, #tpu.memory_space<hbm>> -> memref<128x128xf32, #tpu.memory_space<hbm>>
      tpu.wait_dma2 semaphore(%arg12 : memref<!tpu.dma_semaphore, #tpu.memory_space<semaphore_mem>>) src(%dma_wait3A_121 : memref<128x128xf32, #tpu.memory_space<hbm>>) dst(%arg11 : memref<128x128xf32, #tpu.memory_space<vmem>>)
      %dma_start3A_122 = arith.constant 4 : i32
      %dma_start3A_123 = arith.constant 0 : i32
      %dma_start3A_124 = tpu.memref_slice %arg6[%dma_start3A_122, %dma_start3A_123] : memref<8x128xi32, #tpu.memory_space<vmem>> -> memref<1x128xi32, #tpu.memory_space<vmem>>
      %dma_start3A_125 = tpu.memref_squeeze %dma_start3A_124 : memref<1x128xi32, #tpu.memory_space<vmem>> -> memref<128xi32, #tpu.memory_space<vmem>>
      %dma_start3A_126 = arith.constant 0 : i32
      %dma_start3A_127 = arith.constant 0 : i32
      %dma_start3A_128 = tpu.memref_slice %arg2[%dma_start3A_126, %dma_start3A_127] : memref<10000x128xf32, #tpu.memory_space<hbm>> -> memref<10000x128xf32, #tpu.memory_space<hbm>>
      tpu.enqueue_indirect_dma source(%dma_start3A_128 : memref<10000x128xf32, #tpu.memory_space<hbm>>) target(%arg10 : memref<128x128xf32, #tpu.memory_space<vmem>>) offsets(%dma_start3A_125 : memref<128xi32, #tpu.memory_space<vmem>>) semaphore(%arg12 : memref<!tpu.dma_semaphore, #tpu.memory_space<semaphore_mem>>)
      %run_scoped3A_129 = arith.constant 3 : i32
      "tpu.region"() ({
        %run_scoped3A_352 = tpu.sem_alloc : memref<!tpu.dma_semaphore, #tpu.memory_space<semaphore_mem>>
        %dma_start3A_353 = arith.constant 0 : i32
        %dma_start3A_354 = tpu.memref_slice %arg7[%run_scoped3A_129, %dma_start3A_353] : memref<8x128xi32, #tpu.memory_space<vmem>> -> memref<1x128xi32, #tpu.memory_space<vmem>>
        %dma_start3A_355 = tpu.memref_squeeze %dma_start3A_354 : memref<1x128xi32, #tpu.memory_space<vmem>> -> memref<128xi32, #tpu.memory_space<vmem>>
        %dma_start3A_356 = arith.constant 0 : i32
        %dma_start3A_357 = arith.constant 0 : i32
        %dma_start3A_358 = tpu.memref_slice %arg13[%dma_start3A_356, %dma_start3A_357] : memref<10240x128xf32, #tpu.memory_space<vmem_shared>> -> memref<10240x128xf32, #tpu.memory_space<vmem_shared>>
        tpu.enqueue_indirect_dma source(%arg11 : memref<128x128xf32, #tpu.memory_space<vmem>>) target(%dma_start3A_358 : memref<10240x128xf32, #tpu.memory_space<vmem_shared>>) offsets(%dma_start3A_355 : memref<128xi32, #tpu.memory_space<vmem>>) semaphore(%run_scoped3A_352 : memref<!tpu.dma_semaphore, #tpu.memory_space<semaphore_mem>>) {add = true}
        %dma_wait3A_359 = arith.constant 0 : i32
        %dma_wait3A_360 = tpu.memref_slice %arg7[%run_scoped3A_129, %dma_wait3A_359] : memref<8x128xi32, #tpu.memory_space<vmem>> -> memref<1x128xi32, #tpu.memory_space<vmem>>
        %dma_wait3A_361 = tpu.memref_squeeze %dma_wait3A_360 : memref<1x128xi32, #tpu.memory_space<vmem>> -> memref<128xi32, #tpu.memory_space<vmem>>
        %dma_wait3A_362 = arith.constant 0 : i32
        %dma_wait3A_363 = arith.constant 0 : i32
        %dma_wait3A_364 = tpu.memref_slice %arg13[%dma_wait3A_362, %dma_wait3A_363] : memref<10240x128xf32, #tpu.memory_space<vmem_shared>> -> memref<10240x128xf32, #tpu.memory_space<vmem_shared>>
        tpu.wait_indirect_dma semaphore(%run_scoped3A_352 : memref<!tpu.dma_semaphore, #tpu.memory_space<semaphore_mem>>) src(%arg11 : memref<128x128xf32, #tpu.memory_space<vmem>>) dst(%dma_wait3A_364 : memref<10240x128xf32, #tpu.memory_space<vmem_shared>>)
        tpu.yield
      }) : () -> ()
      %mul3A_130 = arith.constant 8 : i32
      %mul3A_131 = arith.muli %add3A_56, %mul3A_130 : i32
      %add3A_132 = arith.constant 4 : i32
      %add3A_133 = arith.addi %mul3A_131, %add3A_132 : i32
      %dma_wait3A_134 = arith.constant 0 : i32
      %dma_wait3A_135 = arith.constant 0 : i32
      %dma_wait3A_136 = tpu.memref_slice %arg2[%dma_wait3A_134, %dma_wait3A_135] : memref<10000x128xf32, #tpu.memory_space<hbm>> -> memref<128x128xf32, #tpu.memory_space<hbm>>
      %dma_wait3A_137 = arith.constant 0 : i32
      %dma_wait3A_138 = arith.constant 0 : i32
      %dma_wait3A_139 = tpu.memref_slice %arg2[%dma_wait3A_137, %dma_wait3A_138] : memref<10000x128xf32, #tpu.memory_space<hbm>> -> memref<128x128xf32, #tpu.memory_space<hbm>>
      tpu.wait_dma2 semaphore(%arg12 : memref<!tpu.dma_semaphore, #tpu.memory_space<semaphore_mem>>) src(%dma_wait3A_139 : memref<128x128xf32, #tpu.memory_space<hbm>>) dst(%arg10 : memref<128x128xf32, #tpu.memory_space<vmem>>)
      %dma_start3A_140 = arith.constant 5 : i32
      %dma_start3A_141 = arith.constant 0 : i32
      %dma_start3A_142 = tpu.memref_slice %arg6[%dma_start3A_140, %dma_start3A_141] : memref<8x128xi32, #tpu.memory_space<vmem>> -> memref<1x128xi32, #tpu.memory_space<vmem>>
      %dma_start3A_143 = tpu.memref_squeeze %dma_start3A_142 : memref<1x128xi32, #tpu.memory_space<vmem>> -> memref<128xi32, #tpu.memory_space<vmem>>
      %dma_start3A_144 = arith.constant 0 : i32
      %dma_start3A_145 = arith.constant 0 : i32
      %dma_start3A_146 = tpu.memref_slice %arg2[%dma_start3A_144, %dma_start3A_145] : memref<10000x128xf32, #tpu.memory_space<hbm>> -> memref<10000x128xf32, #tpu.memory_space<hbm>>
      tpu.enqueue_indirect_dma source(%dma_start3A_146 : memref<10000x128xf32, #tpu.memory_space<hbm>>) target(%arg11 : memref<128x128xf32, #tpu.memory_space<vmem>>) offsets(%dma_start3A_143 : memref<128xi32, #tpu.memory_space<vmem>>) semaphore(%arg12 : memref<!tpu.dma_semaphore, #tpu.memory_space<semaphore_mem>>)
      %run_scoped3A_147 = arith.constant 4 : i32
      "tpu.region"() ({
        %run_scoped3A_352 = tpu.sem_alloc : memref<!tpu.dma_semaphore, #tpu.memory_space<semaphore_mem>>
        %dma_start3A_353 = arith.constant 0 : i32
        %dma_start3A_354 = tpu.memref_slice %arg7[%run_scoped3A_147, %dma_start3A_353] : memref<8x128xi32, #tpu.memory_space<vmem>> -> memref<1x128xi32, #tpu.memory_space<vmem>>
        %dma_start3A_355 = tpu.memref_squeeze %dma_start3A_354 : memref<1x128xi32, #tpu.memory_space<vmem>> -> memref<128xi32, #tpu.memory_space<vmem>>
        %dma_start3A_356 = arith.constant 0 : i32
        %dma_start3A_357 = arith.constant 0 : i32
        %dma_start3A_358 = tpu.memref_slice %arg13[%dma_start3A_356, %dma_start3A_357] : memref<10240x128xf32, #tpu.memory_space<vmem_shared>> -> memref<10240x128xf32, #tpu.memory_space<vmem_shared>>
        tpu.enqueue_indirect_dma source(%arg10 : memref<128x128xf32, #tpu.memory_space<vmem>>) target(%dma_start3A_358 : memref<10240x128xf32, #tpu.memory_space<vmem_shared>>) offsets(%dma_start3A_355 : memref<128xi32, #tpu.memory_space<vmem>>) semaphore(%run_scoped3A_352 : memref<!tpu.dma_semaphore, #tpu.memory_space<semaphore_mem>>) {add = true}
        %dma_wait3A_359 = arith.constant 0 : i32
        %dma_wait3A_360 = tpu.memref_slice %arg7[%run_scoped3A_147, %dma_wait3A_359] : memref<8x128xi32, #tpu.memory_space<vmem>> -> memref<1x128xi32, #tpu.memory_space<vmem>>
        %dma_wait3A_361 = tpu.memref_squeeze %dma_wait3A_360 : memref<1x128xi32, #tpu.memory_space<vmem>> -> memref<128xi32, #tpu.memory_space<vmem>>
        %dma_wait3A_362 = arith.constant 0 : i32
        %dma_wait3A_363 = arith.constant 0 : i32
        %dma_wait3A_364 = tpu.memref_slice %arg13[%dma_wait3A_362, %dma_wait3A_363] : memref<10240x128xf32, #tpu.memory_space<vmem_shared>> -> memref<10240x128xf32, #tpu.memory_space<vmem_shared>>
        tpu.wait_indirect_dma semaphore(%run_scoped3A_352 : memref<!tpu.dma_semaphore, #tpu.memory_space<semaphore_mem>>) src(%arg10 : memref<128x128xf32, #tpu.memory_space<vmem>>) dst(%dma_wait3A_364 : memref<10240x128xf32, #tpu.memory_space<vmem_shared>>)
        tpu.yield
      }) : () -> ()
      %mul3A_148 = arith.constant 8 : i32
      %mul3A_149 = arith.muli %add3A_56, %mul3A_148 : i32
      %add3A_150 = arith.constant 5 : i32
      %add3A_151 = arith.addi %mul3A_149, %add3A_150 : i32
      %dma_wait3A_152 = arith.constant 0 : i32
      %dma_wait3A_153 = arith.constant 0 : i32
      %dma_wait3A_154 = tpu.memref_slice %arg2[%dma_wait3A_152, %dma_wait3A_153] : memref<10000x128xf32, #tpu.memory_space<hbm>> -> memref<128x128xf32, #tpu.memory_space<hbm>>
      %dma_wait3A_155 = arith.constant 0 : i32
      %dma_wait3A_156 = arith.constant 0 : i32
      %dma_wait3A_157 = tpu.memref_slice %arg2[%dma_wait3A_155, %dma_wait3A_156] : memref<10000x128xf32, #tpu.memory_space<hbm>> -> memref<128x128xf32, #tpu.memory_space<hbm>>
      tpu.wait_dma2 semaphore(%arg12 : memref<!tpu.dma_semaphore, #tpu.memory_space<semaphore_mem>>) src(%dma_wait3A_157 : memref<128x128xf32, #tpu.memory_space<hbm>>) dst(%arg11 : memref<128x128xf32, #tpu.memory_space<vmem>>)
      %dma_start3A_158 = arith.constant 6 : i32
      %dma_start3A_159 = arith.constant 0 : i32
      %dma_start3A_160 = tpu.memref_slice %arg6[%dma_start3A_158, %dma_start3A_159] : memref<8x128xi32, #tpu.memory_space<vmem>> -> memref<1x128xi32, #tpu.memory_space<vmem>>
      %dma_start3A_161 = tpu.memref_squeeze %dma_start3A_160 : memref<1x128xi32, #tpu.memory_space<vmem>> -> memref<128xi32, #tpu.memory_space<vmem>>
      %dma_start3A_162 = arith.constant 0 : i32
      %dma_start3A_163 = arith.constant 0 : i32
      %dma_start3A_164 = tpu.memref_slice %arg2[%dma_start3A_162, %dma_start3A_163] : memref<10000x128xf32, #tpu.memory_space<hbm>> -> memref<10000x128xf32, #tpu.memory_space<hbm>>
      tpu.enqueue_indirect_dma source(%dma_start3A_164 : memref<10000x128xf32, #tpu.memory_space<hbm>>) target(%arg10 : memref<128x128xf32, #tpu.memory_space<vmem>>) offsets(%dma_start3A_161 : memref<128xi32, #tpu.memory_space<vmem>>) semaphore(%arg12 : memref<!tpu.dma_semaphore, #tpu.memory_space<semaphore_mem>>)
      %run_scoped3A_165 = arith.constant 5 : i32
      "tpu.region"() ({
        %run_scoped3A_352 = tpu.sem_alloc : memref<!tpu.dma_semaphore, #tpu.memory_space<semaphore_mem>>
        %dma_start3A_353 = arith.constant 0 : i32
        %dma_start3A_354 = tpu.memref_slice %arg7[%run_scoped3A_165, %dma_start3A_353] : memref<8x128xi32, #tpu.memory_space<vmem>> -> memref<1x128xi32, #tpu.memory_space<vmem>>
        %dma_start3A_355 = tpu.memref_squeeze %dma_start3A_354 : memref<1x128xi32, #tpu.memory_space<vmem>> -> memref<128xi32, #tpu.memory_space<vmem>>
        %dma_start3A_356 = arith.constant 0 : i32
        %dma_start3A_357 = arith.constant 0 : i32
        %dma_start3A_358 = tpu.memref_slice %arg13[%dma_start3A_356, %dma_start3A_357] : memref<10240x128xf32, #tpu.memory_space<vmem_shared>> -> memref<10240x128xf32, #tpu.memory_space<vmem_shared>>
        tpu.enqueue_indirect_dma source(%arg11 : memref<128x128xf32, #tpu.memory_space<vmem>>) target(%dma_start3A_358 : memref<10240x128xf32, #tpu.memory_space<vmem_shared>>) offsets(%dma_start3A_355 : memref<128xi32, #tpu.memory_space<vmem>>) semaphore(%run_scoped3A_352 : memref<!tpu.dma_semaphore, #tpu.memory_space<semaphore_mem>>) {add = true}
        %dma_wait3A_359 = arith.constant 0 : i32
        %dma_wait3A_360 = tpu.memref_slice %arg7[%run_scoped3A_165, %dma_wait3A_359] : memref<8x128xi32, #tpu.memory_space<vmem>> -> memref<1x128xi32, #tpu.memory_space<vmem>>
        %dma_wait3A_361 = tpu.memref_squeeze %dma_wait3A_360 : memref<1x128xi32, #tpu.memory_space<vmem>> -> memref<128xi32, #tpu.memory_space<vmem>>
        %dma_wait3A_362 = arith.constant 0 : i32
        %dma_wait3A_363 = arith.constant 0 : i32
        %dma_wait3A_364 = tpu.memref_slice %arg13[%dma_wait3A_362, %dma_wait3A_363] : memref<10240x128xf32, #tpu.memory_space<vmem_shared>> -> memref<10240x128xf32, #tpu.memory_space<vmem_shared>>
        tpu.wait_indirect_dma semaphore(%run_scoped3A_352 : memref<!tpu.dma_semaphore, #tpu.memory_space<semaphore_mem>>) src(%arg11 : memref<128x128xf32, #tpu.memory_space<vmem>>) dst(%dma_wait3A_364 : memref<10240x128xf32, #tpu.memory_space<vmem_shared>>)
        tpu.yield
      }) : () -> ()
      %mul3A_166 = arith.constant 8 : i32
      %mul3A_167 = arith.muli %add3A_56, %mul3A_166 : i32
      %add3A_168 = arith.constant 6 : i32
      %add3A_169 = arith.addi %mul3A_167, %add3A_168 : i32
      %dma_wait3A_170 = arith.constant 0 : i32
      %dma_wait3A_171 = arith.constant 0 : i32
      %dma_wait3A_172 = tpu.memref_slice %arg2[%dma_wait3A_170, %dma_wait3A_171] : memref<10000x128xf32, #tpu.memory_space<hbm>> -> memref<128x128xf32, #tpu.memory_space<hbm>>
      %dma_wait3A_173 = arith.constant 0 : i32
      %dma_wait3A_174 = arith.constant 0 : i32
      %dma_wait3A_175 = tpu.memref_slice %arg2[%dma_wait3A_173, %dma_wait3A_174] : memref<10000x128xf32, #tpu.memory_space<hbm>> -> memref<128x128xf32, #tpu.memory_space<hbm>>
      tpu.wait_dma2 semaphore(%arg12 : memref<!tpu.dma_semaphore, #tpu.memory_space<semaphore_mem>>) src(%dma_wait3A_175 : memref<128x128xf32, #tpu.memory_space<hbm>>) dst(%arg10 : memref<128x128xf32, #tpu.memory_space<vmem>>)
      %dma_start3A_176 = arith.constant 7 : i32
      %dma_start3A_177 = arith.constant 0 : i32
      %dma_start3A_178 = tpu.memref_slice %arg6[%dma_start3A_176, %dma_start3A_177] : memref<8x128xi32, #tpu.memory_space<vmem>> -> memref<1x128xi32, #tpu.memory_space<vmem>>
      %dma_start3A_179 = tpu.memref_squeeze %dma_start3A_178 : memref<1x128xi32, #tpu.memory_space<vmem>> -> memref<128xi32, #tpu.memory_space<vmem>>
      %dma_start3A_180 = arith.constant 0 : i32
      %dma_start3A_181 = arith.constant 0 : i32
      %dma_start3A_182 = tpu.memref_slice %arg2[%dma_start3A_180, %dma_start3A_181] : memref<10000x128xf32, #tpu.memory_space<hbm>> -> memref<10000x128xf32, #tpu.memory_space<hbm>>
      tpu.enqueue_indirect_dma source(%dma_start3A_182 : memref<10000x128xf32, #tpu.memory_space<hbm>>) target(%arg11 : memref<128x128xf32, #tpu.memory_space<vmem>>) offsets(%dma_start3A_179 : memref<128xi32, #tpu.memory_space<vmem>>) semaphore(%arg12 : memref<!tpu.dma_semaphore, #tpu.memory_space<semaphore_mem>>)
      %run_scoped3A_183 = arith.constant 6 : i32
      "tpu.region"() ({
        %run_scoped3A_352 = tpu.sem_alloc : memref<!tpu.dma_semaphore, #tpu.memory_space<semaphore_mem>>
        %dma_start3A_353 = arith.constant 0 : i32
        %dma_start3A_354 = tpu.memref_slice %arg7[%run_scoped3A_183, %dma_start3A_353] : memref<8x128xi32, #tpu.memory_space<vmem>> -> memref<1x128xi32, #tpu.memory_space<vmem>>
        %dma_start3A_355 = tpu.memref_squeeze %dma_start3A_354 : memref<1x128xi32, #tpu.memory_space<vmem>> -> memref<128xi32, #tpu.memory_space<vmem>>
        %dma_start3A_356 = arith.constant 0 : i32
        %dma_start3A_357 = arith.constant 0 : i32
        %dma_start3A_358 = tpu.memref_slice %arg13[%dma_start3A_356, %dma_start3A_357] : memref<10240x128xf32, #tpu.memory_space<vmem_shared>> -> memref<10240x128xf32, #tpu.memory_space<vmem_shared>>
        tpu.enqueue_indirect_dma source(%arg10 : memref<128x128xf32, #tpu.memory_space<vmem>>) target(%dma_start3A_358 : memref<10240x128xf32, #tpu.memory_space<vmem_shared>>) offsets(%dma_start3A_355 : memref<128xi32, #tpu.memory_space<vmem>>) semaphore(%run_scoped3A_352 : memref<!tpu.dma_semaphore, #tpu.memory_space<semaphore_mem>>) {add = true}
        %dma_wait3A_359 = arith.constant 0 : i32
        %dma_wait3A_360 = tpu.memref_slice %arg7[%run_scoped3A_183, %dma_wait3A_359] : memref<8x128xi32, #tpu.memory_space<vmem>> -> memref<1x128xi32, #tpu.memory_space<vmem>>
        %dma_wait3A_361 = tpu.memref_squeeze %dma_wait3A_360 : memref<1x128xi32, #tpu.memory_space<vmem>> -> memref<128xi32, #tpu.memory_space<vmem>>
        %dma_wait3A_362 = arith.constant 0 : i32
        %dma_wait3A_363 = arith.constant 0 : i32
        %dma_wait3A_364 = tpu.memref_slice %arg13[%dma_wait3A_362, %dma_wait3A_363] : memref<10240x128xf32, #tpu.memory_space<vmem_shared>> -> memref<10240x128xf32, #tpu.memory_space<vmem_shared>>
        tpu.wait_indirect_dma semaphore(%run_scoped3A_352 : memref<!tpu.dma_semaphore, #tpu.memory_space<semaphore_mem>>) src(%arg10 : memref<128x128xf32, #tpu.memory_space<vmem>>) dst(%dma_wait3A_364 : memref<10240x128xf32, #tpu.memory_space<vmem_shared>>)
        tpu.yield
      }) : () -> ()
      %mul3A_184 = arith.constant 8 : i32
      %mul3A_185 = arith.muli %add3A_56, %mul3A_184 : i32
      %add3A_186 = arith.constant 7 : i32
      %add3A_187 = arith.addi %mul3A_185, %add3A_186 : i32
      %dma_wait3A_188 = arith.constant 0 : i32
      %dma_wait3A_189 = arith.constant 0 : i32
      %dma_wait3A_190 = tpu.memref_slice %arg2[%dma_wait3A_188, %dma_wait3A_189] : memref<10000x128xf32, #tpu.memory_space<hbm>> -> memref<128x128xf32, #tpu.memory_space<hbm>>
      %dma_wait3A_191 = arith.constant 0 : i32
      %dma_wait3A_192 = arith.constant 0 : i32
      %dma_wait3A_193 = tpu.memref_slice %arg2[%dma_wait3A_191, %dma_wait3A_192] : memref<10000x128xf32, #tpu.memory_space<hbm>> -> memref<128x128xf32, #tpu.memory_space<hbm>>
      tpu.wait_dma2 semaphore(%arg12 : memref<!tpu.dma_semaphore, #tpu.memory_space<semaphore_mem>>) src(%dma_wait3A_193 : memref<128x128xf32, #tpu.memory_space<hbm>>) dst(%arg11 : memref<128x128xf32, #tpu.memory_space<vmem>>)
      %add3A_194 = arith.constant 1 : i32
      %add3A_195 = arith.addi %add3A_187, %add3A_194 : i32
      %lt3A_196 = arith.cmpi slt, %add3A_195, %mul3A_2 : i32
      %convert_element_type3A_197 = arith.extui %lt3A_196 : i1 to i32
      %cond3A_198 = arith.constant 0 : i32
      %cond3A_199 = arith.cmpi ne, %convert_element_type3A_197, %cond3A_198 : i32
      scf.if %cond3A_199 {
        %dma_start3A_352 = arith.constant 0 : i32
        %dma_start3A_353 = arith.constant 0 : i32
        %dma_start3A_354 = tpu.memref_slice %arg8[%dma_start3A_352, %dma_start3A_353] : memref<8x128xi32, #tpu.memory_space<vmem>> -> memref<1x128xi32, #tpu.memory_space<vmem>>
        %dma_start3A_355 = tpu.memref_squeeze %dma_start3A_354 : memref<1x128xi32, #tpu.memory_space<vmem>> -> memref<128xi32, #tpu.memory_space<vmem>>
        %dma_start3A_356 = arith.constant 0 : i32
        %dma_start3A_357 = arith.constant 0 : i32
        %dma_start3A_358 = tpu.memref_slice %arg2[%dma_start3A_356, %dma_start3A_357] : memref<10000x128xf32, #tpu.memory_space<hbm>> -> memref<10000x128xf32, #tpu.memory_space<hbm>>
        tpu.enqueue_indirect_dma source(%dma_start3A_358 : memref<10000x128xf32, #tpu.memory_space<hbm>>) target(%arg10 : memref<128x128xf32, #tpu.memory_space<vmem>>) offsets(%dma_start3A_355 : memref<128xi32, #tpu.memory_space<vmem>>) semaphore(%arg12 : memref<!tpu.dma_semaphore, #tpu.memory_space<semaphore_mem>>)
      } else {
      }
      %run_scoped3A_200 = arith.constant 7 : i32
      "tpu.region"() ({
        %run_scoped3A_352 = tpu.sem_alloc : memref<!tpu.dma_semaphore, #tpu.memory_space<semaphore_mem>>
        %dma_start3A_353 = arith.constant 0 : i32
        %dma_start3A_354 = tpu.memref_slice %arg7[%run_scoped3A_200, %dma_start3A_353] : memref<8x128xi32, #tpu.memory_space<vmem>> -> memref<1x128xi32, #tpu.memory_space<vmem>>
        %dma_start3A_355 = tpu.memref_squeeze %dma_start3A_354 : memref<1x128xi32, #tpu.memory_space<vmem>> -> memref<128xi32, #tpu.memory_space<vmem>>
        %dma_start3A_356 = arith.constant 0 : i32
        %dma_start3A_357 = arith.constant 0 : i32
        %dma_start3A_358 = tpu.memref_slice %arg13[%dma_start3A_356, %dma_start3A_357] : memref<10240x128xf32, #tpu.memory_space<vmem_shared>> -> memref<10240x128xf32, #tpu.memory_space<vmem_shared>>
        tpu.enqueue_indirect_dma source(%arg11 : memref<128x128xf32, #tpu.memory_space<vmem>>) target(%dma_start3A_358 : memref<10240x128xf32, #tpu.memory_space<vmem_shared>>) offsets(%dma_start3A_355 : memref<128xi32, #tpu.memory_space<vmem>>) semaphore(%run_scoped3A_352 : memref<!tpu.dma_semaphore, #tpu.memory_space<semaphore_mem>>) {add = true}
        %dma_wait3A_359 = arith.constant 0 : i32
        %dma_wait3A_360 = tpu.memref_slice %arg7[%run_scoped3A_200, %dma_wait3A_359] : memref<8x128xi32, #tpu.memory_space<vmem>> -> memref<1x128xi32, #tpu.memory_space<vmem>>
        %dma_wait3A_361 = tpu.memref_squeeze %dma_wait3A_360 : memref<1x128xi32, #tpu.memory_space<vmem>> -> memref<128xi32, #tpu.memory_space<vmem>>
        %dma_wait3A_362 = arith.constant 0 : i32
        %dma_wait3A_363 = arith.constant 0 : i32
        %dma_wait3A_364 = tpu.memref_slice %arg13[%dma_wait3A_362, %dma_wait3A_363] : memref<10240x128xf32, #tpu.memory_space<vmem_shared>> -> memref<10240x128xf32, #tpu.memory_space<vmem_shared>>
        tpu.wait_indirect_dma semaphore(%run_scoped3A_352 : memref<!tpu.dma_semaphore, #tpu.memory_space<semaphore_mem>>) src(%arg11 : memref<128x128xf32, #tpu.memory_space<vmem>>) dst(%dma_wait3A_364 : memref<10240x128xf32, #tpu.memory_space<vmem_shared>>)
        tpu.yield
      }) : () -> ()
      %add3A_201 = arith.constant 1 : i32
      %add3A_202 = arith.addi %add3A_54, %add3A_201 : i32
      %mul3A_203 = arith.constant 8 : i32
      %mul3A_204 = arith.muli %add3A_202, %mul3A_203 : i32
      %add3A_205 = arith.constant 0 : i32
      %add3A_206 = arith.addi %mul3A_204, %add3A_205 : i32
      %dma_wait3A_207 = arith.constant 0 : i32
      %dma_wait3A_208 = arith.constant 0 : i32
      %dma_wait3A_209 = tpu.memref_slice %arg2[%dma_wait3A_207, %dma_wait3A_208] : memref<10000x128xf32, #tpu.memory_space<hbm>> -> memref<128x128xf32, #tpu.memory_space<hbm>>
      %dma_wait3A_210 = arith.constant 0 : i32
      %dma_wait3A_211 = arith.constant 0 : i32
      %dma_wait3A_212 = tpu.memref_slice %arg2[%dma_wait3A_210, %dma_wait3A_211] : memref<10000x128xf32, #tpu.memory_space<hbm>> -> memref<128x128xf32, #tpu.memory_space<hbm>>
      tpu.wait_dma2 semaphore(%arg12 : memref<!tpu.dma_semaphore, #tpu.memory_space<semaphore_mem>>) src(%dma_wait3A_212 : memref<128x128xf32, #tpu.memory_space<hbm>>) dst(%arg10 : memref<128x128xf32, #tpu.memory_space<vmem>>)
      %dma_start3A_213 = arith.constant 1 : i32
      %dma_start3A_214 = arith.constant 0 : i32
      %dma_start3A_215 = tpu.memref_slice %arg8[%dma_start3A_213, %dma_start3A_214] : memref<8x128xi32, #tpu.memory_space<vmem>> -> memref<1x128xi32, #tpu.memory_space<vmem>>
      %dma_start3A_216 = tpu.memref_squeeze %dma_start3A_215 : memref<1x128xi32, #tpu.memory_space<vmem>> -> memref<128xi32, #tpu.memory_space<vmem>>
      %dma_start3A_217 = arith.constant 0 : i32
      %dma_start3A_218 = arith.constant 0 : i32
      %dma_start3A_219 = tpu.memref_slice %arg2[%dma_start3A_217, %dma_start3A_218] : memref<10000x128xf32, #tpu.memory_space<hbm>> -> memref<10000x128xf32, #tpu.memory_space<hbm>>
      tpu.enqueue_indirect_dma source(%dma_start3A_219 : memref<10000x128xf32, #tpu.memory_space<hbm>>) target(%arg11 : memref<128x128xf32, #tpu.memory_space<vmem>>) offsets(%dma_start3A_216 : memref<128xi32, #tpu.memory_space<vmem>>) semaphore(%arg12 : memref<!tpu.dma_semaphore, #tpu.memory_space<semaphore_mem>>)
      %run_scoped3A_220 = arith.constant 0 : i32
      "tpu.region"() ({
        %run_scoped3A_352 = tpu.sem_alloc : memref<!tpu.dma_semaphore, #tpu.memory_space<semaphore_mem>>
        %dma_start3A_353 = arith.constant 0 : i32
        %dma_start3A_354 = tpu.memref_slice %arg9[%run_scoped3A_220, %dma_start3A_353] : memref<8x128xi32, #tpu.memory_space<vmem>> -> memref<1x128xi32, #tpu.memory_space<vmem>>
        %dma_start3A_355 = tpu.memref_squeeze %dma_start3A_354 : memref<1x128xi32, #tpu.memory_space<vmem>> -> memref<128xi32, #tpu.memory_space<vmem>>
        %dma_start3A_356 = arith.constant 0 : i32
        %dma_start3A_357 = arith.constant 0 : i32
        %dma_start3A_358 = tpu.memref_slice %arg13[%dma_start3A_356, %dma_start3A_357] : memref<10240x128xf32, #tpu.memory_space<vmem_shared>> -> memref<10240x128xf32, #tpu.memory_space<vmem_shared>>
        tpu.enqueue_indirect_dma source(%arg10 : memref<128x128xf32, #tpu.memory_space<vmem>>) target(%dma_start3A_358 : memref<10240x128xf32, #tpu.memory_space<vmem_shared>>) offsets(%dma_start3A_355 : memref<128xi32, #tpu.memory_space<vmem>>) semaphore(%run_scoped3A_352 : memref<!tpu.dma_semaphore, #tpu.memory_space<semaphore_mem>>) {add = true}
        %dma_wait3A_359 = arith.constant 0 : i32
        %dma_wait3A_360 = tpu.memref_slice %arg9[%run_scoped3A_220, %dma_wait3A_359] : memref<8x128xi32, #tpu.memory_space<vmem>> -> memref<1x128xi32, #tpu.memory_space<vmem>>
        %dma_wait3A_361 = tpu.memref_squeeze %dma_wait3A_360 : memref<1x128xi32, #tpu.memory_space<vmem>> -> memref<128xi32, #tpu.memory_space<vmem>>
        %dma_wait3A_362 = arith.constant 0 : i32
        %dma_wait3A_363 = arith.constant 0 : i32
        %dma_wait3A_364 = tpu.memref_slice %arg13[%dma_wait3A_362, %dma_wait3A_363] : memref<10240x128xf32, #tpu.memory_space<vmem_shared>> -> memref<10240x128xf32, #tpu.memory_space<vmem_shared>>
        tpu.wait_indirect_dma semaphore(%run_scoped3A_352 : memref<!tpu.dma_semaphore, #tpu.memory_space<semaphore_mem>>) src(%arg10 : memref<128x128xf32, #tpu.memory_space<vmem>>) dst(%dma_wait3A_364 : memref<10240x128xf32, #tpu.memory_space<vmem_shared>>)
        tpu.yield
      }) : () -> ()
      %mul3A_221 = arith.constant 8 : i32
      %mul3A_222 = arith.muli %add3A_202, %mul3A_221 : i32
      %add3A_223 = arith.constant 1 : i32
      %add3A_224 = arith.addi %mul3A_222, %add3A_223 : i32
      %dma_wait3A_225 = arith.constant 0 : i32
      %dma_wait3A_226 = arith.constant 0 : i32
      %dma_wait3A_227 = tpu.memref_slice %arg2[%dma_wait3A_225, %dma_wait3A_226] : memref<10000x128xf32, #tpu.memory_space<hbm>> -> memref<128x128xf32, #tpu.memory_space<hbm>>
      %dma_wait3A_228 = arith.constant 0 : i32
      %dma_wait3A_229 = arith.constant 0 : i32
      %dma_wait3A_230 = tpu.memref_slice %arg2[%dma_wait3A_228, %dma_wait3A_229] : memref<10000x128xf32, #tpu.memory_space<hbm>> -> memref<128x128xf32, #tpu.memory_space<hbm>>
      tpu.wait_dma2 semaphore(%arg12 : memref<!tpu.dma_semaphore, #tpu.memory_space<semaphore_mem>>) src(%dma_wait3A_230 : memref<128x128xf32, #tpu.memory_space<hbm>>) dst(%arg11 : memref<128x128xf32, #tpu.memory_space<vmem>>)
      %dma_start3A_231 = arith.constant 2 : i32
      %dma_start3A_232 = arith.constant 0 : i32
      %dma_start3A_233 = tpu.memref_slice %arg8[%dma_start3A_231, %dma_start3A_232] : memref<8x128xi32, #tpu.memory_space<vmem>> -> memref<1x128xi32, #tpu.memory_space<vmem>>
      %dma_start3A_234 = tpu.memref_squeeze %dma_start3A_233 : memref<1x128xi32, #tpu.memory_space<vmem>> -> memref<128xi32, #tpu.memory_space<vmem>>
      %dma_start3A_235 = arith.constant 0 : i32
      %dma_start3A_236 = arith.constant 0 : i32
      %dma_start3A_237 = tpu.memref_slice %arg2[%dma_start3A_235, %dma_start3A_236] : memref<10000x128xf32, #tpu.memory_space<hbm>> -> memref<10000x128xf32, #tpu.memory_space<hbm>>
      tpu.enqueue_indirect_dma source(%dma_start3A_237 : memref<10000x128xf32, #tpu.memory_space<hbm>>) target(%arg10 : memref<128x128xf32, #tpu.memory_space<vmem>>) offsets(%dma_start3A_234 : memref<128xi32, #tpu.memory_space<vmem>>) semaphore(%arg12 : memref<!tpu.dma_semaphore, #tpu.memory_space<semaphore_mem>>)
      %add3A_238 = arith.constant 1 : i32
      %add3A_239 = arith.addi %add3A_202, %add3A_238 : i32
      %lt3A_240 = arith.cmpi slt, %add3A_239, %select_n3A : i32
      %convert_element_type3A_241 = arith.extui %lt3A_240 : i1 to i32
      %cond3A_242 = arith.constant 0 : i32
      %cond3A_243 = arith.cmpi ne, %convert_element_type3A_241, %cond3A_242 : i32
      scf.if %cond3A_243 {
        %add3A_352 = arith.constant 1 : i32
        %add3A_353 = arith.addi %add3A_202, %add3A_352 : i32
        %mul3A_354 = arith.constant 8 : i32
        %mul3A_355 = arith.muli %add3A_353, %mul3A_354 : i32
        %add3A_356 = arith.addi %select_n3A_10, %mul3A_355 : i32
        %multiple_of3A_357 = tpu.assume_multiple %add3A_356, 8 : i32
        "tpu.region"() ({
          %run_scoped3A_360 = tpu.sem_alloc : memref<!tpu.dma_semaphore, #tpu.memory_space<semaphore_mem>>
          %dma_start3A_361 = arith.constant 0 : i32
          %dma_start3A_362 = tpu.memref_slice %arg3[%multiple_of3A_357, %dma_start3A_361] : memref<2560x128xi32, #tpu.memory_space<hbm>> -> memref<8x128xi32, #tpu.memory_space<hbm>>
          %dma_start3A_363 = arith.constant 0 : i32
          %dma_start3A_364 = tpu.memref_slice %arg3[%multiple_of3A_357, %dma_start3A_363] : memref<2560x128xi32, #tpu.memory_space<hbm>> -> memref<8x128xi32, #tpu.memory_space<hbm>>
          tpu.enqueue_dma source(%dma_start3A_364 : memref<8x128xi32, #tpu.memory_space<hbm>>) target(%arg6 : memref<8x128xi32, #tpu.memory_space<vmem>>) target_semaphore(%run_scoped3A_360 : memref<!tpu.dma_semaphore, #tpu.memory_space<semaphore_mem>>)
          %dma_wait3A_365 = arith.constant 0 : i32
          %dma_wait3A_366 = tpu.memref_slice %arg3[%multiple_of3A_357, %dma_wait3A_365] : memref<2560x128xi32, #tpu.memory_space<hbm>> -> memref<8x128xi32, #tpu.memory_space<hbm>>
          %dma_wait3A_367 = arith.constant 0 : i32
          %dma_wait3A_368 = tpu.memref_slice %arg3[%multiple_of3A_357, %dma_wait3A_367] : memref<2560x128xi32, #tpu.memory_space<hbm>> -> memref<8x128xi32, #tpu.memory_space<hbm>>
          tpu.wait_dma2 semaphore(%run_scoped3A_360 : memref<!tpu.dma_semaphore, #tpu.memory_space<semaphore_mem>>) src(%dma_wait3A_368 : memref<8x128xi32, #tpu.memory_space<hbm>>) dst(%arg6 : memref<8x128xi32, #tpu.memory_space<vmem>>)
          tpu.yield
        }) : () -> ()
        %add3A_358 = arith.addi %select_n3A_10, %mul3A_355 : i32
        %multiple_of3A_359 = tpu.assume_multiple %add3A_358, 8 : i32
        "tpu.region"() ({
          %run_scoped3A_360 = tpu.sem_alloc : memref<!tpu.dma_semaphore, #tpu.memory_space<semaphore_mem>>
          %dma_start3A_361 = arith.constant 0 : i32
          %dma_start3A_362 = tpu.memref_slice %arg4[%multiple_of3A_359, %dma_start3A_361] : memref<2560x128xi32, #tpu.memory_space<hbm>> -> memref<8x128xi32, #tpu.memory_space<hbm>>
          %dma_start3A_363 = arith.constant 0 : i32
          %dma_start3A_364 = tpu.memref_slice %arg4[%multiple_of3A_359, %dma_start3A_363] : memref<2560x128xi32, #tpu.memory_space<hbm>> -> memref<8x128xi32, #tpu.memory_space<hbm>>
          tpu.enqueue_dma source(%dma_start3A_364 : memref<8x128xi32, #tpu.memory_space<hbm>>) target(%arg7 : memref<8x128xi32, #tpu.memory_space<vmem>>) target_semaphore(%run_scoped3A_360 : memref<!tpu.dma_semaphore, #tpu.memory_space<semaphore_mem>>)
          %dma_wait3A_365 = arith.constant 0 : i32
          %dma_wait3A_366 = tpu.memref_slice %arg4[%multiple_of3A_359, %dma_wait3A_365] : memref<2560x128xi32, #tpu.memory_space<hbm>> -> memref<8x128xi32, #tpu.memory_space<hbm>>
          %dma_wait3A_367 = arith.constant 0 : i32
          %dma_wait3A_368 = tpu.memref_slice %arg4[%multiple_of3A_359, %dma_wait3A_367] : memref<2560x128xi32, #tpu.memory_space<hbm>> -> memref<8x128xi32, #tpu.memory_space<hbm>>
          tpu.wait_dma2 semaphore(%run_scoped3A_360 : memref<!tpu.dma_semaphore, #tpu.memory_space<semaphore_mem>>) src(%dma_wait3A_368 : memref<8x128xi32, #tpu.memory_space<hbm>>) dst(%arg7 : memref<8x128xi32, #tpu.memory_space<vmem>>)
          tpu.yield
        }) : () -> ()
      } else {
      }
      %run_scoped3A_244 = arith.constant 1 : i32
      "tpu.region"() ({
        %run_scoped3A_352 = tpu.sem_alloc : memref<!tpu.dma_semaphore, #tpu.memory_space<semaphore_mem>>
        %dma_start3A_353 = arith.constant 0 : i32
        %dma_start3A_354 = tpu.memref_slice %arg9[%run_scoped3A_244, %dma_start3A_353] : memref<8x128xi32, #tpu.memory_space<vmem>> -> memref<1x128xi32, #tpu.memory_space<vmem>>
        %dma_start3A_355 = tpu.memref_squeeze %dma_start3A_354 : memref<1x128xi32, #tpu.memory_space<vmem>> -> memref<128xi32, #tpu.memory_space<vmem>>
        %dma_start3A_356 = arith.constant 0 : i32
        %dma_start3A_357 = arith.constant 0 : i32
        %dma_start3A_358 = tpu.memref_slice %arg13[%dma_start3A_356, %dma_start3A_357] : memref<10240x128xf32, #tpu.memory_space<vmem_shared>> -> memref<10240x128xf32, #tpu.memory_space<vmem_shared>>
        tpu.enqueue_indirect_dma source(%arg11 : memref<128x128xf32, #tpu.memory_space<vmem>>) target(%dma_start3A_358 : memref<10240x128xf32, #tpu.memory_space<vmem_shared>>) offsets(%dma_start3A_355 : memref<128xi32, #tpu.memory_space<vmem>>) semaphore(%run_scoped3A_352 : memref<!tpu.dma_semaphore, #tpu.memory_space<semaphore_mem>>) {add = true}
        %dma_wait3A_359 = arith.constant 0 : i32
        %dma_wait3A_360 = tpu.memref_slice %arg9[%run_scoped3A_244, %dma_wait3A_359] : memref<8x128xi32, #tpu.memory_space<vmem>> -> memref<1x128xi32, #tpu.memory_space<vmem>>
        %dma_wait3A_361 = tpu.memref_squeeze %dma_wait3A_360 : memref<1x128xi32, #tpu.memory_space<vmem>> -> memref<128xi32, #tpu.memory_space<vmem>>
        %dma_wait3A_362 = arith.constant 0 : i32
        %dma_wait3A_363 = arith.constant 0 : i32
        %dma_wait3A_364 = tpu.memref_slice %arg13[%dma_wait3A_362, %dma_wait3A_363] : memref<10240x128xf32, #tpu.memory_space<vmem_shared>> -> memref<10240x128xf32, #tpu.memory_space<vmem_shared>>
        tpu.wait_indirect_dma semaphore(%run_scoped3A_352 : memref<!tpu.dma_semaphore, #tpu.memory_space<semaphore_mem>>) src(%arg11 : memref<128x128xf32, #tpu.memory_space<vmem>>) dst(%dma_wait3A_364 : memref<10240x128xf32, #tpu.memory_space<vmem_shared>>)
        tpu.yield
      }) : () -> ()
      %mul3A_245 = arith.constant 8 : i32
      %mul3A_246 = arith.muli %add3A_202, %mul3A_245 : i32
      %add3A_247 = arith.constant 2 : i32
      %add3A_248 = arith.addi %mul3A_246, %add3A_247 : i32
      %dma_wait3A_249 = arith.constant 0 : i32
      %dma_wait3A_250 = arith.constant 0 : i32
      %dma_wait3A_251 = tpu.memref_slice %arg2[%dma_wait3A_249, %dma_wait3A_250] : memref<10000x128xf32, #tpu.memory_space<hbm>> -> memref<128x128xf32, #tpu.memory_space<hbm>>
      %dma_wait3A_252 = arith.constant 0 : i32
      %dma_wait3A_253 = arith.constant 0 : i32
      %dma_wait3A_254 = tpu.memref_slice %arg2[%dma_wait3A_252, %dma_wait3A_253] : memref<10000x128xf32, #tpu.memory_space<hbm>> -> memref<128x128xf32, #tpu.memory_space<hbm>>
      tpu.wait_dma2 semaphore(%arg12 : memref<!tpu.dma_semaphore, #tpu.memory_space<semaphore_mem>>) src(%dma_wait3A_254 : memref<128x128xf32, #tpu.memory_space<hbm>>) dst(%arg10 : memref<128x128xf32, #tpu.memory_space<vmem>>)
      %dma_start3A_255 = arith.constant 3 : i32
      %dma_start3A_256 = arith.constant 0 : i32
      %dma_start3A_257 = tpu.memref_slice %arg8[%dma_start3A_255, %dma_start3A_256] : memref<8x128xi32, #tpu.memory_space<vmem>> -> memref<1x128xi32, #tpu.memory_space<vmem>>
      %dma_start3A_258 = tpu.memref_squeeze %dma_start3A_257 : memref<1x128xi32, #tpu.memory_space<vmem>> -> memref<128xi32, #tpu.memory_space<vmem>>
      %dma_start3A_259 = arith.constant 0 : i32
      %dma_start3A_260 = arith.constant 0 : i32
      %dma_start3A_261 = tpu.memref_slice %arg2[%dma_start3A_259, %dma_start3A_260] : memref<10000x128xf32, #tpu.memory_space<hbm>> -> memref<10000x128xf32, #tpu.memory_space<hbm>>
      tpu.enqueue_indirect_dma source(%dma_start3A_261 : memref<10000x128xf32, #tpu.memory_space<hbm>>) target(%arg11 : memref<128x128xf32, #tpu.memory_space<vmem>>) offsets(%dma_start3A_258 : memref<128xi32, #tpu.memory_space<vmem>>) semaphore(%arg12 : memref<!tpu.dma_semaphore, #tpu.memory_space<semaphore_mem>>)
      %run_scoped3A_262 = arith.constant 2 : i32
      "tpu.region"() ({
        %run_scoped3A_352 = tpu.sem_alloc : memref<!tpu.dma_semaphore, #tpu.memory_space<semaphore_mem>>
        %dma_start3A_353 = arith.constant 0 : i32
        %dma_start3A_354 = tpu.memref_slice %arg9[%run_scoped3A_262, %dma_start3A_353] : memref<8x128xi32, #tpu.memory_space<vmem>> -> memref<1x128xi32, #tpu.memory_space<vmem>>
        %dma_start3A_355 = tpu.memref_squeeze %dma_start3A_354 : memref<1x128xi32, #tpu.memory_space<vmem>> -> memref<128xi32, #tpu.memory_space<vmem>>
        %dma_start3A_356 = arith.constant 0 : i32
        %dma_start3A_357 = arith.constant 0 : i32
        %dma_start3A_358 = tpu.memref_slice %arg13[%dma_start3A_356, %dma_start3A_357] : memref<10240x128xf32, #tpu.memory_space<vmem_shared>> -> memref<10240x128xf32, #tpu.memory_space<vmem_shared>>
        tpu.enqueue_indirect_dma source(%arg10 : memref<128x128xf32, #tpu.memory_space<vmem>>) target(%dma_start3A_358 : memref<10240x128xf32, #tpu.memory_space<vmem_shared>>) offsets(%dma_start3A_355 : memref<128xi32, #tpu.memory_space<vmem>>) semaphore(%run_scoped3A_352 : memref<!tpu.dma_semaphore, #tpu.memory_space<semaphore_mem>>) {add = true}
        %dma_wait3A_359 = arith.constant 0 : i32
        %dma_wait3A_360 = tpu.memref_slice %arg9[%run_scoped3A_262, %dma_wait3A_359] : memref<8x128xi32, #tpu.memory_space<vmem>> -> memref<1x128xi32, #tpu.memory_space<vmem>>
        %dma_wait3A_361 = tpu.memref_squeeze %dma_wait3A_360 : memref<1x128xi32, #tpu.memory_space<vmem>> -> memref<128xi32, #tpu.memory_space<vmem>>
        %dma_wait3A_362 = arith.constant 0 : i32
        %dma_wait3A_363 = arith.constant 0 : i32
        %dma_wait3A_364 = tpu.memref_slice %arg13[%dma_wait3A_362, %dma_wait3A_363] : memref<10240x128xf32, #tpu.memory_space<vmem_shared>> -> memref<10240x128xf32, #tpu.memory_space<vmem_shared>>
        tpu.wait_indirect_dma semaphore(%run_scoped3A_352 : memref<!tpu.dma_semaphore, #tpu.memory_space<semaphore_mem>>) src(%arg10 : memref<128x128xf32, #tpu.memory_space<vmem>>) dst(%dma_wait3A_364 : memref<10240x128xf32, #tpu.memory_space<vmem_shared>>)
        tpu.yield
      }) : () -> ()
      %mul3A_263 = arith.constant 8 : i32
      %mul3A_264 = arith.muli %add3A_202, %mul3A_263 : i32
      %add3A_265 = arith.constant 3 : i32
      %add3A_266 = arith.addi %mul3A_264, %add3A_265 : i32
      %dma_wait3A_267 = arith.constant 0 : i32
      %dma_wait3A_268 = arith.constant 0 : i32
      %dma_wait3A_269 = tpu.memref_slice %arg2[%dma_wait3A_267, %dma_wait3A_268] : memref<10000x128xf32, #tpu.memory_space<hbm>> -> memref<128x128xf32, #tpu.memory_space<hbm>>
      %dma_wait3A_270 = arith.constant 0 : i32
      %dma_wait3A_271 = arith.constant 0 : i32
      %dma_wait3A_272 = tpu.memref_slice %arg2[%dma_wait3A_270, %dma_wait3A_271] : memref<10000x128xf32, #tpu.memory_space<hbm>> -> memref<128x128xf32, #tpu.memory_space<hbm>>
      tpu.wait_dma2 semaphore(%arg12 : memref<!tpu.dma_semaphore, #tpu.memory_space<semaphore_mem>>) src(%dma_wait3A_272 : memref<128x128xf32, #tpu.memory_space<hbm>>) dst(%arg11 : memref<128x128xf32, #tpu.memory_space<vmem>>)
      %dma_start3A_273 = arith.constant 4 : i32
      %dma_start3A_274 = arith.constant 0 : i32
      %dma_start3A_275 = tpu.memref_slice %arg8[%dma_start3A_273, %dma_start3A_274] : memref<8x128xi32, #tpu.memory_space<vmem>> -> memref<1x128xi32, #tpu.memory_space<vmem>>
      %dma_start3A_276 = tpu.memref_squeeze %dma_start3A_275 : memref<1x128xi32, #tpu.memory_space<vmem>> -> memref<128xi32, #tpu.memory_space<vmem>>
      %dma_start3A_277 = arith.constant 0 : i32
      %dma_start3A_278 = arith.constant 0 : i32
      %dma_start3A_279 = tpu.memref_slice %arg2[%dma_start3A_277, %dma_start3A_278] : memref<10000x128xf32, #tpu.memory_space<hbm>> -> memref<10000x128xf32, #tpu.memory_space<hbm>>
      tpu.enqueue_indirect_dma source(%dma_start3A_279 : memref<10000x128xf32, #tpu.memory_space<hbm>>) target(%arg10 : memref<128x128xf32, #tpu.memory_space<vmem>>) offsets(%dma_start3A_276 : memref<128xi32, #tpu.memory_space<vmem>>) semaphore(%arg12 : memref<!tpu.dma_semaphore, #tpu.memory_space<semaphore_mem>>)
      %run_scoped3A_280 = arith.constant 3 : i32
      "tpu.region"() ({
        %run_scoped3A_352 = tpu.sem_alloc : memref<!tpu.dma_semaphore, #tpu.memory_space<semaphore_mem>>
        %dma_start3A_353 = arith.constant 0 : i32
        %dma_start3A_354 = tpu.memref_slice %arg9[%run_scoped3A_280, %dma_start3A_353] : memref<8x128xi32, #tpu.memory_space<vmem>> -> memref<1x128xi32, #tpu.memory_space<vmem>>
        %dma_start3A_355 = tpu.memref_squeeze %dma_start3A_354 : memref<1x128xi32, #tpu.memory_space<vmem>> -> memref<128xi32, #tpu.memory_space<vmem>>
        %dma_start3A_356 = arith.constant 0 : i32
        %dma_start3A_357 = arith.constant 0 : i32
        %dma_start3A_358 = tpu.memref_slice %arg13[%dma_start3A_356, %dma_start3A_357] : memref<10240x128xf32, #tpu.memory_space<vmem_shared>> -> memref<10240x128xf32, #tpu.memory_space<vmem_shared>>
        tpu.enqueue_indirect_dma source(%arg11 : memref<128x128xf32, #tpu.memory_space<vmem>>) target(%dma_start3A_358 : memref<10240x128xf32, #tpu.memory_space<vmem_shared>>) offsets(%dma_start3A_355 : memref<128xi32, #tpu.memory_space<vmem>>) semaphore(%run_scoped3A_352 : memref<!tpu.dma_semaphore, #tpu.memory_space<semaphore_mem>>) {add = true}
        %dma_wait3A_359 = arith.constant 0 : i32
        %dma_wait3A_360 = tpu.memref_slice %arg9[%run_scoped3A_280, %dma_wait3A_359] : memref<8x128xi32, #tpu.memory_space<vmem>> -> memref<1x128xi32, #tpu.memory_space<vmem>>
        %dma_wait3A_361 = tpu.memref_squeeze %dma_wait3A_360 : memref<1x128xi32, #tpu.memory_space<vmem>> -> memref<128xi32, #tpu.memory_space<vmem>>
        %dma_wait3A_362 = arith.constant 0 : i32
        %dma_wait3A_363 = arith.constant 0 : i32
        %dma_wait3A_364 = tpu.memref_slice %arg13[%dma_wait3A_362, %dma_wait3A_363] : memref<10240x128xf32, #tpu.memory_space<vmem_shared>> -> memref<10240x128xf32, #tpu.memory_space<vmem_shared>>
        tpu.wait_indirect_dma semaphore(%run_scoped3A_352 : memref<!tpu.dma_semaphore, #tpu.memory_space<semaphore_mem>>) src(%arg11 : memref<128x128xf32, #tpu.memory_space<vmem>>) dst(%dma_wait3A_364 : memref<10240x128xf32, #tpu.memory_space<vmem_shared>>)
        tpu.yield
      }) : () -> ()
      %mul3A_281 = arith.constant 8 : i32
      %mul3A_282 = arith.muli %add3A_202, %mul3A_281 : i32
      %add3A_283 = arith.constant 4 : i32
      %add3A_284 = arith.addi %mul3A_282, %add3A_283 : i32
      %dma_wait3A_285 = arith.constant 0 : i32
      %dma_wait3A_286 = arith.constant 0 : i32
      %dma_wait3A_287 = tpu.memref_slice %arg2[%dma_wait3A_285, %dma_wait3A_286] : memref<10000x128xf32, #tpu.memory_space<hbm>> -> memref<128x128xf32, #tpu.memory_space<hbm>>
      %dma_wait3A_288 = arith.constant 0 : i32
      %dma_wait3A_289 = arith.constant 0 : i32
      %dma_wait3A_290 = tpu.memref_slice %arg2[%dma_wait3A_288, %dma_wait3A_289] : memref<10000x128xf32, #tpu.memory_space<hbm>> -> memref<128x128xf32, #tpu.memory_space<hbm>>
      tpu.wait_dma2 semaphore(%arg12 : memref<!tpu.dma_semaphore, #tpu.memory_space<semaphore_mem>>) src(%dma_wait3A_290 : memref<128x128xf32, #tpu.memory_space<hbm>>) dst(%arg10 : memref<128x128xf32, #tpu.memory_space<vmem>>)
      %dma_start3A_291 = arith.constant 5 : i32
      %dma_start3A_292 = arith.constant 0 : i32
      %dma_start3A_293 = tpu.memref_slice %arg8[%dma_start3A_291, %dma_start3A_292] : memref<8x128xi32, #tpu.memory_space<vmem>> -> memref<1x128xi32, #tpu.memory_space<vmem>>
      %dma_start3A_294 = tpu.memref_squeeze %dma_start3A_293 : memref<1x128xi32, #tpu.memory_space<vmem>> -> memref<128xi32, #tpu.memory_space<vmem>>
      %dma_start3A_295 = arith.constant 0 : i32
      %dma_start3A_296 = arith.constant 0 : i32
      %dma_start3A_297 = tpu.memref_slice %arg2[%dma_start3A_295, %dma_start3A_296] : memref<10000x128xf32, #tpu.memory_space<hbm>> -> memref<10000x128xf32, #tpu.memory_space<hbm>>
      tpu.enqueue_indirect_dma source(%dma_start3A_297 : memref<10000x128xf32, #tpu.memory_space<hbm>>) target(%arg11 : memref<128x128xf32, #tpu.memory_space<vmem>>) offsets(%dma_start3A_294 : memref<128xi32, #tpu.memory_space<vmem>>) semaphore(%arg12 : memref<!tpu.dma_semaphore, #tpu.memory_space<semaphore_mem>>)
      %run_scoped3A_298 = arith.constant 4 : i32
      "tpu.region"() ({
        %run_scoped3A_352 = tpu.sem_alloc : memref<!tpu.dma_semaphore, #tpu.memory_space<semaphore_mem>>
        %dma_start3A_353 = arith.constant 0 : i32
        %dma_start3A_354 = tpu.memref_slice %arg9[%run_scoped3A_298, %dma_start3A_353] : memref<8x128xi32, #tpu.memory_space<vmem>> -> memref<1x128xi32, #tpu.memory_space<vmem>>
        %dma_start3A_355 = tpu.memref_squeeze %dma_start3A_354 : memref<1x128xi32, #tpu.memory_space<vmem>> -> memref<128xi32, #tpu.memory_space<vmem>>
        %dma_start3A_356 = arith.constant 0 : i32
        %dma_start3A_357 = arith.constant 0 : i32
        %dma_start3A_358 = tpu.memref_slice %arg13[%dma_start3A_356, %dma_start3A_357] : memref<10240x128xf32, #tpu.memory_space<vmem_shared>> -> memref<10240x128xf32, #tpu.memory_space<vmem_shared>>
        tpu.enqueue_indirect_dma source(%arg10 : memref<128x128xf32, #tpu.memory_space<vmem>>) target(%dma_start3A_358 : memref<10240x128xf32, #tpu.memory_space<vmem_shared>>) offsets(%dma_start3A_355 : memref<128xi32, #tpu.memory_space<vmem>>) semaphore(%run_scoped3A_352 : memref<!tpu.dma_semaphore, #tpu.memory_space<semaphore_mem>>) {add = true}
        %dma_wait3A_359 = arith.constant 0 : i32
        %dma_wait3A_360 = tpu.memref_slice %arg9[%run_scoped3A_298, %dma_wait3A_359] : memref<8x128xi32, #tpu.memory_space<vmem>> -> memref<1x128xi32, #tpu.memory_space<vmem>>
        %dma_wait3A_361 = tpu.memref_squeeze %dma_wait3A_360 : memref<1x128xi32, #tpu.memory_space<vmem>> -> memref<128xi32, #tpu.memory_space<vmem>>
        %dma_wait3A_362 = arith.constant 0 : i32
        %dma_wait3A_363 = arith.constant 0 : i32
        %dma_wait3A_364 = tpu.memref_slice %arg13[%dma_wait3A_362, %dma_wait3A_363] : memref<10240x128xf32, #tpu.memory_space<vmem_shared>> -> memref<10240x128xf32, #tpu.memory_space<vmem_shared>>
        tpu.wait_indirect_dma semaphore(%run_scoped3A_352 : memref<!tpu.dma_semaphore, #tpu.memory_space<semaphore_mem>>) src(%arg10 : memref<128x128xf32, #tpu.memory_space<vmem>>) dst(%dma_wait3A_364 : memref<10240x128xf32, #tpu.memory_space<vmem_shared>>)
        tpu.yield
      }) : () -> ()
      %mul3A_299 = arith.constant 8 : i32
      %mul3A_300 = arith.muli %add3A_202, %mul3A_299 : i32
      %add3A_301 = arith.constant 5 : i32
      %add3A_302 = arith.addi %mul3A_300, %add3A_301 : i32
      %dma_wait3A_303 = arith.constant 0 : i32
      %dma_wait3A_304 = arith.constant 0 : i32
      %dma_wait3A_305 = tpu.memref_slice %arg2[%dma_wait3A_303, %dma_wait3A_304] : memref<10000x128xf32, #tpu.memory_space<hbm>> -> memref<128x128xf32, #tpu.memory_space<hbm>>
      %dma_wait3A_306 = arith.constant 0 : i32
      %dma_wait3A_307 = arith.constant 0 : i32
      %dma_wait3A_308 = tpu.memref_slice %arg2[%dma_wait3A_306, %dma_wait3A_307] : memref<10000x128xf32, #tpu.memory_space<hbm>> -> memref<128x128xf32, #tpu.memory_space<hbm>>
      tpu.wait_dma2 semaphore(%arg12 : memref<!tpu.dma_semaphore, #tpu.memory_space<semaphore_mem>>) src(%dma_wait3A_308 : memref<128x128xf32, #tpu.memory_space<hbm>>) dst(%arg11 : memref<128x128xf32, #tpu.memory_space<vmem>>)
      %dma_start3A_309 = arith.constant 6 : i32
      %dma_start3A_310 = arith.constant 0 : i32
      %dma_start3A_311 = tpu.memref_slice %arg8[%dma_start3A_309, %dma_start3A_310] : memref<8x128xi32, #tpu.memory_space<vmem>> -> memref<1x128xi32, #tpu.memory_space<vmem>>
      %dma_start3A_312 = tpu.memref_squeeze %dma_start3A_311 : memref<1x128xi32, #tpu.memory_space<vmem>> -> memref<128xi32, #tpu.memory_space<vmem>>
      %dma_start3A_313 = arith.constant 0 : i32
      %dma_start3A_314 = arith.constant 0 : i32
      %dma_start3A_315 = tpu.memref_slice %arg2[%dma_start3A_313, %dma_start3A_314] : memref<10000x128xf32, #tpu.memory_space<hbm>> -> memref<10000x128xf32, #tpu.memory_space<hbm>>
      tpu.enqueue_indirect_dma source(%dma_start3A_315 : memref<10000x128xf32, #tpu.memory_space<hbm>>) target(%arg10 : memref<128x128xf32, #tpu.memory_space<vmem>>) offsets(%dma_start3A_312 : memref<128xi32, #tpu.memory_space<vmem>>) semaphore(%arg12 : memref<!tpu.dma_semaphore, #tpu.memory_space<semaphore_mem>>)
      %run_scoped3A_316 = arith.constant 5 : i32
      "tpu.region"() ({
        %run_scoped3A_352 = tpu.sem_alloc : memref<!tpu.dma_semaphore, #tpu.memory_space<semaphore_mem>>
        %dma_start3A_353 = arith.constant 0 : i32
        %dma_start3A_354 = tpu.memref_slice %arg9[%run_scoped3A_316, %dma_start3A_353] : memref<8x128xi32, #tpu.memory_space<vmem>> -> memref<1x128xi32, #tpu.memory_space<vmem>>
        %dma_start3A_355 = tpu.memref_squeeze %dma_start3A_354 : memref<1x128xi32, #tpu.memory_space<vmem>> -> memref<128xi32, #tpu.memory_space<vmem>>
        %dma_start3A_356 = arith.constant 0 : i32
        %dma_start3A_357 = arith.constant 0 : i32
        %dma_start3A_358 = tpu.memref_slice %arg13[%dma_start3A_356, %dma_start3A_357] : memref<10240x128xf32, #tpu.memory_space<vmem_shared>> -> memref<10240x128xf32, #tpu.memory_space<vmem_shared>>
        tpu.enqueue_indirect_dma source(%arg11 : memref<128x128xf32, #tpu.memory_space<vmem>>) target(%dma_start3A_358 : memref<10240x128xf32, #tpu.memory_space<vmem_shared>>) offsets(%dma_start3A_355 : memref<128xi32, #tpu.memory_space<vmem>>) semaphore(%run_scoped3A_352 : memref<!tpu.dma_semaphore, #tpu.memory_space<semaphore_mem>>) {add = true}
        %dma_wait3A_359 = arith.constant 0 : i32
        %dma_wait3A_360 = tpu.memref_slice %arg9[%run_scoped3A_316, %dma_wait3A_359] : memref<8x128xi32, #tpu.memory_space<vmem>> -> memref<1x128xi32, #tpu.memory_space<vmem>>
        %dma_wait3A_361 = tpu.memref_squeeze %dma_wait3A_360 : memref<1x128xi32, #tpu.memory_space<vmem>> -> memref<128xi32, #tpu.memory_space<vmem>>
        %dma_wait3A_362 = arith.constant 0 : i32
        %dma_wait3A_363 = arith.constant 0 : i32
        %dma_wait3A_364 = tpu.memref_slice %arg13[%dma_wait3A_362, %dma_wait3A_363] : memref<10240x128xf32, #tpu.memory_space<vmem_shared>> -> memref<10240x128xf32, #tpu.memory_space<vmem_shared>>
        tpu.wait_indirect_dma semaphore(%run_scoped3A_352 : memref<!tpu.dma_semaphore, #tpu.memory_space<semaphore_mem>>) src(%arg11 : memref<128x128xf32, #tpu.memory_space<vmem>>) dst(%dma_wait3A_364 : memref<10240x128xf32, #tpu.memory_space<vmem_shared>>)
        tpu.yield
      }) : () -> ()
      %mul3A_317 = arith.constant 8 : i32
      %mul3A_318 = arith.muli %add3A_202, %mul3A_317 : i32
      %add3A_319 = arith.constant 6 : i32
      %add3A_320 = arith.addi %mul3A_318, %add3A_319 : i32
      %dma_wait3A_321 = arith.constant 0 : i32
      %dma_wait3A_322 = arith.constant 0 : i32
      %dma_wait3A_323 = tpu.memref_slice %arg2[%dma_wait3A_321, %dma_wait3A_322] : memref<10000x128xf32, #tpu.memory_space<hbm>> -> memref<128x128xf32, #tpu.memory_space<hbm>>
      %dma_wait3A_324 = arith.constant 0 : i32
      %dma_wait3A_325 = arith.constant 0 : i32
      %dma_wait3A_326 = tpu.memref_slice %arg2[%dma_wait3A_324, %dma_wait3A_325] : memref<10000x128xf32, #tpu.memory_space<hbm>> -> memref<128x128xf32, #tpu.memory_space<hbm>>
      tpu.wait_dma2 semaphore(%arg12 : memref<!tpu.dma_semaphore, #tpu.memory_space<semaphore_mem>>) src(%dma_wait3A_326 : memref<128x128xf32, #tpu.memory_space<hbm>>) dst(%arg10 : memref<128x128xf32, #tpu.memory_space<vmem>>)
      %dma_start3A_327 = arith.constant 7 : i32
      %dma_start3A_328 = arith.constant 0 : i32
      %dma_start3A_329 = tpu.memref_slice %arg8[%dma_start3A_327, %dma_start3A_328] : memref<8x128xi32, #tpu.memory_space<vmem>> -> memref<1x128xi32, #tpu.memory_space<vmem>>
      %dma_start3A_330 = tpu.memref_squeeze %dma_start3A_329 : memref<1x128xi32, #tpu.memory_space<vmem>> -> memref<128xi32, #tpu.memory_space<vmem>>
      %dma_start3A_331 = arith.constant 0 : i32
      %dma_start3A_332 = arith.constant 0 : i32
      %dma_start3A_333 = tpu.memref_slice %arg2[%dma_start3A_331, %dma_start3A_332] : memref<10000x128xf32, #tpu.memory_space<hbm>> -> memref<10000x128xf32, #tpu.memory_space<hbm>>
      tpu.enqueue_indirect_dma source(%dma_start3A_333 : memref<10000x128xf32, #tpu.memory_space<hbm>>) target(%arg11 : memref<128x128xf32, #tpu.memory_space<vmem>>) offsets(%dma_start3A_330 : memref<128xi32, #tpu.memory_space<vmem>>) semaphore(%arg12 : memref<!tpu.dma_semaphore, #tpu.memory_space<semaphore_mem>>)
      %run_scoped3A_334 = arith.constant 6 : i32
      "tpu.region"() ({
        %run_scoped3A_352 = tpu.sem_alloc : memref<!tpu.dma_semaphore, #tpu.memory_space<semaphore_mem>>
        %dma_start3A_353 = arith.constant 0 : i32
        %dma_start3A_354 = tpu.memref_slice %arg9[%run_scoped3A_334, %dma_start3A_353] : memref<8x128xi32, #tpu.memory_space<vmem>> -> memref<1x128xi32, #tpu.memory_space<vmem>>
        %dma_start3A_355 = tpu.memref_squeeze %dma_start3A_354 : memref<1x128xi32, #tpu.memory_space<vmem>> -> memref<128xi32, #tpu.memory_space<vmem>>
        %dma_start3A_356 = arith.constant 0 : i32
        %dma_start3A_357 = arith.constant 0 : i32
        %dma_start3A_358 = tpu.memref_slice %arg13[%dma_start3A_356, %dma_start3A_357] : memref<10240x128xf32, #tpu.memory_space<vmem_shared>> -> memref<10240x128xf32, #tpu.memory_space<vmem_shared>>
        tpu.enqueue_indirect_dma source(%arg10 : memref<128x128xf32, #tpu.memory_space<vmem>>) target(%dma_start3A_358 : memref<10240x128xf32, #tpu.memory_space<vmem_shared>>) offsets(%dma_start3A_355 : memref<128xi32, #tpu.memory_space<vmem>>) semaphore(%run_scoped3A_352 : memref<!tpu.dma_semaphore, #tpu.memory_space<semaphore_mem>>) {add = true}
        %dma_wait3A_359 = arith.constant 0 : i32
        %dma_wait3A_360 = tpu.memref_slice %arg9[%run_scoped3A_334, %dma_wait3A_359] : memref<8x128xi32, #tpu.memory_space<vmem>> -> memref<1x128xi32, #tpu.memory_space<vmem>>
        %dma_wait3A_361 = tpu.memref_squeeze %dma_wait3A_360 : memref<1x128xi32, #tpu.memory_space<vmem>> -> memref<128xi32, #tpu.memory_space<vmem>>
        %dma_wait3A_362 = arith.constant 0 : i32
        %dma_wait3A_363 = arith.constant 0 : i32
        %dma_wait3A_364 = tpu.memref_slice %arg13[%dma_wait3A_362, %dma_wait3A_363] : memref<10240x128xf32, #tpu.memory_space<vmem_shared>> -> memref<10240x128xf32, #tpu.memory_space<vmem_shared>>
        tpu.wait_indirect_dma semaphore(%run_scoped3A_352 : memref<!tpu.dma_semaphore, #tpu.memory_space<semaphore_mem>>) src(%arg10 : memref<128x128xf32, #tpu.memory_space<vmem>>) dst(%dma_wait3A_364 : memref<10240x128xf32, #tpu.memory_space<vmem_shared>>)
        tpu.yield
      }) : () -> ()
      %mul3A_335 = arith.constant 8 : i32
      %mul3A_336 = arith.muli %add3A_202, %mul3A_335 : i32
      %add3A_337 = arith.constant 7 : i32
      %add3A_338 = arith.addi %mul3A_336, %add3A_337 : i32
      %dma_wait3A_339 = arith.constant 0 : i32
      %dma_wait3A_340 = arith.constant 0 : i32
      %dma_wait3A_341 = tpu.memref_slice %arg2[%dma_wait3A_339, %dma_wait3A_340] : memref<10000x128xf32, #tpu.memory_space<hbm>> -> memref<128x128xf32, #tpu.memory_space<hbm>>
      %dma_wait3A_342 = arith.constant 0 : i32
      %dma_wait3A_343 = arith.constant 0 : i32
      %dma_wait3A_344 = tpu.memref_slice %arg2[%dma_wait3A_342, %dma_wait3A_343] : memref<10000x128xf32, #tpu.memory_space<hbm>> -> memref<128x128xf32, #tpu.memory_space<hbm>>
      tpu.wait_dma2 semaphore(%arg12 : memref<!tpu.dma_semaphore, #tpu.memory_space<semaphore_mem>>) src(%dma_wait3A_344 : memref<128x128xf32, #tpu.memory_space<hbm>>) dst(%arg11 : memref<128x128xf32, #tpu.memory_space<vmem>>)
      %add3A_345 = arith.constant 1 : i32
      %add3A_346 = arith.addi %add3A_338, %add3A_345 : i32
      %lt3A_347 = arith.cmpi slt, %add3A_346, %mul3A_2 : i32
      %convert_element_type3A_348 = arith.extui %lt3A_347 : i1 to i32
      %cond3A_349 = arith.constant 0 : i32
      %cond3A_350 = arith.cmpi ne, %convert_element_type3A_348, %cond3A_349 : i32
      scf.if %cond3A_350 {
        %dma_start3A_352 = arith.constant 0 : i32
        %dma_start3A_353 = arith.constant 0 : i32
        %dma_start3A_354 = tpu.memref_slice %arg6[%dma_start3A_352, %dma_start3A_353] : memref<8x128xi32, #tpu.memory_space<vmem>> -> memref<1x128xi32, #tpu.memory_space<vmem>>
        %dma_start3A_355 = tpu.memref_squeeze %dma_start3A_354 : memref<1x128xi32, #tpu.memory_space<vmem>> -> memref<128xi32, #tpu.memory_space<vmem>>
        %dma_start3A_356 = arith.constant 0 : i32
        %dma_start3A_357 = arith.constant 0 : i32
        %dma_start3A_358 = tpu.memref_slice %arg2[%dma_start3A_356, %dma_start3A_357] : memref<10000x128xf32, #tpu.memory_space<hbm>> -> memref<10000x128xf32, #tpu.memory_space<hbm>>
        tpu.enqueue_indirect_dma source(%dma_start3A_358 : memref<10000x128xf32, #tpu.memory_space<hbm>>) target(%arg10 : memref<128x128xf32, #tpu.memory_space<vmem>>) offsets(%dma_start3A_355 : memref<128xi32, #tpu.memory_space<vmem>>) semaphore(%arg12 : memref<!tpu.dma_semaphore, #tpu.memory_space<semaphore_mem>>)
      } else {
      }
      %run_scoped3A_351 = arith.constant 7 : i32
      "tpu.region"() ({
        %run_scoped3A_352 = tpu.sem_alloc : memref<!tpu.dma_semaphore, #tpu.memory_space<semaphore_mem>>
        %dma_start3A_353 = arith.constant 0 : i32
        %dma_start3A_354 = tpu.memref_slice %arg9[%run_scoped3A_351, %dma_start3A_353] : memref<8x128xi32, #tpu.memory_space<vmem>> -> memref<1x128xi32, #tpu.memory_space<vmem>>
        %dma_start3A_355 = tpu.memref_squeeze %dma_start3A_354 : memref<1x128xi32, #tpu.memory_space<vmem>> -> memref<128xi32, #tpu.memory_space<vmem>>
        %dma_start3A_356 = arith.constant 0 : i32
        %dma_start3A_357 = arith.constant 0 : i32
        %dma_start3A_358 = tpu.memref_slice %arg13[%dma_start3A_356, %dma_start3A_357] : memref<10240x128xf32, #tpu.memory_space<vmem_shared>> -> memref<10240x128xf32, #tpu.memory_space<vmem_shared>>
        tpu.enqueue_indirect_dma source(%arg11 : memref<128x128xf32, #tpu.memory_space<vmem>>) target(%dma_start3A_358 : memref<10240x128xf32, #tpu.memory_space<vmem_shared>>) offsets(%dma_start3A_355 : memref<128xi32, #tpu.memory_space<vmem>>) semaphore(%run_scoped3A_352 : memref<!tpu.dma_semaphore, #tpu.memory_space<semaphore_mem>>) {add = true}
        %dma_wait3A_359 = arith.constant 0 : i32
        %dma_wait3A_360 = tpu.memref_slice %arg9[%run_scoped3A_351, %dma_wait3A_359] : memref<8x128xi32, #tpu.memory_space<vmem>> -> memref<1x128xi32, #tpu.memory_space<vmem>>
        %dma_wait3A_361 = tpu.memref_squeeze %dma_wait3A_360 : memref<1x128xi32, #tpu.memory_space<vmem>> -> memref<128xi32, #tpu.memory_space<vmem>>
        %dma_wait3A_362 = arith.constant 0 : i32
        %dma_wait3A_363 = arith.constant 0 : i32
        %dma_wait3A_364 = tpu.memref_slice %arg13[%dma_wait3A_362, %dma_wait3A_363] : memref<10240x128xf32, #tpu.memory_space<vmem_shared>> -> memref<10240x128xf32, #tpu.memory_space<vmem_shared>>
        tpu.wait_indirect_dma semaphore(%run_scoped3A_352 : memref<!tpu.dma_semaphore, #tpu.memory_space<semaphore_mem>>) src(%arg11 : memref<128x128xf32, #tpu.memory_space<vmem>>) dst(%dma_wait3A_364 : memref<10240x128xf32, #tpu.memory_space<vmem_shared>>)
        tpu.yield
      }) : () -> ()
    }
    %while3A_46 = arith.constant 1 : i32
    scf.for %while3A_52 = %while3A_44 to %while3A_40 step %while3A_46  : i32 {
      %mul3A_53 = arith.muli %while3A_52, %while3A : i32
      %add3A_54 = arith.addi %while3A_37, %mul3A_53 : i32
      %add3A_55 = arith.constant 0 : i32
      %add3A_56 = arith.addi %add3A_54, %add3A_55 : i32
      %mul3A_57 = arith.constant 8 : i32
      %mul3A_58 = arith.muli %add3A_56, %mul3A_57 : i32
      %add3A_59 = arith.constant 0 : i32
      %add3A_60 = arith.addi %mul3A_58, %add3A_59 : i32
      %dma_wait3A = arith.constant 0 : i32
      %dma_wait3A_61 = arith.constant 0 : i32
      %dma_wait3A_62 = tpu.memref_slice %arg2[%dma_wait3A, %dma_wait3A_61] : memref<10000x128xf32, #tpu.memory_space<hbm>> -> memref<128x128xf32, #tpu.memory_space<hbm>>
      %dma_wait3A_63 = arith.constant 0 : i32
      %dma_wait3A_64 = arith.constant 0 : i32
      %dma_wait3A_65 = tpu.memref_slice %arg2[%dma_wait3A_63, %dma_wait3A_64] : memref<10000x128xf32, #tpu.memory_space<hbm>> -> memref<128x128xf32, #tpu.memory_space<hbm>>
      tpu.wait_dma2 semaphore(%arg12 : memref<!tpu.dma_semaphore, #tpu.memory_space<semaphore_mem>>) src(%dma_wait3A_65 : memref<128x128xf32, #tpu.memory_space<hbm>>) dst(%arg10 : memref<128x128xf32, #tpu.memory_space<vmem>>)
      %dma_start3A_66 = arith.constant 1 : i32
      %dma_start3A_67 = arith.constant 0 : i32
      %dma_start3A_68 = tpu.memref_slice %arg6[%dma_start3A_66, %dma_start3A_67] : memref<8x128xi32, #tpu.memory_space<vmem>> -> memref<1x128xi32, #tpu.memory_space<vmem>>
      %dma_start3A_69 = tpu.memref_squeeze %dma_start3A_68 : memref<1x128xi32, #tpu.memory_space<vmem>> -> memref<128xi32, #tpu.memory_space<vmem>>
      %dma_start3A_70 = arith.constant 0 : i32
      %dma_start3A_71 = arith.constant 0 : i32
      %dma_start3A_72 = tpu.memref_slice %arg2[%dma_start3A_70, %dma_start3A_71] : memref<10000x128xf32, #tpu.memory_space<hbm>> -> memref<10000x128xf32, #tpu.memory_space<hbm>>
      tpu.enqueue_indirect_dma source(%dma_start3A_72 : memref<10000x128xf32, #tpu.memory_space<hbm>>) target(%arg11 : memref<128x128xf32, #tpu.memory_space<vmem>>) offsets(%dma_start3A_69 : memref<128xi32, #tpu.memory_space<vmem>>) semaphore(%arg12 : memref<!tpu.dma_semaphore, #tpu.memory_space<semaphore_mem>>)
      %run_scoped3A = arith.constant 0 : i32
      "tpu.region"() ({
        %run_scoped3A_352 = tpu.sem_alloc : memref<!tpu.dma_semaphore, #tpu.memory_space<semaphore_mem>>
        %dma_start3A_353 = arith.constant 0 : i32
        %dma_start3A_354 = tpu.memref_slice %arg7[%run_scoped3A, %dma_start3A_353] : memref<8x128xi32, #tpu.memory_space<vmem>> -> memref<1x128xi32, #tpu.memory_space<vmem>>
        %dma_start3A_355 = tpu.memref_squeeze %dma_start3A_354 : memref<1x128xi32, #tpu.memory_space<vmem>> -> memref<128xi32, #tpu.memory_space<vmem>>
        %dma_start3A_356 = arith.constant 0 : i32
        %dma_start3A_357 = arith.constant 0 : i32
        %dma_start3A_358 = tpu.memref_slice %arg13[%dma_start3A_356, %dma_start3A_357] : memref<10240x128xf32, #tpu.memory_space<vmem_shared>> -> memref<10240x128xf32, #tpu.memory_space<vmem_shared>>
        tpu.enqueue_indirect_dma source(%arg10 : memref<128x128xf32, #tpu.memory_space<vmem>>) target(%dma_start3A_358 : memref<10240x128xf32, #tpu.memory_space<vmem_shared>>) offsets(%dma_start3A_355 : memref<128xi32, #tpu.memory_space<vmem>>) semaphore(%run_scoped3A_352 : memref<!tpu.dma_semaphore, #tpu.memory_space<semaphore_mem>>) {add = true}
        %dma_wait3A_359 = arith.constant 0 : i32
        %dma_wait3A_360 = tpu.memref_slice %arg7[%run_scoped3A, %dma_wait3A_359] : memref<8x128xi32, #tpu.memory_space<vmem>> -> memref<1x128xi32, #tpu.memory_space<vmem>>
        %dma_wait3A_361 = tpu.memref_squeeze %dma_wait3A_360 : memref<1x128xi32, #tpu.memory_space<vmem>> -> memref<128xi32, #tpu.memory_space<vmem>>
        %dma_wait3A_362 = arith.constant 0 : i32
        %dma_wait3A_363 = arith.constant 0 : i32
        %dma_wait3A_364 = tpu.memref_slice %arg13[%dma_wait3A_362, %dma_wait3A_363] : memref<10240x128xf32, #tpu.memory_space<vmem_shared>> -> memref<10240x128xf32, #tpu.memory_space<vmem_shared>>
        tpu.wait_indirect_dma semaphore(%run_scoped3A_352 : memref<!tpu.dma_semaphore, #tpu.memory_space<semaphore_mem>>) src(%arg10 : memref<128x128xf32, #tpu.memory_space<vmem>>) dst(%dma_wait3A_364 : memref<10240x128xf32, #tpu.memory_space<vmem_shared>>)
        tpu.yield
      }) : () -> ()
      %mul3A_73 = arith.constant 8 : i32
      %mul3A_74 = arith.muli %add3A_56, %mul3A_73 : i32
      %add3A_75 = arith.constant 1 : i32
      %add3A_76 = arith.addi %mul3A_74, %add3A_75 : i32
      %dma_wait3A_77 = arith.constant 0 : i32
      %dma_wait3A_78 = arith.constant 0 : i32
      %dma_wait3A_79 = tpu.memref_slice %arg2[%dma_wait3A_77, %dma_wait3A_78] : memref<10000x128xf32, #tpu.memory_space<hbm>> -> memref<128x128xf32, #tpu.memory_space<hbm>>
      %dma_wait3A_80 = arith.constant 0 : i32
      %dma_wait3A_81 = arith.constant 0 : i32
      %dma_wait3A_82 = tpu.memref_slice %arg2[%dma_wait3A_80, %dma_wait3A_81] : memref<10000x128xf32, #tpu.memory_space<hbm>> -> memref<128x128xf32, #tpu.memory_space<hbm>>
      tpu.wait_dma2 semaphore(%arg12 : memref<!tpu.dma_semaphore, #tpu.memory_space<semaphore_mem>>) src(%dma_wait3A_82 : memref<128x128xf32, #tpu.memory_space<hbm>>) dst(%arg11 : memref<128x128xf32, #tpu.memory_space<vmem>>)
      %dma_start3A_83 = arith.constant 2 : i32
      %dma_start3A_84 = arith.constant 0 : i32
      %dma_start3A_85 = tpu.memref_slice %arg6[%dma_start3A_83, %dma_start3A_84] : memref<8x128xi32, #tpu.memory_space<vmem>> -> memref<1x128xi32, #tpu.memory_space<vmem>>
      %dma_start3A_86 = tpu.memref_squeeze %dma_start3A_85 : memref<1x128xi32, #tpu.memory_space<vmem>> -> memref<128xi32, #tpu.memory_space<vmem>>
      %dma_start3A_87 = arith.constant 0 : i32
      %dma_start3A_88 = arith.constant 0 : i32
      %dma_start3A_89 = tpu.memref_slice %arg2[%dma_start3A_87, %dma_start3A_88] : memref<10000x128xf32, #tpu.memory_space<hbm>> -> memref<10000x128xf32, #tpu.memory_space<hbm>>
      tpu.enqueue_indirect_dma source(%dma_start3A_89 : memref<10000x128xf32, #tpu.memory_space<hbm>>) target(%arg10 : memref<128x128xf32, #tpu.memory_space<vmem>>) offsets(%dma_start3A_86 : memref<128xi32, #tpu.memory_space<vmem>>) semaphore(%arg12 : memref<!tpu.dma_semaphore, #tpu.memory_space<semaphore_mem>>)
      %add3A_90 = arith.constant 1 : i32
      %add3A_91 = arith.addi %add3A_56, %add3A_90 : i32
      %lt3A = arith.cmpi slt, %add3A_91, %select_n3A : i32
      %convert_element_type3A = arith.extui %lt3A : i1 to i32
      %cond3A = arith.constant 0 : i32
      %cond3A_92 = arith.cmpi ne, %convert_element_type3A, %cond3A : i32
      scf.if %cond3A_92 {
        %add3A_352 = arith.constant 1 : i32
        %add3A_353 = arith.addi %add3A_56, %add3A_352 : i32
        %mul3A_354 = arith.constant 8 : i32
        %mul3A_355 = arith.muli %add3A_353, %mul3A_354 : i32
        %add3A_356 = arith.addi %select_n3A_10, %mul3A_355 : i32
        %multiple_of3A_357 = tpu.assume_multiple %add3A_356, 8 : i32
        "tpu.region"() ({
          %run_scoped3A_360 = tpu.sem_alloc : memref<!tpu.dma_semaphore, #tpu.memory_space<semaphore_mem>>
          %dma_start3A_361 = arith.constant 0 : i32
          %dma_start3A_362 = tpu.memref_slice %arg3[%multiple_of3A_357, %dma_start3A_361] : memref<2560x128xi32, #tpu.memory_space<hbm>> -> memref<8x128xi32, #tpu.memory_space<hbm>>
          %dma_start3A_363 = arith.constant 0 : i32
          %dma_start3A_364 = tpu.memref_slice %arg3[%multiple_of3A_357, %dma_start3A_363] : memref<2560x128xi32, #tpu.memory_space<hbm>> -> memref<8x128xi32, #tpu.memory_space<hbm>>
          tpu.enqueue_dma source(%dma_start3A_364 : memref<8x128xi32, #tpu.memory_space<hbm>>) target(%arg8 : memref<8x128xi32, #tpu.memory_space<vmem>>) target_semaphore(%run_scoped3A_360 : memref<!tpu.dma_semaphore, #tpu.memory_space<semaphore_mem>>)
          %dma_wait3A_365 = arith.constant 0 : i32
          %dma_wait3A_366 = tpu.memref_slice %arg3[%multiple_of3A_357, %dma_wait3A_365] : memref<2560x128xi32, #tpu.memory_space<hbm>> -> memref<8x128xi32, #tpu.memory_space<hbm>>
          %dma_wait3A_367 = arith.constant 0 : i32
          %dma_wait3A_368 = tpu.memref_slice %arg3[%multiple_of3A_357, %dma_wait3A_367] : memref<2560x128xi32, #tpu.memory_space<hbm>> -> memref<8x128xi32, #tpu.memory_space<hbm>>
          tpu.wait_dma2 semaphore(%run_scoped3A_360 : memref<!tpu.dma_semaphore, #tpu.memory_space<semaphore_mem>>) src(%dma_wait3A_368 : memref<8x128xi32, #tpu.memory_space<hbm>>) dst(%arg8 : memref<8x128xi32, #tpu.memory_space<vmem>>)
          tpu.yield
        }) : () -> ()
        %add3A_358 = arith.addi %select_n3A_10, %mul3A_355 : i32
        %multiple_of3A_359 = tpu.assume_multiple %add3A_358, 8 : i32
        "tpu.region"() ({
          %run_scoped3A_360 = tpu.sem_alloc : memref<!tpu.dma_semaphore, #tpu.memory_space<semaphore_mem>>
          %dma_start3A_361 = arith.constant 0 : i32
          %dma_start3A_362 = tpu.memref_slice %arg4[%multiple_of3A_359, %dma_start3A_361] : memref<2560x128xi32, #tpu.memory_space<hbm>> -> memref<8x128xi32, #tpu.memory_space<hbm>>
          %dma_start3A_363 = arith.constant 0 : i32
          %dma_start3A_364 = tpu.memref_slice %arg4[%multiple_of3A_359, %dma_start3A_363] : memref<2560x128xi32, #tpu.memory_space<hbm>> -> memref<8x128xi32, #tpu.memory_space<hbm>>
          tpu.enqueue_dma source(%dma_start3A_364 : memref<8x128xi32, #tpu.memory_space<hbm>>) target(%arg9 : memref<8x128xi32, #tpu.memory_space<vmem>>) target_semaphore(%run_scoped3A_360 : memref<!tpu.dma_semaphore, #tpu.memory_space<semaphore_mem>>)
          %dma_wait3A_365 = arith.constant 0 : i32
          %dma_wait3A_366 = tpu.memref_slice %arg4[%multiple_of3A_359, %dma_wait3A_365] : memref<2560x128xi32, #tpu.memory_space<hbm>> -> memref<8x128xi32, #tpu.memory_space<hbm>>
          %dma_wait3A_367 = arith.constant 0 : i32
          %dma_wait3A_368 = tpu.memref_slice %arg4[%multiple_of3A_359, %dma_wait3A_367] : memref<2560x128xi32, #tpu.memory_space<hbm>> -> memref<8x128xi32, #tpu.memory_space<hbm>>
          tpu.wait_dma2 semaphore(%run_scoped3A_360 : memref<!tpu.dma_semaphore, #tpu.memory_space<semaphore_mem>>) src(%dma_wait3A_368 : memref<8x128xi32, #tpu.memory_space<hbm>>) dst(%arg9 : memref<8x128xi32, #tpu.memory_space<vmem>>)
          tpu.yield
        }) : () -> ()
      } else {
      }
      %run_scoped3A_93 = arith.constant 1 : i32
      "tpu.region"() ({
        %run_scoped3A_352 = tpu.sem_alloc : memref<!tpu.dma_semaphore, #tpu.memory_space<semaphore_mem>>
        %dma_start3A_353 = arith.constant 0 : i32
        %dma_start3A_354 = tpu.memref_slice %arg7[%run_scoped3A_93, %dma_start3A_353] : memref<8x128xi32, #tpu.memory_space<vmem>> -> memref<1x128xi32, #tpu.memory_space<vmem>>
        %dma_start3A_355 = tpu.memref_squeeze %dma_start3A_354 : memref<1x128xi32, #tpu.memory_space<vmem>> -> memref<128xi32, #tpu.memory_space<vmem>>
        %dma_start3A_356 = arith.constant 0 : i32
        %dma_start3A_357 = arith.constant 0 : i32
        %dma_start3A_358 = tpu.memref_slice %arg13[%dma_start3A_356, %dma_start3A_357] : memref<10240x128xf32, #tpu.memory_space<vmem_shared>> -> memref<10240x128xf32, #tpu.memory_space<vmem_shared>>
        tpu.enqueue_indirect_dma source(%arg11 : memref<128x128xf32, #tpu.memory_space<vmem>>) target(%dma_start3A_358 : memref<10240x128xf32, #tpu.memory_space<vmem_shared>>) offsets(%dma_start3A_355 : memref<128xi32, #tpu.memory_space<vmem>>) semaphore(%run_scoped3A_352 : memref<!tpu.dma_semaphore, #tpu.memory_space<semaphore_mem>>) {add = true}
        %dma_wait3A_359 = arith.constant 0 : i32
        %dma_wait3A_360 = tpu.memref_slice %arg7[%run_scoped3A_93, %dma_wait3A_359] : memref<8x128xi32, #tpu.memory_space<vmem>> -> memref<1x128xi32, #tpu.memory_space<vmem>>
        %dma_wait3A_361 = tpu.memref_squeeze %dma_wait3A_360 : memref<1x128xi32, #tpu.memory_space<vmem>> -> memref<128xi32, #tpu.memory_space<vmem>>
        %dma_wait3A_362 = arith.constant 0 : i32
        %dma_wait3A_363 = arith.constant 0 : i32
        %dma_wait3A_364 = tpu.memref_slice %arg13[%dma_wait3A_362, %dma_wait3A_363] : memref<10240x128xf32, #tpu.memory_space<vmem_shared>> -> memref<10240x128xf32, #tpu.memory_space<vmem_shared>>
        tpu.wait_indirect_dma semaphore(%run_scoped3A_352 : memref<!tpu.dma_semaphore, #tpu.memory_space<semaphore_mem>>) src(%arg11 : memref<128x128xf32, #tpu.memory_space<vmem>>) dst(%dma_wait3A_364 : memref<10240x128xf32, #tpu.memory_space<vmem_shared>>)
        tpu.yield
      }) : () -> ()
      %mul3A_94 = arith.constant 8 : i32
      %mul3A_95 = arith.muli %add3A_56, %mul3A_94 : i32
      %add3A_96 = arith.constant 2 : i32
      %add3A_97 = arith.addi %mul3A_95, %add3A_96 : i32
      %dma_wait3A_98 = arith.constant 0 : i32
      %dma_wait3A_99 = arith.constant 0 : i32
      %dma_wait3A_100 = tpu.memref_slice %arg2[%dma_wait3A_98, %dma_wait3A_99] : memref<10000x128xf32, #tpu.memory_space<hbm>> -> memref<128x128xf32, #tpu.memory_space<hbm>>
      %dma_wait3A_101 = arith.constant 0 : i32
      %dma_wait3A_102 = arith.constant 0 : i32
      %dma_wait3A_103 = tpu.memref_slice %arg2[%dma_wait3A_101, %dma_wait3A_102] : memref<10000x128xf32, #tpu.memory_space<hbm>> -> memref<128x128xf32, #tpu.memory_space<hbm>>
      tpu.wait_dma2 semaphore(%arg12 : memref<!tpu.dma_semaphore, #tpu.memory_space<semaphore_mem>>) src(%dma_wait3A_103 : memref<128x128xf32, #tpu.memory_space<hbm>>) dst(%arg10 : memref<128x128xf32, #tpu.memory_space<vmem>>)
      %dma_start3A_104 = arith.constant 3 : i32
      %dma_start3A_105 = arith.constant 0 : i32
      %dma_start3A_106 = tpu.memref_slice %arg6[%dma_start3A_104, %dma_start3A_105] : memref<8x128xi32, #tpu.memory_space<vmem>> -> memref<1x128xi32, #tpu.memory_space<vmem>>
      %dma_start3A_107 = tpu.memref_squeeze %dma_start3A_106 : memref<1x128xi32, #tpu.memory_space<vmem>> -> memref<128xi32, #tpu.memory_space<vmem>>
      %dma_start3A_108 = arith.constant 0 : i32
      %dma_start3A_109 = arith.constant 0 : i32
      %dma_start3A_110 = tpu.memref_slice %arg2[%dma_start3A_108, %dma_start3A_109] : memref<10000x128xf32, #tpu.memory_space<hbm>> -> memref<10000x128xf32, #tpu.memory_space<hbm>>
      tpu.enqueue_indirect_dma source(%dma_start3A_110 : memref<10000x128xf32, #tpu.memory_space<hbm>>) target(%arg11 : memref<128x128xf32, #tpu.memory_space<vmem>>) offsets(%dma_start3A_107 : memref<128xi32, #tpu.memory_space<vmem>>) semaphore(%arg12 : memref<!tpu.dma_semaphore, #tpu.memory_space<semaphore_mem>>)
      %run_scoped3A_111 = arith.constant 2 : i32
      "tpu.region"() ({
        %run_scoped3A_352 = tpu.sem_alloc : memref<!tpu.dma_semaphore, #tpu.memory_space<semaphore_mem>>
        %dma_start3A_353 = arith.constant 0 : i32
        %dma_start3A_354 = tpu.memref_slice %arg7[%run_scoped3A_111, %dma_start3A_353] : memref<8x128xi32, #tpu.memory_space<vmem>> -> memref<1x128xi32, #tpu.memory_space<vmem>>
        %dma_start3A_355 = tpu.memref_squeeze %dma_start3A_354 : memref<1x128xi32, #tpu.memory_space<vmem>> -> memref<128xi32, #tpu.memory_space<vmem>>
        %dma_start3A_356 = arith.constant 0 : i32
        %dma_start3A_357 = arith.constant 0 : i32
        %dma_start3A_358 = tpu.memref_slice %arg13[%dma_start3A_356, %dma_start3A_357] : memref<10240x128xf32, #tpu.memory_space<vmem_shared>> -> memref<10240x128xf32, #tpu.memory_space<vmem_shared>>
        tpu.enqueue_indirect_dma source(%arg10 : memref<128x128xf32, #tpu.memory_space<vmem>>) target(%dma_start3A_358 : memref<10240x128xf32, #tpu.memory_space<vmem_shared>>) offsets(%dma_start3A_355 : memref<128xi32, #tpu.memory_space<vmem>>) semaphore(%run_scoped3A_352 : memref<!tpu.dma_semaphore, #tpu.memory_space<semaphore_mem>>) {add = true}
        %dma_wait3A_359 = arith.constant 0 : i32
        %dma_wait3A_360 = tpu.memref_slice %arg7[%run_scoped3A_111, %dma_wait3A_359] : memref<8x128xi32, #tpu.memory_space<vmem>> -> memref<1x128xi32, #tpu.memory_space<vmem>>
        %dma_wait3A_361 = tpu.memref_squeeze %dma_wait3A_360 : memref<1x128xi32, #tpu.memory_space<vmem>> -> memref<128xi32, #tpu.memory_space<vmem>>
        %dma_wait3A_362 = arith.constant 0 : i32
        %dma_wait3A_363 = arith.constant 0 : i32
        %dma_wait3A_364 = tpu.memref_slice %arg13[%dma_wait3A_362, %dma_wait3A_363] : memref<10240x128xf32, #tpu.memory_space<vmem_shared>> -> memref<10240x128xf32, #tpu.memory_space<vmem_shared>>
        tpu.wait_indirect_dma semaphore(%run_scoped3A_352 : memref<!tpu.dma_semaphore, #tpu.memory_space<semaphore_mem>>) src(%arg10 : memref<128x128xf32, #tpu.memory_space<vmem>>) dst(%dma_wait3A_364 : memref<10240x128xf32, #tpu.memory_space<vmem_shared>>)
        tpu.yield
      }) : () -> ()
      %mul3A_112 = arith.constant 8 : i32
      %mul3A_113 = arith.muli %add3A_56, %mul3A_112 : i32
      %add3A_114 = arith.constant 3 : i32
      %add3A_115 = arith.addi %mul3A_113, %add3A_114 : i32
      %dma_wait3A_116 = arith.constant 0 : i32
      %dma_wait3A_117 = arith.constant 0 : i32
      %dma_wait3A_118 = tpu.memref_slice %arg2[%dma_wait3A_116, %dma_wait3A_117] : memref<10000x128xf32, #tpu.memory_space<hbm>> -> memref<128x128xf32, #tpu.memory_space<hbm>>
      %dma_wait3A_119 = arith.constant 0 : i32
      %dma_wait3A_120 = arith.constant 0 : i32
      %dma_wait3A_121 = tpu.memref_slice %arg2[%dma_wait3A_119, %dma_wait3A_120] : memref<10000x128xf32, #tpu.memory_space<hbm>> -> memref<128x128xf32, #tpu.memory_space<hbm>>
      tpu.wait_dma2 semaphore(%arg12 : memref<!tpu.dma_semaphore, #tpu.memory_space<semaphore_mem>>) src(%dma_wait3A_121 : memref<128x128xf32, #tpu.memory_space<hbm>>) dst(%arg11 : memref<128x128xf32, #tpu.memory_space<vmem>>)
      %dma_start3A_122 = arith.constant 4 : i32
      %dma_start3A_123 = arith.constant 0 : i32
      %dma_start3A_124 = tpu.memref_slice %arg6[%dma_start3A_122, %dma_start3A_123] : memref<8x128xi32, #tpu.memory_space<vmem>> -> memref<1x128xi32, #tpu.memory_space<vmem>>
      %dma_start3A_125 = tpu.memref_squeeze %dma_start3A_124 : memref<1x128xi32, #tpu.memory_space<vmem>> -> memref<128xi32, #tpu.memory_space<vmem>>
      %dma_start3A_126 = arith.constant 0 : i32
      %dma_start3A_127 = arith.constant 0 : i32
      %dma_start3A_128 = tpu.memref_slice %arg2[%dma_start3A_126, %dma_start3A_127] : memref<10000x128xf32, #tpu.memory_space<hbm>> -> memref<10000x128xf32, #tpu.memory_space<hbm>>
      tpu.enqueue_indirect_dma source(%dma_start3A_128 : memref<10000x128xf32, #tpu.memory_space<hbm>>) target(%arg10 : memref<128x128xf32, #tpu.memory_space<vmem>>) offsets(%dma_start3A_125 : memref<128xi32, #tpu.memory_space<vmem>>) semaphore(%arg12 : memref<!tpu.dma_semaphore, #tpu.memory_space<semaphore_mem>>)
      %run_scoped3A_129 = arith.constant 3 : i32
      "tpu.region"() ({
        %run_scoped3A_352 = tpu.sem_alloc : memref<!tpu.dma_semaphore, #tpu.memory_space<semaphore_mem>>
        %dma_start3A_353 = arith.constant 0 : i32
        %dma_start3A_354 = tpu.memref_slice %arg7[%run_scoped3A_129, %dma_start3A_353] : memref<8x128xi32, #tpu.memory_space<vmem>> -> memref<1x128xi32, #tpu.memory_space<vmem>>
        %dma_start3A_355 = tpu.memref_squeeze %dma_start3A_354 : memref<1x128xi32, #tpu.memory_space<vmem>> -> memref<128xi32, #tpu.memory_space<vmem>>
        %dma_start3A_356 = arith.constant 0 : i32
        %dma_start3A_357 = arith.constant 0 : i32
        %dma_start3A_358 = tpu.memref_slice %arg13[%dma_start3A_356, %dma_start3A_357] : memref<10240x128xf32, #tpu.memory_space<vmem_shared>> -> memref<10240x128xf32, #tpu.memory_space<vmem_shared>>
        tpu.enqueue_indirect_dma source(%arg11 : memref<128x128xf32, #tpu.memory_space<vmem>>) target(%dma_start3A_358 : memref<10240x128xf32, #tpu.memory_space<vmem_shared>>) offsets(%dma_start3A_355 : memref<128xi32, #tpu.memory_space<vmem>>) semaphore(%run_scoped3A_352 : memref<!tpu.dma_semaphore, #tpu.memory_space<semaphore_mem>>) {add = true}
        %dma_wait3A_359 = arith.constant 0 : i32
        %dma_wait3A_360 = tpu.memref_slice %arg7[%run_scoped3A_129, %dma_wait3A_359] : memref<8x128xi32, #tpu.memory_space<vmem>> -> memref<1x128xi32, #tpu.memory_space<vmem>>
        %dma_wait3A_361 = tpu.memref_squeeze %dma_wait3A_360 : memref<1x128xi32, #tpu.memory_space<vmem>> -> memref<128xi32, #tpu.memory_space<vmem>>
        %dma_wait3A_362 = arith.constant 0 : i32
        %dma_wait3A_363 = arith.constant 0 : i32
        %dma_wait3A_364 = tpu.memref_slice %arg13[%dma_wait3A_362, %dma_wait3A_363] : memref<10240x128xf32, #tpu.memory_space<vmem_shared>> -> memref<10240x128xf32, #tpu.memory_space<vmem_shared>>
        tpu.wait_indirect_dma semaphore(%run_scoped3A_352 : memref<!tpu.dma_semaphore, #tpu.memory_space<semaphore_mem>>) src(%arg11 : memref<128x128xf32, #tpu.memory_space<vmem>>) dst(%dma_wait3A_364 : memref<10240x128xf32, #tpu.memory_space<vmem_shared>>)
        tpu.yield
      }) : () -> ()
      %mul3A_130 = arith.constant 8 : i32
      %mul3A_131 = arith.muli %add3A_56, %mul3A_130 : i32
      %add3A_132 = arith.constant 4 : i32
      %add3A_133 = arith.addi %mul3A_131, %add3A_132 : i32
      %dma_wait3A_134 = arith.constant 0 : i32
      %dma_wait3A_135 = arith.constant 0 : i32
      %dma_wait3A_136 = tpu.memref_slice %arg2[%dma_wait3A_134, %dma_wait3A_135] : memref<10000x128xf32, #tpu.memory_space<hbm>> -> memref<128x128xf32, #tpu.memory_space<hbm>>
      %dma_wait3A_137 = arith.constant 0 : i32
      %dma_wait3A_138 = arith.constant 0 : i32
      %dma_wait3A_139 = tpu.memref_slice %arg2[%dma_wait3A_137, %dma_wait3A_138] : memref<10000x128xf32, #tpu.memory_space<hbm>> -> memref<128x128xf32, #tpu.memory_space<hbm>>
      tpu.wait_dma2 semaphore(%arg12 : memref<!tpu.dma_semaphore, #tpu.memory_space<semaphore_mem>>) src(%dma_wait3A_139 : memref<128x128xf32, #tpu.memory_space<hbm>>) dst(%arg10 : memref<128x128xf32, #tpu.memory_space<vmem>>)
      %dma_start3A_140 = arith.constant 5 : i32
      %dma_start3A_141 = arith.constant 0 : i32
      %dma_start3A_142 = tpu.memref_slice %arg6[%dma_start3A_140, %dma_start3A_141] : memref<8x128xi32, #tpu.memory_space<vmem>> -> memref<1x128xi32, #tpu.memory_space<vmem>>
      %dma_start3A_143 = tpu.memref_squeeze %dma_start3A_142 : memref<1x128xi32, #tpu.memory_space<vmem>> -> memref<128xi32, #tpu.memory_space<vmem>>
      %dma_start3A_144 = arith.constant 0 : i32
      %dma_start3A_145 = arith.constant 0 : i32
      %dma_start3A_146 = tpu.memref_slice %arg2[%dma_start3A_144, %dma_start3A_145] : memref<10000x128xf32, #tpu.memory_space<hbm>> -> memref<10000x128xf32, #tpu.memory_space<hbm>>
      tpu.enqueue_indirect_dma source(%dma_start3A_146 : memref<10000x128xf32, #tpu.memory_space<hbm>>) target(%arg11 : memref<128x128xf32, #tpu.memory_space<vmem>>) offsets(%dma_start3A_143 : memref<128xi32, #tpu.memory_space<vmem>>) semaphore(%arg12 : memref<!tpu.dma_semaphore, #tpu.memory_space<semaphore_mem>>)
      %run_scoped3A_147 = arith.constant 4 : i32
      "tpu.region"() ({
        %run_scoped3A_352 = tpu.sem_alloc : memref<!tpu.dma_semaphore, #tpu.memory_space<semaphore_mem>>
        %dma_start3A_353 = arith.constant 0 : i32
        %dma_start3A_354 = tpu.memref_slice %arg7[%run_scoped3A_147, %dma_start3A_353] : memref<8x128xi32, #tpu.memory_space<vmem>> -> memref<1x128xi32, #tpu.memory_space<vmem>>
        %dma_start3A_355 = tpu.memref_squeeze %dma_start3A_354 : memref<1x128xi32, #tpu.memory_space<vmem>> -> memref<128xi32, #tpu.memory_space<vmem>>
        %dma_start3A_356 = arith.constant 0 : i32
        %dma_start3A_357 = arith.constant 0 : i32
        %dma_start3A_358 = tpu.memref_slice %arg13[%dma_start3A_356, %dma_start3A_357] : memref<10240x128xf32, #tpu.memory_space<vmem_shared>> -> memref<10240x128xf32, #tpu.memory_space<vmem_shared>>
        tpu.enqueue_indirect_dma source(%arg10 : memref<128x128xf32, #tpu.memory_space<vmem>>) target(%dma_start3A_358 : memref<10240x128xf32, #tpu.memory_space<vmem_shared>>) offsets(%dma_start3A_355 : memref<128xi32, #tpu.memory_space<vmem>>) semaphore(%run_scoped3A_352 : memref<!tpu.dma_semaphore, #tpu.memory_space<semaphore_mem>>) {add = true}
        %dma_wait3A_359 = arith.constant 0 : i32
        %dma_wait3A_360 = tpu.memref_slice %arg7[%run_scoped3A_147, %dma_wait3A_359] : memref<8x128xi32, #tpu.memory_space<vmem>> -> memref<1x128xi32, #tpu.memory_space<vmem>>
        %dma_wait3A_361 = tpu.memref_squeeze %dma_wait3A_360 : memref<1x128xi32, #tpu.memory_space<vmem>> -> memref<128xi32, #tpu.memory_space<vmem>>
        %dma_wait3A_362 = arith.constant 0 : i32
        %dma_wait3A_363 = arith.constant 0 : i32
        %dma_wait3A_364 = tpu.memref_slice %arg13[%dma_wait3A_362, %dma_wait3A_363] : memref<10240x128xf32, #tpu.memory_space<vmem_shared>> -> memref<10240x128xf32, #tpu.memory_space<vmem_shared>>
        tpu.wait_indirect_dma semaphore(%run_scoped3A_352 : memref<!tpu.dma_semaphore, #tpu.memory_space<semaphore_mem>>) src(%arg10 : memref<128x128xf32, #tpu.memory_space<vmem>>) dst(%dma_wait3A_364 : memref<10240x128xf32, #tpu.memory_space<vmem_shared>>)
        tpu.yield
      }) : () -> ()
      %mul3A_148 = arith.constant 8 : i32
      %mul3A_149 = arith.muli %add3A_56, %mul3A_148 : i32
      %add3A_150 = arith.constant 5 : i32
      %add3A_151 = arith.addi %mul3A_149, %add3A_150 : i32
      %dma_wait3A_152 = arith.constant 0 : i32
      %dma_wait3A_153 = arith.constant 0 : i32
      %dma_wait3A_154 = tpu.memref_slice %arg2[%dma_wait3A_152, %dma_wait3A_153] : memref<10000x128xf32, #tpu.memory_space<hbm>> -> memref<128x128xf32, #tpu.memory_space<hbm>>
      %dma_wait3A_155 = arith.constant 0 : i32
      %dma_wait3A_156 = arith.constant 0 : i32
      %dma_wait3A_157 = tpu.memref_slice %arg2[%dma_wait3A_155, %dma_wait3A_156] : memref<10000x128xf32, #tpu.memory_space<hbm>> -> memref<128x128xf32, #tpu.memory_space<hbm>>
      tpu.wait_dma2 semaphore(%arg12 : memref<!tpu.dma_semaphore, #tpu.memory_space<semaphore_mem>>) src(%dma_wait3A_157 : memref<128x128xf32, #tpu.memory_space<hbm>>) dst(%arg11 : memref<128x128xf32, #tpu.memory_space<vmem>>)
      %dma_start3A_158 = arith.constant 6 : i32
      %dma_start3A_159 = arith.constant 0 : i32
      %dma_start3A_160 = tpu.memref_slice %arg6[%dma_start3A_158, %dma_start3A_159] : memref<8x128xi32, #tpu.memory_space<vmem>> -> memref<1x128xi32, #tpu.memory_space<vmem>>
      %dma_start3A_161 = tpu.memref_squeeze %dma_start3A_160 : memref<1x128xi32, #tpu.memory_space<vmem>> -> memref<128xi32, #tpu.memory_space<vmem>>
      %dma_start3A_162 = arith.constant 0 : i32
      %dma_start3A_163 = arith.constant 0 : i32
      %dma_start3A_164 = tpu.memref_slice %arg2[%dma_start3A_162, %dma_start3A_163] : memref<10000x128xf32, #tpu.memory_space<hbm>> -> memref<10000x128xf32, #tpu.memory_space<hbm>>
      tpu.enqueue_indirect_dma source(%dma_start3A_164 : memref<10000x128xf32, #tpu.memory_space<hbm>>) target(%arg10 : memref<128x128xf32, #tpu.memory_space<vmem>>) offsets(%dma_start3A_161 : memref<128xi32, #tpu.memory_space<vmem>>) semaphore(%arg12 : memref<!tpu.dma_semaphore, #tpu.memory_space<semaphore_mem>>)
      %run_scoped3A_165 = arith.constant 5 : i32
      "tpu.region"() ({
        %run_scoped3A_352 = tpu.sem_alloc : memref<!tpu.dma_semaphore, #tpu.memory_space<semaphore_mem>>
        %dma_start3A_353 = arith.constant 0 : i32
        %dma_start3A_354 = tpu.memref_slice %arg7[%run_scoped3A_165, %dma_start3A_353] : memref<8x128xi32, #tpu.memory_space<vmem>> -> memref<1x128xi32, #tpu.memory_space<vmem>>
        %dma_start3A_355 = tpu.memref_squeeze %dma_start3A_354 : memref<1x128xi32, #tpu.memory_space<vmem>> -> memref<128xi32, #tpu.memory_space<vmem>>
        %dma_start3A_356 = arith.constant 0 : i32
        %dma_start3A_357 = arith.constant 0 : i32
        %dma_start3A_358 = tpu.memref_slice %arg13[%dma_start3A_356, %dma_start3A_357] : memref<10240x128xf32, #tpu.memory_space<vmem_shared>> -> memref<10240x128xf32, #tpu.memory_space<vmem_shared>>
        tpu.enqueue_indirect_dma source(%arg11 : memref<128x128xf32, #tpu.memory_space<vmem>>) target(%dma_start3A_358 : memref<10240x128xf32, #tpu.memory_space<vmem_shared>>) offsets(%dma_start3A_355 : memref<128xi32, #tpu.memory_space<vmem>>) semaphore(%run_scoped3A_352 : memref<!tpu.dma_semaphore, #tpu.memory_space<semaphore_mem>>) {add = true}
        %dma_wait3A_359 = arith.constant 0 : i32
        %dma_wait3A_360 = tpu.memref_slice %arg7[%run_scoped3A_165, %dma_wait3A_359] : memref<8x128xi32, #tpu.memory_space<vmem>> -> memref<1x128xi32, #tpu.memory_space<vmem>>
        %dma_wait3A_361 = tpu.memref_squeeze %dma_wait3A_360 : memref<1x128xi32, #tpu.memory_space<vmem>> -> memref<128xi32, #tpu.memory_space<vmem>>
        %dma_wait3A_362 = arith.constant 0 : i32
        %dma_wait3A_363 = arith.constant 0 : i32
        %dma_wait3A_364 = tpu.memref_slice %arg13[%dma_wait3A_362, %dma_wait3A_363] : memref<10240x128xf32, #tpu.memory_space<vmem_shared>> -> memref<10240x128xf32, #tpu.memory_space<vmem_shared>>
        tpu.wait_indirect_dma semaphore(%run_scoped3A_352 : memref<!tpu.dma_semaphore, #tpu.memory_space<semaphore_mem>>) src(%arg11 : memref<128x128xf32, #tpu.memory_space<vmem>>) dst(%dma_wait3A_364 : memref<10240x128xf32, #tpu.memory_space<vmem_shared>>)
        tpu.yield
      }) : () -> ()
      %mul3A_166 = arith.constant 8 : i32
      %mul3A_167 = arith.muli %add3A_56, %mul3A_166 : i32
      %add3A_168 = arith.constant 6 : i32
      %add3A_169 = arith.addi %mul3A_167, %add3A_168 : i32
      %dma_wait3A_170 = arith.constant 0 : i32
      %dma_wait3A_171 = arith.constant 0 : i32
      %dma_wait3A_172 = tpu.memref_slice %arg2[%dma_wait3A_170, %dma_wait3A_171] : memref<10000x128xf32, #tpu.memory_space<hbm>> -> memref<128x128xf32, #tpu.memory_space<hbm>>
      %dma_wait3A_173 = arith.constant 0 : i32
      %dma_wait3A_174 = arith.constant 0 : i32
      %dma_wait3A_175 = tpu.memref_slice %arg2[%dma_wait3A_173, %dma_wait3A_174] : memref<10000x128xf32, #tpu.memory_space<hbm>> -> memref<128x128xf32, #tpu.memory_space<hbm>>
      tpu.wait_dma2 semaphore(%arg12 : memref<!tpu.dma_semaphore, #tpu.memory_space<semaphore_mem>>) src(%dma_wait3A_175 : memref<128x128xf32, #tpu.memory_space<hbm>>) dst(%arg10 : memref<128x128xf32, #tpu.memory_space<vmem>>)
      %dma_start3A_176 = arith.constant 7 : i32
      %dma_start3A_177 = arith.constant 0 : i32
      %dma_start3A_178 = tpu.memref_slice %arg6[%dma_start3A_176, %dma_start3A_177] : memref<8x128xi32, #tpu.memory_space<vmem>> -> memref<1x128xi32, #tpu.memory_space<vmem>>
      %dma_start3A_179 = tpu.memref_squeeze %dma_start3A_178 : memref<1x128xi32, #tpu.memory_space<vmem>> -> memref<128xi32, #tpu.memory_space<vmem>>
      %dma_start3A_180 = arith.constant 0 : i32
      %dma_start3A_181 = arith.constant 0 : i32
      %dma_start3A_182 = tpu.memref_slice %arg2[%dma_start3A_180, %dma_start3A_181] : memref<10000x128xf32, #tpu.memory_space<hbm>> -> memref<10000x128xf32, #tpu.memory_space<hbm>>
      tpu.enqueue_indirect_dma source(%dma_start3A_182 : memref<10000x128xf32, #tpu.memory_space<hbm>>) target(%arg11 : memref<128x128xf32, #tpu.memory_space<vmem>>) offsets(%dma_start3A_179 : memref<128xi32, #tpu.memory_space<vmem>>) semaphore(%arg12 : memref<!tpu.dma_semaphore, #tpu.memory_space<semaphore_mem>>)
      %run_scoped3A_183 = arith.constant 6 : i32
      "tpu.region"() ({
        %run_scoped3A_352 = tpu.sem_alloc : memref<!tpu.dma_semaphore, #tpu.memory_space<semaphore_mem>>
        %dma_start3A_353 = arith.constant 0 : i32
        %dma_start3A_354 = tpu.memref_slice %arg7[%run_scoped3A_183, %dma_start3A_353] : memref<8x128xi32, #tpu.memory_space<vmem>> -> memref<1x128xi32, #tpu.memory_space<vmem>>
        %dma_start3A_355 = tpu.memref_squeeze %dma_start3A_354 : memref<1x128xi32, #tpu.memory_space<vmem>> -> memref<128xi32, #tpu.memory_space<vmem>>
        %dma_start3A_356 = arith.constant 0 : i32
        %dma_start3A_357 = arith.constant 0 : i32
        %dma_start3A_358 = tpu.memref_slice %arg13[%dma_start3A_356, %dma_start3A_357] : memref<10240x128xf32, #tpu.memory_space<vmem_shared>> -> memref<10240x128xf32, #tpu.memory_space<vmem_shared>>
        tpu.enqueue_indirect_dma source(%arg10 : memref<128x128xf32, #tpu.memory_space<vmem>>) target(%dma_start3A_358 : memref<10240x128xf32, #tpu.memory_space<vmem_shared>>) offsets(%dma_start3A_355 : memref<128xi32, #tpu.memory_space<vmem>>) semaphore(%run_scoped3A_352 : memref<!tpu.dma_semaphore, #tpu.memory_space<semaphore_mem>>) {add = true}
        %dma_wait3A_359 = arith.constant 0 : i32
        %dma_wait3A_360 = tpu.memref_slice %arg7[%run_scoped3A_183, %dma_wait3A_359] : memref<8x128xi32, #tpu.memory_space<vmem>> -> memref<1x128xi32, #tpu.memory_space<vmem>>
        %dma_wait3A_361 = tpu.memref_squeeze %dma_wait3A_360 : memref<1x128xi32, #tpu.memory_space<vmem>> -> memref<128xi32, #tpu.memory_space<vmem>>
        %dma_wait3A_362 = arith.constant 0 : i32
        %dma_wait3A_363 = arith.constant 0 : i32
        %dma_wait3A_364 = tpu.memref_slice %arg13[%dma_wait3A_362, %dma_wait3A_363] : memref<10240x128xf32, #tpu.memory_space<vmem_shared>> -> memref<10240x128xf32, #tpu.memory_space<vmem_shared>>
        tpu.wait_indirect_dma semaphore(%run_scoped3A_352 : memref<!tpu.dma_semaphore, #tpu.memory_space<semaphore_mem>>) src(%arg10 : memref<128x128xf32, #tpu.memory_space<vmem>>) dst(%dma_wait3A_364 : memref<10240x128xf32, #tpu.memory_space<vmem_shared>>)
        tpu.yield
      }) : () -> ()
      %mul3A_184 = arith.constant 8 : i32
      %mul3A_185 = arith.muli %add3A_56, %mul3A_184 : i32
      %add3A_186 = arith.constant 7 : i32
      %add3A_187 = arith.addi %mul3A_185, %add3A_186 : i32
      %dma_wait3A_188 = arith.constant 0 : i32
      %dma_wait3A_189 = arith.constant 0 : i32
      %dma_wait3A_190 = tpu.memref_slice %arg2[%dma_wait3A_188, %dma_wait3A_189] : memref<10000x128xf32, #tpu.memory_space<hbm>> -> memref<128x128xf32, #tpu.memory_space<hbm>>
      %dma_wait3A_191 = arith.constant 0 : i32
      %dma_wait3A_192 = arith.constant 0 : i32
      %dma_wait3A_193 = tpu.memref_slice %arg2[%dma_wait3A_191, %dma_wait3A_192] : memref<10000x128xf32, #tpu.memory_space<hbm>> -> memref<128x128xf32, #tpu.memory_space<hbm>>
      tpu.wait_dma2 semaphore(%arg12 : memref<!tpu.dma_semaphore, #tpu.memory_space<semaphore_mem>>) src(%dma_wait3A_193 : memref<128x128xf32, #tpu.memory_space<hbm>>) dst(%arg11 : memref<128x128xf32, #tpu.memory_space<vmem>>)
      %add3A_194 = arith.constant 1 : i32
      %add3A_195 = arith.addi %add3A_187, %add3A_194 : i32
      %lt3A_196 = arith.cmpi slt, %add3A_195, %mul3A_2 : i32
      %convert_element_type3A_197 = arith.extui %lt3A_196 : i1 to i32
      %cond3A_198 = arith.constant 0 : i32
      %cond3A_199 = arith.cmpi ne, %convert_element_type3A_197, %cond3A_198 : i32
      scf.if %cond3A_199 {
        %dma_start3A_352 = arith.constant 0 : i32
        %dma_start3A_353 = arith.constant 0 : i32
        %dma_start3A_354 = tpu.memref_slice %arg8[%dma_start3A_352, %dma_start3A_353] : memref<8x128xi32, #tpu.memory_space<vmem>> -> memref<1x128xi32, #tpu.memory_space<vmem>>
        %dma_start3A_355 = tpu.memref_squeeze %dma_start3A_354 : memref<1x128xi32, #tpu.memory_space<vmem>> -> memref<128xi32, #tpu.memory_space<vmem>>
        %dma_start3A_356 = arith.constant 0 : i32
        %dma_start3A_357 = arith.constant 0 : i32
        %dma_start3A_358 = tpu.memref_slice %arg2[%dma_start3A_356, %dma_start3A_357] : memref<10000x128xf32, #tpu.memory_space<hbm>> -> memref<10000x128xf32, #tpu.memory_space<hbm>>
        tpu.enqueue_indirect_dma source(%dma_start3A_358 : memref<10000x128xf32, #tpu.memory_space<hbm>>) target(%arg10 : memref<128x128xf32, #tpu.memory_space<vmem>>) offsets(%dma_start3A_355 : memref<128xi32, #tpu.memory_space<vmem>>) semaphore(%arg12 : memref<!tpu.dma_semaphore, #tpu.memory_space<semaphore_mem>>)
      } else {
      }
      %run_scoped3A_200 = arith.constant 7 : i32
      "tpu.region"() ({
        %run_scoped3A_352 = tpu.sem_alloc : memref<!tpu.dma_semaphore, #tpu.memory_space<semaphore_mem>>
        %dma_start3A_353 = arith.constant 0 : i32
        %dma_start3A_354 = tpu.memref_slice %arg7[%run_scoped3A_200, %dma_start3A_353] : memref<8x128xi32, #tpu.memory_space<vmem>> -> memref<1x128xi32, #tpu.memory_space<vmem>>
        %dma_start3A_355 = tpu.memref_squeeze %dma_start3A_354 : memref<1x128xi32, #tpu.memory_space<vmem>> -> memref<128xi32, #tpu.memory_space<vmem>>
        %dma_start3A_356 = arith.constant 0 : i32
        %dma_start3A_357 = arith.constant 0 : i32
        %dma_start3A_358 = tpu.memref_slice %arg13[%dma_start3A_356, %dma_start3A_357] : memref<10240x128xf32, #tpu.memory_space<vmem_shared>> -> memref<10240x128xf32, #tpu.memory_space<vmem_shared>>
        tpu.enqueue_indirect_dma source(%arg11 : memref<128x128xf32, #tpu.memory_space<vmem>>) target(%dma_start3A_358 : memref<10240x128xf32, #tpu.memory_space<vmem_shared>>) offsets(%dma_start3A_355 : memref<128xi32, #tpu.memory_space<vmem>>) semaphore(%run_scoped3A_352 : memref<!tpu.dma_semaphore, #tpu.memory_space<semaphore_mem>>) {add = true}
        %dma_wait3A_359 = arith.constant 0 : i32
        %dma_wait3A_360 = tpu.memref_slice %arg7[%run_scoped3A_200, %dma_wait3A_359] : memref<8x128xi32, #tpu.memory_space<vmem>> -> memref<1x128xi32, #tpu.memory_space<vmem>>
        %dma_wait3A_361 = tpu.memref_squeeze %dma_wait3A_360 : memref<1x128xi32, #tpu.memory_space<vmem>> -> memref<128xi32, #tpu.memory_space<vmem>>
        %dma_wait3A_362 = arith.constant 0 : i32
        %dma_wait3A_363 = arith.constant 0 : i32
        %dma_wait3A_364 = tpu.memref_slice %arg13[%dma_wait3A_362, %dma_wait3A_363] : memref<10240x128xf32, #tpu.memory_space<vmem_shared>> -> memref<10240x128xf32, #tpu.memory_space<vmem_shared>>
        tpu.wait_indirect_dma semaphore(%run_scoped3A_352 : memref<!tpu.dma_semaphore, #tpu.memory_space<semaphore_mem>>) src(%arg11 : memref<128x128xf32, #tpu.memory_space<vmem>>) dst(%dma_wait3A_364 : memref<10240x128xf32, #tpu.memory_space<vmem_shared>>)
        tpu.yield
      }) : () -> ()
      %add3A_201 = arith.constant 1 : i32
      %add3A_202 = arith.addi %add3A_54, %add3A_201 : i32
      %mul3A_203 = arith.constant 8 : i32
      %mul3A_204 = arith.muli %add3A_202, %mul3A_203 : i32
      %add3A_205 = arith.constant 0 : i32
      %add3A_206 = arith.addi %mul3A_204, %add3A_205 : i32
      %dma_wait3A_207 = arith.constant 0 : i32
      %dma_wait3A_208 = arith.constant 0 : i32
      %dma_wait3A_209 = tpu.memref_slice %arg2[%dma_wait3A_207, %dma_wait3A_208] : memref<10000x128xf32, #tpu.memory_space<hbm>> -> memref<128x128xf32, #tpu.memory_space<hbm>>
      %dma_wait3A_210 = arith.constant 0 : i32
      %dma_wait3A_211 = arith.constant 0 : i32
      %dma_wait3A_212 = tpu.memref_slice %arg2[%dma_wait3A_210, %dma_wait3A_211] : memref<10000x128xf32, #tpu.memory_space<hbm>> -> memref<128x128xf32, #tpu.memory_space<hbm>>
      tpu.wait_dma2 semaphore(%arg12 : memref<!tpu.dma_semaphore, #tpu.memory_space<semaphore_mem>>) src(%dma_wait3A_212 : memref<128x128xf32, #tpu.memory_space<hbm>>) dst(%arg10 : memref<128x128xf32, #tpu.memory_space<vmem>>)
      %dma_start3A_213 = arith.constant 1 : i32
      %dma_start3A_214 = arith.constant 0 : i32
      %dma_start3A_215 = tpu.memref_slice %arg8[%dma_start3A_213, %dma_start3A_214] : memref<8x128xi32, #tpu.memory_space<vmem>> -> memref<1x128xi32, #tpu.memory_space<vmem>>
      %dma_start3A_216 = tpu.memref_squeeze %dma_start3A_215 : memref<1x128xi32, #tpu.memory_space<vmem>> -> memref<128xi32, #tpu.memory_space<vmem>>
      %dma_start3A_217 = arith.constant 0 : i32
      %dma_start3A_218 = arith.constant 0 : i32
      %dma_start3A_219 = tpu.memref_slice %arg2[%dma_start3A_217, %dma_start3A_218] : memref<10000x128xf32, #tpu.memory_space<hbm>> -> memref<10000x128xf32, #tpu.memory_space<hbm>>
      tpu.enqueue_indirect_dma source(%dma_start3A_219 : memref<10000x128xf32, #tpu.memory_space<hbm>>) target(%arg11 : memref<128x128xf32, #tpu.memory_space<vmem>>) offsets(%dma_start3A_216 : memref<128xi32, #tpu.memory_space<vmem>>) semaphore(%arg12 : memref<!tpu.dma_semaphore, #tpu.memory_space<semaphore_mem>>)
      %run_scoped3A_220 = arith.constant 0 : i32
      "tpu.region"() ({
        %run_scoped3A_352 = tpu.sem_alloc : memref<!tpu.dma_semaphore, #tpu.memory_space<semaphore_mem>>
        %dma_start3A_353 = arith.constant 0 : i32
        %dma_start3A_354 = tpu.memref_slice %arg9[%run_scoped3A_220, %dma_start3A_353] : memref<8x128xi32, #tpu.memory_space<vmem>> -> memref<1x128xi32, #tpu.memory_space<vmem>>
        %dma_start3A_355 = tpu.memref_squeeze %dma_start3A_354 : memref<1x128xi32, #tpu.memory_space<vmem>> -> memref<128xi32, #tpu.memory_space<vmem>>
        %dma_start3A_356 = arith.constant 0 : i32
        %dma_start3A_357 = arith.constant 0 : i32
        %dma_start3A_358 = tpu.memref_slice %arg13[%dma_start3A_356, %dma_start3A_357] : memref<10240x128xf32, #tpu.memory_space<vmem_shared>> -> memref<10240x128xf32, #tpu.memory_space<vmem_shared>>
        tpu.enqueue_indirect_dma source(%arg10 : memref<128x128xf32, #tpu.memory_space<vmem>>) target(%dma_start3A_358 : memref<10240x128xf32, #tpu.memory_space<vmem_shared>>) offsets(%dma_start3A_355 : memref<128xi32, #tpu.memory_space<vmem>>) semaphore(%run_scoped3A_352 : memref<!tpu.dma_semaphore, #tpu.memory_space<semaphore_mem>>) {add = true}
        %dma_wait3A_359 = arith.constant 0 : i32
        %dma_wait3A_360 = tpu.memref_slice %arg9[%run_scoped3A_220, %dma_wait3A_359] : memref<8x128xi32, #tpu.memory_space<vmem>> -> memref<1x128xi32, #tpu.memory_space<vmem>>
        %dma_wait3A_361 = tpu.memref_squeeze %dma_wait3A_360 : memref<1x128xi32, #tpu.memory_space<vmem>> -> memref<128xi32, #tpu.memory_space<vmem>>
        %dma_wait3A_362 = arith.constant 0 : i32
        %dma_wait3A_363 = arith.constant 0 : i32
        %dma_wait3A_364 = tpu.memref_slice %arg13[%dma_wait3A_362, %dma_wait3A_363] : memref<10240x128xf32, #tpu.memory_space<vmem_shared>> -> memref<10240x128xf32, #tpu.memory_space<vmem_shared>>
        tpu.wait_indirect_dma semaphore(%run_scoped3A_352 : memref<!tpu.dma_semaphore, #tpu.memory_space<semaphore_mem>>) src(%arg10 : memref<128x128xf32, #tpu.memory_space<vmem>>) dst(%dma_wait3A_364 : memref<10240x128xf32, #tpu.memory_space<vmem_shared>>)
        tpu.yield
      }) : () -> ()
      %mul3A_221 = arith.constant 8 : i32
      %mul3A_222 = arith.muli %add3A_202, %mul3A_221 : i32
      %add3A_223 = arith.constant 1 : i32
      %add3A_224 = arith.addi %mul3A_222, %add3A_223 : i32
      %dma_wait3A_225 = arith.constant 0 : i32
      %dma_wait3A_226 = arith.constant 0 : i32
      %dma_wait3A_227 = tpu.memref_slice %arg2[%dma_wait3A_225, %dma_wait3A_226] : memref<10000x128xf32, #tpu.memory_space<hbm>> -> memref<128x128xf32, #tpu.memory_space<hbm>>
      %dma_wait3A_228 = arith.constant 0 : i32
      %dma_wait3A_229 = arith.constant 0 : i32
      %dma_wait3A_230 = tpu.memref_slice %arg2[%dma_wait3A_228, %dma_wait3A_229] : memref<10000x128xf32, #tpu.memory_space<hbm>> -> memref<128x128xf32, #tpu.memory_space<hbm>>
      tpu.wait_dma2 semaphore(%arg12 : memref<!tpu.dma_semaphore, #tpu.memory_space<semaphore_mem>>) src(%dma_wait3A_230 : memref<128x128xf32, #tpu.memory_space<hbm>>) dst(%arg11 : memref<128x128xf32, #tpu.memory_space<vmem>>)
      %dma_start3A_231 = arith.constant 2 : i32
      %dma_start3A_232 = arith.constant 0 : i32
      %dma_start3A_233 = tpu.memref_slice %arg8[%dma_start3A_231, %dma_start3A_232] : memref<8x128xi32, #tpu.memory_space<vmem>> -> memref<1x128xi32, #tpu.memory_space<vmem>>
      %dma_start3A_234 = tpu.memref_squeeze %dma_start3A_233 : memref<1x128xi32, #tpu.memory_space<vmem>> -> memref<128xi32, #tpu.memory_space<vmem>>
      %dma_start3A_235 = arith.constant 0 : i32
      %dma_start3A_236 = arith.constant 0 : i32
      %dma_start3A_237 = tpu.memref_slice %arg2[%dma_start3A_235, %dma_start3A_236] : memref<10000x128xf32, #tpu.memory_space<hbm>> -> memref<10000x128xf32, #tpu.memory_space<hbm>>
      tpu.enqueue_indirect_dma source(%dma_start3A_237 : memref<10000x128xf32, #tpu.memory_space<hbm>>) target(%arg10 : memref<128x128xf32, #tpu.memory_space<vmem>>) offsets(%dma_start3A_234 : memref<128xi32, #tpu.memory_space<vmem>>) semaphore(%arg12 : memref<!tpu.dma_semaphore, #tpu.memory_space<semaphore_mem>>)
      %add3A_238 = arith.constant 1 : i32
      %add3A_239 = arith.addi %add3A_202, %add3A_238 : i32
      %lt3A_240 = arith.cmpi slt, %add3A_239, %select_n3A : i32
      %convert_element_type3A_241 = arith.extui %lt3A_240 : i1 to i32
      %cond3A_242 = arith.constant 0 : i32
      %cond3A_243 = arith.cmpi ne, %convert_element_type3A_241, %cond3A_242 : i32
      scf.if %cond3A_243 {
        %add3A_352 = arith.constant 1 : i32
        %add3A_353 = arith.addi %add3A_202, %add3A_352 : i32
        %mul3A_354 = arith.constant 8 : i32
        %mul3A_355 = arith.muli %add3A_353, %mul3A_354 : i32
        %add3A_356 = arith.addi %select_n3A_10, %mul3A_355 : i32
        %multiple_of3A_357 = tpu.assume_multiple %add3A_356, 8 : i32
        "tpu.region"() ({
          %run_scoped3A_360 = tpu.sem_alloc : memref<!tpu.dma_semaphore, #tpu.memory_space<semaphore_mem>>
          %dma_start3A_361 = arith.constant 0 : i32
          %dma_start3A_362 = tpu.memref_slice %arg3[%multiple_of3A_357, %dma_start3A_361] : memref<2560x128xi32, #tpu.memory_space<hbm>> -> memref<8x128xi32, #tpu.memory_space<hbm>>
          %dma_start3A_363 = arith.constant 0 : i32
          %dma_start3A_364 = tpu.memref_slice %arg3[%multiple_of3A_357, %dma_start3A_363] : memref<2560x128xi32, #tpu.memory_space<hbm>> -> memref<8x128xi32, #tpu.memory_space<hbm>>
          tpu.enqueue_dma source(%dma_start3A_364 : memref<8x128xi32, #tpu.memory_space<hbm>>) target(%arg6 : memref<8x128xi32, #tpu.memory_space<vmem>>) target_semaphore(%run_scoped3A_360 : memref<!tpu.dma_semaphore, #tpu.memory_space<semaphore_mem>>)
          %dma_wait3A_365 = arith.constant 0 : i32
          %dma_wait3A_366 = tpu.memref_slice %arg3[%multiple_of3A_357, %dma_wait3A_365] : memref<2560x128xi32, #tpu.memory_space<hbm>> -> memref<8x128xi32, #tpu.memory_space<hbm>>
          %dma_wait3A_367 = arith.constant 0 : i32
          %dma_wait3A_368 = tpu.memref_slice %arg3[%multiple_of3A_357, %dma_wait3A_367] : memref<2560x128xi32, #tpu.memory_space<hbm>> -> memref<8x128xi32, #tpu.memory_space<hbm>>
          tpu.wait_dma2 semaphore(%run_scoped3A_360 : memref<!tpu.dma_semaphore, #tpu.memory_space<semaphore_mem>>) src(%dma_wait3A_368 : memref<8x128xi32, #tpu.memory_space<hbm>>) dst(%arg6 : memref<8x128xi32, #tpu.memory_space<vmem>>)
          tpu.yield
        }) : () -> ()
        %add3A_358 = arith.addi %select_n3A_10, %mul3A_355 : i32
        %multiple_of3A_359 = tpu.assume_multiple %add3A_358, 8 : i32
        "tpu.region"() ({
          %run_scoped3A_360 = tpu.sem_alloc : memref<!tpu.dma_semaphore, #tpu.memory_space<semaphore_mem>>
          %dma_start3A_361 = arith.constant 0 : i32
          %dma_start3A_362 = tpu.memref_slice %arg4[%multiple_of3A_359, %dma_start3A_361] : memref<2560x128xi32, #tpu.memory_space<hbm>> -> memref<8x128xi32, #tpu.memory_space<hbm>>
          %dma_start3A_363 = arith.constant 0 : i32
          %dma_start3A_364 = tpu.memref_slice %arg4[%multiple_of3A_359, %dma_start3A_363] : memref<2560x128xi32, #tpu.memory_space<hbm>> -> memref<8x128xi32, #tpu.memory_space<hbm>>
          tpu.enqueue_dma source(%dma_start3A_364 : memref<8x128xi32, #tpu.memory_space<hbm>>) target(%arg7 : memref<8x128xi32, #tpu.memory_space<vmem>>) target_semaphore(%run_scoped3A_360 : memref<!tpu.dma_semaphore, #tpu.memory_space<semaphore_mem>>)
          %dma_wait3A_365 = arith.constant 0 : i32
          %dma_wait3A_366 = tpu.memref_slice %arg4[%multiple_of3A_359, %dma_wait3A_365] : memref<2560x128xi32, #tpu.memory_space<hbm>> -> memref<8x128xi32, #tpu.memory_space<hbm>>
          %dma_wait3A_367 = arith.constant 0 : i32
          %dma_wait3A_368 = tpu.memref_slice %arg4[%multiple_of3A_359, %dma_wait3A_367] : memref<2560x128xi32, #tpu.memory_space<hbm>> -> memref<8x128xi32, #tpu.memory_space<hbm>>
          tpu.wait_dma2 semaphore(%run_scoped3A_360 : memref<!tpu.dma_semaphore, #tpu.memory_space<semaphore_mem>>) src(%dma_wait3A_368 : memref<8x128xi32, #tpu.memory_space<hbm>>) dst(%arg7 : memref<8x128xi32, #tpu.memory_space<vmem>>)
          tpu.yield
        }) : () -> ()
      } else {
      }
      %run_scoped3A_244 = arith.constant 1 : i32
      "tpu.region"() ({
        %run_scoped3A_352 = tpu.sem_alloc : memref<!tpu.dma_semaphore, #tpu.memory_space<semaphore_mem>>
        %dma_start3A_353 = arith.constant 0 : i32
        %dma_start3A_354 = tpu.memref_slice %arg9[%run_scoped3A_244, %dma_start3A_353] : memref<8x128xi32, #tpu.memory_space<vmem>> -> memref<1x128xi32, #tpu.memory_space<vmem>>
        %dma_start3A_355 = tpu.memref_squeeze %dma_start3A_354 : memref<1x128xi32, #tpu.memory_space<vmem>> -> memref<128xi32, #tpu.memory_space<vmem>>
        %dma_start3A_356 = arith.constant 0 : i32
        %dma_start3A_357 = arith.constant 0 : i32
        %dma_start3A_358 = tpu.memref_slice %arg13[%dma_start3A_356, %dma_start3A_357] : memref<10240x128xf32, #tpu.memory_space<vmem_shared>> -> memref<10240x128xf32, #tpu.memory_space<vmem_shared>>
        tpu.enqueue_indirect_dma source(%arg11 : memref<128x128xf32, #tpu.memory_space<vmem>>) target(%dma_start3A_358 : memref<10240x128xf32, #tpu.memory_space<vmem_shared>>) offsets(%dma_start3A_355 : memref<128xi32, #tpu.memory_space<vmem>>) semaphore(%run_scoped3A_352 : memref<!tpu.dma_semaphore, #tpu.memory_space<semaphore_mem>>) {add = true}
        %dma_wait3A_359 = arith.constant 0 : i32
        %dma_wait3A_360 = tpu.memref_slice %arg9[%run_scoped3A_244, %dma_wait3A_359] : memref<8x128xi32, #tpu.memory_space<vmem>> -> memref<1x128xi32, #tpu.memory_space<vmem>>
        %dma_wait3A_361 = tpu.memref_squeeze %dma_wait3A_360 : memref<1x128xi32, #tpu.memory_space<vmem>> -> memref<128xi32, #tpu.memory_space<vmem>>
        %dma_wait3A_362 = arith.constant 0 : i32
        %dma_wait3A_363 = arith.constant 0 : i32
        %dma_wait3A_364 = tpu.memref_slice %arg13[%dma_wait3A_362, %dma_wait3A_363] : memref<10240x128xf32, #tpu.memory_space<vmem_shared>> -> memref<10240x128xf32, #tpu.memory_space<vmem_shared>>
        tpu.wait_indirect_dma semaphore(%run_scoped3A_352 : memref<!tpu.dma_semaphore, #tpu.memory_space<semaphore_mem>>) src(%arg11 : memref<128x128xf32, #tpu.memory_space<vmem>>) dst(%dma_wait3A_364 : memref<10240x128xf32, #tpu.memory_space<vmem_shared>>)
        tpu.yield
      }) : () -> ()
      %mul3A_245 = arith.constant 8 : i32
      %mul3A_246 = arith.muli %add3A_202, %mul3A_245 : i32
      %add3A_247 = arith.constant 2 : i32
      %add3A_248 = arith.addi %mul3A_246, %add3A_247 : i32
      %dma_wait3A_249 = arith.constant 0 : i32
      %dma_wait3A_250 = arith.constant 0 : i32
      %dma_wait3A_251 = tpu.memref_slice %arg2[%dma_wait3A_249, %dma_wait3A_250] : memref<10000x128xf32, #tpu.memory_space<hbm>> -> memref<128x128xf32, #tpu.memory_space<hbm>>
      %dma_wait3A_252 = arith.constant 0 : i32
      %dma_wait3A_253 = arith.constant 0 : i32
      %dma_wait3A_254 = tpu.memref_slice %arg2[%dma_wait3A_252, %dma_wait3A_253] : memref<10000x128xf32, #tpu.memory_space<hbm>> -> memref<128x128xf32, #tpu.memory_space<hbm>>
      tpu.wait_dma2 semaphore(%arg12 : memref<!tpu.dma_semaphore, #tpu.memory_space<semaphore_mem>>) src(%dma_wait3A_254 : memref<128x128xf32, #tpu.memory_space<hbm>>) dst(%arg10 : memref<128x128xf32, #tpu.memory_space<vmem>>)
      %dma_start3A_255 = arith.constant 3 : i32
      %dma_start3A_256 = arith.constant 0 : i32
      %dma_start3A_257 = tpu.memref_slice %arg8[%dma_start3A_255, %dma_start3A_256] : memref<8x128xi32, #tpu.memory_space<vmem>> -> memref<1x128xi32, #tpu.memory_space<vmem>>
      %dma_start3A_258 = tpu.memref_squeeze %dma_start3A_257 : memref<1x128xi32, #tpu.memory_space<vmem>> -> memref<128xi32, #tpu.memory_space<vmem>>
      %dma_start3A_259 = arith.constant 0 : i32
      %dma_start3A_260 = arith.constant 0 : i32
      %dma_start3A_261 = tpu.memref_slice %arg2[%dma_start3A_259, %dma_start3A_260] : memref<10000x128xf32, #tpu.memory_space<hbm>> -> memref<10000x128xf32, #tpu.memory_space<hbm>>
      tpu.enqueue_indirect_dma source(%dma_start3A_261 : memref<10000x128xf32, #tpu.memory_space<hbm>>) target(%arg11 : memref<128x128xf32, #tpu.memory_space<vmem>>) offsets(%dma_start3A_258 : memref<128xi32, #tpu.memory_space<vmem>>) semaphore(%arg12 : memref<!tpu.dma_semaphore, #tpu.memory_space<semaphore_mem>>)
      %run_scoped3A_262 = arith.constant 2 : i32
      "tpu.region"() ({
        %run_scoped3A_352 = tpu.sem_alloc : memref<!tpu.dma_semaphore, #tpu.memory_space<semaphore_mem>>
        %dma_start3A_353 = arith.constant 0 : i32
        %dma_start3A_354 = tpu.memref_slice %arg9[%run_scoped3A_262, %dma_start3A_353] : memref<8x128xi32, #tpu.memory_space<vmem>> -> memref<1x128xi32, #tpu.memory_space<vmem>>
        %dma_start3A_355 = tpu.memref_squeeze %dma_start3A_354 : memref<1x128xi32, #tpu.memory_space<vmem>> -> memref<128xi32, #tpu.memory_space<vmem>>
        %dma_start3A_356 = arith.constant 0 : i32
        %dma_start3A_357 = arith.constant 0 : i32
        %dma_start3A_358 = tpu.memref_slice %arg13[%dma_start3A_356, %dma_start3A_357] : memref<10240x128xf32, #tpu.memory_space<vmem_shared>> -> memref<10240x128xf32, #tpu.memory_space<vmem_shared>>
        tpu.enqueue_indirect_dma source(%arg10 : memref<128x128xf32, #tpu.memory_space<vmem>>) target(%dma_start3A_358 : memref<10240x128xf32, #tpu.memory_space<vmem_shared>>) offsets(%dma_start3A_355 : memref<128xi32, #tpu.memory_space<vmem>>) semaphore(%run_scoped3A_352 : memref<!tpu.dma_semaphore, #tpu.memory_space<semaphore_mem>>) {add = true}
        %dma_wait3A_359 = arith.constant 0 : i32
        %dma_wait3A_360 = tpu.memref_slice %arg9[%run_scoped3A_262, %dma_wait3A_359] : memref<8x128xi32, #tpu.memory_space<vmem>> -> memref<1x128xi32, #tpu.memory_space<vmem>>
        %dma_wait3A_361 = tpu.memref_squeeze %dma_wait3A_360 : memref<1x128xi32, #tpu.memory_space<vmem>> -> memref<128xi32, #tpu.memory_space<vmem>>
        %dma_wait3A_362 = arith.constant 0 : i32
        %dma_wait3A_363 = arith.constant 0 : i32
        %dma_wait3A_364 = tpu.memref_slice %arg13[%dma_wait3A_362, %dma_wait3A_363] : memref<10240x128xf32, #tpu.memory_space<vmem_shared>> -> memref<10240x128xf32, #tpu.memory_space<vmem_shared>>
        tpu.wait_indirect_dma semaphore(%run_scoped3A_352 : memref<!tpu.dma_semaphore, #tpu.memory_space<semaphore_mem>>) src(%arg10 : memref<128x128xf32, #tpu.memory_space<vmem>>) dst(%dma_wait3A_364 : memref<10240x128xf32, #tpu.memory_space<vmem_shared>>)
        tpu.yield
      }) : () -> ()
      %mul3A_263 = arith.constant 8 : i32
      %mul3A_264 = arith.muli %add3A_202, %mul3A_263 : i32
      %add3A_265 = arith.constant 3 : i32
      %add3A_266 = arith.addi %mul3A_264, %add3A_265 : i32
      %dma_wait3A_267 = arith.constant 0 : i32
      %dma_wait3A_268 = arith.constant 0 : i32
      %dma_wait3A_269 = tpu.memref_slice %arg2[%dma_wait3A_267, %dma_wait3A_268] : memref<10000x128xf32, #tpu.memory_space<hbm>> -> memref<128x128xf32, #tpu.memory_space<hbm>>
      %dma_wait3A_270 = arith.constant 0 : i32
      %dma_wait3A_271 = arith.constant 0 : i32
      %dma_wait3A_272 = tpu.memref_slice %arg2[%dma_wait3A_270, %dma_wait3A_271] : memref<10000x128xf32, #tpu.memory_space<hbm>> -> memref<128x128xf32, #tpu.memory_space<hbm>>
      tpu.wait_dma2 semaphore(%arg12 : memref<!tpu.dma_semaphore, #tpu.memory_space<semaphore_mem>>) src(%dma_wait3A_272 : memref<128x128xf32, #tpu.memory_space<hbm>>) dst(%arg11 : memref<128x128xf32, #tpu.memory_space<vmem>>)
      %dma_start3A_273 = arith.constant 4 : i32
      %dma_start3A_274 = arith.constant 0 : i32
      %dma_start3A_275 = tpu.memref_slice %arg8[%dma_start3A_273, %dma_start3A_274] : memref<8x128xi32, #tpu.memory_space<vmem>> -> memref<1x128xi32, #tpu.memory_space<vmem>>
      %dma_start3A_276 = tpu.memref_squeeze %dma_start3A_275 : memref<1x128xi32, #tpu.memory_space<vmem>> -> memref<128xi32, #tpu.memory_space<vmem>>
      %dma_start3A_277 = arith.constant 0 : i32
      %dma_start3A_278 = arith.constant 0 : i32
      %dma_start3A_279 = tpu.memref_slice %arg2[%dma_start3A_277, %dma_start3A_278] : memref<10000x128xf32, #tpu.memory_space<hbm>> -> memref<10000x128xf32, #tpu.memory_space<hbm>>
      tpu.enqueue_indirect_dma source(%dma_start3A_279 : memref<10000x128xf32, #tpu.memory_space<hbm>>) target(%arg10 : memref<128x128xf32, #tpu.memory_space<vmem>>) offsets(%dma_start3A_276 : memref<128xi32, #tpu.memory_space<vmem>>) semaphore(%arg12 : memref<!tpu.dma_semaphore, #tpu.memory_space<semaphore_mem>>)
      %run_scoped3A_280 = arith.constant 3 : i32
      "tpu.region"() ({
        %run_scoped3A_352 = tpu.sem_alloc : memref<!tpu.dma_semaphore, #tpu.memory_space<semaphore_mem>>
        %dma_start3A_353 = arith.constant 0 : i32
        %dma_start3A_354 = tpu.memref_slice %arg9[%run_scoped3A_280, %dma_start3A_353] : memref<8x128xi32, #tpu.memory_space<vmem>> -> memref<1x128xi32, #tpu.memory_space<vmem>>
        %dma_start3A_355 = tpu.memref_squeeze %dma_start3A_354 : memref<1x128xi32, #tpu.memory_space<vmem>> -> memref<128xi32, #tpu.memory_space<vmem>>
        %dma_start3A_356 = arith.constant 0 : i32
        %dma_start3A_357 = arith.constant 0 : i32
        %dma_start3A_358 = tpu.memref_slice %arg13[%dma_start3A_356, %dma_start3A_357] : memref<10240x128xf32, #tpu.memory_space<vmem_shared>> -> memref<10240x128xf32, #tpu.memory_space<vmem_shared>>
        tpu.enqueue_indirect_dma source(%arg11 : memref<128x128xf32, #tpu.memory_space<vmem>>) target(%dma_start3A_358 : memref<10240x128xf32, #tpu.memory_space<vmem_shared>>) offsets(%dma_start3A_355 : memref<128xi32, #tpu.memory_space<vmem>>) semaphore(%run_scoped3A_352 : memref<!tpu.dma_semaphore, #tpu.memory_space<semaphore_mem>>) {add = true}
        %dma_wait3A_359 = arith.constant 0 : i32
        %dma_wait3A_360 = tpu.memref_slice %arg9[%run_scoped3A_280, %dma_wait3A_359] : memref<8x128xi32, #tpu.memory_space<vmem>> -> memref<1x128xi32, #tpu.memory_space<vmem>>
        %dma_wait3A_361 = tpu.memref_squeeze %dma_wait3A_360 : memref<1x128xi32, #tpu.memory_space<vmem>> -> memref<128xi32, #tpu.memory_space<vmem>>
        %dma_wait3A_362 = arith.constant 0 : i32
        %dma_wait3A_363 = arith.constant 0 : i32
        %dma_wait3A_364 = tpu.memref_slice %arg13[%dma_wait3A_362, %dma_wait3A_363] : memref<10240x128xf32, #tpu.memory_space<vmem_shared>> -> memref<10240x128xf32, #tpu.memory_space<vmem_shared>>
        tpu.wait_indirect_dma semaphore(%run_scoped3A_352 : memref<!tpu.dma_semaphore, #tpu.memory_space<semaphore_mem>>) src(%arg11 : memref<128x128xf32, #tpu.memory_space<vmem>>) dst(%dma_wait3A_364 : memref<10240x128xf32, #tpu.memory_space<vmem_shared>>)
        tpu.yield
      }) : () -> ()
      %mul3A_281 = arith.constant 8 : i32
      %mul3A_282 = arith.muli %add3A_202, %mul3A_281 : i32
      %add3A_283 = arith.constant 4 : i32
      %add3A_284 = arith.addi %mul3A_282, %add3A_283 : i32
      %dma_wait3A_285 = arith.constant 0 : i32
      %dma_wait3A_286 = arith.constant 0 : i32
      %dma_wait3A_287 = tpu.memref_slice %arg2[%dma_wait3A_285, %dma_wait3A_286] : memref<10000x128xf32, #tpu.memory_space<hbm>> -> memref<128x128xf32, #tpu.memory_space<hbm>>
      %dma_wait3A_288 = arith.constant 0 : i32
      %dma_wait3A_289 = arith.constant 0 : i32
      %dma_wait3A_290 = tpu.memref_slice %arg2[%dma_wait3A_288, %dma_wait3A_289] : memref<10000x128xf32, #tpu.memory_space<hbm>> -> memref<128x128xf32, #tpu.memory_space<hbm>>
      tpu.wait_dma2 semaphore(%arg12 : memref<!tpu.dma_semaphore, #tpu.memory_space<semaphore_mem>>) src(%dma_wait3A_290 : memref<128x128xf32, #tpu.memory_space<hbm>>) dst(%arg10 : memref<128x128xf32, #tpu.memory_space<vmem>>)
      %dma_start3A_291 = arith.constant 5 : i32
      %dma_start3A_292 = arith.constant 0 : i32
      %dma_start3A_293 = tpu.memref_slice %arg8[%dma_start3A_291, %dma_start3A_292] : memref<8x128xi32, #tpu.memory_space<vmem>> -> memref<1x128xi32, #tpu.memory_space<vmem>>
      %dma_start3A_294 = tpu.memref_squeeze %dma_start3A_293 : memref<1x128xi32, #tpu.memory_space<vmem>> -> memref<128xi32, #tpu.memory_space<vmem>>
      %dma_start3A_295 = arith.constant 0 : i32
      %dma_start3A_296 = arith.constant 0 : i32
      %dma_start3A_297 = tpu.memref_slice %arg2[%dma_start3A_295, %dma_start3A_296] : memref<10000x128xf32, #tpu.memory_space<hbm>> -> memref<10000x128xf32, #tpu.memory_space<hbm>>
      tpu.enqueue_indirect_dma source(%dma_start3A_297 : memref<10000x128xf32, #tpu.memory_space<hbm>>) target(%arg11 : memref<128x128xf32, #tpu.memory_space<vmem>>) offsets(%dma_start3A_294 : memref<128xi32, #tpu.memory_space<vmem>>) semaphore(%arg12 : memref<!tpu.dma_semaphore, #tpu.memory_space<semaphore_mem>>)
      %run_scoped3A_298 = arith.constant 4 : i32
      "tpu.region"() ({
        %run_scoped3A_352 = tpu.sem_alloc : memref<!tpu.dma_semaphore, #tpu.memory_space<semaphore_mem>>
        %dma_start3A_353 = arith.constant 0 : i32
        %dma_start3A_354 = tpu.memref_slice %arg9[%run_scoped3A_298, %dma_start3A_353] : memref<8x128xi32, #tpu.memory_space<vmem>> -> memref<1x128xi32, #tpu.memory_space<vmem>>
        %dma_start3A_355 = tpu.memref_squeeze %dma_start3A_354 : memref<1x128xi32, #tpu.memory_space<vmem>> -> memref<128xi32, #tpu.memory_space<vmem>>
        %dma_start3A_356 = arith.constant 0 : i32
        %dma_start3A_357 = arith.constant 0 : i32
        %dma_start3A_358 = tpu.memref_slice %arg13[%dma_start3A_356, %dma_start3A_357] : memref<10240x128xf32, #tpu.memory_space<vmem_shared>> -> memref<10240x128xf32, #tpu.memory_space<vmem_shared>>
        tpu.enqueue_indirect_dma source(%arg10 : memref<128x128xf32, #tpu.memory_space<vmem>>) target(%dma_start3A_358 : memref<10240x128xf32, #tpu.memory_space<vmem_shared>>) offsets(%dma_start3A_355 : memref<128xi32, #tpu.memory_space<vmem>>) semaphore(%run_scoped3A_352 : memref<!tpu.dma_semaphore, #tpu.memory_space<semaphore_mem>>) {add = true}
        %dma_wait3A_359 = arith.constant 0 : i32
        %dma_wait3A_360 = tpu.memref_slice %arg9[%run_scoped3A_298, %dma_wait3A_359] : memref<8x128xi32, #tpu.memory_space<vmem>> -> memref<1x128xi32, #tpu.memory_space<vmem>>
        %dma_wait3A_361 = tpu.memref_squeeze %dma_wait3A_360 : memref<1x128xi32, #tpu.memory_space<vmem>> -> memref<128xi32, #tpu.memory_space<vmem>>
        %dma_wait3A_362 = arith.constant 0 : i32
        %dma_wait3A_363 = arith.constant 0 : i32
        %dma_wait3A_364 = tpu.memref_slice %arg13[%dma_wait3A_362, %dma_wait3A_363] : memref<10240x128xf32, #tpu.memory_space<vmem_shared>> -> memref<10240x128xf32, #tpu.memory_space<vmem_shared>>
        tpu.wait_indirect_dma semaphore(%run_scoped3A_352 : memref<!tpu.dma_semaphore, #tpu.memory_space<semaphore_mem>>) src(%arg10 : memref<128x128xf32, #tpu.memory_space<vmem>>) dst(%dma_wait3A_364 : memref<10240x128xf32, #tpu.memory_space<vmem_shared>>)
        tpu.yield
      }) : () -> ()
      %mul3A_299 = arith.constant 8 : i32
      %mul3A_300 = arith.muli %add3A_202, %mul3A_299 : i32
      %add3A_301 = arith.constant 5 : i32
      %add3A_302 = arith.addi %mul3A_300, %add3A_301 : i32
      %dma_wait3A_303 = arith.constant 0 : i32
      %dma_wait3A_304 = arith.constant 0 : i32
      %dma_wait3A_305 = tpu.memref_slice %arg2[%dma_wait3A_303, %dma_wait3A_304] : memref<10000x128xf32, #tpu.memory_space<hbm>> -> memref<128x128xf32, #tpu.memory_space<hbm>>
      %dma_wait3A_306 = arith.constant 0 : i32
      %dma_wait3A_307 = arith.constant 0 : i32
      %dma_wait3A_308 = tpu.memref_slice %arg2[%dma_wait3A_306, %dma_wait3A_307] : memref<10000x128xf32, #tpu.memory_space<hbm>> -> memref<128x128xf32, #tpu.memory_space<hbm>>
      tpu.wait_dma2 semaphore(%arg12 : memref<!tpu.dma_semaphore, #tpu.memory_space<semaphore_mem>>) src(%dma_wait3A_308 : memref<128x128xf32, #tpu.memory_space<hbm>>) dst(%arg11 : memref<128x128xf32, #tpu.memory_space<vmem>>)
      %dma_start3A_309 = arith.constant 6 : i32
      %dma_start3A_310 = arith.constant 0 : i32
      %dma_start3A_311 = tpu.memref_slice %arg8[%dma_start3A_309, %dma_start3A_310] : memref<8x128xi32, #tpu.memory_space<vmem>> -> memref<1x128xi32, #tpu.memory_space<vmem>>
      %dma_start3A_312 = tpu.memref_squeeze %dma_start3A_311 : memref<1x128xi32, #tpu.memory_space<vmem>> -> memref<128xi32, #tpu.memory_space<vmem>>
      %dma_start3A_313 = arith.constant 0 : i32
      %dma_start3A_314 = arith.constant 0 : i32
      %dma_start3A_315 = tpu.memref_slice %arg2[%dma_start3A_313, %dma_start3A_314] : memref<10000x128xf32, #tpu.memory_space<hbm>> -> memref<10000x128xf32, #tpu.memory_space<hbm>>
      tpu.enqueue_indirect_dma source(%dma_start3A_315 : memref<10000x128xf32, #tpu.memory_space<hbm>>) target(%arg10 : memref<128x128xf32, #tpu.memory_space<vmem>>) offsets(%dma_start3A_312 : memref<128xi32, #tpu.memory_space<vmem>>) semaphore(%arg12 : memref<!tpu.dma_semaphore, #tpu.memory_space<semaphore_mem>>)
      %run_scoped3A_316 = arith.constant 5 : i32
      "tpu.region"() ({
        %run_scoped3A_352 = tpu.sem_alloc : memref<!tpu.dma_semaphore, #tpu.memory_space<semaphore_mem>>
        %dma_start3A_353 = arith.constant 0 : i32
        %dma_start3A_354 = tpu.memref_slice %arg9[%run_scoped3A_316, %dma_start3A_353] : memref<8x128xi32, #tpu.memory_space<vmem>> -> memref<1x128xi32, #tpu.memory_space<vmem>>
        %dma_start3A_355 = tpu.memref_squeeze %dma_start3A_354 : memref<1x128xi32, #tpu.memory_space<vmem>> -> memref<128xi32, #tpu.memory_space<vmem>>
        %dma_start3A_356 = arith.constant 0 : i32
        %dma_start3A_357 = arith.constant 0 : i32
        %dma_start3A_358 = tpu.memref_slice %arg13[%dma_start3A_356, %dma_start3A_357] : memref<10240x128xf32, #tpu.memory_space<vmem_shared>> -> memref<10240x128xf32, #tpu.memory_space<vmem_shared>>
        tpu.enqueue_indirect_dma source(%arg11 : memref<128x128xf32, #tpu.memory_space<vmem>>) target(%dma_start3A_358 : memref<10240x128xf32, #tpu.memory_space<vmem_shared>>) offsets(%dma_start3A_355 : memref<128xi32, #tpu.memory_space<vmem>>) semaphore(%run_scoped3A_352 : memref<!tpu.dma_semaphore, #tpu.memory_space<semaphore_mem>>) {add = true}
        %dma_wait3A_359 = arith.constant 0 : i32
        %dma_wait3A_360 = tpu.memref_slice %arg9[%run_scoped3A_316, %dma_wait3A_359] : memref<8x128xi32, #tpu.memory_space<vmem>> -> memref<1x128xi32, #tpu.memory_space<vmem>>
        %dma_wait3A_361 = tpu.memref_squeeze %dma_wait3A_360 : memref<1x128xi32, #tpu.memory_space<vmem>> -> memref<128xi32, #tpu.memory_space<vmem>>
        %dma_wait3A_362 = arith.constant 0 : i32
        %dma_wait3A_363 = arith.constant 0 : i32
        %dma_wait3A_364 = tpu.memref_slice %arg13[%dma_wait3A_362, %dma_wait3A_363] : memref<10240x128xf32, #tpu.memory_space<vmem_shared>> -> memref<10240x128xf32, #tpu.memory_space<vmem_shared>>
        tpu.wait_indirect_dma semaphore(%run_scoped3A_352 : memref<!tpu.dma_semaphore, #tpu.memory_space<semaphore_mem>>) src(%arg11 : memref<128x128xf32, #tpu.memory_space<vmem>>) dst(%dma_wait3A_364 : memref<10240x128xf32, #tpu.memory_space<vmem_shared>>)
        tpu.yield
      }) : () -> ()
      %mul3A_317 = arith.constant 8 : i32
      %mul3A_318 = arith.muli %add3A_202, %mul3A_317 : i32
      %add3A_319 = arith.constant 6 : i32
      %add3A_320 = arith.addi %mul3A_318, %add3A_319 : i32
      %dma_wait3A_321 = arith.constant 0 : i32
      %dma_wait3A_322 = arith.constant 0 : i32
      %dma_wait3A_323 = tpu.memref_slice %arg2[%dma_wait3A_321, %dma_wait3A_322] : memref<10000x128xf32, #tpu.memory_space<hbm>> -> memref<128x128xf32, #tpu.memory_space<hbm>>
      %dma_wait3A_324 = arith.constant 0 : i32
      %dma_wait3A_325 = arith.constant 0 : i32
      %dma_wait3A_326 = tpu.memref_slice %arg2[%dma_wait3A_324, %dma_wait3A_325] : memref<10000x128xf32, #tpu.memory_space<hbm>> -> memref<128x128xf32, #tpu.memory_space<hbm>>
      tpu.wait_dma2 semaphore(%arg12 : memref<!tpu.dma_semaphore, #tpu.memory_space<semaphore_mem>>) src(%dma_wait3A_326 : memref<128x128xf32, #tpu.memory_space<hbm>>) dst(%arg10 : memref<128x128xf32, #tpu.memory_space<vmem>>)
      %dma_start3A_327 = arith.constant 7 : i32
      %dma_start3A_328 = arith.constant 0 : i32
      %dma_start3A_329 = tpu.memref_slice %arg8[%dma_start3A_327, %dma_start3A_328] : memref<8x128xi32, #tpu.memory_space<vmem>> -> memref<1x128xi32, #tpu.memory_space<vmem>>
      %dma_start3A_330 = tpu.memref_squeeze %dma_start3A_329 : memref<1x128xi32, #tpu.memory_space<vmem>> -> memref<128xi32, #tpu.memory_space<vmem>>
      %dma_start3A_331 = arith.constant 0 : i32
      %dma_start3A_332 = arith.constant 0 : i32
      %dma_start3A_333 = tpu.memref_slice %arg2[%dma_start3A_331, %dma_start3A_332] : memref<10000x128xf32, #tpu.memory_space<hbm>> -> memref<10000x128xf32, #tpu.memory_space<hbm>>
      tpu.enqueue_indirect_dma source(%dma_start3A_333 : memref<10000x128xf32, #tpu.memory_space<hbm>>) target(%arg11 : memref<128x128xf32, #tpu.memory_space<vmem>>) offsets(%dma_start3A_330 : memref<128xi32, #tpu.memory_space<vmem>>) semaphore(%arg12 : memref<!tpu.dma_semaphore, #tpu.memory_space<semaphore_mem>>)
      %run_scoped3A_334 = arith.constant 6 : i32
      "tpu.region"() ({
        %run_scoped3A_352 = tpu.sem_alloc : memref<!tpu.dma_semaphore, #tpu.memory_space<semaphore_mem>>
        %dma_start3A_353 = arith.constant 0 : i32
        %dma_start3A_354 = tpu.memref_slice %arg9[%run_scoped3A_334, %dma_start3A_353] : memref<8x128xi32, #tpu.memory_space<vmem>> -> memref<1x128xi32, #tpu.memory_space<vmem>>
        %dma_start3A_355 = tpu.memref_squeeze %dma_start3A_354 : memref<1x128xi32, #tpu.memory_space<vmem>> -> memref<128xi32, #tpu.memory_space<vmem>>
        %dma_start3A_356 = arith.constant 0 : i32
        %dma_start3A_357 = arith.constant 0 : i32
        %dma_start3A_358 = tpu.memref_slice %arg13[%dma_start3A_356, %dma_start3A_357] : memref<10240x128xf32, #tpu.memory_space<vmem_shared>> -> memref<10240x128xf32, #tpu.memory_space<vmem_shared>>
        tpu.enqueue_indirect_dma source(%arg10 : memref<128x128xf32, #tpu.memory_space<vmem>>) target(%dma_start3A_358 : memref<10240x128xf32, #tpu.memory_space<vmem_shared>>) offsets(%dma_start3A_355 : memref<128xi32, #tpu.memory_space<vmem>>) semaphore(%run_scoped3A_352 : memref<!tpu.dma_semaphore, #tpu.memory_space<semaphore_mem>>) {add = true}
        %dma_wait3A_359 = arith.constant 0 : i32
        %dma_wait3A_360 = tpu.memref_slice %arg9[%run_scoped3A_334, %dma_wait3A_359] : memref<8x128xi32, #tpu.memory_space<vmem>> -> memref<1x128xi32, #tpu.memory_space<vmem>>
        %dma_wait3A_361 = tpu.memref_squeeze %dma_wait3A_360 : memref<1x128xi32, #tpu.memory_space<vmem>> -> memref<128xi32, #tpu.memory_space<vmem>>
        %dma_wait3A_362 = arith.constant 0 : i32
        %dma_wait3A_363 = arith.constant 0 : i32
        %dma_wait3A_364 = tpu.memref_slice %arg13[%dma_wait3A_362, %dma_wait3A_363] : memref<10240x128xf32, #tpu.memory_space<vmem_shared>> -> memref<10240x128xf32, #tpu.memory_space<vmem_shared>>
        tpu.wait_indirect_dma semaphore(%run_scoped3A_352 : memref<!tpu.dma_semaphore, #tpu.memory_space<semaphore_mem>>) src(%arg10 : memref<128x128xf32, #tpu.memory_space<vmem>>) dst(%dma_wait3A_364 : memref<10240x128xf32, #tpu.memory_space<vmem_shared>>)
        tpu.yield
      }) : () -> ()
      %mul3A_335 = arith.constant 8 : i32
      %mul3A_336 = arith.muli %add3A_202, %mul3A_335 : i32
      %add3A_337 = arith.constant 7 : i32
      %add3A_338 = arith.addi %mul3A_336, %add3A_337 : i32
      %dma_wait3A_339 = arith.constant 0 : i32
      %dma_wait3A_340 = arith.constant 0 : i32
      %dma_wait3A_341 = tpu.memref_slice %arg2[%dma_wait3A_339, %dma_wait3A_340] : memref<10000x128xf32, #tpu.memory_space<hbm>> -> memref<128x128xf32, #tpu.memory_space<hbm>>
      %dma_wait3A_342 = arith.constant 0 : i32
      %dma_wait3A_343 = arith.constant 0 : i32
      %dma_wait3A_344 = tpu.memref_slice %arg2[%dma_wait3A_342, %dma_wait3A_343] : memref<10000x128xf32, #tpu.memory_space<hbm>> -> memref<128x128xf32, #tpu.memory_space<hbm>>
      tpu.wait_dma2 semaphore(%arg12 : memref<!tpu.dma_semaphore, #tpu.memory_space<semaphore_mem>>) src(%dma_wait3A_344 : memref<128x128xf32, #tpu.memory_space<hbm>>) dst(%arg11 : memref<128x128xf32, #tpu.memory_space<vmem>>)
      %add3A_345 = arith.constant 1 : i32
      %add3A_346 = arith.addi %add3A_338, %add3A_345 : i32
      %lt3A_347 = arith.cmpi slt, %add3A_346, %mul3A_2 : i32
      %convert_element_type3A_348 = arith.extui %lt3A_347 : i1 to i32
      %cond3A_349 = arith.constant 0 : i32
      %cond3A_350 = arith.cmpi ne, %convert_element_type3A_348, %cond3A_349 : i32
      scf.if %cond3A_350 {
        %dma_start3A_352 = arith.constant 0 : i32
        %dma_start3A_353 = arith.constant 0 : i32
        %dma_start3A_354 = tpu.memref_slice %arg6[%dma_start3A_352, %dma_start3A_353] : memref<8x128xi32, #tpu.memory_space<vmem>> -> memref<1x128xi32, #tpu.memory_space<vmem>>
        %dma_start3A_355 = tpu.memref_squeeze %dma_start3A_354 : memref<1x128xi32, #tpu.memory_space<vmem>> -> memref<128xi32, #tpu.memory_space<vmem>>
        %dma_start3A_356 = arith.constant 0 : i32
        %dma_start3A_357 = arith.constant 0 : i32
        %dma_start3A_358 = tpu.memref_slice %arg2[%dma_start3A_356, %dma_start3A_357] : memref<10000x128xf32, #tpu.memory_space<hbm>> -> memref<10000x128xf32, #tpu.memory_space<hbm>>
        tpu.enqueue_indirect_dma source(%dma_start3A_358 : memref<10000x128xf32, #tpu.memory_space<hbm>>) target(%arg10 : memref<128x128xf32, #tpu.memory_space<vmem>>) offsets(%dma_start3A_355 : memref<128xi32, #tpu.memory_space<vmem>>) semaphore(%arg12 : memref<!tpu.dma_semaphore, #tpu.memory_space<semaphore_mem>>)
      } else {
      }
      %run_scoped3A_351 = arith.constant 7 : i32
      "tpu.region"() ({
        %run_scoped3A_352 = tpu.sem_alloc : memref<!tpu.dma_semaphore, #tpu.memory_space<semaphore_mem>>
        %dma_start3A_353 = arith.constant 0 : i32
        %dma_start3A_354 = tpu.memref_slice %arg9[%run_scoped3A_351, %dma_start3A_353] : memref<8x128xi32, #tpu.memory_space<vmem>> -> memref<1x128xi32, #tpu.memory_space<vmem>>
        %dma_start3A_355 = tpu.memref_squeeze %dma_start3A_354 : memref<1x128xi32, #tpu.memory_space<vmem>> -> memref<128xi32, #tpu.memory_space<vmem>>
        %dma_start3A_356 = arith.constant 0 : i32
        %dma_start3A_357 = arith.constant 0 : i32
        %dma_start3A_358 = tpu.memref_slice %arg13[%dma_start3A_356, %dma_start3A_357] : memref<10240x128xf32, #tpu.memory_space<vmem_shared>> -> memref<10240x128xf32, #tpu.memory_space<vmem_shared>>
        tpu.enqueue_indirect_dma source(%arg11 : memref<128x128xf32, #tpu.memory_space<vmem>>) target(%dma_start3A_358 : memref<10240x128xf32, #tpu.memory_space<vmem_shared>>) offsets(%dma_start3A_355 : memref<128xi32, #tpu.memory_space<vmem>>) semaphore(%run_scoped3A_352 : memref<!tpu.dma_semaphore, #tpu.memory_space<semaphore_mem>>) {add = true}
        %dma_wait3A_359 = arith.constant 0 : i32
        %dma_wait3A_360 = tpu.memref_slice %arg9[%run_scoped3A_351, %dma_wait3A_359] : memref<8x128xi32, #tpu.memory_space<vmem>> -> memref<1x128xi32, #tpu.memory_space<vmem>>
        %dma_wait3A_361 = tpu.memref_squeeze %dma_wait3A_360 : memref<1x128xi32, #tpu.memory_space<vmem>> -> memref<128xi32, #tpu.memory_space<vmem>>
        %dma_wait3A_362 = arith.constant 0 : i32
        %dma_wait3A_363 = arith.constant 0 : i32
        %dma_wait3A_364 = tpu.memref_slice %arg13[%dma_wait3A_362, %dma_wait3A_363] : memref<10240x128xf32, #tpu.memory_space<vmem_shared>> -> memref<10240x128xf32, #tpu.memory_space<vmem_shared>>
        tpu.wait_indirect_dma semaphore(%run_scoped3A_352 : memref<!tpu.dma_semaphore, #tpu.memory_space<semaphore_mem>>) src(%arg11 : memref<128x128xf32, #tpu.memory_space<vmem>>) dst(%dma_wait3A_364 : memref<10240x128xf32, #tpu.memory_space<vmem_shared>>)
        tpu.yield
      }) : () -> ()
    }
    %barrier3A_47 = arith.constant 0 : index
    tpu.barrier barrier_id(%barrier3A_47)
    %mul3A_48 = arith.constant 640 : i32
    %mul3A_49 = arith.muli %arg1, %mul3A_48 : i32
    %mul3A_50 = arith.constant 640 : i32
    %mul3A_51 = arith.muli %arg1, %mul3A_50 : i32
    "tpu.region"() ({
      %run_scoped3A = tpu.sem_alloc : memref<!tpu.dma_semaphore, #tpu.memory_space<semaphore_mem>>
      %dma_start3A_52 = arith.constant 0 : i32
      %dma_start3A_53 = arith.constant 0 : i32
      %dma_start3A_54 = tpu.memref_slice %arg5[%arg0, %dma_start3A_52, %dma_start3A_53] : memref<2x10240x128xf32, #tpu.memory_space<hbm>> -> memref<1x10240x128xf32, #tpu.memory_space<hbm>>
      %dma_start3A_55 = tpu.memref_squeeze %dma_start3A_54 : memref<1x10240x128xf32, #tpu.memory_space<hbm>> -> memref<10240x128xf32, #tpu.memory_space<hbm>>
      %dma_start3A_56 = arith.constant 0 : i32
      %dma_start3A_57 = tpu.memref_slice %dma_start3A_55[%mul3A_51, %dma_start3A_56] : memref<10240x128xf32, #tpu.memory_space<hbm>> -> memref<640x128xf32, #tpu.memory_space<hbm>>
      %dma_start3A_58 = arith.constant 0 : i32
      %dma_start3A_59 = tpu.memref_slice %arg13[%mul3A_49, %dma_start3A_58] : memref<10240x128xf32, #tpu.memory_space<vmem_shared>> -> memref<640x128xf32, #tpu.memory_space<vmem_shared>>
      tpu.enqueue_dma source(%dma_start3A_59 : memref<640x128xf32, #tpu.memory_space<vmem_shared>>) target(%dma_start3A_57 : memref<640x128xf32, #tpu.memory_space<hbm>>) target_semaphore(%run_scoped3A : memref<!tpu.dma_semaphore, #tpu.memory_space<semaphore_mem>>)
      %dma_wait3A = arith.constant 0 : i32
      %dma_wait3A_60 = arith.constant 0 : i32
      %dma_wait3A_61 = tpu.memref_slice %arg5[%arg0, %dma_wait3A, %dma_wait3A_60] : memref<2x10240x128xf32, #tpu.memory_space<hbm>> -> memref<1x10240x128xf32, #tpu.memory_space<hbm>>
      %dma_wait3A_62 = tpu.memref_squeeze %dma_wait3A_61 : memref<1x10240x128xf32, #tpu.memory_space<hbm>> -> memref<10240x128xf32, #tpu.memory_space<hbm>>
      %dma_wait3A_63 = arith.constant 0 : i32
      %dma_wait3A_64 = tpu.memref_slice %dma_wait3A_62[%mul3A_51, %dma_wait3A_63] : memref<10240x128xf32, #tpu.memory_space<hbm>> -> memref<640x128xf32, #tpu.memory_space<hbm>>
      %dma_wait3A_65 = arith.constant 0 : i32
      %dma_wait3A_66 = tpu.memref_slice %arg13[%mul3A_49, %dma_wait3A_65] : memref<10240x128xf32, #tpu.memory_space<vmem_shared>> -> memref<640x128xf32, #tpu.memory_space<vmem_shared>>
      tpu.wait_dma2 semaphore(%run_scoped3A : memref<!tpu.dma_semaphore, #tpu.memory_space<semaphore_mem>>) src(%dma_wait3A_66 : memref<640x128xf32, #tpu.memory_space<vmem_shared>>) dst(%dma_wait3A_64 : memref<640x128xf32, #tpu.memory_space<hbm>>)
      tpu.yield
    }) : () -> ()
    return
  }
}

module attributes {stable_mosaic.version = 14 : i64} {
  func.func @body(%arg0: i32, %arg1: memref<2x1000x128xf32, #tpu.memory_space<vmem>>, %arg2: memref<1000x128xf32, #tpu.memory_space<vmem>>, %arg3: memref<1000x16xf32, #tpu.memory_space<vmem>>, %arg4: memref<1x128xf32, #tpu.memory_space<vmem>>, %arg5: memref<1000x128xf32, #tpu.memory_space<vmem>>, %arg6: memref<1x2x128xf32, #tpu.memory_space<vmem>>) attributes {dimension_semantics = [#tpu.dimension_semantics<parallel>], iteration_bounds = array<i64: 10>, scalar_prefetch = 0 : i64, scratch_operands = 0 : i64, tpu.core_type = #tpu.core_type<tc>, window_params = [{transform_indices = @transform_0, window_bounds = array<i64: 2, 1000, 128>}, {transform_indices = @transform_1, window_bounds = array<i64: 1000, 128>}, {transform_indices = @transform_2, window_bounds = array<i64: 1000, 16>}, {pipeline_mode = #tpu.pipeline_mode<synchronous>, transform_indices = @transform_3, window_bounds = array<i64: 1, 128>}, {transform_indices = @transform_4, window_bounds = array<i64: 1000, 128>}, {transform_indices = @transform_5, window_bounds = array<i64: 1, 2, 128>}]} {
    %get3A = arith.constant 0 : index
    %get3A_0 = arith.constant 0 : index
    %get3A_1 = arith.constant 0 : index
    %get3A_2 = vector.load %arg1[%get3A, %get3A_0, %get3A_1] : memref<2x1000x128xf32, #tpu.memory_space<vmem>>, vector<1x1000x128xf32>
    %get3A_3 = vector.shape_cast %get3A_2 : vector<1x1000x128xf32> to vector<1000x128xf32>
    %get3A_4 = arith.constant 1 : index
    %get3A_5 = arith.constant 0 : index
    %get3A_6 = arith.constant 0 : index
    %get3A_7 = vector.load %arg1[%get3A_4, %get3A_5, %get3A_6] : memref<2x1000x128xf32, #tpu.memory_space<vmem>>, vector<1x1000x128xf32>
    %get3A_8 = vector.shape_cast %get3A_7 : vector<1x1000x128xf32> to vector<1000x128xf32>
    %add3A = arith.addf %get3A_3, %get3A_8 : vector<1000x128xf32>
    %get3A_9 = arith.constant 0 : index
    %get3A_10 = arith.constant 0 : index
    %get3A_11 = vector.load %arg2[%get3A_9, %get3A_10] : memref<1000x128xf32, #tpu.memory_space<vmem>>, vector<1000x128xf32>
    %add3A_12 = arith.addf %add3A, %get3A_11 : vector<1000x128xf32>
    %get3A_13 = arith.constant 0 : index
    %get3A_14 = arith.constant 0 : index
    %get3A_15 = vector.load %arg3[%get3A_13, %get3A_14] : memref<1000x16xf32, #tpu.memory_space<vmem>>, vector<1000x1xf32>
    %mul3A = vector.broadcast %get3A_15 : vector<1000x1xf32> to vector<1000x128xf32>
    %mul3A_16 = arith.mulf %add3A_12, %mul3A : vector<1000x128xf32>
    %get3A_17 = arith.constant 0 : index
    %get3A_18 = arith.constant 0 : index
    %get3A_19 = vector.load %arg4[%get3A_17, %get3A_18] : memref<1x128xf32, #tpu.memory_space<vmem>>, vector<1x128xf32>
    %add3A_20 = vector.broadcast %get3A_19 : vector<1x128xf32> to vector<1000x128xf32>
    %add3A_21 = arith.addf %mul3A_16, %add3A_20 : vector<1000x128xf32>
    %swap3A = arith.constant 0 : index
    %swap3A_22 = arith.constant 0 : index
    %swap3A_23 = vector.load %arg5[%swap3A, %swap3A_22] : memref<1000x128xf32, #tpu.memory_space<vmem>>, vector<1000x128xf32>
    tpu.vector_store %arg5[%swap3A, %swap3A_22], %add3A_21 {strides = array<i32>} : memref<1000x128xf32, #tpu.memory_space<vmem>>, vector<1000x128xf32>,
    %reduce_sum3A = arith.constant dense<0.000000e+00> : vector<128xf32>
    %reduce_sum3A_24 = vector.multi_reduction <add>, %add3A_21, %reduce_sum3A [0] : vector<1000x128xf32> to vector<128xf32>
    %broadcast_in_dim3A = vector.shape_cast %reduce_sum3A_24 : vector<128xf32> to vector<1x128xf32>
    %mul3A_25 = arith.mulf %add3A_21, %add3A_21 : vector<1000x128xf32>
    %reduce_sum3A_26 = arith.constant dense<0.000000e+00> : vector<128xf32>
    %reduce_sum3A_27 = vector.multi_reduction <add>, %mul3A_25, %reduce_sum3A_26 [0] : vector<1000x128xf32> to vector<128xf32>
    %broadcast_in_dim3A_28 = vector.shape_cast %reduce_sum3A_27 : vector<128xf32> to vector<1x128xf32>
    %concatenate3A = tpu.concatenate %broadcast_in_dim3A, %broadcast_in_dim3A_28 in 0 : vector<1x128xf32>, vector<1x128xf32> -> vector<2x128xf32>
    %broadcast_in_dim3A_29 = vector.shape_cast %concatenate3A : vector<2x128xf32> to vector<1x2x128xf32>
    %swap3A_30 = arith.constant 0 : index
    %swap3A_31 = arith.constant 0 : index
    %swap3A_32 = arith.constant 0 : index
    %swap3A_33 = vector.load %arg6[%swap3A_30, %swap3A_31, %swap3A_32] : memref<1x2x128xf32, #tpu.memory_space<vmem>>, vector<1x2x128xf32>
    tpu.vector_store %arg6[%swap3A_30, %swap3A_31, %swap3A_32], %broadcast_in_dim3A_29 {strides = array<i32>} : memref<1x2x128xf32, #tpu.memory_space<vmem>>, vector<1x2x128xf32>,
    return
  }
  func.func @transform_0(%arg0: i32) -> (i32, i32, i32) {
    %c0_i32 = arith.constant 0 : i32
    %c0_i32_0 = arith.constant 0 : i32
    %c0_i32_1 = arith.constant 0 : i32
    return %c0_i32, %arg0, %c0_i32_0 : i32, i32, i32
  }
  func.func @transform_1(%arg0: i32) -> (i32, i32) {
    %c0_i32 = arith.constant 0 : i32
    %c0_i32_0 = arith.constant 0 : i32
    return %arg0, %c0_i32 : i32, i32
  }
  func.func @transform_2(%arg0: i32) -> (i32, i32) {
    %c0_i32 = arith.constant 0 : i32
    %c0_i32_0 = arith.constant 0 : i32
    return %arg0, %c0_i32 : i32, i32
  }
  func.func @transform_3(%arg0: i32) -> (i32, i32) {
    %c0_i32 = arith.constant 0 : i32
    %c0_i32_0 = arith.constant 0 : i32
    %c0_i32_1 = arith.constant 0 : i32
    return %c0_i32, %c0_i32_0 : i32, i32
  }
  func.func @transform_4(%arg0: i32) -> (i32, i32) {
    %c0_i32 = arith.constant 0 : i32
    %c0_i32_0 = arith.constant 0 : i32
    return %arg0, %c0_i32 : i32, i32
  }
  func.func @transform_5(%arg0: i32) -> (i32, i32, i32) {
    %c0_i32 = arith.constant 0 : i32
    %c0_i32_0 = arith.constant 0 : i32
    %c0_i32_1 = arith.constant 0 : i32
    return %arg0, %c0_i32, %c0_i32_0 : i32, i32, i32
  }
}

module attributes {stable_mosaic.version = 14 : i64} {
  func.func @body(%arg0: i32, %arg1: memref<1000x128xf32, #tpu.memory_space<vmem>>, %arg2: memref<128x128xf32, #tpu.memory_space<vmem>>, %arg3: memref<2x1000x128xf32, #tpu.memory_space<vmem>>, %arg4: memref<1000x128xf32, #tpu.memory_space<vmem>>, %arg5: memref<1000x16xf32, #tpu.memory_space<vmem>>) attributes {dimension_semantics = [#tpu.dimension_semantics<parallel>], iteration_bounds = array<i64: 10>, scalar_prefetch = 0 : i64, scratch_operands = 0 : i64, tpu.core_type = #tpu.core_type<tc>, window_params = [{transform_indices = @transform_0, window_bounds = array<i64: 1000, 128>}, {pipeline_mode = #tpu.pipeline_mode<synchronous>, transform_indices = @transform_1, window_bounds = array<i64: 128, 128>}, {transform_indices = @transform_2, window_bounds = array<i64: 2, 1000, 128>}, {transform_indices = @transform_3, window_bounds = array<i64: 1000, 128>}, {transform_indices = @transform_4, window_bounds = array<i64: 1000, 16>}]} {
    %get3A = arith.constant 0 : index
    %get3A_0 = arith.constant 0 : index
    %get3A_1 = arith.constant 0 : index
    %get3A_2 = vector.load %arg3[%get3A, %get3A_0, %get3A_1] : memref<2x1000x128xf32, #tpu.memory_space<vmem>>, vector<1x1000x1xf32>
    %get3A_3 = vector.shape_cast %get3A_2 : vector<1x1000x1xf32> to vector<1000x1xf32>
    %get3A_4 = arith.constant 1 : index
    %get3A_5 = arith.constant 0 : index
    %get3A_6 = arith.constant 0 : index
    %get3A_7 = vector.load %arg3[%get3A_4, %get3A_5, %get3A_6] : memref<2x1000x128xf32, #tpu.memory_space<vmem>>, vector<1x1000x1xf32>
    %get3A_8 = vector.shape_cast %get3A_7 : vector<1x1000x1xf32> to vector<1000x1xf32>
    %add3A = arith.addf %get3A_3, %get3A_8 : vector<1000x1xf32>
    %add3A_9 = arith.constant 1.000000e+00 : f32
    %add3A_10 = vector.broadcast %add3A_9 : f32 to vector<1000x1xf32>
    %add3A_11 = arith.addf %add3A, %add3A_10 : vector<1000x1xf32>
    %rsqrt3A = math.rsqrt %add3A_11 : vector<1000x1xf32>
    %broadcast_in_dim3A = vector.shape_cast %rsqrt3A : vector<1000x1xf32> to vector<1000x1xf32>
    %broadcast_in_dim3A_12 = vector.broadcast %broadcast_in_dim3A : vector<1000x1xf32> to vector<1000x16xf32>
    %swap3A = arith.constant 0 : index
    %swap3A_13 = arith.constant 0 : index
    %swap3A_14 = vector.load %arg5[%swap3A, %swap3A_13] : memref<1000x16xf32, #tpu.memory_space<vmem>>, vector<1000x16xf32>
    tpu.vector_store %arg5[%swap3A, %swap3A_13], %broadcast_in_dim3A_12 {strides = array<i32>} : memref<1000x16xf32, #tpu.memory_space<vmem>>, vector<1000x16xf32>,
    %get3A_15 = arith.constant 0 : index
    %get3A_16 = arith.constant 0 : index
    %get3A_17 = vector.load %arg1[%get3A_15, %get3A_16] : memref<1000x128xf32, #tpu.memory_space<vmem>>, vector<1000x128xf32>
    %get3A_18 = arith.constant 0 : index
    %get3A_19 = arith.constant 0 : index
    %get3A_20 = vector.load %arg2[%get3A_18, %get3A_19] : memref<128x128xf32, #tpu.memory_space<vmem>>, vector<128x128xf32>
    %dot_general3A = arith.constant dense<0.000000e+00> : vector<1000x128xf32>
    %dot_general3A_21 = tpu.matmul %get3A_17, %get3A_20, %dot_general3A {dimension_numbers = #tpu.dot_dimension_numbers<[1], [0], [0], [1], [0, 0, 1, 1], [], []>, precision = #tpu.contract_precision<fp32>, transpose_lhs_hint = false} : vector<1000x128xf32>, vector<128x128xf32>, vector<1000x128xf32> -> vector<1000x128xf32>
    %mul3A = vector.broadcast %rsqrt3A : vector<1000x1xf32> to vector<1000x128xf32>
    %mul3A_22 = arith.mulf %dot_general3A_21, %mul3A : vector<1000x128xf32>
    %swap3A_23 = arith.constant 0 : index
    %swap3A_24 = arith.constant 0 : index
    %swap3A_25 = vector.load %arg4[%swap3A_23, %swap3A_24] : memref<1000x128xf32, #tpu.memory_space<vmem>>, vector<1000x128xf32>
    tpu.vector_store %arg4[%swap3A_23, %swap3A_24], %mul3A_22 {strides = array<i32>} : memref<1000x128xf32, #tpu.memory_space<vmem>>, vector<1000x128xf32>,
    return
  }
  func.func @transform_0(%arg0: i32) -> (i32, i32) {
    %c0_i32 = arith.constant 0 : i32
    %c0_i32_0 = arith.constant 0 : i32
    return %arg0, %c0_i32 : i32, i32
  }
  func.func @transform_1(%arg0: i32) -> (i32, i32) {
    %c0_i32 = arith.constant 0 : i32
    %c0_i32_0 = arith.constant 0 : i32
    %c0_i32_1 = arith.constant 0 : i32
    return %c0_i32, %c0_i32_0 : i32, i32
  }
  func.func @transform_2(%arg0: i32) -> (i32, i32, i32) {
    %c0_i32 = arith.constant 0 : i32
    %c0_i32_0 = arith.constant 0 : i32
    %c0_i32_1 = arith.constant 0 : i32
    return %c0_i32, %arg0, %c0_i32_0 : i32, i32, i32
  }
  func.func @transform_3(%arg0: i32) -> (i32, i32) {
    %c0_i32 = arith.constant 0 : i32
    %c0_i32_0 = arith.constant 0 : i32
    return %arg0, %c0_i32 : i32, i32
  }
  func.func @transform_4(%arg0: i32) -> (i32, i32) {
    %c0_i32 = arith.constant 0 : i32
    %c0_i32_0 = arith.constant 0 : i32
    return %arg0, %c0_i32 : i32, i32
  }
}

module attributes {stable_mosaic.version = 14 : i64} {
  func.func @body(%arg0: i32, %arg1: memref<1000x128xf32, #tpu.memory_space<vmem>>, %arg2: memref<10x2x128xf32, #tpu.memory_space<vmem>>, %arg3: memref<1x128xf32, #tpu.memory_space<vmem>>, %arg4: memref<1x128xf32, #tpu.memory_space<vmem>>, %arg5: memref<128x128xf32, #tpu.memory_space<vmem>>, %arg6: memref<1000x16xf32, #tpu.memory_space<vmem>>, %arg7: memref<1000x128xf32, #tpu.memory_space<vmem>>) attributes {dimension_semantics = [#tpu.dimension_semantics<parallel>], iteration_bounds = array<i64: 10>, scalar_prefetch = 0 : i64, scratch_operands = 0 : i64, tpu.core_type = #tpu.core_type<tc>, window_params = [{transform_indices = @transform_0, window_bounds = array<i64: 1000, 128>}, {pipeline_mode = #tpu.pipeline_mode<synchronous>, transform_indices = @transform_1, window_bounds = array<i64: 10, 2, 128>}, {pipeline_mode = #tpu.pipeline_mode<synchronous>, transform_indices = @transform_2, window_bounds = array<i64: 1, 128>}, {pipeline_mode = #tpu.pipeline_mode<synchronous>, transform_indices = @transform_3, window_bounds = array<i64: 1, 128>}, {pipeline_mode = #tpu.pipeline_mode<synchronous>, transform_indices = @transform_4, window_bounds = array<i64: 128, 128>}, {transform_indices = @transform_5, window_bounds = array<i64: 1000, 16>}, {transform_indices = @transform_6, window_bounds = array<i64: 1000, 128>}]} {
    %get3A = arith.constant 0 : index
    %get3A_0 = arith.constant 0 : index
    %get3A_1 = arith.constant 0 : index
    %get3A_2 = vector.load %arg2[%get3A, %get3A_0, %get3A_1] : memref<10x2x128xf32, #tpu.memory_space<vmem>>, vector<10x2x128xf32>
    %get3A_3 = arith.constant 0 : index
    %get3A_4 = arith.constant 0 : index
    %get3A_5 = vector.load %arg3[%get3A_3, %get3A_4] : memref<1x128xf32, #tpu.memory_space<vmem>>, vector<1x128xf32>
    %get3A_6 = arith.constant 0 : index
    %get3A_7 = arith.constant 0 : index
    %get3A_8 = vector.load %arg4[%get3A_6, %get3A_7] : memref<1x128xf32, #tpu.memory_space<vmem>>, vector<1x128xf32>
    %reduce_sum3A = arith.constant dense<0.000000e+00> : vector<2x128xf32>
    %reduce_sum3A_9 = vector.multi_reduction <add>, %get3A_2, %reduce_sum3A [0] : vector<10x2x128xf32> to vector<2x128xf32>
    %slice3A = vector.extract_strided_slice %reduce_sum3A_9 {offsets = [0, 0], sizes = [1, 128], strides = [1, 1]} : vector<2x128xf32> to vector<1x128xf32>
    %div3A = arith.constant 1.000000e+04 : f32
    %div3A_10 = vector.broadcast %div3A : f32 to vector<1x128xf32>
    %div3A_11 = arith.divf %slice3A, %div3A_10 : vector<1x128xf32>
    %slice3A_12 = vector.extract_strided_slice %reduce_sum3A_9 {offsets = [1, 0], sizes = [1, 128], strides = [1, 1]} : vector<2x128xf32> to vector<1x128xf32>
    %div3A_13 = arith.constant 1.000000e+04 : f32
    %div3A_14 = vector.broadcast %div3A_13 : f32 to vector<1x128xf32>
    %div3A_15 = arith.divf %slice3A_12, %div3A_14 : vector<1x128xf32>
    %mul3A = arith.mulf %div3A_11, %div3A_11 : vector<1x128xf32>
    %sub3A = arith.subf %div3A_15, %mul3A : vector<1x128xf32>
    %add3A = arith.constant 9.99999974E-6 : f32
    %add3A_16 = vector.broadcast %add3A : f32 to vector<1x128xf32>
    %add3A_17 = arith.addf %sub3A, %add3A_16 : vector<1x128xf32>
    %rsqrt3A = math.rsqrt %add3A_17 : vector<1x128xf32>
    %mul3A_18 = arith.mulf %get3A_5, %rsqrt3A : vector<1x128xf32>
    %mul3A_19 = arith.mulf %div3A_11, %mul3A_18 : vector<1x128xf32>
    %sub3A_20 = arith.subf %get3A_8, %mul3A_19 : vector<1x128xf32>
    %get3A_21 = arith.constant 0 : index
    %get3A_22 = arith.constant 0 : index
    %get3A_23 = vector.load %arg1[%get3A_21, %get3A_22] : memref<1000x128xf32, #tpu.memory_space<vmem>>, vector<1000x128xf32>
    %mul3A_24 = vector.broadcast %mul3A_18 : vector<1x128xf32> to vector<1000x128xf32>
    %mul3A_25 = arith.mulf %get3A_23, %mul3A_24 : vector<1000x128xf32>
    %add3A_26 = vector.broadcast %sub3A_20 : vector<1x128xf32> to vector<1000x128xf32>
    %add3A_27 = arith.addf %mul3A_25, %add3A_26 : vector<1000x128xf32>
    %max3A = arith.constant 0.000000e+00 : f32
    %max3A_28 = vector.broadcast %max3A : f32 to vector<1000x128xf32>
    %max3A_29 = arith.maximumf %add3A_27, %max3A_28 : vector<1000x128xf32>
    %get3A_30 = arith.constant 0 : index
    %get3A_31 = arith.constant 0 : index
    %get3A_32 = vector.load %arg5[%get3A_30, %get3A_31] : memref<128x128xf32, #tpu.memory_space<vmem>>, vector<128x128xf32>
    %dot_general3A = arith.constant dense<0.000000e+00> : vector<1000x128xf32>
    %dot_general3A_33 = tpu.matmul %max3A_29, %get3A_32, %dot_general3A {dimension_numbers = #tpu.dot_dimension_numbers<[1], [0], [0], [1], [0, 0, 1, 1], [], []>, precision = #tpu.contract_precision<fp32>, transpose_lhs_hint = false} : vector<1000x128xf32>, vector<128x128xf32>, vector<1000x128xf32> -> vector<1000x128xf32>
    %get3A_34 = arith.constant 0 : index
    %get3A_35 = arith.constant 0 : index
    %get3A_36 = vector.load %arg6[%get3A_34, %get3A_35] : memref<1000x16xf32, #tpu.memory_space<vmem>>, vector<1000x1xf32>
    %mul3A_37 = vector.broadcast %get3A_36 : vector<1000x1xf32> to vector<1000x128xf32>
    %mul3A_38 = arith.mulf %dot_general3A_33, %mul3A_37 : vector<1000x128xf32>
    %swap3A = arith.constant 0 : index
    %swap3A_39 = arith.constant 0 : index
    %swap3A_40 = vector.load %arg7[%swap3A, %swap3A_39] : memref<1000x128xf32, #tpu.memory_space<vmem>>, vector<1000x128xf32>
    tpu.vector_store %arg7[%swap3A, %swap3A_39], %mul3A_38 {strides = array<i32>} : memref<1000x128xf32, #tpu.memory_space<vmem>>, vector<1000x128xf32>,
    return
  }
  func.func @transform_0(%arg0: i32) -> (i32, i32) {
    %c0_i32 = arith.constant 0 : i32
    %c0_i32_0 = arith.constant 0 : i32
    return %arg0, %c0_i32 : i32, i32
  }
  func.func @transform_1(%arg0: i32) -> (i32, i32, i32) {
    %c0_i32 = arith.constant 0 : i32
    %c0_i32_0 = arith.constant 0 : i32
    %c0_i32_1 = arith.constant 0 : i32
    %c0_i32_2 = arith.constant 0 : i32
    return %c0_i32, %c0_i32_0, %c0_i32_1 : i32, i32, i32
  }
  func.func @transform_2(%arg0: i32) -> (i32, i32) {
    %c0_i32 = arith.constant 0 : i32
    %c0_i32_0 = arith.constant 0 : i32
    %c0_i32_1 = arith.constant 0 : i32
    return %c0_i32, %c0_i32_0 : i32, i32
  }
  func.func @transform_3(%arg0: i32) -> (i32, i32) {
    %c0_i32 = arith.constant 0 : i32
    %c0_i32_0 = arith.constant 0 : i32
    %c0_i32_1 = arith.constant 0 : i32
    return %c0_i32, %c0_i32_0 : i32, i32
  }
  func.func @transform_4(%arg0: i32) -> (i32, i32) {
    %c0_i32 = arith.constant 0 : i32
    %c0_i32_0 = arith.constant 0 : i32
    %c0_i32_1 = arith.constant 0 : i32
    return %c0_i32, %c0_i32_0 : i32, i32
  }
  func.func @transform_5(%arg0: i32) -> (i32, i32) {
    %c0_i32 = arith.constant 0 : i32
    %c0_i32_0 = arith.constant 0 : i32
    return %arg0, %c0_i32 : i32, i32
  }
  func.func @transform_6(%arg0: i32) -> (i32, i32) {
    %c0_i32 = arith.constant 0 : i32
    %c0_i32_0 = arith.constant 0 : i32
    return %arg0, %c0_i32 : i32, i32
  }
}

module attributes {stable_mosaic.version = 14 : i64} {
  func.func @body(%arg0: i32, %arg1: memref<1000x128xf32, #tpu.memory_space<vmem>>, %arg2: memref<10x2x128xf32, #tpu.memory_space<vmem>>, %arg3: memref<1x128xf32, #tpu.memory_space<vmem>>, %arg4: memref<1x128xf32, #tpu.memory_space<vmem>>, %arg5: memref<1000x128xf32, #tpu.memory_space<vmem>>, %arg6: memref<256x64xf32, #tpu.memory_space<vmem>>, %arg7: memref<1x64xf32, #tpu.memory_space<vmem>>, %arg8: memref<1000x64xf32, #tpu.memory_space<vmem>>) attributes {dimension_semantics = [#tpu.dimension_semantics<parallel>], iteration_bounds = array<i64: 10>, scalar_prefetch = 0 : i64, scratch_operands = 0 : i64, tpu.core_type = #tpu.core_type<tc>, window_params = [{transform_indices = @transform_0, window_bounds = array<i64: 1000, 128>}, {pipeline_mode = #tpu.pipeline_mode<synchronous>, transform_indices = @transform_1, window_bounds = array<i64: 10, 2, 128>}, {pipeline_mode = #tpu.pipeline_mode<synchronous>, transform_indices = @transform_2, window_bounds = array<i64: 1, 128>}, {pipeline_mode = #tpu.pipeline_mode<synchronous>, transform_indices = @transform_3, window_bounds = array<i64: 1, 128>}, {transform_indices = @transform_4, window_bounds = array<i64: 1000, 128>}, {pipeline_mode = #tpu.pipeline_mode<synchronous>, transform_indices = @transform_5, window_bounds = array<i64: 256, 64>}, {pipeline_mode = #tpu.pipeline_mode<synchronous>, transform_indices = @transform_6, window_bounds = array<i64: 1, 64>}, {transform_indices = @transform_7, window_bounds = array<i64: 1000, 64>}]} {
    %get3A = arith.constant 0 : index
    %get3A_0 = arith.constant 0 : index
    %get3A_1 = arith.constant 0 : index
    %get3A_2 = vector.load %arg2[%get3A, %get3A_0, %get3A_1] : memref<10x2x128xf32, #tpu.memory_space<vmem>>, vector<10x2x128xf32>
    %get3A_3 = arith.constant 0 : index
    %get3A_4 = arith.constant 0 : index
    %get3A_5 = vector.load %arg3[%get3A_3, %get3A_4] : memref<1x128xf32, #tpu.memory_space<vmem>>, vector<1x128xf32>
    %get3A_6 = arith.constant 0 : index
    %get3A_7 = arith.constant 0 : index
    %get3A_8 = vector.load %arg4[%get3A_6, %get3A_7] : memref<1x128xf32, #tpu.memory_space<vmem>>, vector<1x128xf32>
    %reduce_sum3A = arith.constant dense<0.000000e+00> : vector<2x128xf32>
    %reduce_sum3A_9 = vector.multi_reduction <add>, %get3A_2, %reduce_sum3A [0] : vector<10x2x128xf32> to vector<2x128xf32>
    %slice3A = vector.extract_strided_slice %reduce_sum3A_9 {offsets = [0, 0], sizes = [1, 128], strides = [1, 1]} : vector<2x128xf32> to vector<1x128xf32>
    %div3A = arith.constant 1.000000e+04 : f32
    %div3A_10 = vector.broadcast %div3A : f32 to vector<1x128xf32>
    %div3A_11 = arith.divf %slice3A, %div3A_10 : vector<1x128xf32>
    %slice3A_12 = vector.extract_strided_slice %reduce_sum3A_9 {offsets = [1, 0], sizes = [1, 128], strides = [1, 1]} : vector<2x128xf32> to vector<1x128xf32>
    %div3A_13 = arith.constant 1.000000e+04 : f32
    %div3A_14 = vector.broadcast %div3A_13 : f32 to vector<1x128xf32>
    %div3A_15 = arith.divf %slice3A_12, %div3A_14 : vector<1x128xf32>
    %mul3A = arith.mulf %div3A_11, %div3A_11 : vector<1x128xf32>
    %sub3A = arith.subf %div3A_15, %mul3A : vector<1x128xf32>
    %add3A = arith.constant 9.99999974E-6 : f32
    %add3A_16 = vector.broadcast %add3A : f32 to vector<1x128xf32>
    %add3A_17 = arith.addf %sub3A, %add3A_16 : vector<1x128xf32>
    %rsqrt3A = math.rsqrt %add3A_17 : vector<1x128xf32>
    %mul3A_18 = arith.mulf %get3A_5, %rsqrt3A : vector<1x128xf32>
    %mul3A_19 = arith.mulf %div3A_11, %mul3A_18 : vector<1x128xf32>
    %sub3A_20 = arith.subf %get3A_8, %mul3A_19 : vector<1x128xf32>
    %get3A_21 = arith.constant 0 : index
    %get3A_22 = arith.constant 0 : index
    %get3A_23 = vector.load %arg1[%get3A_21, %get3A_22] : memref<1000x128xf32, #tpu.memory_space<vmem>>, vector<1000x128xf32>
    %mul3A_24 = vector.broadcast %mul3A_18 : vector<1x128xf32> to vector<1000x128xf32>
    %mul3A_25 = arith.mulf %get3A_23, %mul3A_24 : vector<1000x128xf32>
    %add3A_26 = vector.broadcast %sub3A_20 : vector<1x128xf32> to vector<1000x128xf32>
    %add3A_27 = arith.addf %mul3A_25, %add3A_26 : vector<1000x128xf32>
    %max3A = arith.constant 0.000000e+00 : f32
    %max3A_28 = vector.broadcast %max3A : f32 to vector<1000x128xf32>
    %max3A_29 = arith.maximumf %add3A_27, %max3A_28 : vector<1000x128xf32>
    %get3A_30 = arith.constant 0 : index
    %get3A_31 = arith.constant 0 : index
    %get3A_32 = vector.load %arg6[%get3A_30, %get3A_31] : memref<256x64xf32, #tpu.memory_space<vmem>>, vector<128x64xf32>
    %dot_general3A = arith.constant dense<0.000000e+00> : vector<1000x64xf32>
    %dot_general3A_33 = tpu.matmul %max3A_29, %get3A_32, %dot_general3A {dimension_numbers = #tpu.dot_dimension_numbers<[1], [0], [0], [1], [0, 0, 1, 1], [], []>, precision = #tpu.contract_precision<fp32>, transpose_lhs_hint = false} : vector<1000x128xf32>, vector<128x64xf32>, vector<1000x64xf32> -> vector<1000x64xf32>
    %get3A_34 = arith.constant 0 : index
    %get3A_35 = arith.constant 0 : index
    %get3A_36 = vector.load %arg5[%get3A_34, %get3A_35] : memref<1000x128xf32, #tpu.memory_space<vmem>>, vector<1000x128xf32>
    %get3A_37 = arith.constant 128 : index
    %get3A_38 = arith.constant 0 : index
    %get3A_39 = vector.load %arg6[%get3A_37, %get3A_38] : memref<256x64xf32, #tpu.memory_space<vmem>>, vector<128x64xf32>
    %dot_general3A_40 = arith.constant dense<0.000000e+00> : vector<1000x64xf32>
    %dot_general3A_41 = tpu.matmul %get3A_36, %get3A_39, %dot_general3A_40 {dimension_numbers = #tpu.dot_dimension_numbers<[1], [0], [0], [1], [0, 0, 1, 1], [], []>, precision = #tpu.contract_precision<fp32>, transpose_lhs_hint = false} : vector<1000x128xf32>, vector<128x64xf32>, vector<1000x64xf32> -> vector<1000x64xf32>
    %add3A_42 = arith.addf %dot_general3A_33, %dot_general3A_41 : vector<1000x64xf32>
    %get3A_43 = arith.constant 0 : index
    %get3A_44 = arith.constant 0 : index
    %get3A_45 = vector.load %arg7[%get3A_43, %get3A_44] : memref<1x64xf32, #tpu.memory_space<vmem>>, vector<1x64xf32>
    %add3A_46 = vector.broadcast %get3A_45 : vector<1x64xf32> to vector<1000x64xf32>
    %add3A_47 = arith.addf %add3A_42, %add3A_46 : vector<1000x64xf32>
    %reduce_max3A = arith.constant dense<0xFF800000> : vector<1000xf32>
    %reduce_max3A_48 = vector.multi_reduction <maximumf>, %add3A_47, %reduce_max3A [1] : vector<1000x64xf32> to vector<1000xf32>
    %broadcast_in_dim3A = vector.shape_cast %reduce_max3A_48 : vector<1000xf32> to vector<1000x1xf32>
    %sub3A_49 = vector.broadcast %broadcast_in_dim3A : vector<1000x1xf32> to vector<1000x64xf32>
    %sub3A_50 = arith.subf %add3A_47, %sub3A_49 : vector<1000x64xf32>
    %exp3A = math.exp %sub3A_50 : vector<1000x64xf32>
    %reduce_sum3A_51 = arith.constant dense<0.000000e+00> : vector<1000xf32>
    %reduce_sum3A_52 = vector.multi_reduction <add>, %exp3A, %reduce_sum3A_51 [1] : vector<1000x64xf32> to vector<1000xf32>
    %broadcast_in_dim3A_53 = vector.shape_cast %reduce_sum3A_52 : vector<1000xf32> to vector<1000x1xf32>
    %log3A = math.log %broadcast_in_dim3A_53 : vector<1000x1xf32>
    %add3A_54 = arith.addf %log3A, %broadcast_in_dim3A : vector<1000x1xf32>
    %sub3A_55 = vector.broadcast %add3A_54 : vector<1000x1xf32> to vector<1000x64xf32>
    %sub3A_56 = arith.subf %add3A_47, %sub3A_55 : vector<1000x64xf32>
    %swap3A = arith.constant 0 : index
    %swap3A_57 = arith.constant 0 : index
    %swap3A_58 = vector.load %arg8[%swap3A, %swap3A_57] : memref<1000x64xf32, #tpu.memory_space<vmem>>, vector<1000x64xf32>
    tpu.vector_store %arg8[%swap3A, %swap3A_57], %sub3A_56 {strides = array<i32>} : memref<1000x64xf32, #tpu.memory_space<vmem>>, vector<1000x64xf32>,
    return
  }
  func.func @transform_0(%arg0: i32) -> (i32, i32) {
    %c0_i32 = arith.constant 0 : i32
    %c0_i32_0 = arith.constant 0 : i32
    return %arg0, %c0_i32 : i32, i32
  }
  func.func @transform_1(%arg0: i32) -> (i32, i32, i32) {
    %c0_i32 = arith.constant 0 : i32
    %c0_i32_0 = arith.constant 0 : i32
    %c0_i32_1 = arith.constant 0 : i32
    %c0_i32_2 = arith.constant 0 : i32
    return %c0_i32, %c0_i32_0, %c0_i32_1 : i32, i32, i32
  }
  func.func @transform_2(%arg0: i32) -> (i32, i32) {
    %c0_i32 = arith.constant 0 : i32
    %c0_i32_0 = arith.constant 0 : i32
    %c0_i32_1 = arith.constant 0 : i32
    return %c0_i32, %c0_i32_0 : i32, i32
  }
  func.func @transform_3(%arg0: i32) -> (i32, i32) {
    %c0_i32 = arith.constant 0 : i32
    %c0_i32_0 = arith.constant 0 : i32
    %c0_i32_1 = arith.constant 0 : i32
    return %c0_i32, %c0_i32_0 : i32, i32
  }
  func.func @transform_4(%arg0: i32) -> (i32, i32) {
    %c0_i32 = arith.constant 0 : i32
    %c0_i32_0 = arith.constant 0 : i32
    return %arg0, %c0_i32 : i32, i32
  }
  func.func @transform_5(%arg0: i32) -> (i32, i32) {
    %c0_i32 = arith.constant 0 : i32
    %c0_i32_0 = arith.constant 0 : i32
    %c0_i32_1 = arith.constant 0 : i32
    return %c0_i32, %c0_i32_0 : i32, i32
  }
  func.func @transform_6(%arg0: i32) -> (i32, i32) {
    %c0_i32 = arith.constant 0 : i32
    %c0_i32_0 = arith.constant 0 : i32
    %c0_i32_1 = arith.constant 0 : i32
    return %c0_i32, %c0_i32_0 : i32, i32
  }
  func.func @transform_7(%arg0: i32) -> (i32, i32) {
    %c0_i32 = arith.constant 0 : i32
    %c0_i32_0 = arith.constant 0 : i32
    return %arg0, %c0_i32 : i32, i32
  }
}

</mosaic_0001>

<sc_bundles>
// kernel: kernel.10.cloned.1.call-start
scs
__scs_entry_jumppad:
0x0: {  	(pc) =	sbr.rel $0x88, $3  }
0x1: {  	(tag) =	ssettag $0x0;
	lr =	simm.s32 $0x1  }
0x2: {  	[smem:$0x3F95] =	sst lr;
	_ =	strace $0xD0000000  }
0x3: {  	_ = 	snop  }
0x4: {  	_ = 	snop  }
0x5: {  	_ = 	snop  }
0x6: {  	_ = 	snop  }
0x7: {  	_ = 	snop  }
__scs_overlays_trampoline_lowered:
0x8: {  	[smem:$0x3FA4] =	sst s0  }
0x9: {  	[smem:$0x3FA5] =	sst s1  }
0xa: {  	[smem:$0x3FA6] =	sst s2  }
0xb: {  	[smem:$0x3FA7] =	sst s3  }
0xc: {  	[smem:$0x3FA8] =	sst s4  }
0xd: {  	[smem:$0x3FA9] =	sst s5  }
0xe: {  	[smem:$0x3FAA] =	sst s6  }
0xf: {  	[smem:$0x3FAB] =	sst s7  }
0x10: {  	[smem:$0x3FAC] =	sst s8  }
0x11: {  	[smem:$0x3FAD] =	sst s9;
	s0 =	simm.s32 @!p0 $0x0  }
0x12: {  	s1 =	sld [smem:$0x3F93];
	s0 =	simm.s32 @p0 $0x1  }
0x13: {  	[smem:$0x3FAE] =	sst s0;
	s0 =	simm.s32 @!p1 $0x0  }
0x14: {  	s2 =	sld [smem:$0x3F92];
	s0 =	simm.s32 @p1 $0x1  }
0x15: {  	[smem:$0x3FAF] =	sst s0;
	s0 =	simm.s32 @!p2 $0x0  }
0x16: {  	s3 =	sld [smem:$0x3FDB];
	s0 =	simm.s32 @p2 $0x1  }
0x17: {  	s4 =	simm.s32 $0x1BF5;
	[smem:$0x3FB1] =	sst s0  }
0x18: {  	s0 =	sld [smem:$0x3F94];
	_ =	swait.ge [sflag:s4], $0x0  }
0x19: {  	s7 =	sld [smem:$0x3F95]  }
0x1a: {  	s8 =	sadd.s32 $0xFFFFE003, lr  }
0x1b: {  	s9 =	sadd.s32 $0xFFFFFEF7, lr;
	s5 =	simm.s32 $0xFFFFFFFF;
	p2 =	slt.u32 s8, $0xFFFFF086  }
0x1c: {  	p1 =	slt.u32 s9, $0xF7A;
	s5 =	simm.s32 @!p2 $0x0  }
0x1d: {  	s5 =	simm.s32 @p1 $0x1;
	p0 =	seq.s32 s7, s2  }
0x1e: {  	s7 =	smul.u32 @!p0 $0xF7A, s2;
	p2 =	seq.s32 @!p0 s5, $0x0  }
0x1f: {  	s9 =	smul.u32 $0xF7A, s1;
	s8 =	simm.s32 @!p0 $0x1BF5;
	p2 =	por !p2, p0  }
0x20: {  	[sflag:s8] =	ssyncset.s32 @!p0 $0xFFFFF086;
	s6 =	sadd.s32 @!p0 s3, s7;
	s7 =	simm.s32 @!p0 $0x108  }
0x21: {  	s3 =	sadd.s32 s3, s9;
	s6 =	sadd.s32 @!p0 $0x88, s6;
	s7 =	simm.s32 @p2 $0x1082  }
0x22: {  	[simem:s7], [sflag:s8] =	dma.local @!p0 [hbm:s6], $0xF7A  }
0x23: {  	s9 =	sor.u32 $0xD0000000, s2;
	s6 =	simm.s32 $0x108;
	_ =	swait.ge @!p0 [sflag:s8], $0x0  }
0x24: {  	s3 =	sadd.s32 $0x88, s3;
	s6 =	simm.s32 @!p1 $0x1082;
	[sflag:s4] =	ssyncset.s32 $0xFFFFF086  }
0x25: {  	[simem:s6], [sflag:s4] =	dma.local [hbm:s3], $0xF7A  }
0x26: {  	[smem:$0x3F95] =	sst s1;
	(tag) =	ssettag s2;
	_ =	strace s9  }
0x27: {  	s1 =	sld [smem:$0x3FA5]  }
0x28: {  	s2 =	sld [smem:$0x3FA6]  }
0x29: {  	s4 =	sld [smem:$0x3FA8]  }
0x2a: {  	p0 =	seq.s32 s5, $0x0;
	s5 =	sld [smem:$0x3FA9]  }
0x2b: {  	s6 =	sld [smem:$0x3FAA]  }
0x2c: {  	s7 =	sld [smem:$0x3FAB]  }
0x2d: {  	s3 =	simm.s32 $0x108;
	s8 =	sld [smem:$0x3FAC]  }
0x2e: {  	s3 =	simm.s32 @!p0 $0x1082;
	s9 =	sld [smem:$0x3FAD]  }
0x2f: {  	lr =	sadd.s32 s0, s3;
	s0 =	sld [smem:$0x3FA4]  }
0x30: {  	s3 =	sld [smem:$0x3FA7]  }
0x31: {  	[smem:$0x3FB0] =	sst s10  }
0x32: {  	s10 =	sld [smem:$0x3FAE];
	_ =	sdelay $0x3  }
0x33: {  	p0 =	seq.s32 s10, $0x1;
	s10 =	sld [smem:$0x3FB0];
	_ =	sdelay $0x3  }
0x34: {  	[smem:$0x3FB0] =	sst s10  }
0x35: {  	s10 =	sld [smem:$0x3FAF];
	_ =	sdelay $0x3  }
0x36: {  	p1 =	seq.s32 s10, $0x1;
	s10 =	sld [smem:$0x3FB0];
	_ =	sdelay $0x3  }
0x37: {  	[smem:$0x3FB0] =	sst s10  }
0x38: {  	s10 =	sld [smem:$0x3FB1]  }
0x39: {  	_ = 	snop;
	(pc) =	sbr.ind lr, $3  }
0x3a: {  	_ = 	snop  }
0x3b: {  	_ = 	snop  }
0x3c: {  	p2 =	seq.s32 s10, $0x1;
	s10 =	sld [smem:$0x3FB0]  }
0x3d: {  	_ =	shalt  }
0x3e: {  	_ =	shalt  }
0x3f: {  	_ =	shalt  }
0x40: {  	_ =	shalt  }
0x41: {  	_ =	shalt  }
0x42: {  	_ =	shalt  }
0x43: {  	_ =	shalt  }
0x44: {  	_ =	shalt  }
0x45: {  	_ =	shalt  }
0x46: {  	_ =	shalt  }
0x47: {  	_ =	shalt  }
0x48: {  	_ =	shalt  }
0x49: {  	_ =	shalt  }
0x4a: {  	_ =	shalt  }
0x4b: {  	_ =	shalt  }
0x4c: {  	_ =	shalt  }
0x4d: {  	_ =	shalt  }
0x4e: {  	_ =	shalt  }
0x4f: {  	_ =	shalt  }
0x50: {  	_ =	shalt  }
0x51: {  	_ =	shalt  }
0x52: {  	_ =	shalt  }
0x53: {  	_ =	shalt  }
0x54: {  	_ =	shalt  }
0x55: {  	_ =	shalt  }
0x56: {  	_ =	shalt  }
0x57: {  	_ =	shalt  }
0x58: {  	_ =	shalt  }
0x59: {  	_ =	shalt  }
0x5a: {  	_ =	shalt  }
0x5b: {  	_ =	shalt  }
0x5c: {  	_ =	shalt  }
0x5d: {  	_ =	shalt  }
0x5e: {  	_ =	shalt  }
0x5f: {  	_ =	shalt  }
0x60: {  	_ =	shalt  }
0x61: {  	_ =	shalt  }
0x62: {  	_ =	shalt  }
0x63: {  	_ =	shalt  }
0x64: {  	_ =	shalt  }
0x65: {  	_ =	shalt  }
0x66: {  	_ =	shalt  }
0x67: {  	_ =	shalt  }
0x68: {  	_ =	shalt  }
0x69: {  	_ =	shalt  }
0x6a: {  	_ =	shalt  }
0x6b: {  	_ =	shalt  }
0x6c: {  	_ =	shalt  }
0x6d: {  	_ =	shalt  }
0x6e: {  	_ =	shalt  }
0x6f: {  	_ =	shalt  }
0x70: {  	_ =	shalt  }
0x71: {  	_ =	shalt  }
0x72: {  	_ =	shalt  }
0x73: {  	_ =	shalt  }
0x74: {  	_ =	shalt  }
0x75: {  	_ =	shalt  }
0x76: {  	_ =	shalt  }
0x77: {  	_ =	shalt  }
0x78: {  	_ =	shalt  }
0x79: {  	_ =	shalt  }
0x7a: {  	_ =	shalt  }
0x7b: {  	_ =	shalt  }
0x7c: {  	_ =	shalt  }
0x7d: {  	_ =	shalt  }
0x7e: {  	_ =	shalt  }
0x7f: {  	_ =	shalt  }
0x80: {  	_ =	shalt  }
0x81: {  	_ =	shalt  }
0x82: {  	_ =	shalt  }
0x83: {  	_ =	shalt  }
0x84: {  	_ =	shalt  }
0x85: {  	_ =	shalt  }
0x86: {  	_ =	shalt  }
0x87: {  	_ =	shalt  }
.Lfunc_end0:
.L_simem_size_0:
called_computation_lowered:
.L_overlay_start_0:
0x88: {  	s2 =	sld [smem:$0x3FD9]  }
0x89: {  	s3 =	sld [smem:$0x3FFE];
	_ =	sdelay $0x1  }
0x8a: {  	s1 =	srdreg.scid  }
0x8b: {  	s0 =	sand.u32 $0x1, s1  }
0x8c: {  	s16 =	sshll.u32 s0, $0xA;
	s2 =	sadd.s32 s3, s2  }
0x8d: {  	s2 =	sadd.s32 s2, s16  }
0x8e: {  	[smem:$0x3FBC] =	sst s2  }
0x8f: {  	_ = 	snop  }
0x90: {  	(tm) =	ssettm $0x1  }
0x91: {  	s17 =	sld [smem:$0x3FFB];
	_ =	sdelay $0x3  }
0x92: {  	_ =	strace s17  }
0x93: {  	s2 =	sld [smem:$0x3FFC];
	_ =	sdelay $0x3  }
0x94: {  	_ =	strace s2  }
0x95: {  	s2 =	sld [smem:$0x3FFD];
	_ =	sdelay $0x3  }
0x96: {  	_ =	strace s2  }
0x97: {  	_ =	strace $0x8FFFFFFF  }
0x98: {  	s18 =	sld [smem:$0x3FDB];
	_ =	sdelay $0x1  }
0x99: {  	s19 =	simm.s32 $_scs_section_size  }
0x9a: {  	s4 =	simm.s32 $_size__tile_overlayer_lowered;
	s5 =	simm.s32 $_tile_overlayer_lowered  }
0x9b: {  	s22 =	simm.s32 $0x1BFF;
	s21 =	sshll.u32 s5, $0x1;
	s2 =	sadd.s32 s19, s18  }
0x9c: {  	s6 =	simm.s32 $0x0;
	s20 =	sshll.u32 s4, $0x1;
	s4 =	sadd.s32 s21, s2  }
0x9d: {  	[timem:s6], [sflag:s22] =	dma.local [hbm:s4], s20  }
0x9e: {  	_ =	swait.ge [sflag:s22], s20  }
0x9f: {  	s3 =	ssub.s32 $0x0, s20;
	[sflag:s22] =	ssyncset.done $0x0  }
0xa0: {  	[sflag:s22] =	ssyncadd.s32 s3;
	_ =	sdelay $0x1  }
0xa1: {  	s23 =	simm.s32 $0x1B8B  }
0xa2: {  	_ =	swait.ge [sflag:s23], $0x1  }
0xa3: {  	[sflag:s23] =	ssyncset.done $0x0  }
0xa4: {  	s25 =	simm.s32 $0x1B8E;
	s24 =	sld [smem:$0x3FFE];
	[sflag:s23] =	ssyncadd.s32 $0xFFFFFFFF  }
0xa5: {  	s26 =	simm.s32 $execute0_lowered;
	[smem:$0x3FD2] =	sst s25  }
0xa6: {  	s4 =	sshll.u32 s26, $0x1;
	_ =	strace $0x80000046;
	[dreg:$0x1] =	wrdreg $0xFFFFFFFF  }
0xa7: {  	s28 =	simm.s32 $_size_execute0_lowered;
	s2 =	sadd.s32 s2, s4;
	[dreg:$0x0] =	wrdreg $0x0  }
0xa8: {  	s4 =	sshll.u32 s28, $0x1;
	[dreg:$0x2] =	wrdreg s2  }
0xa9: {  	[dreg:$0x3] =	wrdreg s4  }
0xaa: {  	[dreg:$0x4] =	wrdreg $0xC0  }
0xab: {  	_ =	task [dreg:s6], $0x5FFFF  }
0xac: {  	[dreg:$0x1] =	wrdreg $0xFFFFFFFF  }
0xad: {  	[dreg:$0x0] =	wrdreg $0x60  }
0xae: {  	[dreg:$0x2] =	wrdreg s24  }
0xaf: {  	[dreg:$0x3] =	wrdreg $0x68000  }
0xb0: {  	[dreg:$0x4] =	wrdreg $0x9  }
0xb1: {  	_ =	task.clear_ibuf [dreg:s6], $0x5FFFF;
	_ =	strace $0x90000046  }
0xb2: {  	s29 =	simm.s32 $0x9;
	_ =	strace $0x80000048  }
0xb3: {  	_ =	swait.ge [sflag:s29], $0x1  }
0xb4: {  	[sflag:s29] =	ssyncadd.s32 $0xFFFFFFFF  }
0xb5: {  	_ =	strace $0x90000048  }
0xb6: {  	_ =	sfence  }
0xb7: {  	s30 =	sld [smem:$0x0];
	_ =	sdelay $0x2  }
0xb8: {  	s31 =	sshll.u32 s1, $0xD;
	s1 =	sshrl.u32 s1, $0x2  }
0xb9: {  	s3 =	sand.u32 $0x4000, s31;
	s1 =	sadd.s32 s1, s30  }
0xba: {  	s0 =	sor.u32 s3, s0;
	s1 =	sshll.u32 s1, $0x11  }
0xbb: {  	s0 =	sor.u32 s1, s0  }
0xbc: {  	s0 =	sadd.s32 $0x8F2B, s0  }
0xbd: {  	[sflag:s0] =	ssyncadd.remote.s32 $0x1  }
0xbe: {  	_ =	sfence.sel $0xFFFF  }
0xbf: {  	[dreg:$0x0] =	wrdreg $0xFFFFFFFF;
	(pc) =	sbr.abs _section_cstart, $3  }
0xc0: {  	[dreg:$0x1] =	wrdreg $0xFFFFFFFF  }
0xc1: {  	_ =	task.clear_ibuf [dreg:s6], $0x2FFFF;
	_ =	strace $0x9FFFFFFF  }
0xc2: {  	(tm) =	ssettm $0x7FFFFFFF  }
0xc3: {  	_ =	shalt  }
tec
execute0_lowered:
.L_overlay_start_1:
0x0: {  	(tag) =	ssettag $0x1  }
0x1: {  	s1 =	srdreg.scid  }
0x2: {  	s0 =	stileid.u32;
	s4 =	rddreg [dreg:$0x0]  }
0x3: {  	s2 =	rddreg [dreg:$0x1];
	s3 =	simm.s32 $0x0;
	s11 =	simm.s32 $0x2800  }
0x4: {  	s12 =	simm.s32 $0x1;
	s13 =	simm.s32 $0x80;
	s5 =	sand.u32 $0x1, s1  }
0x5: {  	s31 =	sshll.u32 s0, $0x1;
	s1 =	rddreg [dreg:$0x2];
	s7 =	smul.u32 $0x50000, s0  }
0x6: {  	[smem:$0x7FF] =	sst s3;
	s15 =	smul.u32 $0x2800, s0;
	s16 =	sshll.u32 s0, $0x6  }
0x7: {  	s6 =	sor.u32 s5, s31;
	s8 =	smul.u32 $0x28000, s5;
	s5 =	ssub.s32 $0x2, s5  }
0x8: {  	_ =	strace $0x80000047;
	s6 =	smul.u32 $0x500, s6;
	s9 =	sshrl.u32 s5, $0x1  }
0x9: {  	s7 =	sshrl.u32 s7, $0x2;
	s8 =	sadd.s32 s8, s4;
	s9 =	ssub.s32 s5, s9  }
0xa: {  	s6 =	sadd.s32 s6, s4;
	s4 =	sadd.s32 s7, s2;
	s14 =	sadd.s32 $0xDE00, s8  }
0xb: {  	s5 =	sadd.s32 $0x3E00, s6;
	s6 =	smax.u32 s9, $0x1;
	s7 =	sadd.s32 $0x4000, s4  }
0xc: {  	s8 =	sadd.s32 $0x8000, s4;
	s9 =	sadd.s32 $0xC000, s4;
	s10 =	sadd.s32 $0x10000, s4  }
0xd: {  	v0 =	vimm.f32 $0.0e+00;
	v1 =	vimm.f32 $1.000000000e+00;
	s14 =	sadd.s32 s15, s14;
	s15 =	sor.u32 $0x1C01, s16;
	s16 =	sshrl.u32 s4, $0x3  }
.LBB2_1:
0xe: {  	s17 =	simm.s32 $0x0;
	s18 =	simm.s32 $0x200  }
.LBB2_2:
0xf: {  	p0 =	sne.s32 s18, $0xFE00;
	[tilespmem:s17+$0x2870] =	vst v0  }
0x10: {  	[tilespmem:s17+$0x2800] =	vst v0  }
0x11: {  	[tilespmem:s17+$0x2810] =	vst v0  }
.Ltmp0:
0x12: {  	[tilespmem:s17+$0x2820] =	vst v0;
	(pc) =	sbr.rel @p0 .LBB2_2-.Ltmp0, $4  }
0x13: {  	[tilespmem:s17+$0x2830] =	vst v0  }
0x14: {  	[tilespmem:s17+$0x2840] =	vst v0  }
0x15: {  	[tilespmem:s17+$0x2850] =	vst v0  }
0x16: {  	[tilespmem:s17+$0x2860] =	vst v0;
	s17 =	sshra.s32 s18, $0x2;
	s18 =	sadd.s32 $0x200, s18  }
0x17: {  	[tilespmem:s17+$0x2870] =	vst v0  }
0x18: {  	[tilespmem:s17+$0x2800] =	vst v0  }
0x19: {  	[tilespmem:s17+$0x2810] =	vst v0  }
0x1a: {  	[tilespmem:s17+$0x2820] =	vst v0  }
0x1b: {  	[tilespmem:s17+$0x2830] =	vst v0  }
0x1c: {  	[tilespmem:s17+$0x2840] =	vst v0  }
0x1d: {  	[tilespmem:s17+$0x2850] =	vst v0  }
0x1e: {  	[tilespmem:s17+$0x2860] =	vst v0  }
0x1f: {  	[spmem:s4] =	stream.linear.scatter [tilespmem:s11], [sflag:$0x1], $0x4000, $0x38;
	[tilespmem:$0x1A800] =	vst v63  }
0x20: {  	_ =	swait.ge [sflag:s12], $0x4000  }
0x21: {  	[sflag:s12] =	ssyncset.done $0x0  }
0x22: {  	[sflag:s12] =	ssyncadd.s32 $0xFFFFC000  }
0x23: {  	[spmem:s7] =	stream.linear.scatter [tilespmem:s11], [sflag:$0x1], $0x4000, $0x38;
	[tilespmem:$0x1A800] =	vst v63  }
0x24: {  	_ =	swait.ge [sflag:s12], $0x4000  }
0x25: {  	[sflag:s12] =	ssyncset.done $0x0  }
0x26: {  	[sflag:s12] =	ssyncadd.s32 $0xFFFFC000  }
0x27: {  	[spmem:s8] =	stream.linear.scatter [tilespmem:s11], [sflag:$0x1], $0x4000, $0x38;
	[tilespmem:$0x1A800] =	vst v63  }
0x28: {  	_ =	swait.ge [sflag:s12], $0x4000  }
0x29: {  	[sflag:s12] =	ssyncset.done $0x0  }
0x2a: {  	[sflag:s12] =	ssyncadd.s32 $0xFFFFC000  }
0x2b: {  	[spmem:s9] =	stream.linear.scatter [tilespmem:s11], [sflag:$0x1], $0x4000, $0x38;
	[tilespmem:$0x1A800] =	vst v63  }
0x2c: {  	_ =	swait.ge [sflag:s12], $0x4000  }
0x2d: {  	[sflag:s12] =	ssyncset.done $0x0  }
0x2e: {  	[sflag:s12] =	ssyncadd.s32 $0xFFFFC000  }
0x2f: {  	[spmem:s10] =	stream.linear.scatter [tilespmem:s11], [sflag:$0x1], $0x4000, $0x38;
	[tilespmem:$0x1A800] =	vst v63  }
0x30: {  	_ =	swait.ge [sflag:s12], $0x4000  }
0x31: {  	[sflag:s12] =	ssyncset.done $0x0  }
0x32: {  	s17 =	simm.s32 $0x0;
	s18 =	simm.s32 $0x200;
	[sflag:s12] =	ssyncadd.s32 $0xFFFFC000  }
.LBB2_4:
0x33: {  	p0 =	sne.s32 s18, $0xFE00;
	[tilespmem:s17+$0x2870] =	vst v1  }
0x34: {  	[tilespmem:s17+$0x2800] =	vst v1  }
0x35: {  	[tilespmem:s17+$0x2810] =	vst v1  }
.Ltmp1:
0x36: {  	[tilespmem:s17+$0x2820] =	vst v1;
	(pc) =	sbr.rel @p0 .LBB2_4-.Ltmp1, $4  }
0x37: {  	[tilespmem:s17+$0x2830] =	vst v1  }
0x38: {  	[tilespmem:s17+$0x2840] =	vst v1  }
0x39: {  	[tilespmem:s17+$0x2850] =	vst v1  }
0x3a: {  	[tilespmem:s17+$0x2860] =	vst v1;
	s17 =	sshra.s32 s18, $0x2;
	s18 =	sadd.s32 $0x200, s18  }
0x3b: {  	[tilespmem:s17+$0x2870] =	vst v1  }
0x3c: {  	[tilespmem:s17+$0x2800] =	vst v1  }
0x3d: {  	[tilespmem:s17+$0x2810] =	vst v1  }
0x3e: {  	[tilespmem:s17+$0x2820] =	vst v1  }
0x3f: {  	[tilespmem:s17+$0x2830] =	vst v1  }
0x40: {  	[tilespmem:s17+$0x2840] =	vst v1  }
0x41: {  	[tilespmem:s17+$0x2850] =	vst v1  }
0x42: {  	[tilespmem:s17+$0x2860] =	vst v1;
	s30 =	simm.s32 $0x0  }
0x43: {  	[tilespmem:s30], [sflag:$0x1] =	stream.linear.gather [hbm4b:s5+s30], $0x2800, $0x38;
	[tilespmem:$0x1A800] =	vst v63  }
0x44: {  	_ =	swait.ge [sflag:s12], $0x2800  }
0x45: {  	[sflag:s12] =	ssyncset.done $0x0  }
0x46: {  	[sflag:s12] =	ssyncadd.s32 $0xFFFFD800  }
0x47: {  	s31 =	simm.s32 $0x0;
	[bflag:$0x0] =	sbarrier.arrive $0xFFFF  }
0x48: {  	[spmem:s2] =	stream.indirect.scatter.add.f32 [tilespmem:s11], [sflag:$0x1], $0x80, s31, s13, $0xb8;
	[tilespmem:$0x1A800] =	vst v63  }
0x49: {  	_ =	swait.ge [sflag:s12], $0x4000  }
0x4a: {  	s17 =	simm.s32 $0x200;
	[sflag:s12] =	ssyncset.done $0x0  }
.LBB2_6:
0x4b: {  	s18 =	sshra.s32 s17, $0x2;
	[sflag:s12] =	ssyncadd.s32 $0xFFFFC000;
	p0 =	sne.s32 s17, $0x9E00  }
0x4c: {  	[spmem:s2] =	stream.indirect.scatter.add.f32 [tilespmem:s11], [sflag:$0x1], $0x80, s18, s13, $0xb8;
	[tilespmem:$0x1A800] =	vst v63  }
.Ltmp2:
0x4d: {  	_ = 	snop;
	(pc) =	sbr.rel @p0 .LBB2_6-.Ltmp2, $4  }
0x4e: {  	_ = 	snop  }
0x4f: {  	s17 =	sadd.s32 $0x200, s17  }
0x50: {  	_ =	swait.ge [sflag:s12], $0x4000  }
0x51: {  	[sflag:s12] =	ssyncset.done $0x0  }
0x52: {  	s3 =	sadd.s32 $0x1, s3  }
0x53: {  	[sflag:s12] =	ssyncadd.s32 $0xFFFFC000;
	p0 =	sne.s32 s3, s6  }
.Ltmp3:
0x54: {  	[bflag:$0x0] =	sbarrier.arrive $0xFFFF;
	(pc) =	sbr.rel @p0 .LBB2_1-.Ltmp3, $4  }
0x55: {  	[hbm:s14], [sflag:s15] =	dma.local [spmem:s16], $0x2800  }
0x56: {  	_ =	swait.ge [sflag:s12], $0x2800  }
0x57: {  	[sflag:s12] =	ssyncset.done $0x0  }
0x58: {  	[sflag:s12] =	ssyncadd.s32 $0xFFFFD800  }
0x59: {  	_ =	sfence.sel $0x180000  }
0x5a: {  	[bflag:$0x0] =	sbarrier.arrive $0xFFFF  }
0x5b: {  	p0 =	sne.s32 s0, $0x0;
	_ =	strace $0x90000047  }
0x5c: {  	s0 =	sadd.s32 @!p0 $0x100000, s1;
	[bflag:$0x2] =	sbarrier.arrive $0xFFFF  }
0x5d: {  	[sflag:s0] =	ssyncadd.tile.s32 @!p0 $0x1;
	_ =	shalt  }
.Lfunc_end2:
_tile_overlayer_lowered:
.L_overlay_start_2:
0x5e: {  	(tag) =	ssettag $0x2  }
0x5f: {  	s0 =	rddreg [dreg:$0x0];
	s2 =	stileid.u32  }
0x60: {  	s1 =	rddreg [dreg:$0x1];
	p0 =	sne.s32 s2, $0x0  }
0x61: {  	s3 =	rddreg [dreg:$0x2];
	[bflag:$0x3] =	sbarrier.arrive $0xFFFF;
	s2 =	simm.s32 @!p0 $0x1C01  }
0x62: {  	[timem:s3], [sflag:s2] =	dma.local @!p0 [hbm:s0], s1  }
0x63: {  	s0 =	simm.s32 @!p0 $0x1  }
0x64: {  	_ =	swait.ge @!p0 [sflag:s0], s1  }
0x65: {  	s1 =	ssub.s32 @!p0 $0x0, s1;
	[sflag:s0] =	ssyncset.done @!p0 $0x0  }
0x66: {  	[sflag:s0] =	ssyncadd.s32 @!p0 s1  }
0x67: {  	[bflag:$0x3] =	sbarrier.arrive $0xFFFF  }
0x68: {  	_ =	shalt  }

// kernel: kernel.13.cloned.1.call-start
scs
__scs_entry_jumppad:
0x0: {  	(pc) =	sbr.rel $0x88, $3  }
0x1: {  	(tag) =	ssettag $0x0;
	lr =	simm.s32 $0x1  }
0x2: {  	[smem:$0x3F95] =	sst lr;
	_ =	strace $0xD0000000  }
0x3: {  	_ = 	snop  }
0x4: {  	_ = 	snop  }
0x5: {  	_ = 	snop  }
0x6: {  	_ = 	snop  }
0x7: {  	_ = 	snop  }
__scs_overlays_trampoline_lowered:
0x8: {  	[smem:$0x3FA4] =	sst s0  }
0x9: {  	[smem:$0x3FA5] =	sst s1  }
0xa: {  	[smem:$0x3FA6] =	sst s2  }
0xb: {  	[smem:$0x3FA7] =	sst s3  }
0xc: {  	[smem:$0x3FA8] =	sst s4  }
0xd: {  	[smem:$0x3FA9] =	sst s5  }
0xe: {  	[smem:$0x3FAA] =	sst s6  }
0xf: {  	[smem:$0x3FAB] =	sst s7  }
0x10: {  	[smem:$0x3FAC] =	sst s8  }
0x11: {  	[smem:$0x3FAD] =	sst s9;
	s0 =	simm.s32 @!p0 $0x0  }
0x12: {  	s1 =	sld [smem:$0x3F93];
	s0 =	simm.s32 @p0 $0x1  }
0x13: {  	[smem:$0x3FAE] =	sst s0;
	s0 =	simm.s32 @!p1 $0x0  }
0x14: {  	s2 =	sld [smem:$0x3F92];
	s0 =	simm.s32 @p1 $0x1  }
0x15: {  	[smem:$0x3FAF] =	sst s0;
	s0 =	simm.s32 @!p2 $0x0  }
0x16: {  	s3 =	sld [smem:$0x3FDB];
	s0 =	simm.s32 @p2 $0x1  }
0x17: {  	s4 =	simm.s32 $0x1BF5;
	[smem:$0x3FB1] =	sst s0  }
0x18: {  	s0 =	sld [smem:$0x3F94];
	_ =	swait.ge [sflag:s4], $0x0  }
0x19: {  	s7 =	sld [smem:$0x3F95]  }
0x1a: {  	s8 =	sadd.s32 $0xFFFFE003, lr  }
0x1b: {  	s9 =	sadd.s32 $0xFFFFFEF7, lr;
	s5 =	simm.s32 $0xFFFFFFFF;
	p2 =	slt.u32 s8, $0xFFFFF086  }
0x1c: {  	p1 =	slt.u32 s9, $0xF7A;
	s5 =	simm.s32 @!p2 $0x0  }
0x1d: {  	s5 =	simm.s32 @p1 $0x1;
	p0 =	seq.s32 s7, s2  }
0x1e: {  	s7 =	smul.u32 @!p0 $0xF7A, s2;
	p2 =	seq.s32 @!p0 s5, $0x0  }
0x1f: {  	s9 =	smul.u32 $0xF7A, s1;
	s8 =	simm.s32 @!p0 $0x1BF5;
	p2 =	por !p2, p0  }
0x20: {  	[sflag:s8] =	ssyncset.s32 @!p0 $0xFFFFF086;
	s6 =	sadd.s32 @!p0 s3, s7;
	s7 =	simm.s32 @!p0 $0x108  }
0x21: {  	s3 =	sadd.s32 s3, s9;
	s6 =	sadd.s32 @!p0 $0x88, s6;
	s7 =	simm.s32 @p2 $0x1082  }
0x22: {  	[simem:s7], [sflag:s8] =	dma.local @!p0 [hbm:s6], $0xF7A  }
0x23: {  	s9 =	sor.u32 $0xD0000000, s2;
	s6 =	simm.s32 $0x108;
	_ =	swait.ge @!p0 [sflag:s8], $0x0  }
0x24: {  	s3 =	sadd.s32 $0x88, s3;
	s6 =	simm.s32 @!p1 $0x1082;
	[sflag:s4] =	ssyncset.s32 $0xFFFFF086  }
0x25: {  	[simem:s6], [sflag:s4] =	dma.local [hbm:s3], $0xF7A  }
0x26: {  	[smem:$0x3F95] =	sst s1;
	(tag) =	ssettag s2;
	_ =	strace s9  }
0x27: {  	s1 =	sld [smem:$0x3FA5]  }
0x28: {  	s2 =	sld [smem:$0x3FA6]  }
0x29: {  	s4 =	sld [smem:$0x3FA8]  }
0x2a: {  	p0 =	seq.s32 s5, $0x0;
	s5 =	sld [smem:$0x3FA9]  }
0x2b: {  	s6 =	sld [smem:$0x3FAA]  }
0x2c: {  	s7 =	sld [smem:$0x3FAB]  }
0x2d: {  	s3 =	simm.s32 $0x108;
	s8 =	sld [smem:$0x3FAC]  }
0x2e: {  	s3 =	simm.s32 @!p0 $0x1082;
	s9 =	sld [smem:$0x3FAD]  }
0x2f: {  	lr =	sadd.s32 s0, s3;
	s0 =	sld [smem:$0x3FA4]  }
0x30: {  	s3 =	sld [smem:$0x3FA7]  }
0x31: {  	[smem:$0x3FB0] =	sst s10  }
0x32: {  	s10 =	sld [smem:$0x3FAE];
	_ =	sdelay $0x3  }
0x33: {  	p0 =	seq.s32 s10, $0x1;
	s10 =	sld [smem:$0x3FB0];
	_ =	sdelay $0x3  }
0x34: {  	[smem:$0x3FB0] =	sst s10  }
0x35: {  	s10 =	sld [smem:$0x3FAF];
	_ =	sdelay $0x3  }
0x36: {  	p1 =	seq.s32 s10, $0x1;
	s10 =	sld [smem:$0x3FB0];
	_ =	sdelay $0x3  }
0x37: {  	[smem:$0x3FB0] =	sst s10  }
0x38: {  	s10 =	sld [smem:$0x3FB1]  }
0x39: {  	_ = 	snop;
	(pc) =	sbr.ind lr, $3  }
0x3a: {  	_ = 	snop  }
0x3b: {  	_ = 	snop  }
0x3c: {  	p2 =	seq.s32 s10, $0x1;
	s10 =	sld [smem:$0x3FB0]  }
0x3d: {  	_ =	shalt  }
0x3e: {  	_ =	shalt  }
0x3f: {  	_ =	shalt  }
0x40: {  	_ =	shalt  }
0x41: {  	_ =	shalt  }
0x42: {  	_ =	shalt  }
0x43: {  	_ =	shalt  }
0x44: {  	_ =	shalt  }
0x45: {  	_ =	shalt  }
0x46: {  	_ =	shalt  }
0x47: {  	_ =	shalt  }
0x48: {  	_ =	shalt  }
0x49: {  	_ =	shalt  }
0x4a: {  	_ =	shalt  }
0x4b: {  	_ =	shalt  }
0x4c: {  	_ =	shalt  }
0x4d: {  	_ =	shalt  }
0x4e: {  	_ =	shalt  }
0x4f: {  	_ =	shalt  }
0x50: {  	_ =	shalt  }
0x51: {  	_ =	shalt  }
0x52: {  	_ =	shalt  }
0x53: {  	_ =	shalt  }
0x54: {  	_ =	shalt  }
0x55: {  	_ =	shalt  }
0x56: {  	_ =	shalt  }
0x57: {  	_ =	shalt  }
0x58: {  	_ =	shalt  }
0x59: {  	_ =	shalt  }
0x5a: {  	_ =	shalt  }
0x5b: {  	_ =	shalt  }
0x5c: {  	_ =	shalt  }
0x5d: {  	_ =	shalt  }
0x5e: {  	_ =	shalt  }
0x5f: {  	_ =	shalt  }
0x60: {  	_ =	shalt  }
0x61: {  	_ =	shalt  }
0x62: {  	_ =	shalt  }
0x63: {  	_ =	shalt  }
0x64: {  	_ =	shalt  }
0x65: {  	_ =	shalt  }
0x66: {  	_ =	shalt  }
0x67: {  	_ =	shalt  }
0x68: {  	_ =	shalt  }
0x69: {  	_ =	shalt  }
0x6a: {  	_ =	shalt  }
0x6b: {  	_ =	shalt  }
0x6c: {  	_ =	shalt  }
0x6d: {  	_ =	shalt  }
0x6e: {  	_ =	shalt  }
0x6f: {  	_ =	shalt  }
0x70: {  	_ =	shalt  }
0x71: {  	_ =	shalt  }
0x72: {  	_ =	shalt  }
0x73: {  	_ =	shalt  }
0x74: {  	_ =	shalt  }
0x75: {  	_ =	shalt  }
0x76: {  	_ =	shalt  }
0x77: {  	_ =	shalt  }
0x78: {  	_ =	shalt  }
0x79: {  	_ =	shalt  }
0x7a: {  	_ =	shalt  }
0x7b: {  	_ =	shalt  }
0x7c: {  	_ =	shalt  }
0x7d: {  	_ =	shalt  }
0x7e: {  	_ =	shalt  }
0x7f: {  	_ =	shalt  }
0x80: {  	_ =	shalt  }
0x81: {  	_ =	shalt  }
0x82: {  	_ =	shalt  }
0x83: {  	_ =	shalt  }
0x84: {  	_ =	shalt  }
0x85: {  	_ =	shalt  }
0x86: {  	_ =	shalt  }
0x87: {  	_ =	shalt  }
.Lfunc_end0:
.L_simem_size_0:
called_computation.1_lowered:
.L_overlay_start_0:
0x88: {  	s2 =	sld [smem:$0x3FD9]  }
0x89: {  	s3 =	sld [smem:$0x3FFE];
	_ =	sdelay $0x1  }
0x8a: {  	s1 =	srdreg.scid  }
0x8b: {  	s0 =	sand.u32 $0x1, s1  }
0x8c: {  	s17 =	sshll.u32 s0, $0xA;
	s2 =	sadd.s32 s3, s2  }
0x8d: {  	s2 =	sadd.s32 s2, s17  }
0x8e: {  	[smem:$0x3FBC] =	sst s2  }
0x8f: {  	_ = 	snop  }
0x90: {  	s2 =	sld [smem:$0x3FD0];
	(tm) =	ssettm $0x1  }
0x91: {  	s18 =	sld [smem:$0x3FFB];
	_ =	sdelay $0x3  }
0x92: {  	_ =	strace s18  }
0x93: {  	s3 =	sld [smem:$0x3FFC];
	_ =	sdelay $0x3  }
0x94: {  	_ =	strace s3  }
0x95: {  	s3 =	sld [smem:$0x3FFD];
	_ =	sdelay $0x3  }
0x96: {  	_ =	strace s3  }
0x97: {  	_ =	strace $0x8FFFFFFF  }
0x98: {  	s19 =	sld [smem:$0x3FDB];
	_ =	sdelay $0x1  }
0x99: {  	s4 =	simm.s32 $_scs_section_size  }
0x9a: {  	s5 =	simm.s32 $_size__tile_overlayer_lowered;
	s6 =	simm.s32 $_tile_overlayer_lowered  }
0x9b: {  	s22 =	simm.s32 $0x1BFF;
	s21 =	sshll.u32 s6, $0x1;
	s3 =	sadd.s32 s4, s19  }
0x9c: {  	s7 =	simm.s32 $0x0;
	s20 =	sshll.u32 s5, $0x1;
	s5 =	sadd.s32 s21, s3  }
0x9d: {  	[timem:s7], [sflag:s22] =	dma.local [hbm:s5], s20  }
0x9e: {  	_ =	swait.ge [sflag:s22], s20  }
0x9f: {  	s4 =	ssub.s32 $0x0, s20;
	[sflag:s22] =	ssyncset.done $0x0  }
0xa0: {  	[sflag:s22] =	ssyncadd.s32 s4;
	_ =	sdelay $0x1  }
0xa1: {  	s23 =	simm.s32 $0x1B8B  }
0xa2: {  	_ =	swait.ge [sflag:s23], $0x1  }
0xa3: {  	[sflag:s23] =	ssyncset.done $0x0  }
0xa4: {  	s25 =	simm.s32 $0x1B8E;
	s24 =	sld [smem:$0x3FFE];
	[sflag:s23] =	ssyncadd.s32 $0xFFFFFFFF  }
0xa5: {  	s26 =	simm.s32 $execute0_lowered;
	[smem:$0x3FD2] =	sst s25  }
0xa6: {  	s5 =	sshll.u32 s26, $0x1;
	_ =	strace $0x80000049;
	[dreg:$0x1] =	wrdreg $0xFFFFFFFF  }
0xa7: {  	s28 =	simm.s32 $_size_execute0_lowered;
	s3 =	sadd.s32 s3, s5;
	[dreg:$0x0] =	wrdreg $0x0  }
0xa8: {  	s5 =	sshll.u32 s28, $0x1;
	[dreg:$0x2] =	wrdreg s3  }
0xa9: {  	[dreg:$0x3] =	wrdreg s5  }
0xaa: {  	[dreg:$0x4] =	wrdreg $0xC0  }
0xab: {  	_ =	task [dreg:s7], $0x5FFFF  }
0xac: {  	[dreg:$0x1] =	wrdreg $0xFFFFFFFF  }
0xad: {  	[dreg:$0x0] =	wrdreg $0x60  }
0xae: {  	[dreg:$0x2] =	wrdreg s24  }
0xaf: {  	[dreg:$0x3] =	wrdreg s2  }
0xb0: {  	[dreg:$0x4] =	wrdreg $0x90000  }
0xb1: {  	[dreg:$0x5] =	wrdreg $0x9  }
0xb2: {  	_ =	task.clear_ibuf [dreg:s7], $0x6FFFF;
	_ =	strace $0x90000049  }
0xb3: {  	s29 =	simm.s32 $0x9;
	_ =	strace $0x8000004B  }
0xb4: {  	_ =	swait.ge [sflag:s29], $0x1  }
0xb5: {  	[sflag:s29] =	ssyncadd.s32 $0xFFFFFFFF  }
0xb6: {  	_ =	strace $0x9000004B  }
0xb7: {  	_ =	sfence  }
0xb8: {  	s30 =	sld [smem:$0x0];
	_ =	sdelay $0x2  }
0xb9: {  	s31 =	sshll.u32 s1, $0xD;
	s1 =	sshrl.u32 s1, $0x2  }
0xba: {  	s3 =	sand.u32 $0x4000, s31;
	s1 =	sadd.s32 s1, s30  }
0xbb: {  	s0 =	sor.u32 s3, s0;
	s1 =	sshll.u32 s1, $0x11  }
0xbc: {  	s0 =	sor.u32 s1, s0  }
0xbd: {  	s0 =	sadd.s32 $0x8F2B, s0  }
0xbe: {  	[sflag:s0] =	ssyncadd.remote.s32 $0x1  }
0xbf: {  	_ =	sfence.sel $0xFFFF  }
0xc0: {  	[dreg:$0x0] =	wrdreg $0xFFFFFFFF;
	(pc) =	sbr.abs _section_cstart, $3  }
0xc1: {  	[dreg:$0x1] =	wrdreg $0xFFFFFFFF  }
0xc2: {  	_ =	task.clear_ibuf [dreg:s7], $0x2FFFF;
	_ =	strace $0x9FFFFFFF  }
0xc3: {  	(tm) =	ssettm $0x7FFFFFFF  }
tec
execute0_lowered:
.L_overlay_start_1:
0x0: {  	(tag) =	ssettag $0x1  }
0x1: {  	s8 =	rddreg [dreg:$0x0]  }
0x2: {  	s1 =	rddreg [dreg:$0x1]  }
0x3: {  	s2 =	rddreg [dreg:$0x2];
	s4 =	simm.s32 $0x0  }
0x4: {  	s11 =	simm.s32 $0x100;
	[smem:$0x7FF] =	sst s4  }
0x5: {  	s24 =	simm.s32 $0x480;
	_ =	strace $0x8000004A;
	[dreg:$0x6] =	wrdreg s11  }
0x6: {  	s25 =	simm.s32 $0x180;
	[dreg:$0x7] =	wrdreg s24  }
0x7: {  	s26 =	simm.s32 $0x500;
	[dreg:$0x8] =	wrdreg s25  }
0x8: {  	s28 =	simm.s32 $0x200;
	[dreg:$0x9] =	wrdreg s26  }
0x9: {  	s30 =	simm.s32 $0x580;
	[dreg:$0xa] =	wrdreg s28  }
0xa: {  	s31 =	simm.s32 $0x280;
	[dreg:$0xb] =	wrdreg s30  }
0xb: {  	s14 =	simm.s32 $0x600;
	[dreg:$0xc] =	wrdreg s31  }
0xc: {  	s15 =	simm.s32 $0x300;
	[dreg:$0xd] =	wrdreg s14  }
0xd: {  	s16 =	simm.s32 $0x680;
	[dreg:$0xe] =	wrdreg s15  }
0xe: {  	s17 =	simm.s32 $0x380;
	[dreg:$0xf] =	wrdreg s16  }
0xf: {  	s0 =	srdreg.scid;
	s18 =	simm.s32 $0x700;
	[dreg:$0x10] =	wrdreg s17  }
0x10: {  	s3 =	simm.s32 $0xE;
	s20 =	simm.s32 $0x780;
	[dreg:$0x11] =	wrdreg s18  }
0x11: {  	s21 =	simm.s32 $0x880;
	s22 =	simm.s32 $0xC00;
	[dreg:$0x12] =	wrdreg s20  }
0x12: {  	s9 =	sand.u32 $0x1, s0;
	s6 =	sadd.s32 $0xDE00, s8;
	[dreg:$0x13] =	wrdreg s21  }
0x13: {  	s0 =	stileid.u32;
	[dreg:$0x14] =	wrdreg s22;
	s24 =	simm.s32 $0x900  }
0x14: {  	p0 =	seq.s32 s9, $0x0;
	s26 =	simm.s32 $0xC80;
	[dreg:$0x15] =	wrdreg s24  }
0x15: {  	s10 =	smul.u32 $0x28000, s9;
	s28 =	simm.s32 $0x980;
	[dreg:$0x16] =	wrdreg s26  }
0x16: {  	s9 =	ssub.s32 $0x2, s9;
	s30 =	simm.s32 $0xA00;
	[dreg:$0x17] =	wrdreg s28  }
0x17: {  	s11 =	smul.u32 $0x70, s0;
	s15 =	simm.s32 $0xD80;
	[dreg:$0x19] =	wrdreg s30  }
0x18: {  	s14 =	smul.u32 $0x50000, s0;
	s16 =	simm.s32 $0xA80;
	[dreg:$0x1a] =	wrdreg s15  }
0x19: {  	s17 =	simm.s32 $0xE00;
	s31 =	simm.s32 $0xE80;
	[dreg:$0x1b] =	wrdreg s16  }
0x1a: {  	s20 =	simm.s32 $0xB80;
	s21 =	simm.s32 $0xF00;
	[dreg:$0x1c] =	wrdreg s17  }
0x1b: {  	s22 =	simm.s32 $0x80;
	s3 =	simm.s32 @!p0 $0x6;
	[dreg:$0x1e] =	wrdreg s31  }
0x1c: {  	s29 =	sshrl.u32 s9, $0x1;
	[dreg:$0x1f] =	wrdreg s20;
	s20 =	simm.s32 $0x2  }
0x1d: {  	[smem:$0x7FC] =	sst s21;
	s21 =	simm.s32 $0x400;
	s5 =	sshll.u32 s3, $0x3  }
0x1e: {  	s23 =	sadd.s32 $0xFFFFFFFF, s3;
	s12 =	sadd.s32 s10, s8;
	s13 =	ssub.s32 s9, s29  }
0x1f: {  	s19 =	sshrl.u32 s14, $0x2;
	s29 =	simm.s32 $0xD00;
	s7 =	sadd.s32 $0xFFFFFFF8, s5  }
0x20: {  	[dreg:$0x4] =	wrdreg s7;
	s7 =	sadd.s32 $0x3E00, s8;
	s8 =	smul.u32 $0x30, s0  }
0x21: {  	[dreg:$0x5] =	wrdreg s23;
	s9 =	sadd.s32 s19, s2;
	s24 =	sadd.s32 $0x35000, s12  }
0x22: {  	s12 =	smax.u32 s13, $0x1;
	[dreg:$0x18] =	wrdreg s29;
	s10 =	sadd.s32 $0x700, s8  }
0x23: {  	s19 =	simm.s32 $0xB00;
	s13 =	sadd.s32 $0x4000, s9;
	s10 =	smov.u32 @p0 s11  }
0x24: {  	s14 =	sadd.s32 $0x8000, s9;
	s15 =	sadd.s32 $0xC000, s9;
	s18 =	sshll.u32 s10, $0x4  }
0x25: {  	s16 =	sadd.s32 $0x10000, s9;
	[dreg:$0x1d] =	wrdreg s19;
	s23 =	sadd.s32 s1, s18  }
0x26: {  	s19 =	simm.s32 $0x1000;
	s25 =	sadd.s32 s7, s18;
	[smem:$0x7FA] =	sst s23  }
0x27: {  	[smem:$0x7FB] =	sst s25;
	s25 =	smul.u32 $0x2800, s0;
	s23 =	simm.s32 $0xF80  }
0x28: {  	s17 =	sor.u32 $0x80, s18;
	s18 =	sadd.s32 $0x100, s18;
	[smem:$0x7FD] =	sst s23  }
0x29: {  	v0 =	vimm.f32 $0.0e+00;
	s23 =	simm.s32 $0x1;
	s24 =	sadd.s32 s25, s24;
	s25 =	simm.s32 $0x5000  }
.LBB2_1:
0x2a: {  	s26 =	simm.s32 $0x0;
	s28 =	simm.s32 $0x200  }
.LBB2_2:
0x2b: {  	p0 =	sne.s32 s28, $0xFE00;
	[tilespmem:s26+$0x1070] =	vst v0  }
0x2c: {  	[tilespmem:s26+$0x1000] =	vst v0  }
0x2d: {  	[tilespmem:s26+$0x1010] =	vst v0  }
.Ltmp0:
0x2e: {  	[tilespmem:s26+$0x1020] =	vst v0;
	(pc) =	sbr.rel @p0 .LBB2_2-.Ltmp0, $4  }
0x2f: {  	[tilespmem:s26+$0x1030] =	vst v0  }
0x30: {  	[tilespmem:s26+$0x1040] =	vst v0  }
0x31: {  	[tilespmem:s26+$0x1050] =	vst v0  }
0x32: {  	[tilespmem:s26+$0x1060] =	vst v0;
	s26 =	sshra.s32 s28, $0x2;
	s28 =	sadd.s32 $0x200, s28  }
0x33: {  	[tilespmem:s26+$0x1070] =	vst v0  }
0x34: {  	[tilespmem:s26+$0x1000] =	vst v0  }
0x35: {  	[tilespmem:s26+$0x1010] =	vst v0  }
0x36: {  	[tilespmem:s26+$0x1020] =	vst v0  }
0x37: {  	[tilespmem:s26+$0x1030] =	vst v0  }
0x38: {  	[tilespmem:s26+$0x1040] =	vst v0  }
0x39: {  	[tilespmem:s26+$0x1050] =	vst v0  }
0x3a: {  	[tilespmem:s26+$0x1060] =	vst v0  }
0x3b: {  	[spmem:s9] =	stream.linear.scatter [tilespmem:s19], [sflag:$0x2], $0x4000, $0x38;
	[tilespmem:$0x1D000] =	vst v63  }
0x3c: {  	_ =	swait.ge [sflag:s20], $0x4000  }
0x3d: {  	[sflag:s20] =	ssyncset.done $0x0  }
0x3e: {  	[sflag:s20] =	ssyncadd.s32 $0xFFFFC000  }
0x3f: {  	[spmem:s13] =	stream.linear.scatter [tilespmem:s19], [sflag:$0x2], $0x4000, $0x38;
	[tilespmem:$0x1D000] =	vst v63  }
0x40: {  	_ =	swait.ge [sflag:s20], $0x4000  }
0x41: {  	[sflag:s20] =	ssyncset.done $0x0  }
0x42: {  	[sflag:s20] =	ssyncadd.s32 $0xFFFFC000  }
0x43: {  	[spmem:s14] =	stream.linear.scatter [tilespmem:s19], [sflag:$0x2], $0x4000, $0x38;
	[tilespmem:$0x1D000] =	vst v63  }
0x44: {  	_ =	swait.ge [sflag:s20], $0x4000  }
0x45: {  	[sflag:s20] =	ssyncset.done $0x0  }
0x46: {  	[sflag:s20] =	ssyncadd.s32 $0xFFFFC000  }
0x47: {  	[spmem:s15] =	stream.linear.scatter [tilespmem:s19], [sflag:$0x2], $0x4000, $0x38;
	[tilespmem:$0x1D000] =	vst v63  }
0x48: {  	_ =	swait.ge [sflag:s20], $0x4000  }
0x49: {  	[sflag:s20] =	ssyncset.done $0x0  }
0x4a: {  	[sflag:s20] =	ssyncadd.s32 $0xFFFFC000  }
0x4b: {  	[spmem:s16] =	stream.linear.scatter [tilespmem:s19], [sflag:$0x2], $0x4000, $0x38;
	[tilespmem:$0x1D000] =	vst v63  }
0x4c: {  	_ =	swait.ge [sflag:s20], $0x4000  }
0x4d: {  	s0 =	sld [smem:$0x7FA]  }
0x4e: {  	[sflag:s20] =	ssyncset.done $0x0  }
0x4f: {  	s8 =	simm.s32 $0x0;
	[sflag:s20] =	ssyncadd.s32 $0xFFFFC000  }
0x50: {  	[tilespmem:s8], [sflag:$0x2] =	stream.linear.gather [hbm4b:s0+s8], $0x400, $0x38;
	[tilespmem:$0x1D000] =	vst v63  }
0x51: {  	_ =	swait.ge [sflag:s20], $0x400  }
0x52: {  	s10 =	sld [smem:$0x7FB]  }
0x53: {  	[sflag:s20] =	ssyncset.done $0x0  }
0x54: {  	[sflag:s20] =	ssyncadd.s32 $0xFFFFFC00  }
0x55: {  	[tilespmem:s21], [sflag:$0x2] =	stream.linear.gather [hbm4b:s10+s8], $0x400, $0x38;
	[tilespmem:$0x1D000] =	vst v63  }
0x56: {  	_ =	swait.ge [sflag:s20], $0x400  }
0x57: {  	[sflag:s20] =	ssyncset.done $0x0  }
0x58: {  	[sflag:s20] =	ssyncadd.s32 $0xFFFFFC00  }
0x59: {  	[bflag:$0x0] =	sbarrier.arrive $0xFFFF  }
0x5a: {  	[tilespmem:s19], [sflag:$0x1] =	stream.indirect.gather [hbm4b:s6+s22], $0x80, s8, s22, $0xb8;
	[tilespmem:$0x1D000] =	vst v63  }
0x5b: {  	_ =	swait.ge [sflag:s23], $0x4000  }
0x5c: {  	[sflag:s23] =	ssyncset.done $0x0  }
0x5d: {  	[sflag:s23] =	ssyncadd.s32 $0xFFFFC000  }
0x5e: {  	[tilespmem:s25], [sflag:$0x1] =	stream.indirect.gather [hbm4b:s6+s22], $0x80, s22, s22, $0xb8;
	[tilespmem:$0x1D000] =	vst v63  }
0x5f: {  	_ = 	snop  }
0x60: {  	[spmem:s2] =	stream.indirect.scatter.add.f32 [tilespmem:s19], [sflag:$0x2], $0x80, s21, s22, $0xb8;
	[tilespmem:$0x1D000] =	vst v63  }
0x61: {  	_ =	swait.ge [sflag:s20], $0x4000  }
0x62: {  	[sflag:s20] =	ssyncset.done $0x0  }
0x63: {  	[sflag:s20] =	ssyncadd.s32 $0xFFFFC000  }
0x64: {  	_ =	swait.ge [sflag:s23], $0x4000  }
0x65: {  	p0 =	sle.u32 s3, $0x1;
	[sflag:s23] =	ssyncset.done $0x0  }
0x66: {  	s28 =	simm.s32 @!p0 $0x800;
	s11 =	rddreg [dreg:$0x6];
	[sflag:s23] =	ssyncadd.s32 $0xFFFFC000  }
0x67: {  	[tilespmem:s19], [sflag:$0x1] =	stream.indirect.gather [hbm4b:s6+s22], $0x80, s11, s22, $0xb8;
	[tilespmem:$0x1D000] =	vst v63  }
0x68: {  	s26 =	sadd.s32 @!p0 s1, s17;
	s29 =	simm.s32 @!p0 $0x0;
	s30 =	simm.s32 @!p0 $0x2  }
0x69: {  	[tilespmem:s28], [sflag:$0x2] =	stream.linear.gather @!p0 [hbm4b:s26+s29], $0x400, $0x38;
	[tilespmem:$0x1D000] =	vst v63  }
0x6a: {  	_ =	swait.ge @!p0 [sflag:s30], $0x400  }
0x6b: {  	[sflag:s30] =	ssyncset.done @!p0 $0x0  }
0x6c: {  	s26 =	sadd.s32 @!p0 s7, s17;
	s28 =	simm.s32 @!p0 $0xC00;
	[sflag:s30] =	ssyncadd.s32 @!p0 $0xFFFFFC00  }
0x6d: {  	[tilespmem:s28], [sflag:$0x2] =	stream.linear.gather @!p0 [hbm4b:s26+s29], $0x400, $0x38;
	[tilespmem:$0x1D000] =	vst v63  }
0x6e: {  	_ =	swait.ge @!p0 [sflag:s30], $0x400  }
0x6f: {  	[sflag:s30] =	ssyncset.done @!p0 $0x0  }
0x70: {  	s0 =	rddreg [dreg:$0x7];
	[sflag:s30] =	ssyncadd.s32 @!p0 $0xFFFFFC00  }
0x71: {  	[spmem:s2] =	stream.indirect.scatter.add.f32 [tilespmem:s25], [sflag:$0x2], $0x80, s0, s22, $0xb8;
	[tilespmem:$0x1D000] =	vst v63  }
0x72: {  	_ =	swait.ge [sflag:s20], $0x4000  }
0x73: {  	[sflag:s20] =	ssyncset.done $0x0  }
0x74: {  	[sflag:s20] =	ssyncadd.s32 $0xFFFFC000  }
0x75: {  	_ =	swait.ge [sflag:s23], $0x4000  }
0x76: {  	[sflag:s23] =	ssyncset.done $0x0  }
0x77: {  	s8 =	rddreg [dreg:$0x8];
	[sflag:s23] =	ssyncadd.s32 $0xFFFFC000  }
0x78: {  	[tilespmem:s25], [sflag:$0x1] =	stream.indirect.gather [hbm4b:s6+s22], $0x80, s8, s22, $0xb8;
	[tilespmem:$0x1D000] =	vst v63  }
0x79: {  	s28 =	rddreg [dreg:$0x9]  }
0x7a: {  	[spmem:s2] =	stream.indirect.scatter.add.f32 [tilespmem:s19], [sflag:$0x2], $0x80, s28, s22, $0xb8;
	[tilespmem:$0x1D000] =	vst v63  }
0x7b: {  	_ =	swait.ge [sflag:s20], $0x4000  }
0x7c: {  	[sflag:s20] =	ssyncset.done $0x0  }
0x7d: {  	[sflag:s20] =	ssyncadd.s32 $0xFFFFC000  }
0x7e: {  	_ =	swait.ge [sflag:s23], $0x4000  }
0x7f: {  	[sflag:s23] =	ssyncset.done $0x0  }
0x80: {  	s10 =	rddreg [dreg:$0xa];
	[sflag:s23] =	ssyncadd.s32 $0xFFFFC000  }
0x81: {  	[tilespmem:s19], [sflag:$0x1] =	stream.indirect.gather [hbm4b:s6+s22], $0x80, s10, s22, $0xb8;
	[tilespmem:$0x1D000] =	vst v63  }
0x82: {  	s28 =	rddreg [dreg:$0xb]  }
0x83: {  	[spmem:s2] =	stream.indirect.scatter.add.f32 [tilespmem:s25], [sflag:$0x2], $0x80, s28, s22, $0xb8;
	[tilespmem:$0x1D000] =	vst v63  }
0x84: {  	_ =	swait.ge [sflag:s20], $0x4000  }
0x85: {  	[sflag:s20] =	ssyncset.done $0x0  }
0x86: {  	[sflag:s20] =	ssyncadd.s32 $0xFFFFC000  }
0x87: {  	_ =	swait.ge [sflag:s23], $0x4000  }
0x88: {  	[sflag:s23] =	ssyncset.done $0x0  }
0x89: {  	s11 =	rddreg [dreg:$0xc];
	[sflag:s23] =	ssyncadd.s32 $0xFFFFC000  }
0x8a: {  	[tilespmem:s25], [sflag:$0x1] =	stream.indirect.gather [hbm4b:s6+s22], $0x80, s11, s22, $0xb8;
	[tilespmem:$0x1D000] =	vst v63  }
0x8b: {  	s28 =	rddreg [dreg:$0xd]  }
0x8c: {  	[spmem:s2] =	stream.indirect.scatter.add.f32 [tilespmem:s19], [sflag:$0x2], $0x80, s28, s22, $0xb8;
	[tilespmem:$0x1D000] =	vst v63  }
0x8d: {  	_ =	swait.ge [sflag:s20], $0x4000  }
0x8e: {  	[sflag:s20] =	ssyncset.done $0x0  }
0x8f: {  	[sflag:s20] =	ssyncadd.s32 $0xFFFFC000  }
0x90: {  	_ =	swait.ge [sflag:s23], $0x4000  }
0x91: {  	[sflag:s23] =	ssyncset.done $0x0  }
0x92: {  	s0 =	rddreg [dreg:$0xe];
	[sflag:s23] =	ssyncadd.s32 $0xFFFFC000  }
0x93: {  	[tilespmem:s19], [sflag:$0x1] =	stream.indirect.gather [hbm4b:s6+s22], $0x80, s0, s22, $0xb8;
	[tilespmem:$0x1D000] =	vst v63  }
0x94: {  	s28 =	rddreg [dreg:$0xf]  }
0x95: {  	[spmem:s2] =	stream.indirect.scatter.add.f32 [tilespmem:s25], [sflag:$0x2], $0x80, s28, s22, $0xb8;
	[tilespmem:$0x1D000] =	vst v63  }
0x96: {  	_ =	swait.ge [sflag:s20], $0x4000  }
0x97: {  	[sflag:s20] =	ssyncset.done $0x0  }
0x98: {  	[sflag:s20] =	ssyncadd.s32 $0xFFFFC000  }
0x99: {  	_ =	swait.ge [sflag:s23], $0x4000  }
0x9a: {  	[sflag:s23] =	ssyncset.done $0x0  }
0x9b: {  	s8 =	rddreg [dreg:$0x10];
	[sflag:s23] =	ssyncadd.s32 $0xFFFFC000  }
0x9c: {  	[tilespmem:s25], [sflag:$0x1] =	stream.indirect.gather [hbm4b:s6+s22], $0x80, s8, s22, $0xb8;
	[tilespmem:$0x1D000] =	vst v63  }
0x9d: {  	s28 =	rddreg [dreg:$0x11]  }
0x9e: {  	[spmem:s2] =	stream.indirect.scatter.add.f32 [tilespmem:s19], [sflag:$0x2], $0x80, s28, s22, $0xb8;
	[tilespmem:$0x1D000] =	vst v63  }
0x9f: {  	_ =	swait.ge [sflag:s20], $0x4000  }
0xa0: {  	[sflag:s20] =	ssyncset.done $0x0  }
0xa1: {  	[sflag:s20] =	ssyncadd.s32 $0xFFFFC000  }
0xa2: {  	_ =	swait.ge [sflag:s23], $0x4000  }
0xa3: {  	s10 =	rddreg [dreg:$0x4];
	[sflag:s23] =	ssyncset.done $0x0  }
0xa4: {  	p0 =	sle.u32 s10, $0x0;
	[sflag:s23] =	ssyncadd.s32 $0xFFFFC000  }
0xa5: {  	s26 =	simm.s32 @!p0 $0x80;
	s29 =	simm.s32 @!p0 $0x800;
	s30 =	simm.s32 @!p0 $0x1000  }
0xa6: {  	[tilespmem:s30], [sflag:$0x1] =	stream.indirect.gather @!p0 [hbm4b:s6+s26], $0x80, s29, s26, $0xb8;
	[tilespmem:$0x1D000] =	vst v63  }
0xa7: {  	s28 =	rddreg [dreg:$0x12]  }
0xa8: {  	[spmem:s2] =	stream.indirect.scatter.add.f32 [tilespmem:s25], [sflag:$0x2], $0x80, s28, s22, $0xb8;
	[tilespmem:$0x1D000] =	vst v63  }
0xa9: {  	_ =	swait.ge [sflag:s20], $0x4000  }
0xaa: {  	[sflag:s20] =	ssyncset.done $0x0  }
0xab: {  	[sflag:s20] =	ssyncadd.s32 $0xFFFFC000  }
0xac: {  	_ =	swait.ge [sflag:s23], $0x4000  }
0xad: {  	[sflag:s23] =	ssyncset.done $0x0  }
0xae: {  	s11 =	rddreg [dreg:$0x13];
	[sflag:s23] =	ssyncadd.s32 $0xFFFFC000  }
0xaf: {  	[tilespmem:s25], [sflag:$0x1] =	stream.indirect.gather [hbm4b:s6+s22], $0x80, s11, s22, $0xb8;
	[tilespmem:$0x1D000] =	vst v63  }
0xb0: {  	s28 =	rddreg [dreg:$0x14]  }
0xb1: {  	[spmem:s2] =	stream.indirect.scatter.add.f32 [tilespmem:s19], [sflag:$0x2], $0x80, s28, s22, $0xb8;
	[tilespmem:$0x1D000] =	vst v63  }
0xb2: {  	_ =	swait.ge [sflag:s20], $0x4000  }
0xb3: {  	[sflag:s20] =	ssyncset.done $0x0  }
0xb4: {  	[sflag:s20] =	ssyncadd.s32 $0xFFFFC000  }
0xb5: {  	_ =	swait.ge [sflag:s23], $0x4000  }
0xb6: {  	[sflag:s23] =	ssyncset.done $0x0  }
0xb7: {  	p0 =	sle.u32 s3, $0x2;
	s0 =	rddreg [dreg:$0x15];
	[sflag:s23] =	ssyncadd.s32 $0xFFFFC000  }
0xb8: {  	[tilespmem:s19], [sflag:$0x1] =	stream.indirect.gather [hbm4b:s6+s22], $0x80, s0, s22, $0xb8;
	[tilespmem:$0x1D000] =	vst v63  }
0xb9: {  	s26 =	sadd.s32 @!p0 s1, s18;
	s29 =	simm.s32 @!p0 $0x2;
	s28 =	simm.s32 @!p0 $0x0  }
0xba: {  	[tilespmem:s28], [sflag:$0x2] =	stream.linear.gather @!p0 [hbm4b:s26+s28], $0x400, $0x38;
	[tilespmem:$0x1D000] =	vst v63  }
0xbb: {  	_ =	swait.ge @!p0 [sflag:s29], $0x400  }
0xbc: {  	[sflag:s29] =	ssyncset.done @!p0 $0x0  }
0xbd: {  	s30 =	simm.s32 @!p0 $0x400;
	s26 =	sadd.s32 @!p0 s7, s18;
	[sflag:s29] =	ssyncadd.s32 @!p0 $0xFFFFFC00  }
0xbe: {  	[tilespmem:s30], [sflag:$0x2] =	stream.linear.gather @!p0 [hbm4b:s26+s28], $0x400, $0x38;
	[tilespmem:$0x1D000] =	vst v63  }
0xbf: {  	_ =	swait.ge @!p0 [sflag:s29], $0x400  }
0xc0: {  	[sflag:s29] =	ssyncset.done @!p0 $0x0  }
0xc1: {  	s8 =	rddreg [dreg:$0x16];
	[sflag:s29] =	ssyncadd.s32 @!p0 $0xFFFFFC00  }
0xc2: {  	[spmem:s2] =	stream.indirect.scatter.add.f32 [tilespmem:s25], [sflag:$0x2], $0x80, s8, s22, $0xb8;
	[tilespmem:$0x1D000] =	vst v63  }
0xc3: {  	_ =	swait.ge [sflag:s20], $0x4000  }
0xc4: {  	[sflag:s20] =	ssyncset.done $0x0  }
0xc5: {  	[sflag:s20] =	ssyncadd.s32 $0xFFFFC000  }
0xc6: {  	_ =	swait.ge [sflag:s23], $0x4000  }
0xc7: {  	[sflag:s23] =	ssyncset.done $0x0  }
0xc8: {  	s10 =	rddreg [dreg:$0x17];
	[sflag:s23] =	ssyncadd.s32 $0xFFFFC000  }
0xc9: {  	[tilespmem:s25], [sflag:$0x1] =	stream.indirect.gather [hbm4b:s6+s22], $0x80, s10, s22, $0xb8;
	[tilespmem:$0x1D000] =	vst v63  }
0xca: {  	s28 =	rddreg [dreg:$0x18]  }
0xcb: {  	[spmem:s2] =	stream.indirect.scatter.add.f32 [tilespmem:s19], [sflag:$0x2], $0x80, s28, s22, $0xb8;
	[tilespmem:$0x1D000] =	vst v63  }
0xcc: {  	_ =	swait.ge [sflag:s20], $0x4000  }
0xcd: {  	[sflag:s20] =	ssyncset.done $0x0  }
0xce: {  	[sflag:s20] =	ssyncadd.s32 $0xFFFFC000  }
0xcf: {  	_ =	swait.ge [sflag:s23], $0x4000  }
0xd0: {  	[sflag:s23] =	ssyncset.done $0x0  }
0xd1: {  	s11 =	rddreg [dreg:$0x19];
	[sflag:s23] =	ssyncadd.s32 $0xFFFFC000  }
0xd2: {  	[tilespmem:s19], [sflag:$0x1] =	stream.indirect.gather [hbm4b:s6+s22], $0x80, s11, s22, $0xb8;
	[tilespmem:$0x1D000] =	vst v63  }
0xd3: {  	s28 =	rddreg [dreg:$0x1a]  }
0xd4: {  	[spmem:s2] =	stream.indirect.scatter.add.f32 [tilespmem:s25], [sflag:$0x2], $0x80, s28, s22, $0xb8;
	[tilespmem:$0x1D000] =	vst v63  }
0xd5: {  	_ =	swait.ge [sflag:s20], $0x4000  }
0xd6: {  	[sflag:s20] =	ssyncset.done $0x0  }
0xd7: {  	[sflag:s20] =	ssyncadd.s32 $0xFFFFC000  }
0xd8: {  	_ =	swait.ge [sflag:s23], $0x4000  }
0xd9: {  	[sflag:s23] =	ssyncset.done $0x0  }
0xda: {  	s0 =	rddreg [dreg:$0x1b];
	[sflag:s23] =	ssyncadd.s32 $0xFFFFC000  }
0xdb: {  	[tilespmem:s25], [sflag:$0x1] =	stream.indirect.gather [hbm4b:s6+s22], $0x80, s0, s22, $0xb8;
	[tilespmem:$0x1D000] =	vst v63  }
0xdc: {  	s28 =	rddreg [dreg:$0x1c]  }
0xdd: {  	[spmem:s2] =	stream.indirect.scatter.add.f32 [tilespmem:s19], [sflag:$0x2], $0x80, s28, s22, $0xb8;
	[tilespmem:$0x1D000] =	vst v63  }
0xde: {  	_ =	swait.ge [sflag:s20], $0x4000  }
0xdf: {  	[sflag:s20] =	ssyncset.done $0x0  }
0xe0: {  	[sflag:s20] =	ssyncadd.s32 $0xFFFFC000  }
0xe1: {  	_ =	swait.ge [sflag:s23], $0x4000  }
0xe2: {  	[sflag:s23] =	ssyncset.done $0x0  }
0xe3: {  	s8 =	rddreg [dreg:$0x1d];
	[sflag:s23] =	ssyncadd.s32 $0xFFFFC000  }
0xe4: {  	[tilespmem:s19], [sflag:$0x1] =	stream.indirect.gather [hbm4b:s6+s22], $0x80, s8, s22, $0xb8;
	[tilespmem:$0x1D000] =	vst v63  }
0xe5: {  	s28 =	rddreg [dreg:$0x1e]  }
0xe6: {  	[spmem:s2] =	stream.indirect.scatter.add.f32 [tilespmem:s25], [sflag:$0x2], $0x80, s28, s22, $0xb8;
	[tilespmem:$0x1D000] =	vst v63  }
0xe7: {  	_ =	swait.ge [sflag:s20], $0x4000  }
0xe8: {  	[sflag:s20] =	ssyncset.done $0x0  }
0xe9: {  	[sflag:s20] =	ssyncadd.s32 $0xFFFFC000  }
0xea: {  	_ =	swait.ge [sflag:s23], $0x4000  }
0xeb: {  	s10 =	rddreg [dreg:$0x1f];
	[sflag:s23] =	ssyncset.done $0x0  }
0xec: {  	s28 =	sld [smem:$0x7FC];
	[sflag:s23] =	ssyncadd.s32 $0xFFFFC000  }
0xed: {  	[tilespmem:s25], [sflag:$0x1] =	stream.indirect.gather [hbm4b:s6+s22], $0x80, s10, s22, $0xb8;
	[tilespmem:$0x1D000] =	vst v63  }
0xee: {  	_ = 	snop  }
0xef: {  	[spmem:s2] =	stream.indirect.scatter.add.f32 [tilespmem:s19], [sflag:$0x2], $0x80, s28, s22, $0xb8;
	[tilespmem:$0x1D000] =	vst v63  }
0xf0: {  	_ =	swait.ge [sflag:s20], $0x4000  }
0xf1: {  	[sflag:s20] =	ssyncset.done $0x0  }
0xf2: {  	[sflag:s20] =	ssyncadd.s32 $0xFFFFC000  }
0xf3: {  	_ =	swait.ge [sflag:s23], $0x4000  }
0xf4: {  	s11 =	rddreg [dreg:$0x5];
	[sflag:s23] =	ssyncset.done $0x0  }
0xf5: {  	[sflag:s23] =	ssyncadd.s32 $0xFFFFC000;
	p0 =	sle.u32 s11, $0x1  }
0xf6: {  	s26 =	simm.s32 @!p0 $0x80;
	s28 =	simm.s32 @!p0 $0x0;
	s29 =	simm.s32 @!p0 $0x1000  }
0xf7: {  	[tilespmem:s29], [sflag:$0x1] =	stream.indirect.gather @!p0 [hbm4b:s6+s26], $0x80, s28, s26, $0xb8;
	[tilespmem:$0x1D000] =	vst v63  }
0xf8: {  	p0 =	sne.s32 s5, $0x10  }
.Ltmp1:
0xf9: {  	_ = 	snop;
	(pc) =	sbr.rel @!p0 .LBB2_5-.Ltmp1, $4  }
0xfa: {  	_ = 	snop  }
0xfb: {  	s31 =	sld [smem:$0x7FD]  }
0xfc: {  	s30 =	sadd.s32 $0x100, s1  }
0xfd: {  	s26 =	simm.s32 $0x10;
	s28 =	simm.s32 $0x3;
	s29 =	sadd.s32 $0x100, s7  }
.LBB2_4:
0xfe: {  	[spmem:s2] =	stream.indirect.scatter.add.f32 [tilespmem:s25], [sflag:$0x2], $0x80, s31, s22, $0xb8;
	[tilespmem:$0x1D000] =	vst v63  }
0xff: {  	_ =	swait.ge [sflag:s20], $0x4000  }
0x100: {  	[sflag:s20] =	ssyncset.done $0x0  }
0x101: {  	[sflag:s20] =	ssyncadd.s32 $0xFFFFC000  }
0x102: {  	_ =	swait.ge [sflag:s23], $0x4000  }
0x103: {  	[sflag:s23] =	ssyncset.done $0x0  }
0x104: {  	[sflag:s23] =	ssyncadd.s32 $0xFFFFC000  }
0x105: {  	[tilespmem:s25], [sflag:$0x1] =	stream.indirect.gather [hbm4b:s6+s22], $0x80, s22, s22, $0xb8;
	[tilespmem:$0x1D000] =	vst v63  }
0x106: {  	_ = 	snop  }
0x107: {  	[spmem:s2] =	stream.indirect.scatter.add.f32 [tilespmem:s19], [sflag:$0x2], $0x80, s21, s22, $0xb8;
	[tilespmem:$0x1D000] =	vst v63  }
0x108: {  	_ =	swait.ge [sflag:s20], $0x4000  }
0x109: {  	[sflag:s20] =	ssyncset.done $0x0  }
0x10a: {  	[sflag:s20] =	ssyncadd.s32 $0xFFFFC000  }
0x10b: {  	_ =	swait.ge [sflag:s23], $0x4000  }
0x10c: {  	p1 =	sge.u32 s28, s3;
	[sflag:s23] =	ssyncset.done $0x0  }
0x10d: {  	s8 =	simm.s32 @!p1 $0x800;
	s0 =	rddreg [dreg:$0x6];
	[sflag:s23] =	ssyncadd.s32 $0xFFFFC000  }
0x10e: {  	[tilespmem:s19], [sflag:$0x1] =	stream.indirect.gather [hbm4b:s6+s22], $0x80, s0, s22, $0xb8;
	[tilespmem:$0x1D000] =	vst v63  }
0x10f: {  	s10 =	simm.s32 @!p1 $0x0;
	s11 =	simm.s32 @!p1 $0x2;
	s0 =	sadd.s32 @!p1 s30, s17  }
0x110: {  	[tilespmem:s8], [sflag:$0x2] =	stream.linear.gather @!p1 [hbm4b:s0+s10], $0x400, $0x38;
	[tilespmem:$0x1D000] =	vst v63  }
0x111: {  	_ =	swait.ge @!p1 [sflag:s11], $0x400  }
0x112: {  	[sflag:s11] =	ssyncset.done @!p1 $0x0  }
0x113: {  	s0 =	sadd.s32 @!p1 s29, s17;
	s8 =	simm.s32 @!p1 $0xC00;
	[sflag:s11] =	ssyncadd.s32 @!p1 $0xFFFFFC00  }
0x114: {  	[tilespmem:s8], [sflag:$0x2] =	stream.linear.gather @!p1 [hbm4b:s0+s10], $0x400, $0x38;
	[tilespmem:$0x1D000] =	vst v63  }
0x115: {  	_ =	swait.ge @!p1 [sflag:s11], $0x400  }
0x116: {  	[sflag:s11] =	ssyncset.done @!p1 $0x0  }
0x117: {  	s8 =	rddreg [dreg:$0x7];
	[sflag:s11] =	ssyncadd.s32 @!p1 $0xFFFFFC00  }
0x118: {  	[spmem:s2] =	stream.indirect.scatter.add.f32 [tilespmem:s25], [sflag:$0x2], $0x80, s8, s22, $0xb8;
	[tilespmem:$0x1D000] =	vst v63  }
0x119: {  	_ =	swait.ge [sflag:s20], $0x4000  }
0x11a: {  	[sflag:s20] =	ssyncset.done $0x0  }
0x11b: {  	[sflag:s20] =	ssyncadd.s32 $0xFFFFC000  }
0x11c: {  	_ =	swait.ge [sflag:s23], $0x4000  }
0x11d: {  	[sflag:s23] =	ssyncset.done $0x0  }
0x11e: {  	s10 =	rddreg [dreg:$0x8];
	[sflag:s23] =	ssyncadd.s32 $0xFFFFC000  }
0x11f: {  	[tilespmem:s25], [sflag:$0x1] =	stream.indirect.gather [hbm4b:s6+s22], $0x80, s10, s22, $0xb8;
	[tilespmem:$0x1D000] =	vst v63  }
0x120: {  	s11 =	rddreg [dreg:$0x9]  }
0x121: {  	[spmem:s2] =	stream.indirect.scatter.add.f32 [tilespmem:s19], [sflag:$0x2], $0x80, s11, s22, $0xb8;
	[tilespmem:$0x1D000] =	vst v63  }
0x122: {  	_ =	swait.ge [sflag:s20], $0x4000  }
0x123: {  	[sflag:s20] =	ssyncset.done $0x0  }
0x124: {  	[sflag:s20] =	ssyncadd.s32 $0xFFFFC000  }
0x125: {  	_ =	swait.ge [sflag:s23], $0x4000  }
0x126: {  	[sflag:s23] =	ssyncset.done $0x0  }
0x127: {  	s10 =	rddreg [dreg:$0xa];
	[sflag:s23] =	ssyncadd.s32 $0xFFFFC000  }
0x128: {  	[tilespmem:s19], [sflag:$0x1] =	stream.indirect.gather [hbm4b:s6+s22], $0x80, s10, s22, $0xb8;
	[tilespmem:$0x1D000] =	vst v63  }
0x129: {  	s11 =	rddreg [dreg:$0xb]  }
0x12a: {  	[spmem:s2] =	stream.indirect.scatter.add.f32 [tilespmem:s25], [sflag:$0x2], $0x80, s11, s22, $0xb8;
	[tilespmem:$0x1D000] =	vst v63  }
0x12b: {  	_ =	swait.ge [sflag:s20], $0x4000  }
0x12c: {  	[sflag:s20] =	ssyncset.done $0x0  }
0x12d: {  	[sflag:s20] =	ssyncadd.s32 $0xFFFFC000  }
0x12e: {  	_ =	swait.ge [sflag:s23], $0x4000  }
0x12f: {  	[sflag:s23] =	ssyncset.done $0x0  }
0x130: {  	s10 =	rddreg [dreg:$0xc];
	[sflag:s23] =	ssyncadd.s32 $0xFFFFC000  }
0x131: {  	[tilespmem:s25], [sflag:$0x1] =	stream.indirect.gather [hbm4b:s6+s22], $0x80, s10, s22, $0xb8;
	[tilespmem:$0x1D000] =	vst v63  }
0x132: {  	s11 =	rddreg [dreg:$0xd]  }
0x133: {  	[spmem:s2] =	stream.indirect.scatter.add.f32 [tilespmem:s19], [sflag:$0x2], $0x80, s11, s22, $0xb8;
	[tilespmem:$0x1D000] =	vst v63  }
0x134: {  	_ =	swait.ge [sflag:s20], $0x4000  }
0x135: {  	[sflag:s20] =	ssyncset.done $0x0  }
0x136: {  	[sflag:s20] =	ssyncadd.s32 $0xFFFFC000  }
0x137: {  	_ =	swait.ge [sflag:s23], $0x4000  }
0x138: {  	[sflag:s23] =	ssyncset.done $0x0  }
0x139: {  	s10 =	rddreg [dreg:$0xe];
	[sflag:s23] =	ssyncadd.s32 $0xFFFFC000  }
0x13a: {  	[tilespmem:s19], [sflag:$0x1] =	stream.indirect.gather [hbm4b:s6+s22], $0x80, s10, s22, $0xb8;
	[tilespmem:$0x1D000] =	vst v63  }
0x13b: {  	s11 =	rddreg [dreg:$0xf]  }
0x13c: {  	[spmem:s2] =	stream.indirect.scatter.add.f32 [tilespmem:s25], [sflag:$0x2], $0x80, s11, s22, $0xb8;
	[tilespmem:$0x1D000] =	vst v63  }
0x13d: {  	_ =	swait.ge [sflag:s20], $0x4000  }
0x13e: {  	[sflag:s20] =	ssyncset.done $0x0  }
0x13f: {  	[sflag:s20] =	ssyncadd.s32 $0xFFFFC000  }
0x140: {  	_ =	swait.ge [sflag:s23], $0x4000  }
0x141: {  	[sflag:s23] =	ssyncset.done $0x0  }
0x142: {  	s8 =	rddreg [dreg:$0x10];
	[sflag:s23] =	ssyncadd.s32 $0xFFFFC000  }
0x143: {  	[tilespmem:s25], [sflag:$0x1] =	stream.indirect.gather [hbm4b:s6+s22], $0x80, s8, s22, $0xb8;
	[tilespmem:$0x1D000] =	vst v63  }
0x144: {  	s10 =	rddreg [dreg:$0x11]  }
0x145: {  	[spmem:s2] =	stream.indirect.scatter.add.f32 [tilespmem:s19], [sflag:$0x2], $0x80, s10, s22, $0xb8;
	[tilespmem:$0x1D000] =	vst v63  }
0x146: {  	_ =	swait.ge [sflag:s20], $0x4000  }
0x147: {  	[sflag:s20] =	ssyncset.done $0x0  }
0x148: {  	[sflag:s20] =	ssyncadd.s32 $0xFFFFC000  }
0x149: {  	_ =	swait.ge [sflag:s23], $0x4000  }
0x14a: {  	s31 =	smov.u32 s26;
	s11 =	rddreg [dreg:$0x4];
	[sflag:s23] =	ssyncset.done $0x0  }
0x14b: {  	p1 =	sge.u32 s31, s11;
	[sflag:s23] =	ssyncadd.s32 $0xFFFFC000  }
0x14c: {  	s0 =	simm.s32 @!p1 $0x80;
	s10 =	simm.s32 @!p1 $0x800;
	s11 =	simm.s32 @!p1 $0x1000  }
0x14d: {  	[tilespmem:s11], [sflag:$0x1] =	stream.indirect.gather @!p1 [hbm4b:s6+s0], $0x80, s10, s0, $0xb8;
	[tilespmem:$0x1D000] =	vst v63  }
0x14e: {  	s8 =	rddreg [dreg:$0x12]  }
0x14f: {  	[spmem:s2] =	stream.indirect.scatter.add.f32 [tilespmem:s25], [sflag:$0x2], $0x80, s8, s22, $0xb8;
	[tilespmem:$0x1D000] =	vst v63  }
0x150: {  	_ =	swait.ge [sflag:s20], $0x4000  }
0x151: {  	[sflag:s20] =	ssyncset.done $0x0  }
0x152: {  	[sflag:s20] =	ssyncadd.s32 $0xFFFFC000  }
0x153: {  	_ =	swait.ge [sflag:s23], $0x4000  }
0x154: {  	[sflag:s23] =	ssyncset.done $0x0  }
0x155: {  	s8 =	rddreg [dreg:$0x13];
	[sflag:s23] =	ssyncadd.s32 $0xFFFFC000  }
0x156: {  	[tilespmem:s25], [sflag:$0x1] =	stream.indirect.gather [hbm4b:s6+s22], $0x80, s8, s22, $0xb8;
	[tilespmem:$0x1D000] =	vst v63  }
0x157: {  	s10 =	rddreg [dreg:$0x14]  }
0x158: {  	[spmem:s2] =	stream.indirect.scatter.add.f32 [tilespmem:s19], [sflag:$0x2], $0x80, s10, s22, $0xb8;
	[tilespmem:$0x1D000] =	vst v63  }
0x159: {  	_ =	swait.ge [sflag:s20], $0x4000  }
0x15a: {  	[sflag:s20] =	ssyncset.done $0x0  }
0x15b: {  	[sflag:s20] =	ssyncadd.s32 $0xFFFFC000  }
0x15c: {  	_ =	swait.ge [sflag:s23], $0x4000  }
0x15d: {  	s10 =	sadd.s32 $0x1, s28;
	[sflag:s23] =	ssyncset.done $0x0  }
0x15e: {  	p1 =	sge.u32 s10, s3;
	s11 =	rddreg [dreg:$0x15];
	[sflag:s23] =	ssyncadd.s32 $0xFFFFC000  }
0x15f: {  	[tilespmem:s19], [sflag:$0x1] =	stream.indirect.gather [hbm4b:s6+s22], $0x80, s11, s22, $0xb8;
	[tilespmem:$0x1D000] =	vst v63  }
0x160: {  	s8 =	sadd.s32 @!p1 s30, s18;
	s10 =	simm.s32 @!p1 $0x0;
	s0 =	simm.s32 @!p1 $0x2  }
0x161: {  	[tilespmem:s10], [sflag:$0x2] =	stream.linear.gather @!p1 [hbm4b:s8+s10], $0x400, $0x38;
	[tilespmem:$0x1D000] =	vst v63  }
0x162: {  	_ =	swait.ge @!p1 [sflag:s0], $0x400  }
0x163: {  	[sflag:s0] =	ssyncset.done @!p1 $0x0  }
0x164: {  	s11 =	simm.s32 @!p1 $0x400;
	s8 =	sadd.s32 @!p1 s29, s18;
	[sflag:s0] =	ssyncadd.s32 @!p1 $0xFFFFFC00  }
0x165: {  	[tilespmem:s11], [sflag:$0x2] =	stream.linear.gather @!p1 [hbm4b:s8+s10], $0x400, $0x38;
	[tilespmem:$0x1D000] =	vst v63  }
0x166: {  	_ =	swait.ge @!p1 [sflag:s0], $0x400  }
0x167: {  	[sflag:s0] =	ssyncset.done @!p1 $0x0  }
0x168: {  	s11 =	rddreg [dreg:$0x16];
	[sflag:s0] =	ssyncadd.s32 @!p1 $0xFFFFFC00  }
0x169: {  	[spmem:s2] =	stream.indirect.scatter.add.f32 [tilespmem:s25], [sflag:$0x2], $0x80, s11, s22, $0xb8;
	[tilespmem:$0x1D000] =	vst v63  }
0x16a: {  	_ =	swait.ge [sflag:s20], $0x4000  }
0x16b: {  	[sflag:s20] =	ssyncset.done $0x0  }
0x16c: {  	[sflag:s20] =	ssyncadd.s32 $0xFFFFC000  }
0x16d: {  	_ =	swait.ge [sflag:s23], $0x4000  }
0x16e: {  	[sflag:s23] =	ssyncset.done $0x0  }
0x16f: {  	s10 =	rddreg [dreg:$0x17];
	[sflag:s23] =	ssyncadd.s32 $0xFFFFC000  }
0x170: {  	[tilespmem:s25], [sflag:$0x1] =	stream.indirect.gather [hbm4b:s6+s22], $0x80, s10, s22, $0xb8;
	[tilespmem:$0x1D000] =	vst v63  }
0x171: {  	s11 =	rddreg [dreg:$0x18]  }
0x172: {  	[spmem:s2] =	stream.indirect.scatter.add.f32 [tilespmem:s19], [sflag:$0x2], $0x80, s11, s22, $0xb8;
	[tilespmem:$0x1D000] =	vst v63  }
0x173: {  	_ =	swait.ge [sflag:s20], $0x4000  }
0x174: {  	[sflag:s20] =	ssyncset.done $0x0  }
0x175: {  	[sflag:s20] =	ssyncadd.s32 $0xFFFFC000  }
0x176: {  	_ =	swait.ge [sflag:s23], $0x4000  }
0x177: {  	[sflag:s23] =	ssyncset.done $0x0  }
0x178: {  	s10 =	rddreg [dreg:$0x19];
	[sflag:s23] =	ssyncadd.s32 $0xFFFFC000  }
0x179: {  	[tilespmem:s19], [sflag:$0x1] =	stream.indirect.gather [hbm4b:s6+s22], $0x80, s10, s22, $0xb8;
	[tilespmem:$0x1D000] =	vst v63  }
0x17a: {  	s11 =	rddreg [dreg:$0x1a]  }
0x17b: {  	[spmem:s2] =	stream.indirect.scatter.add.f32 [tilespmem:s25], [sflag:$0x2], $0x80, s11, s22, $0xb8;
	[tilespmem:$0x1D000] =	vst v63  }
0x17c: {  	_ =	swait.ge [sflag:s20], $0x4000  }
0x17d: {  	[sflag:s20] =	ssyncset.done $0x0  }
0x17e: {  	[sflag:s20] =	ssyncadd.s32 $0xFFFFC000  }
0x17f: {  	_ =	swait.ge [sflag:s23], $0x4000  }
0x180: {  	[sflag:s23] =	ssyncset.done $0x0  }
0x181: {  	s10 =	rddreg [dreg:$0x1b];
	[sflag:s23] =	ssyncadd.s32 $0xFFFFC000  }
0x182: {  	[tilespmem:s25], [sflag:$0x1] =	stream.indirect.gather [hbm4b:s6+s22], $0x80, s10, s22, $0xb8;
	[tilespmem:$0x1D000] =	vst v63  }
0x183: {  	s11 =	rddreg [dreg:$0x1c]  }
0x184: {  	[spmem:s2] =	stream.indirect.scatter.add.f32 [tilespmem:s19], [sflag:$0x2], $0x80, s11, s22, $0xb8;
	[tilespmem:$0x1D000] =	vst v63  }
0x185: {  	_ =	swait.ge [sflag:s20], $0x4000  }
0x186: {  	[sflag:s20] =	ssyncset.done $0x0  }
0x187: {  	[sflag:s20] =	ssyncadd.s32 $0xFFFFC000  }
0x188: {  	_ =	swait.ge [sflag:s23], $0x4000  }
0x189: {  	[sflag:s23] =	ssyncset.done $0x0  }
0x18a: {  	s10 =	rddreg [dreg:$0x1d];
	[sflag:s23] =	ssyncadd.s32 $0xFFFFC000  }
0x18b: {  	[tilespmem:s19], [sflag:$0x1] =	stream.indirect.gather [hbm4b:s6+s22], $0x80, s10, s22, $0xb8;
	[tilespmem:$0x1D000] =	vst v63  }
0x18c: {  	s11 =	rddreg [dreg:$0x1e]  }
0x18d: {  	[spmem:s2] =	stream.indirect.scatter.add.f32 [tilespmem:s25], [sflag:$0x2], $0x80, s11, s22, $0xb8;
	[tilespmem:$0x1D000] =	vst v63  }
0x18e: {  	_ =	swait.ge [sflag:s20], $0x4000  }
0x18f: {  	[sflag:s20] =	ssyncset.done $0x0  }
0x190: {  	[sflag:s20] =	ssyncadd.s32 $0xFFFFC000  }
0x191: {  	_ =	swait.ge [sflag:s23], $0x4000  }
0x192: {  	[sflag:s23] =	ssyncset.done $0x0;
	s8 =	rddreg [dreg:$0x1f]  }
0x193: {  	s10 =	sld [smem:$0x7FC];
	[sflag:s23] =	ssyncadd.s32 $0xFFFFC000  }
0x194: {  	[tilespmem:s25], [sflag:$0x1] =	stream.indirect.gather [hbm4b:s6+s22], $0x80, s8, s22, $0xb8;
	[tilespmem:$0x1D000] =	vst v63  }
0x195: {  	_ = 	snop  }
0x196: {  	[spmem:s2] =	stream.indirect.scatter.add.f32 [tilespmem:s19], [sflag:$0x2], $0x80, s10, s22, $0xb8;
	[tilespmem:$0x1D000] =	vst v63  }
0x197: {  	_ =	swait.ge [sflag:s20], $0x4000  }
0x198: {  	[sflag:s20] =	ssyncset.done $0x0  }
0x199: {  	s26 =	sadd.s32 $0x10, s26;
	[sflag:s20] =	ssyncadd.s32 $0xFFFFC000  }
0x19a: {  	p0 =	sne.s32 s5, s26;
	_ =	swait.ge [sflag:s23], $0x4000  }
.Ltmp2:
0x19b: {  	s30 =	sadd.s32 $0x100, s30;
	s11 =	rddreg [dreg:$0x5];
	(pc) =	sbr.rel @p0 .LBB2_4-.Ltmp2, $4  }
0x19c: {  	s29 =	sadd.s32 $0x100, s29;
	[sflag:s23] =	ssyncset.done $0x0;
	s31 =	sld [smem:$0x7FD]  }
0x19d: {  	[sflag:s23] =	ssyncadd.s32 $0xFFFFC000;
	p1 =	sge.u32 s28, s11;
	s28 =	sadd.s32 $0x2, s28  }
0x19e: {  	s0 =	simm.s32 @!p1 $0x80;
	s8 =	simm.s32 @!p1 $0x0;
	s10 =	simm.s32 @!p1 $0x1000  }
0x19f: {  	[tilespmem:s10], [sflag:$0x1] =	stream.indirect.gather @!p1 [hbm4b:s6+s0], $0x80, s8, s0, $0xb8;
	[tilespmem:$0x1D000] =	vst v63  }
.LBB2_5:
0x1a0: {  	[spmem:s2] =	stream.indirect.scatter.add.f32 [tilespmem:s25], [sflag:$0x2], $0x80, s31, s22, $0xb8;
	[tilespmem:$0x1D000] =	vst v63  }
0x1a1: {  	s0 =	stileid.u32;
	_ =	swait.ge [sflag:s20], $0x4000  }
0x1a2: {  	s8 =	sshrl.u32 s9, $0x3;
	s4 =	sadd.s32 $0x1, s4;
	[sflag:s20] =	ssyncset.done $0x0  }
0x1a3: {  	s0 =	sshll.u32 s0, $0x6;
	p0 =	sne.s32 s4, s12;
	[sflag:s20] =	ssyncadd.s32 $0xFFFFC000  }
.Ltmp3:
0x1a4: {  	s0 =	sor.u32 $0x1C02, s0;
	[bflag:$0x0] =	sbarrier.arrive $0xFFFF;
	(pc) =	sbr.rel @p0 .LBB2_1-.Ltmp3, $4  }
0x1a5: {  	[hbm:s24], [sflag:s0] =	dma.local [spmem:s8], $0x2800  }
0x1a6: {  	_ =	swait.ge [sflag:s20], $0x2800  }
0x1a7: {  	[sflag:s20] =	ssyncset.done $0x0  }
0x1a8: {  	[sflag:s20] =	ssyncadd.s32 $0xFFFFD800  }
0x1a9: {  	_ =	sfence.sel $0x180000  }
0x1aa: {  	[bflag:$0x0] =	sbarrier.arrive $0xFFFF  }
0x1ab: {  	_ =	strace $0x9000004A  }
0x1ac: {  	s0 =	stileid.u32;
	[bflag:$0x2] =	sbarrier.arrive $0xFFFF  }
0x1ad: {  	p0 =	sne.s32 s0, $0x0;
	s0 =	rddreg [dreg:$0x3]  }
0x1ae: {  	s0 =	sadd.s32 @!p0 $0x100000, s0  }
0x1af: {  	[sflag:s0] =	ssyncadd.tile.s32 @!p0 $0x1;
	_ =	shalt  }
.Lfunc_end2:
_tile_overlayer_lowered:
.L_overlay_start_2:
0x1b0: {  	(tag) =	ssettag $0x2  }
0x1b1: {  	s0 =	rddreg [dreg:$0x0];
	s2 =	stileid.u32  }
0x1b2: {  	s1 =	rddreg [dreg:$0x1];
	p0 =	sne.s32 s2, $0x0  }
0x1b3: {  	s3 =	rddreg [dreg:$0x2];
	[bflag:$0x3] =	sbarrier.arrive $0xFFFF;
	s2 =	simm.s32 @!p0 $0x1C02  }
0x1b4: {  	[timem:s3], [sflag:s2] =	dma.local @!p0 [hbm:s0], s1  }
0x1b5: {  	s0 =	simm.s32 @!p0 $0x2  }
0x1b6: {  	_ =	swait.ge @!p0 [sflag:s0], s1  }
0x1b7: {  	s1 =	ssub.s32 @!p0 $0x0, s1;
	[sflag:s0] =	ssyncset.done @!p0 $0x0  }
0x1b8: {  	[sflag:s0] =	ssyncadd.s32 @!p0 s1  }
0x1b9: {  	[bflag:$0x3] =	sbarrier.arrive $0xFFFF  }
0x1ba: {  	_ =	shalt  }

// kernel: kernel.16.cloned.1.call-start
scs
__scs_entry_jumppad:
0x0: {  	(pc) =	sbr.rel $0x88, $3  }
0x1: {  	(tag) =	ssettag $0x0;
	lr =	simm.s32 $0x1  }
0x2: {  	[smem:$0x3F95] =	sst lr;
	_ =	strace $0xD0000000  }
0x3: {  	_ = 	snop  }
0x4: {  	_ = 	snop  }
0x5: {  	_ = 	snop  }
0x6: {  	_ = 	snop  }
0x7: {  	_ = 	snop  }
__scs_overlays_trampoline_lowered:
0x8: {  	[smem:$0x3FA4] =	sst s0  }
0x9: {  	[smem:$0x3FA5] =	sst s1  }
0xa: {  	[smem:$0x3FA6] =	sst s2  }
0xb: {  	[smem:$0x3FA7] =	sst s3  }
0xc: {  	[smem:$0x3FA8] =	sst s4  }
0xd: {  	[smem:$0x3FA9] =	sst s5  }
0xe: {  	[smem:$0x3FAA] =	sst s6  }
0xf: {  	[smem:$0x3FAB] =	sst s7  }
0x10: {  	[smem:$0x3FAC] =	sst s8  }
0x11: {  	[smem:$0x3FAD] =	sst s9;
	s0 =	simm.s32 @!p0 $0x0  }
0x12: {  	s1 =	sld [smem:$0x3F93];
	s0 =	simm.s32 @p0 $0x1  }
0x13: {  	[smem:$0x3FAE] =	sst s0;
	s0 =	simm.s32 @!p1 $0x0  }
0x14: {  	s2 =	sld [smem:$0x3F92];
	s0 =	simm.s32 @p1 $0x1  }
0x15: {  	[smem:$0x3FAF] =	sst s0;
	s0 =	simm.s32 @!p2 $0x0  }
0x16: {  	s3 =	sld [smem:$0x3FDB];
	s0 =	simm.s32 @p2 $0x1  }
0x17: {  	s4 =	simm.s32 $0x1BF5;
	[smem:$0x3FB1] =	sst s0  }
0x18: {  	s0 =	sld [smem:$0x3F94];
	_ =	swait.ge [sflag:s4], $0x0  }
0x19: {  	s7 =	sld [smem:$0x3F95]  }
0x1a: {  	s8 =	sadd.s32 $0xFFFFE003, lr  }
0x1b: {  	s9 =	sadd.s32 $0xFFFFFEF7, lr;
	s5 =	simm.s32 $0xFFFFFFFF;
	p2 =	slt.u32 s8, $0xFFFFF086  }
0x1c: {  	p1 =	slt.u32 s9, $0xF7A;
	s5 =	simm.s32 @!p2 $0x0  }
0x1d: {  	s5 =	simm.s32 @p1 $0x1;
	p0 =	seq.s32 s7, s2  }
0x1e: {  	s7 =	smul.u32 @!p0 $0xF7A, s2;
	p2 =	seq.s32 @!p0 s5, $0x0  }
0x1f: {  	s9 =	smul.u32 $0xF7A, s1;
	s8 =	simm.s32 @!p0 $0x1BF5;
	p2 =	por !p2, p0  }
0x20: {  	[sflag:s8] =	ssyncset.s32 @!p0 $0xFFFFF086;
	s6 =	sadd.s32 @!p0 s3, s7;
	s7 =	simm.s32 @!p0 $0x108  }
0x21: {  	s3 =	sadd.s32 s3, s9;
	s6 =	sadd.s32 @!p0 $0x88, s6;
	s7 =	simm.s32 @p2 $0x1082  }
0x22: {  	[simem:s7], [sflag:s8] =	dma.local @!p0 [hbm:s6], $0xF7A  }
0x23: {  	s9 =	sor.u32 $0xD0000000, s2;
	s6 =	simm.s32 $0x108;
	_ =	swait.ge @!p0 [sflag:s8], $0x0  }
0x24: {  	s3 =	sadd.s32 $0x88, s3;
	s6 =	simm.s32 @!p1 $0x1082;
	[sflag:s4] =	ssyncset.s32 $0xFFFFF086  }
0x25: {  	[simem:s6], [sflag:s4] =	dma.local [hbm:s3], $0xF7A  }
0x26: {  	[smem:$0x3F95] =	sst s1;
	(tag) =	ssettag s2;
	_ =	strace s9  }
0x27: {  	s1 =	sld [smem:$0x3FA5]  }
0x28: {  	s2 =	sld [smem:$0x3FA6]  }
0x29: {  	s4 =	sld [smem:$0x3FA8]  }
0x2a: {  	p0 =	seq.s32 s5, $0x0;
	s5 =	sld [smem:$0x3FA9]  }
0x2b: {  	s6 =	sld [smem:$0x3FAA]  }
0x2c: {  	s7 =	sld [smem:$0x3FAB]  }
0x2d: {  	s3 =	simm.s32 $0x108;
	s8 =	sld [smem:$0x3FAC]  }
0x2e: {  	s3 =	simm.s32 @!p0 $0x1082;
	s9 =	sld [smem:$0x3FAD]  }
0x2f: {  	lr =	sadd.s32 s0, s3;
	s0 =	sld [smem:$0x3FA4]  }
0x30: {  	s3 =	sld [smem:$0x3FA7]  }
0x31: {  	[smem:$0x3FB0] =	sst s10  }
0x32: {  	s10 =	sld [smem:$0x3FAE];
	_ =	sdelay $0x3  }
0x33: {  	p0 =	seq.s32 s10, $0x1;
	s10 =	sld [smem:$0x3FB0];
	_ =	sdelay $0x3  }
0x34: {  	[smem:$0x3FB0] =	sst s10  }
0x35: {  	s10 =	sld [smem:$0x3FAF];
	_ =	sdelay $0x3  }
0x36: {  	p1 =	seq.s32 s10, $0x1;
	s10 =	sld [smem:$0x3FB0];
	_ =	sdelay $0x3  }
0x37: {  	[smem:$0x3FB0] =	sst s10  }
0x38: {  	s10 =	sld [smem:$0x3FB1]  }
0x39: {  	_ = 	snop;
	(pc) =	sbr.ind lr, $3  }
0x3a: {  	_ = 	snop  }
0x3b: {  	_ = 	snop  }
0x3c: {  	p2 =	seq.s32 s10, $0x1;
	s10 =	sld [smem:$0x3FB0]  }
0x3d: {  	_ =	shalt  }
0x3e: {  	_ =	shalt  }
0x3f: {  	_ =	shalt  }
0x40: {  	_ =	shalt  }
0x41: {  	_ =	shalt  }
0x42: {  	_ =	shalt  }
0x43: {  	_ =	shalt  }
0x44: {  	_ =	shalt  }
0x45: {  	_ =	shalt  }
0x46: {  	_ =	shalt  }
0x47: {  	_ =	shalt  }
0x48: {  	_ =	shalt  }
0x49: {  	_ =	shalt  }
0x4a: {  	_ =	shalt  }
0x4b: {  	_ =	shalt  }
0x4c: {  	_ =	shalt  }
0x4d: {  	_ =	shalt  }
0x4e: {  	_ =	shalt  }
0x4f: {  	_ =	shalt  }
0x50: {  	_ =	shalt  }
0x51: {  	_ =	shalt  }
0x52: {  	_ =	shalt  }
0x53: {  	_ =	shalt  }
0x54: {  	_ =	shalt  }
0x55: {  	_ =	shalt  }
0x56: {  	_ =	shalt  }
0x57: {  	_ =	shalt  }
0x58: {  	_ =	shalt  }
0x59: {  	_ =	shalt  }
0x5a: {  	_ =	shalt  }
0x5b: {  	_ =	shalt  }
0x5c: {  	_ =	shalt  }
0x5d: {  	_ =	shalt  }
0x5e: {  	_ =	shalt  }
0x5f: {  	_ =	shalt  }
0x60: {  	_ =	shalt  }
0x61: {  	_ =	shalt  }
0x62: {  	_ =	shalt  }
0x63: {  	_ =	shalt  }
0x64: {  	_ =	shalt  }
0x65: {  	_ =	shalt  }
0x66: {  	_ =	shalt  }
0x67: {  	_ =	shalt  }
0x68: {  	_ =	shalt  }
0x69: {  	_ =	shalt  }
0x6a: {  	_ =	shalt  }
0x6b: {  	_ =	shalt  }
0x6c: {  	_ =	shalt  }
0x6d: {  	_ =	shalt  }
0x6e: {  	_ =	shalt  }
0x6f: {  	_ =	shalt  }
0x70: {  	_ =	shalt  }
0x71: {  	_ =	shalt  }
0x72: {  	_ =	shalt  }
0x73: {  	_ =	shalt  }
0x74: {  	_ =	shalt  }
0x75: {  	_ =	shalt  }
0x76: {  	_ =	shalt  }
0x77: {  	_ =	shalt  }
0x78: {  	_ =	shalt  }
0x79: {  	_ =	shalt  }
0x7a: {  	_ =	shalt  }
0x7b: {  	_ =	shalt  }
0x7c: {  	_ =	shalt  }
0x7d: {  	_ =	shalt  }
0x7e: {  	_ =	shalt  }
0x7f: {  	_ =	shalt  }
0x80: {  	_ =	shalt  }
0x81: {  	_ =	shalt  }
0x82: {  	_ =	shalt  }
0x83: {  	_ =	shalt  }
0x84: {  	_ =	shalt  }
0x85: {  	_ =	shalt  }
0x86: {  	_ =	shalt  }
0x87: {  	_ =	shalt  }
.Lfunc_end0:
.L_simem_size_0:
called_computation.2_lowered:
.L_overlay_start_0:
0x88: {  	s2 =	sld [smem:$0x3FD9]  }
0x89: {  	s3 =	sld [smem:$0x3FFE];
	_ =	sdelay $0x1  }
0x8a: {  	s1 =	srdreg.scid  }
0x8b: {  	s0 =	sand.u32 $0x1, s1  }
0x8c: {  	s17 =	sshll.u32 s0, $0xA;
	s2 =	sadd.s32 s3, s2  }
0x8d: {  	s2 =	sadd.s32 s2, s17  }
0x8e: {  	[smem:$0x3FBC] =	sst s2  }
0x8f: {  	_ = 	snop  }
0x90: {  	s2 =	sld [smem:$0x3FD0];
	(tm) =	ssettm $0x1  }
0x91: {  	s18 =	sld [smem:$0x3FFB];
	_ =	sdelay $0x3  }
0x92: {  	_ =	strace s18  }
0x93: {  	s3 =	sld [smem:$0x3FFC];
	_ =	sdelay $0x3  }
0x94: {  	_ =	strace s3  }
0x95: {  	s3 =	sld [smem:$0x3FFD];
	_ =	sdelay $0x3  }
0x96: {  	_ =	strace s3  }
0x97: {  	_ =	strace $0x8FFFFFFF  }
0x98: {  	s19 =	sld [smem:$0x3FDB];
	_ =	sdelay $0x1  }
0x99: {  	s4 =	simm.s32 $_scs_section_size  }
0x9a: {  	s5 =	simm.s32 $_size__tile_overlayer_lowered;
	s6 =	simm.s32 $_tile_overlayer_lowered  }
0x9b: {  	s22 =	simm.s32 $0x1BFF;
	s21 =	sshll.u32 s6, $0x1;
	s3 =	sadd.s32 s4, s19  }
0x9c: {  	s7 =	simm.s32 $0x0;
	s20 =	sshll.u32 s5, $0x1;
	s5 =	sadd.s32 s21, s3  }
0x9d: {  	[timem:s7], [sflag:s22] =	dma.local [hbm:s5], s20  }
0x9e: {  	_ =	swait.ge [sflag:s22], s20  }
0x9f: {  	s4 =	ssub.s32 $0x0, s20;
	[sflag:s22] =	ssyncset.done $0x0  }
0xa0: {  	[sflag:s22] =	ssyncadd.s32 s4;
	_ =	sdelay $0x1  }
0xa1: {  	s23 =	simm.s32 $0x1B8B  }
0xa2: {  	_ =	swait.ge [sflag:s23], $0x1  }
0xa3: {  	[sflag:s23] =	ssyncset.done $0x0  }
0xa4: {  	s25 =	simm.s32 $0x1B8E;
	s24 =	sld [smem:$0x3FFE];
	[sflag:s23] =	ssyncadd.s32 $0xFFFFFFFF  }
0xa5: {  	s26 =	simm.s32 $execute0_lowered;
	[smem:$0x3FD2] =	sst s25  }
0xa6: {  	s5 =	sshll.u32 s26, $0x1;
	_ =	strace $0x8000004C;
	[dreg:$0x1] =	wrdreg $0xFFFFFFFF  }
0xa7: {  	s28 =	simm.s32 $_size_execute0_lowered;
	s3 =	sadd.s32 s3, s5;
	[dreg:$0x0] =	wrdreg $0x0  }
0xa8: {  	s5 =	sshll.u32 s28, $0x1;
	[dreg:$0x2] =	wrdreg s3  }
0xa9: {  	[dreg:$0x3] =	wrdreg s5  }
0xaa: {  	[dreg:$0x4] =	wrdreg $0xC0  }
0xab: {  	_ =	task [dreg:s7], $0x5FFFF  }
0xac: {  	[dreg:$0x1] =	wrdreg $0xFFFFFFFF  }
0xad: {  	[dreg:$0x0] =	wrdreg $0x60  }
0xae: {  	[dreg:$0x2] =	wrdreg s24  }
0xaf: {  	[dreg:$0x3] =	wrdreg s2  }
0xb0: {  	[dreg:$0x4] =	wrdreg $0x90000  }
0xb1: {  	[dreg:$0x5] =	wrdreg $0x9  }
0xb2: {  	_ =	task.clear_ibuf [dreg:s7], $0x6FFFF;
	_ =	strace $0x9000004C  }
0xb3: {  	s29 =	simm.s32 $0x9;
	_ =	strace $0x8000004E  }
0xb4: {  	_ =	swait.ge [sflag:s29], $0x1  }
0xb5: {  	[sflag:s29] =	ssyncadd.s32 $0xFFFFFFFF  }
0xb6: {  	_ =	strace $0x9000004E  }
0xb7: {  	_ =	sfence  }
0xb8: {  	s30 =	sld [smem:$0x0];
	_ =	sdelay $0x2  }
0xb9: {  	s31 =	sshll.u32 s1, $0xD;
	s1 =	sshrl.u32 s1, $0x2  }
0xba: {  	s3 =	sand.u32 $0x4000, s31;
	s1 =	sadd.s32 s1, s30  }
0xbb: {  	s0 =	sor.u32 s3, s0;
	s1 =	sshll.u32 s1, $0x11  }
0xbc: {  	s0 =	sor.u32 s1, s0  }
0xbd: {  	s0 =	sadd.s32 $0x8F2B, s0  }
0xbe: {  	[sflag:s0] =	ssyncadd.remote.s32 $0x1  }
0xbf: {  	_ =	sfence.sel $0xFFFF  }
0xc0: {  	[dreg:$0x0] =	wrdreg $0xFFFFFFFF;
	(pc) =	sbr.abs _section_cstart, $3  }
0xc1: {  	[dreg:$0x1] =	wrdreg $0xFFFFFFFF  }
0xc2: {  	_ =	task.clear_ibuf [dreg:s7], $0x2FFFF;
	_ =	strace $0x9FFFFFFF  }
0xc3: {  	(tm) =	ssettm $0x7FFFFFFF  }
tec
execute0_lowered:
.L_overlay_start_1:
0x0: {  	(tag) =	ssettag $0x1  }
0x1: {  	s8 =	rddreg [dreg:$0x0]  }
0x2: {  	s1 =	rddreg [dreg:$0x1]  }
0x3: {  	s2 =	rddreg [dreg:$0x2];
	s4 =	simm.s32 $0x0  }
0x4: {  	s11 =	simm.s32 $0x100;
	[smem:$0x7FF] =	sst s4  }
0x5: {  	s24 =	simm.s32 $0x480;
	_ =	strace $0x8000004D;
	[dreg:$0x6] =	wrdreg s11  }
0x6: {  	s25 =	simm.s32 $0x180;
	[dreg:$0x7] =	wrdreg s24  }
0x7: {  	s26 =	simm.s32 $0x500;
	[dreg:$0x8] =	wrdreg s25  }
0x8: {  	s28 =	simm.s32 $0x200;
	[dreg:$0x9] =	wrdreg s26  }
0x9: {  	s30 =	simm.s32 $0x580;
	[dreg:$0xa] =	wrdreg s28  }
0xa: {  	s31 =	simm.s32 $0x280;
	[dreg:$0xb] =	wrdreg s30  }
0xb: {  	s14 =	simm.s32 $0x600;
	[dreg:$0xc] =	wrdreg s31  }
0xc: {  	s15 =	simm.s32 $0x300;
	[dreg:$0xd] =	wrdreg s14  }
0xd: {  	s16 =	simm.s32 $0x680;
	[dreg:$0xe] =	wrdreg s15  }
0xe: {  	s17 =	simm.s32 $0x380;
	[dreg:$0xf] =	wrdreg s16  }
0xf: {  	s0 =	srdreg.scid;
	s18 =	simm.s32 $0x700;
	[dreg:$0x10] =	wrdreg s17  }
0x10: {  	s3 =	simm.s32 $0xE;
	s20 =	simm.s32 $0x780;
	[dreg:$0x11] =	wrdreg s18  }
0x11: {  	s21 =	simm.s32 $0x880;
	s22 =	simm.s32 $0xC00;
	[dreg:$0x12] =	wrdreg s20  }
0x12: {  	s9 =	sand.u32 $0x1, s0;
	s6 =	sadd.s32 $0xDE00, s8;
	[dreg:$0x13] =	wrdreg s21  }
0x13: {  	s0 =	stileid.u32;
	[dreg:$0x14] =	wrdreg s22;
	s24 =	simm.s32 $0x900  }
0x14: {  	p0 =	seq.s32 s9, $0x0;
	s26 =	simm.s32 $0xC80;
	[dreg:$0x15] =	wrdreg s24  }
0x15: {  	s10 =	smul.u32 $0x28000, s9;
	s28 =	simm.s32 $0x980;
	[dreg:$0x16] =	wrdreg s26  }
0x16: {  	s9 =	ssub.s32 $0x2, s9;
	s30 =	simm.s32 $0xA00;
	[dreg:$0x17] =	wrdreg s28  }
0x17: {  	s11 =	smul.u32 $0x70, s0;
	s15 =	simm.s32 $0xD80;
	[dreg:$0x19] =	wrdreg s30  }
0x18: {  	s14 =	smul.u32 $0x50000, s0;
	s16 =	simm.s32 $0xA80;
	[dreg:$0x1a] =	wrdreg s15  }
0x19: {  	s17 =	simm.s32 $0xE00;
	s31 =	simm.s32 $0xE80;
	[dreg:$0x1b] =	wrdreg s16  }
0x1a: {  	s20 =	simm.s32 $0xB80;
	s21 =	simm.s32 $0xF00;
	[dreg:$0x1c] =	wrdreg s17  }
0x1b: {  	s22 =	simm.s32 $0x80;
	s3 =	simm.s32 @!p0 $0x6;
	[dreg:$0x1e] =	wrdreg s31  }
0x1c: {  	s29 =	sshrl.u32 s9, $0x1;
	[dreg:$0x1f] =	wrdreg s20;
	s20 =	simm.s32 $0x2  }
0x1d: {  	[smem:$0x7FC] =	sst s21;
	s21 =	simm.s32 $0x400;
	s5 =	sshll.u32 s3, $0x3  }
0x1e: {  	s23 =	sadd.s32 $0xFFFFFFFF, s3;
	s12 =	sadd.s32 s10, s8;
	s13 =	ssub.s32 s9, s29  }
0x1f: {  	s19 =	sshrl.u32 s14, $0x2;
	s29 =	simm.s32 $0xD00;
	s7 =	sadd.s32 $0xFFFFFFF8, s5  }
0x20: {  	[dreg:$0x4] =	wrdreg s7;
	s7 =	sadd.s32 $0x3E00, s8;
	s8 =	smul.u32 $0x30, s0  }
0x21: {  	[dreg:$0x5] =	wrdreg s23;
	s9 =	sadd.s32 s19, s2;
	s24 =	sadd.s32 $0x35000, s12  }
0x22: {  	s12 =	smax.u32 s13, $0x1;
	[dreg:$0x18] =	wrdreg s29;
	s10 =	sadd.s32 $0x700, s8  }
0x23: {  	s19 =	simm.s32 $0xB00;
	s13 =	sadd.s32 $0x4000, s9;
	s10 =	smov.u32 @p0 s11  }
0x24: {  	s14 =	sadd.s32 $0x8000, s9;
	s15 =	sadd.s32 $0xC000, s9;
	s18 =	sshll.u32 s10, $0x4  }
0x25: {  	s16 =	sadd.s32 $0x10000, s9;
	[dreg:$0x1d] =	wrdreg s19;
	s23 =	sadd.s32 s1, s18  }
0x26: {  	s19 =	simm.s32 $0x1000;
	s25 =	sadd.s32 s7, s18;
	[smem:$0x7FA] =	sst s23  }
0x27: {  	[smem:$0x7FB] =	sst s25;
	s25 =	smul.u32 $0x2800, s0;
	s23 =	simm.s32 $0xF80  }
0x28: {  	s17 =	sor.u32 $0x80, s18;
	s18 =	sadd.s32 $0x100, s18;
	[smem:$0x7FD] =	sst s23  }
0x29: {  	v0 =	vimm.f32 $0.0e+00;
	s23 =	simm.s32 $0x1;
	s24 =	sadd.s32 s25, s24;
	s25 =	simm.s32 $0x5000  }
.LBB2_1:
0x2a: {  	s26 =	simm.s32 $0x0;
	s28 =	simm.s32 $0x200  }
.LBB2_2:
0x2b: {  	p0 =	sne.s32 s28, $0xFE00;
	[tilespmem:s26+$0x1070] =	vst v0  }
0x2c: {  	[tilespmem:s26+$0x1000] =	vst v0  }
0x2d: {  	[tilespmem:s26+$0x1010] =	vst v0  }
.Ltmp0:
0x2e: {  	[tilespmem:s26+$0x1020] =	vst v0;
	(pc) =	sbr.rel @p0 .LBB2_2-.Ltmp0, $4  }
0x2f: {  	[tilespmem:s26+$0x1030] =	vst v0  }
0x30: {  	[tilespmem:s26+$0x1040] =	vst v0  }
0x31: {  	[tilespmem:s26+$0x1050] =	vst v0  }
0x32: {  	[tilespmem:s26+$0x1060] =	vst v0;
	s26 =	sshra.s32 s28, $0x2;
	s28 =	sadd.s32 $0x200, s28  }
0x33: {  	[tilespmem:s26+$0x1070] =	vst v0  }
0x34: {  	[tilespmem:s26+$0x1000] =	vst v0  }
0x35: {  	[tilespmem:s26+$0x1010] =	vst v0  }
0x36: {  	[tilespmem:s26+$0x1020] =	vst v0  }
0x37: {  	[tilespmem:s26+$0x1030] =	vst v0  }
0x38: {  	[tilespmem:s26+$0x1040] =	vst v0  }
0x39: {  	[tilespmem:s26+$0x1050] =	vst v0  }
0x3a: {  	[tilespmem:s26+$0x1060] =	vst v0  }
0x3b: {  	[spmem:s9] =	stream.linear.scatter [tilespmem:s19], [sflag:$0x2], $0x4000, $0x38;
	[tilespmem:$0x1D000] =	vst v63  }
0x3c: {  	_ =	swait.ge [sflag:s20], $0x4000  }
0x3d: {  	[sflag:s20] =	ssyncset.done $0x0  }
0x3e: {  	[sflag:s20] =	ssyncadd.s32 $0xFFFFC000  }
0x3f: {  	[spmem:s13] =	stream.linear.scatter [tilespmem:s19], [sflag:$0x2], $0x4000, $0x38;
	[tilespmem:$0x1D000] =	vst v63  }
0x40: {  	_ =	swait.ge [sflag:s20], $0x4000  }
0x41: {  	[sflag:s20] =	ssyncset.done $0x0  }
0x42: {  	[sflag:s20] =	ssyncadd.s32 $0xFFFFC000  }
0x43: {  	[spmem:s14] =	stream.linear.scatter [tilespmem:s19], [sflag:$0x2], $0x4000, $0x38;
	[tilespmem:$0x1D000] =	vst v63  }
0x44: {  	_ =	swait.ge [sflag:s20], $0x4000  }
0x45: {  	[sflag:s20] =	ssyncset.done $0x0  }
0x46: {  	[sflag:s20] =	ssyncadd.s32 $0xFFFFC000  }
0x47: {  	[spmem:s15] =	stream.linear.scatter [tilespmem:s19], [sflag:$0x2], $0x4000, $0x38;
	[tilespmem:$0x1D000] =	vst v63  }
0x48: {  	_ =	swait.ge [sflag:s20], $0x4000  }
0x49: {  	[sflag:s20] =	ssyncset.done $0x0  }
0x4a: {  	[sflag:s20] =	ssyncadd.s32 $0xFFFFC000  }
0x4b: {  	[spmem:s16] =	stream.linear.scatter [tilespmem:s19], [sflag:$0x2], $0x4000, $0x38;
	[tilespmem:$0x1D000] =	vst v63  }
0x4c: {  	_ =	swait.ge [sflag:s20], $0x4000  }
0x4d: {  	s0 =	sld [smem:$0x7FA]  }
0x4e: {  	[sflag:s20] =	ssyncset.done $0x0  }
0x4f: {  	s8 =	simm.s32 $0x0;
	[sflag:s20] =	ssyncadd.s32 $0xFFFFC000  }
0x50: {  	[tilespmem:s8], [sflag:$0x2] =	stream.linear.gather [hbm4b:s0+s8], $0x400, $0x38;
	[tilespmem:$0x1D000] =	vst v63  }
0x51: {  	_ =	swait.ge [sflag:s20], $0x400  }
0x52: {  	s10 =	sld [smem:$0x7FB]  }
0x53: {  	[sflag:s20] =	ssyncset.done $0x0  }
0x54: {  	[sflag:s20] =	ssyncadd.s32 $0xFFFFFC00  }
0x55: {  	[tilespmem:s21], [sflag:$0x2] =	stream.linear.gather [hbm4b:s10+s8], $0x400, $0x38;
	[tilespmem:$0x1D000] =	vst v63  }
0x56: {  	_ =	swait.ge [sflag:s20], $0x400  }
0x57: {  	[sflag:s20] =	ssyncset.done $0x0  }
0x58: {  	[sflag:s20] =	ssyncadd.s32 $0xFFFFFC00  }
0x59: {  	[bflag:$0x0] =	sbarrier.arrive $0xFFFF  }
0x5a: {  	[tilespmem:s19], [sflag:$0x1] =	stream.indirect.gather [hbm4b:s6+s22], $0x80, s8, s22, $0xb8;
	[tilespmem:$0x1D000] =	vst v63  }
0x5b: {  	_ =	swait.ge [sflag:s23], $0x4000  }
0x5c: {  	[sflag:s23] =	ssyncset.done $0x0  }
0x5d: {  	[sflag:s23] =	ssyncadd.s32 $0xFFFFC000  }
0x5e: {  	[tilespmem:s25], [sflag:$0x1] =	stream.indirect.gather [hbm4b:s6+s22], $0x80, s22, s22, $0xb8;
	[tilespmem:$0x1D000] =	vst v63  }
0x5f: {  	_ = 	snop  }
0x60: {  	[spmem:s2] =	stream.indirect.scatter.add.f32 [tilespmem:s19], [sflag:$0x2], $0x80, s21, s22, $0xb8;
	[tilespmem:$0x1D000] =	vst v63  }
0x61: {  	_ =	swait.ge [sflag:s20], $0x4000  }
0x62: {  	[sflag:s20] =	ssyncset.done $0x0  }
0x63: {  	[sflag:s20] =	ssyncadd.s32 $0xFFFFC000  }
0x64: {  	_ =	swait.ge [sflag:s23], $0x4000  }
0x65: {  	p0 =	sle.u32 s3, $0x1;
	[sflag:s23] =	ssyncset.done $0x0  }
0x66: {  	s28 =	simm.s32 @!p0 $0x800;
	s11 =	rddreg [dreg:$0x6];
	[sflag:s23] =	ssyncadd.s32 $0xFFFFC000  }
0x67: {  	[tilespmem:s19], [sflag:$0x1] =	stream.indirect.gather [hbm4b:s6+s22], $0x80, s11, s22, $0xb8;
	[tilespmem:$0x1D000] =	vst v63  }
0x68: {  	s26 =	sadd.s32 @!p0 s1, s17;
	s29 =	simm.s32 @!p0 $0x0;
	s30 =	simm.s32 @!p0 $0x2  }
0x69: {  	[tilespmem:s28], [sflag:$0x2] =	stream.linear.gather @!p0 [hbm4b:s26+s29], $0x400, $0x38;
	[tilespmem:$0x1D000] =	vst v63  }
0x6a: {  	_ =	swait.ge @!p0 [sflag:s30], $0x400  }
0x6b: {  	[sflag:s30] =	ssyncset.done @!p0 $0x0  }
0x6c: {  	s26 =	sadd.s32 @!p0 s7, s17;
	s28 =	simm.s32 @!p0 $0xC00;
	[sflag:s30] =	ssyncadd.s32 @!p0 $0xFFFFFC00  }
0x6d: {  	[tilespmem:s28], [sflag:$0x2] =	stream.linear.gather @!p0 [hbm4b:s26+s29], $0x400, $0x38;
	[tilespmem:$0x1D000] =	vst v63  }
0x6e: {  	_ =	swait.ge @!p0 [sflag:s30], $0x400  }
0x6f: {  	[sflag:s30] =	ssyncset.done @!p0 $0x0  }
0x70: {  	s0 =	rddreg [dreg:$0x7];
	[sflag:s30] =	ssyncadd.s32 @!p0 $0xFFFFFC00  }
0x71: {  	[spmem:s2] =	stream.indirect.scatter.add.f32 [tilespmem:s25], [sflag:$0x2], $0x80, s0, s22, $0xb8;
	[tilespmem:$0x1D000] =	vst v63  }
0x72: {  	_ =	swait.ge [sflag:s20], $0x4000  }
0x73: {  	[sflag:s20] =	ssyncset.done $0x0  }
0x74: {  	[sflag:s20] =	ssyncadd.s32 $0xFFFFC000  }
0x75: {  	_ =	swait.ge [sflag:s23], $0x4000  }
0x76: {  	[sflag:s23] =	ssyncset.done $0x0  }
0x77: {  	s8 =	rddreg [dreg:$0x8];
	[sflag:s23] =	ssyncadd.s32 $0xFFFFC000  }
0x78: {  	[tilespmem:s25], [sflag:$0x1] =	stream.indirect.gather [hbm4b:s6+s22], $0x80, s8, s22, $0xb8;
	[tilespmem:$0x1D000] =	vst v63  }
0x79: {  	s28 =	rddreg [dreg:$0x9]  }
0x7a: {  	[spmem:s2] =	stream.indirect.scatter.add.f32 [tilespmem:s19], [sflag:$0x2], $0x80, s28, s22, $0xb8;
	[tilespmem:$0x1D000] =	vst v63  }
0x7b: {  	_ =	swait.ge [sflag:s20], $0x4000  }
0x7c: {  	[sflag:s20] =	ssyncset.done $0x0  }
0x7d: {  	[sflag:s20] =	ssyncadd.s32 $0xFFFFC000  }
0x7e: {  	_ =	swait.ge [sflag:s23], $0x4000  }
0x7f: {  	[sflag:s23] =	ssyncset.done $0x0  }
0x80: {  	s10 =	rddreg [dreg:$0xa];
	[sflag:s23] =	ssyncadd.s32 $0xFFFFC000  }
0x81: {  	[tilespmem:s19], [sflag:$0x1] =	stream.indirect.gather [hbm4b:s6+s22], $0x80, s10, s22, $0xb8;
	[tilespmem:$0x1D000] =	vst v63  }
0x82: {  	s28 =	rddreg [dreg:$0xb]  }
0x83: {  	[spmem:s2] =	stream.indirect.scatter.add.f32 [tilespmem:s25], [sflag:$0x2], $0x80, s28, s22, $0xb8;
	[tilespmem:$0x1D000] =	vst v63  }
0x84: {  	_ =	swait.ge [sflag:s20], $0x4000  }
0x85: {  	[sflag:s20] =	ssyncset.done $0x0  }
0x86: {  	[sflag:s20] =	ssyncadd.s32 $0xFFFFC000  }
0x87: {  	_ =	swait.ge [sflag:s23], $0x4000  }
0x88: {  	[sflag:s23] =	ssyncset.done $0x0  }
0x89: {  	s11 =	rddreg [dreg:$0xc];
	[sflag:s23] =	ssyncadd.s32 $0xFFFFC000  }
0x8a: {  	[tilespmem:s25], [sflag:$0x1] =	stream.indirect.gather [hbm4b:s6+s22], $0x80, s11, s22, $0xb8;
	[tilespmem:$0x1D000] =	vst v63  }
0x8b: {  	s28 =	rddreg [dreg:$0xd]  }
0x8c: {  	[spmem:s2] =	stream.indirect.scatter.add.f32 [tilespmem:s19], [sflag:$0x2], $0x80, s28, s22, $0xb8;
	[tilespmem:$0x1D000] =	vst v63  }
0x8d: {  	_ =	swait.ge [sflag:s20], $0x4000  }
0x8e: {  	[sflag:s20] =	ssyncset.done $0x0  }
0x8f: {  	[sflag:s20] =	ssyncadd.s32 $0xFFFFC000  }
0x90: {  	_ =	swait.ge [sflag:s23], $0x4000  }
0x91: {  	[sflag:s23] =	ssyncset.done $0x0  }
0x92: {  	s0 =	rddreg [dreg:$0xe];
	[sflag:s23] =	ssyncadd.s32 $0xFFFFC000  }
0x93: {  	[tilespmem:s19], [sflag:$0x1] =	stream.indirect.gather [hbm4b:s6+s22], $0x80, s0, s22, $0xb8;
	[tilespmem:$0x1D000] =	vst v63  }
0x94: {  	s28 =	rddreg [dreg:$0xf]  }
0x95: {  	[spmem:s2] =	stream.indirect.scatter.add.f32 [tilespmem:s25], [sflag:$0x2], $0x80, s28, s22, $0xb8;
	[tilespmem:$0x1D000] =	vst v63  }
0x96: {  	_ =	swait.ge [sflag:s20], $0x4000  }
0x97: {  	[sflag:s20] =	ssyncset.done $0x0  }
0x98: {  	[sflag:s20] =	ssyncadd.s32 $0xFFFFC000  }
0x99: {  	_ =	swait.ge [sflag:s23], $0x4000  }
0x9a: {  	[sflag:s23] =	ssyncset.done $0x0  }
0x9b: {  	s8 =	rddreg [dreg:$0x10];
	[sflag:s23] =	ssyncadd.s32 $0xFFFFC000  }
0x9c: {  	[tilespmem:s25], [sflag:$0x1] =	stream.indirect.gather [hbm4b:s6+s22], $0x80, s8, s22, $0xb8;
	[tilespmem:$0x1D000] =	vst v63  }
0x9d: {  	s28 =	rddreg [dreg:$0x11]  }
0x9e: {  	[spmem:s2] =	stream.indirect.scatter.add.f32 [tilespmem:s19], [sflag:$0x2], $0x80, s28, s22, $0xb8;
	[tilespmem:$0x1D000] =	vst v63  }
0x9f: {  	_ =	swait.ge [sflag:s20], $0x4000  }
0xa0: {  	[sflag:s20] =	ssyncset.done $0x0  }
0xa1: {  	[sflag:s20] =	ssyncadd.s32 $0xFFFFC000  }
0xa2: {  	_ =	swait.ge [sflag:s23], $0x4000  }
0xa3: {  	s10 =	rddreg [dreg:$0x4];
	[sflag:s23] =	ssyncset.done $0x0  }
0xa4: {  	p0 =	sle.u32 s10, $0x0;
	[sflag:s23] =	ssyncadd.s32 $0xFFFFC000  }
0xa5: {  	s26 =	simm.s32 @!p0 $0x80;
	s29 =	simm.s32 @!p0 $0x800;
	s30 =	simm.s32 @!p0 $0x1000  }
0xa6: {  	[tilespmem:s30], [sflag:$0x1] =	stream.indirect.gather @!p0 [hbm4b:s6+s26], $0x80, s29, s26, $0xb8;
	[tilespmem:$0x1D000] =	vst v63  }
0xa7: {  	s28 =	rddreg [dreg:$0x12]  }
0xa8: {  	[spmem:s2] =	stream.indirect.scatter.add.f32 [tilespmem:s25], [sflag:$0x2], $0x80, s28, s22, $0xb8;
	[tilespmem:$0x1D000] =	vst v63  }
0xa9: {  	_ =	swait.ge [sflag:s20], $0x4000  }
0xaa: {  	[sflag:s20] =	ssyncset.done $0x0  }
0xab: {  	[sflag:s20] =	ssyncadd.s32 $0xFFFFC000  }
0xac: {  	_ =	swait.ge [sflag:s23], $0x4000  }
0xad: {  	[sflag:s23] =	ssyncset.done $0x0  }
0xae: {  	s11 =	rddreg [dreg:$0x13];
	[sflag:s23] =	ssyncadd.s32 $0xFFFFC000  }
0xaf: {  	[tilespmem:s25], [sflag:$0x1] =	stream.indirect.gather [hbm4b:s6+s22], $0x80, s11, s22, $0xb8;
	[tilespmem:$0x1D000] =	vst v63  }
0xb0: {  	s28 =	rddreg [dreg:$0x14]  }
0xb1: {  	[spmem:s2] =	stream.indirect.scatter.add.f32 [tilespmem:s19], [sflag:$0x2], $0x80, s28, s22, $0xb8;
	[tilespmem:$0x1D000] =	vst v63  }
0xb2: {  	_ =	swait.ge [sflag:s20], $0x4000  }
0xb3: {  	[sflag:s20] =	ssyncset.done $0x0  }
0xb4: {  	[sflag:s20] =	ssyncadd.s32 $0xFFFFC000  }
0xb5: {  	_ =	swait.ge [sflag:s23], $0x4000  }
0xb6: {  	[sflag:s23] =	ssyncset.done $0x0  }
0xb7: {  	p0 =	sle.u32 s3, $0x2;
	s0 =	rddreg [dreg:$0x15];
	[sflag:s23] =	ssyncadd.s32 $0xFFFFC000  }
0xb8: {  	[tilespmem:s19], [sflag:$0x1] =	stream.indirect.gather [hbm4b:s6+s22], $0x80, s0, s22, $0xb8;
	[tilespmem:$0x1D000] =	vst v63  }
0xb9: {  	s26 =	sadd.s32 @!p0 s1, s18;
	s29 =	simm.s32 @!p0 $0x2;
	s28 =	simm.s32 @!p0 $0x0  }
0xba: {  	[tilespmem:s28], [sflag:$0x2] =	stream.linear.gather @!p0 [hbm4b:s26+s28], $0x400, $0x38;
	[tilespmem:$0x1D000] =	vst v63  }
0xbb: {  	_ =	swait.ge @!p0 [sflag:s29], $0x400  }
0xbc: {  	[sflag:s29] =	ssyncset.done @!p0 $0x0  }
0xbd: {  	s30 =	simm.s32 @!p0 $0x400;
	s26 =	sadd.s32 @!p0 s7, s18;
	[sflag:s29] =	ssyncadd.s32 @!p0 $0xFFFFFC00  }
0xbe: {  	[tilespmem:s30], [sflag:$0x2] =	stream.linear.gather @!p0 [hbm4b:s26+s28], $0x400, $0x38;
	[tilespmem:$0x1D000] =	vst v63  }
0xbf: {  	_ =	swait.ge @!p0 [sflag:s29], $0x400  }
0xc0: {  	[sflag:s29] =	ssyncset.done @!p0 $0x0  }
0xc1: {  	s8 =	rddreg [dreg:$0x16];
	[sflag:s29] =	ssyncadd.s32 @!p0 $0xFFFFFC00  }
0xc2: {  	[spmem:s2] =	stream.indirect.scatter.add.f32 [tilespmem:s25], [sflag:$0x2], $0x80, s8, s22, $0xb8;
	[tilespmem:$0x1D000] =	vst v63  }
0xc3: {  	_ =	swait.ge [sflag:s20], $0x4000  }
0xc4: {  	[sflag:s20] =	ssyncset.done $0x0  }
0xc5: {  	[sflag:s20] =	ssyncadd.s32 $0xFFFFC000  }
0xc6: {  	_ =	swait.ge [sflag:s23], $0x4000  }
0xc7: {  	[sflag:s23] =	ssyncset.done $0x0  }
0xc8: {  	s10 =	rddreg [dreg:$0x17];
	[sflag:s23] =	ssyncadd.s32 $0xFFFFC000  }
0xc9: {  	[tilespmem:s25], [sflag:$0x1] =	stream.indirect.gather [hbm4b:s6+s22], $0x80, s10, s22, $0xb8;
	[tilespmem:$0x1D000] =	vst v63  }
0xca: {  	s28 =	rddreg [dreg:$0x18]  }
0xcb: {  	[spmem:s2] =	stream.indirect.scatter.add.f32 [tilespmem:s19], [sflag:$0x2], $0x80, s28, s22, $0xb8;
	[tilespmem:$0x1D000] =	vst v63  }
0xcc: {  	_ =	swait.ge [sflag:s20], $0x4000  }
0xcd: {  	[sflag:s20] =	ssyncset.done $0x0  }
0xce: {  	[sflag:s20] =	ssyncadd.s32 $0xFFFFC000  }
0xcf: {  	_ =	swait.ge [sflag:s23], $0x4000  }
0xd0: {  	[sflag:s23] =	ssyncset.done $0x0  }
0xd1: {  	s11 =	rddreg [dreg:$0x19];
	[sflag:s23] =	ssyncadd.s32 $0xFFFFC000  }
0xd2: {  	[tilespmem:s19], [sflag:$0x1] =	stream.indirect.gather [hbm4b:s6+s22], $0x80, s11, s22, $0xb8;
	[tilespmem:$0x1D000] =	vst v63  }
0xd3: {  	s28 =	rddreg [dreg:$0x1a]  }
0xd4: {  	[spmem:s2] =	stream.indirect.scatter.add.f32 [tilespmem:s25], [sflag:$0x2], $0x80, s28, s22, $0xb8;
	[tilespmem:$0x1D000] =	vst v63  }
0xd5: {  	_ =	swait.ge [sflag:s20], $0x4000  }
0xd6: {  	[sflag:s20] =	ssyncset.done $0x0  }
0xd7: {  	[sflag:s20] =	ssyncadd.s32 $0xFFFFC000  }
0xd8: {  	_ =	swait.ge [sflag:s23], $0x4000  }
0xd9: {  	[sflag:s23] =	ssyncset.done $0x0  }
0xda: {  	s0 =	rddreg [dreg:$0x1b];
	[sflag:s23] =	ssyncadd.s32 $0xFFFFC000  }
0xdb: {  	[tilespmem:s25], [sflag:$0x1] =	stream.indirect.gather [hbm4b:s6+s22], $0x80, s0, s22, $0xb8;
	[tilespmem:$0x1D000] =	vst v63  }
0xdc: {  	s28 =	rddreg [dreg:$0x1c]  }
0xdd: {  	[spmem:s2] =	stream.indirect.scatter.add.f32 [tilespmem:s19], [sflag:$0x2], $0x80, s28, s22, $0xb8;
	[tilespmem:$0x1D000] =	vst v63  }
0xde: {  	_ =	swait.ge [sflag:s20], $0x4000  }
0xdf: {  	[sflag:s20] =	ssyncset.done $0x0  }
0xe0: {  	[sflag:s20] =	ssyncadd.s32 $0xFFFFC000  }
0xe1: {  	_ =	swait.ge [sflag:s23], $0x4000  }
0xe2: {  	[sflag:s23] =	ssyncset.done $0x0  }
0xe3: {  	s8 =	rddreg [dreg:$0x1d];
	[sflag:s23] =	ssyncadd.s32 $0xFFFFC000  }
0xe4: {  	[tilespmem:s19], [sflag:$0x1] =	stream.indirect.gather [hbm4b:s6+s22], $0x80, s8, s22, $0xb8;
	[tilespmem:$0x1D000] =	vst v63  }
0xe5: {  	s28 =	rddreg [dreg:$0x1e]  }
0xe6: {  	[spmem:s2] =	stream.indirect.scatter.add.f32 [tilespmem:s25], [sflag:$0x2], $0x80, s28, s22, $0xb8;
	[tilespmem:$0x1D000] =	vst v63  }
0xe7: {  	_ =	swait.ge [sflag:s20], $0x4000  }
0xe8: {  	[sflag:s20] =	ssyncset.done $0x0  }
0xe9: {  	[sflag:s20] =	ssyncadd.s32 $0xFFFFC000  }
0xea: {  	_ =	swait.ge [sflag:s23], $0x4000  }
0xeb: {  	s10 =	rddreg [dreg:$0x1f];
	[sflag:s23] =	ssyncset.done $0x0  }
0xec: {  	s28 =	sld [smem:$0x7FC];
	[sflag:s23] =	ssyncadd.s32 $0xFFFFC000  }
0xed: {  	[tilespmem:s25], [sflag:$0x1] =	stream.indirect.gather [hbm4b:s6+s22], $0x80, s10, s22, $0xb8;
	[tilespmem:$0x1D000] =	vst v63  }
0xee: {  	_ = 	snop  }
0xef: {  	[spmem:s2] =	stream.indirect.scatter.add.f32 [tilespmem:s19], [sflag:$0x2], $0x80, s28, s22, $0xb8;
	[tilespmem:$0x1D000] =	vst v63  }
0xf0: {  	_ =	swait.ge [sflag:s20], $0x4000  }
0xf1: {  	[sflag:s20] =	ssyncset.done $0x0  }
0xf2: {  	[sflag:s20] =	ssyncadd.s32 $0xFFFFC000  }
0xf3: {  	_ =	swait.ge [sflag:s23], $0x4000  }
0xf4: {  	s11 =	rddreg [dreg:$0x5];
	[sflag:s23] =	ssyncset.done $0x0  }
0xf5: {  	[sflag:s23] =	ssyncadd.s32 $0xFFFFC000;
	p0 =	sle.u32 s11, $0x1  }
0xf6: {  	s26 =	simm.s32 @!p0 $0x80;
	s28 =	simm.s32 @!p0 $0x0;
	s29 =	simm.s32 @!p0 $0x1000  }
0xf7: {  	[tilespmem:s29], [sflag:$0x1] =	stream.indirect.gather @!p0 [hbm4b:s6+s26], $0x80, s28, s26, $0xb8;
	[tilespmem:$0x1D000] =	vst v63  }
0xf8: {  	p0 =	sne.s32 s5, $0x10  }
.Ltmp1:
0xf9: {  	_ = 	snop;
	(pc) =	sbr.rel @!p0 .LBB2_5-.Ltmp1, $4  }
0xfa: {  	_ = 	snop  }
0xfb: {  	s31 =	sld [smem:$0x7FD]  }
0xfc: {  	s30 =	sadd.s32 $0x100, s1  }
0xfd: {  	s26 =	simm.s32 $0x10;
	s28 =	simm.s32 $0x3;
	s29 =	sadd.s32 $0x100, s7  }
.LBB2_4:
0xfe: {  	[spmem:s2] =	stream.indirect.scatter.add.f32 [tilespmem:s25], [sflag:$0x2], $0x80, s31, s22, $0xb8;
	[tilespmem:$0x1D000] =	vst v63  }
0xff: {  	_ =	swait.ge [sflag:s20], $0x4000  }
0x100: {  	[sflag:s20] =	ssyncset.done $0x0  }
0x101: {  	[sflag:s20] =	ssyncadd.s32 $0xFFFFC000  }
0x102: {  	_ =	swait.ge [sflag:s23], $0x4000  }
0x103: {  	[sflag:s23] =	ssyncset.done $0x0  }
0x104: {  	[sflag:s23] =	ssyncadd.s32 $0xFFFFC000  }
0x105: {  	[tilespmem:s25], [sflag:$0x1] =	stream.indirect.gather [hbm4b:s6+s22], $0x80, s22, s22, $0xb8;
	[tilespmem:$0x1D000] =	vst v63  }
0x106: {  	_ = 	snop  }
0x107: {  	[spmem:s2] =	stream.indirect.scatter.add.f32 [tilespmem:s19], [sflag:$0x2], $0x80, s21, s22, $0xb8;
	[tilespmem:$0x1D000] =	vst v63  }
0x108: {  	_ =	swait.ge [sflag:s20], $0x4000  }
0x109: {  	[sflag:s20] =	ssyncset.done $0x0  }
0x10a: {  	[sflag:s20] =	ssyncadd.s32 $0xFFFFC000  }
0x10b: {  	_ =	swait.ge [sflag:s23], $0x4000  }
0x10c: {  	p1 =	sge.u32 s28, s3;
	[sflag:s23] =	ssyncset.done $0x0  }
0x10d: {  	s8 =	simm.s32 @!p1 $0x800;
	s0 =	rddreg [dreg:$0x6];
	[sflag:s23] =	ssyncadd.s32 $0xFFFFC000  }
0x10e: {  	[tilespmem:s19], [sflag:$0x1] =	stream.indirect.gather [hbm4b:s6+s22], $0x80, s0, s22, $0xb8;
	[tilespmem:$0x1D000] =	vst v63  }
0x10f: {  	s10 =	simm.s32 @!p1 $0x0;
	s11 =	simm.s32 @!p1 $0x2;
	s0 =	sadd.s32 @!p1 s30, s17  }
0x110: {  	[tilespmem:s8], [sflag:$0x2] =	stream.linear.gather @!p1 [hbm4b:s0+s10], $0x400, $0x38;
	[tilespmem:$0x1D000] =	vst v63  }
0x111: {  	_ =	swait.ge @!p1 [sflag:s11], $0x400  }
0x112: {  	[sflag:s11] =	ssyncset.done @!p1 $0x0  }
0x113: {  	s0 =	sadd.s32 @!p1 s29, s17;
	s8 =	simm.s32 @!p1 $0xC00;
	[sflag:s11] =	ssyncadd.s32 @!p1 $0xFFFFFC00  }
0x114: {  	[tilespmem:s8], [sflag:$0x2] =	stream.linear.gather @!p1 [hbm4b:s0+s10], $0x400, $0x38;
	[tilespmem:$0x1D000] =	vst v63  }
0x115: {  	_ =	swait.ge @!p1 [sflag:s11], $0x400  }
0x116: {  	[sflag:s11] =	ssyncset.done @!p1 $0x0  }
0x117: {  	s8 =	rddreg [dreg:$0x7];
	[sflag:s11] =	ssyncadd.s32 @!p1 $0xFFFFFC00  }
0x118: {  	[spmem:s2] =	stream.indirect.scatter.add.f32 [tilespmem:s25], [sflag:$0x2], $0x80, s8, s22, $0xb8;
	[tilespmem:$0x1D000] =	vst v63  }
0x119: {  	_ =	swait.ge [sflag:s20], $0x4000  }
0x11a: {  	[sflag:s20] =	ssyncset.done $0x0  }
0x11b: {  	[sflag:s20] =	ssyncadd.s32 $0xFFFFC000  }
0x11c: {  	_ =	swait.ge [sflag:s23], $0x4000  }
0x11d: {  	[sflag:s23] =	ssyncset.done $0x0  }
0x11e: {  	s10 =	rddreg [dreg:$0x8];
	[sflag:s23] =	ssyncadd.s32 $0xFFFFC000  }
0x11f: {  	[tilespmem:s25], [sflag:$0x1] =	stream.indirect.gather [hbm4b:s6+s22], $0x80, s10, s22, $0xb8;
	[tilespmem:$0x1D000] =	vst v63  }
0x120: {  	s11 =	rddreg [dreg:$0x9]  }
0x121: {  	[spmem:s2] =	stream.indirect.scatter.add.f32 [tilespmem:s19], [sflag:$0x2], $0x80, s11, s22, $0xb8;
	[tilespmem:$0x1D000] =	vst v63  }
0x122: {  	_ =	swait.ge [sflag:s20], $0x4000  }
0x123: {  	[sflag:s20] =	ssyncset.done $0x0  }
0x124: {  	[sflag:s20] =	ssyncadd.s32 $0xFFFFC000  }
0x125: {  	_ =	swait.ge [sflag:s23], $0x4000  }
0x126: {  	[sflag:s23] =	ssyncset.done $0x0  }
0x127: {  	s10 =	rddreg [dreg:$0xa];
	[sflag:s23] =	ssyncadd.s32 $0xFFFFC000  }
0x128: {  	[tilespmem:s19], [sflag:$0x1] =	stream.indirect.gather [hbm4b:s6+s22], $0x80, s10, s22, $0xb8;
	[tilespmem:$0x1D000] =	vst v63  }
0x129: {  	s11 =	rddreg [dreg:$0xb]  }
0x12a: {  	[spmem:s2] =	stream.indirect.scatter.add.f32 [tilespmem:s25], [sflag:$0x2], $0x80, s11, s22, $0xb8;
	[tilespmem:$0x1D000] =	vst v63  }
0x12b: {  	_ =	swait.ge [sflag:s20], $0x4000  }
0x12c: {  	[sflag:s20] =	ssyncset.done $0x0  }
0x12d: {  	[sflag:s20] =	ssyncadd.s32 $0xFFFFC000  }
0x12e: {  	_ =	swait.ge [sflag:s23], $0x4000  }
0x12f: {  	[sflag:s23] =	ssyncset.done $0x0  }
0x130: {  	s10 =	rddreg [dreg:$0xc];
	[sflag:s23] =	ssyncadd.s32 $0xFFFFC000  }
0x131: {  	[tilespmem:s25], [sflag:$0x1] =	stream.indirect.gather [hbm4b:s6+s22], $0x80, s10, s22, $0xb8;
	[tilespmem:$0x1D000] =	vst v63  }
0x132: {  	s11 =	rddreg [dreg:$0xd]  }
0x133: {  	[spmem:s2] =	stream.indirect.scatter.add.f32 [tilespmem:s19], [sflag:$0x2], $0x80, s11, s22, $0xb8;
	[tilespmem:$0x1D000] =	vst v63  }
0x134: {  	_ =	swait.ge [sflag:s20], $0x4000  }
0x135: {  	[sflag:s20] =	ssyncset.done $0x0  }
0x136: {  	[sflag:s20] =	ssyncadd.s32 $0xFFFFC000  }
0x137: {  	_ =	swait.ge [sflag:s23], $0x4000  }
0x138: {  	[sflag:s23] =	ssyncset.done $0x0  }
0x139: {  	s10 =	rddreg [dreg:$0xe];
	[sflag:s23] =	ssyncadd.s32 $0xFFFFC000  }
0x13a: {  	[tilespmem:s19], [sflag:$0x1] =	stream.indirect.gather [hbm4b:s6+s22], $0x80, s10, s22, $0xb8;
	[tilespmem:$0x1D000] =	vst v63  }
0x13b: {  	s11 =	rddreg [dreg:$0xf]  }
0x13c: {  	[spmem:s2] =	stream.indirect.scatter.add.f32 [tilespmem:s25], [sflag:$0x2], $0x80, s11, s22, $0xb8;
	[tilespmem:$0x1D000] =	vst v63  }
0x13d: {  	_ =	swait.ge [sflag:s20], $0x4000  }
0x13e: {  	[sflag:s20] =	ssyncset.done $0x0  }
0x13f: {  	[sflag:s20] =	ssyncadd.s32 $0xFFFFC000  }
0x140: {  	_ =	swait.ge [sflag:s23], $0x4000  }
0x141: {  	[sflag:s23] =	ssyncset.done $0x0  }
0x142: {  	s8 =	rddreg [dreg:$0x10];
	[sflag:s23] =	ssyncadd.s32 $0xFFFFC000  }
0x143: {  	[tilespmem:s25], [sflag:$0x1] =	stream.indirect.gather [hbm4b:s6+s22], $0x80, s8, s22, $0xb8;
	[tilespmem:$0x1D000] =	vst v63  }
0x144: {  	s10 =	rddreg [dreg:$0x11]  }
0x145: {  	[spmem:s2] =	stream.indirect.scatter.add.f32 [tilespmem:s19], [sflag:$0x2], $0x80, s10, s22, $0xb8;
	[tilespmem:$0x1D000] =	vst v63  }
0x146: {  	_ =	swait.ge [sflag:s20], $0x4000  }
0x147: {  	[sflag:s20] =	ssyncset.done $0x0  }
0x148: {  	[sflag:s20] =	ssyncadd.s32 $0xFFFFC000  }
0x149: {  	_ =	swait.ge [sflag:s23], $0x4000  }
0x14a: {  	s31 =	smov.u32 s26;
	s11 =	rddreg [dreg:$0x4];
	[sflag:s23] =	ssyncset.done $0x0  }
0x14b: {  	p1 =	sge.u32 s31, s11;
	[sflag:s23] =	ssyncadd.s32 $0xFFFFC000  }
0x14c: {  	s0 =	simm.s32 @!p1 $0x80;
	s10 =	simm.s32 @!p1 $0x800;
	s11 =	simm.s32 @!p1 $0x1000  }
0x14d: {  	[tilespmem:s11], [sflag:$0x1] =	stream.indirect.gather @!p1 [hbm4b:s6+s0], $0x80, s10, s0, $0xb8;
	[tilespmem:$0x1D000] =	vst v63  }
0x14e: {  	s8 =	rddreg [dreg:$0x12]  }
0x14f: {  	[spmem:s2] =	stream.indirect.scatter.add.f32 [tilespmem:s25], [sflag:$0x2], $0x80, s8, s22, $0xb8;
	[tilespmem:$0x1D000] =	vst v63  }
0x150: {  	_ =	swait.ge [sflag:s20], $0x4000  }
0x151: {  	[sflag:s20] =	ssyncset.done $0x0  }
0x152: {  	[sflag:s20] =	ssyncadd.s32 $0xFFFFC000  }
0x153: {  	_ =	swait.ge [sflag:s23], $0x4000  }
0x154: {  	[sflag:s23] =	ssyncset.done $0x0  }
0x155: {  	s8 =	rddreg [dreg:$0x13];
	[sflag:s23] =	ssyncadd.s32 $0xFFFFC000  }
0x156: {  	[tilespmem:s25], [sflag:$0x1] =	stream.indirect.gather [hbm4b:s6+s22], $0x80, s8, s22, $0xb8;
	[tilespmem:$0x1D000] =	vst v63  }
0x157: {  	s10 =	rddreg [dreg:$0x14]  }
0x158: {  	[spmem:s2] =	stream.indirect.scatter.add.f32 [tilespmem:s19], [sflag:$0x2], $0x80, s10, s22, $0xb8;
	[tilespmem:$0x1D000] =	vst v63  }
0x159: {  	_ =	swait.ge [sflag:s20], $0x4000  }
0x15a: {  	[sflag:s20] =	ssyncset.done $0x0  }
0x15b: {  	[sflag:s20] =	ssyncadd.s32 $0xFFFFC000  }
0x15c: {  	_ =	swait.ge [sflag:s23], $0x4000  }
0x15d: {  	s10 =	sadd.s32 $0x1, s28;
	[sflag:s23] =	ssyncset.done $0x0  }
0x15e: {  	p1 =	sge.u32 s10, s3;
	s11 =	rddreg [dreg:$0x15];
	[sflag:s23] =	ssyncadd.s32 $0xFFFFC000  }
0x15f: {  	[tilespmem:s19], [sflag:$0x1] =	stream.indirect.gather [hbm4b:s6+s22], $0x80, s11, s22, $0xb8;
	[tilespmem:$0x1D000] =	vst v63  }
0x160: {  	s8 =	sadd.s32 @!p1 s30, s18;
	s10 =	simm.s32 @!p1 $0x0;
	s0 =	simm.s32 @!p1 $0x2  }
0x161: {  	[tilespmem:s10], [sflag:$0x2] =	stream.linear.gather @!p1 [hbm4b:s8+s10], $0x400, $0x38;
	[tilespmem:$0x1D000] =	vst v63  }
0x162: {  	_ =	swait.ge @!p1 [sflag:s0], $0x400  }
0x163: {  	[sflag:s0] =	ssyncset.done @!p1 $0x0  }
0x164: {  	s11 =	simm.s32 @!p1 $0x400;
	s8 =	sadd.s32 @!p1 s29, s18;
	[sflag:s0] =	ssyncadd.s32 @!p1 $0xFFFFFC00  }
0x165: {  	[tilespmem:s11], [sflag:$0x2] =	stream.linear.gather @!p1 [hbm4b:s8+s10], $0x400, $0x38;
	[tilespmem:$0x1D000] =	vst v63  }
0x166: {  	_ =	swait.ge @!p1 [sflag:s0], $0x400  }
0x167: {  	[sflag:s0] =	ssyncset.done @!p1 $0x0  }
0x168: {  	s11 =	rddreg [dreg:$0x16];
	[sflag:s0] =	ssyncadd.s32 @!p1 $0xFFFFFC00  }
0x169: {  	[spmem:s2] =	stream.indirect.scatter.add.f32 [tilespmem:s25], [sflag:$0x2], $0x80, s11, s22, $0xb8;
	[tilespmem:$0x1D000] =	vst v63  }
0x16a: {  	_ =	swait.ge [sflag:s20], $0x4000  }
0x16b: {  	[sflag:s20] =	ssyncset.done $0x0  }
0x16c: {  	[sflag:s20] =	ssyncadd.s32 $0xFFFFC000  }
0x16d: {  	_ =	swait.ge [sflag:s23], $0x4000  }
0x16e: {  	[sflag:s23] =	ssyncset.done $0x0  }
0x16f: {  	s10 =	rddreg [dreg:$0x17];
	[sflag:s23] =	ssyncadd.s32 $0xFFFFC000  }
0x170: {  	[tilespmem:s25], [sflag:$0x1] =	stream.indirect.gather [hbm4b:s6+s22], $0x80, s10, s22, $0xb8;
	[tilespmem:$0x1D000] =	vst v63  }
0x171: {  	s11 =	rddreg [dreg:$0x18]  }
0x172: {  	[spmem:s2] =	stream.indirect.scatter.add.f32 [tilespmem:s19], [sflag:$0x2], $0x80, s11, s22, $0xb8;
	[tilespmem:$0x1D000] =	vst v63  }
0x173: {  	_ =	swait.ge [sflag:s20], $0x4000  }
0x174: {  	[sflag:s20] =	ssyncset.done $0x0  }
0x175: {  	[sflag:s20] =	ssyncadd.s32 $0xFFFFC000  }
0x176: {  	_ =	swait.ge [sflag:s23], $0x4000  }
0x177: {  	[sflag:s23] =	ssyncset.done $0x0  }
0x178: {  	s10 =	rddreg [dreg:$0x19];
	[sflag:s23] =	ssyncadd.s32 $0xFFFFC000  }
0x179: {  	[tilespmem:s19], [sflag:$0x1] =	stream.indirect.gather [hbm4b:s6+s22], $0x80, s10, s22, $0xb8;
	[tilespmem:$0x1D000] =	vst v63  }
0x17a: {  	s11 =	rddreg [dreg:$0x1a]  }
0x17b: {  	[spmem:s2] =	stream.indirect.scatter.add.f32 [tilespmem:s25], [sflag:$0x2], $0x80, s11, s22, $0xb8;
	[tilespmem:$0x1D000] =	vst v63  }
0x17c: {  	_ =	swait.ge [sflag:s20], $0x4000  }
0x17d: {  	[sflag:s20] =	ssyncset.done $0x0  }
0x17e: {  	[sflag:s20] =	ssyncadd.s32 $0xFFFFC000  }
0x17f: {  	_ =	swait.ge [sflag:s23], $0x4000  }
0x180: {  	[sflag:s23] =	ssyncset.done $0x0  }
0x181: {  	s10 =	rddreg [dreg:$0x1b];
	[sflag:s23] =	ssyncadd.s32 $0xFFFFC000  }
0x182: {  	[tilespmem:s25], [sflag:$0x1] =	stream.indirect.gather [hbm4b:s6+s22], $0x80, s10, s22, $0xb8;
	[tilespmem:$0x1D000] =	vst v63  }
0x183: {  	s11 =	rddreg [dreg:$0x1c]  }
0x184: {  	[spmem:s2] =	stream.indirect.scatter.add.f32 [tilespmem:s19], [sflag:$0x2], $0x80, s11, s22, $0xb8;
	[tilespmem:$0x1D000] =	vst v63  }
0x185: {  	_ =	swait.ge [sflag:s20], $0x4000  }
0x186: {  	[sflag:s20] =	ssyncset.done $0x0  }
0x187: {  	[sflag:s20] =	ssyncadd.s32 $0xFFFFC000  }
0x188: {  	_ =	swait.ge [sflag:s23], $0x4000  }
0x189: {  	[sflag:s23] =	ssyncset.done $0x0  }
0x18a: {  	s10 =	rddreg [dreg:$0x1d];
	[sflag:s23] =	ssyncadd.s32 $0xFFFFC000  }
0x18b: {  	[tilespmem:s19], [sflag:$0x1] =	stream.indirect.gather [hbm4b:s6+s22], $0x80, s10, s22, $0xb8;
	[tilespmem:$0x1D000] =	vst v63  }
0x18c: {  	s11 =	rddreg [dreg:$0x1e]  }
0x18d: {  	[spmem:s2] =	stream.indirect.scatter.add.f32 [tilespmem:s25], [sflag:$0x2], $0x80, s11, s22, $0xb8;
	[tilespmem:$0x1D000] =	vst v63  }
0x18e: {  	_ =	swait.ge [sflag:s20], $0x4000  }
0x18f: {  	[sflag:s20] =	ssyncset.done $0x0  }
0x190: {  	[sflag:s20] =	ssyncadd.s32 $0xFFFFC000  }
0x191: {  	_ =	swait.ge [sflag:s23], $0x4000  }
0x192: {  	[sflag:s23] =	ssyncset.done $0x0;
	s8 =	rddreg [dreg:$0x1f]  }
0x193: {  	s10 =	sld [smem:$0x7FC];
	[sflag:s23] =	ssyncadd.s32 $0xFFFFC000  }
0x194: {  	[tilespmem:s25], [sflag:$0x1] =	stream.indirect.gather [hbm4b:s6+s22], $0x80, s8, s22, $0xb8;
	[tilespmem:$0x1D000] =	vst v63  }
0x195: {  	_ = 	snop  }
0x196: {  	[spmem:s2] =	stream.indirect.scatter.add.f32 [tilespmem:s19], [sflag:$0x2], $0x80, s10, s22, $0xb8;
	[tilespmem:$0x1D000] =	vst v63  }
0x197: {  	_ =	swait.ge [sflag:s20], $0x4000  }
0x198: {  	[sflag:s20] =	ssyncset.done $0x0  }
0x199: {  	s26 =	sadd.s32 $0x10, s26;
	[sflag:s20] =	ssyncadd.s32 $0xFFFFC000  }
0x19a: {  	p0 =	sne.s32 s5, s26;
	_ =	swait.ge [sflag:s23], $0x4000  }
.Ltmp2:
0x19b: {  	s30 =	sadd.s32 $0x100, s30;
	s11 =	rddreg [dreg:$0x5];
	(pc) =	sbr.rel @p0 .LBB2_4-.Ltmp2, $4  }
0x19c: {  	s29 =	sadd.s32 $0x100, s29;
	[sflag:s23] =	ssyncset.done $0x0;
	s31 =	sld [smem:$0x7FD]  }
0x19d: {  	[sflag:s23] =	ssyncadd.s32 $0xFFFFC000;
	p1 =	sge.u32 s28, s11;
	s28 =	sadd.s32 $0x2, s28  }
0x19e: {  	s0 =	simm.s32 @!p1 $0x80;
	s8 =	simm.s32 @!p1 $0x0;
	s10 =	simm.s32 @!p1 $0x1000  }
0x19f: {  	[tilespmem:s10], [sflag:$0x1] =	stream.indirect.gather @!p1 [hbm4b:s6+s0], $0x80, s8, s0, $0xb8;
	[tilespmem:$0x1D000] =	vst v63  }
.LBB2_5:
0x1a0: {  	[spmem:s2] =	stream.indirect.scatter.add.f32 [tilespmem:s25], [sflag:$0x2], $0x80, s31, s22, $0xb8;
	[tilespmem:$0x1D000] =	vst v63  }
0x1a1: {  	s0 =	stileid.u32;
	_ =	swait.ge [sflag:s20], $0x4000  }
0x1a2: {  	s8 =	sshrl.u32 s9, $0x3;
	s4 =	sadd.s32 $0x1, s4;
	[sflag:s20] =	ssyncset.done $0x0  }
0x1a3: {  	s0 =	sshll.u32 s0, $0x6;
	p0 =	sne.s32 s4, s12;
	[sflag:s20] =	ssyncadd.s32 $0xFFFFC000  }
.Ltmp3:
0x1a4: {  	s0 =	sor.u32 $0x1C02, s0;
	[bflag:$0x0] =	sbarrier.arrive $0xFFFF;
	(pc) =	sbr.rel @p0 .LBB2_1-.Ltmp3, $4  }
0x1a5: {  	[hbm:s24], [sflag:s0] =	dma.local [spmem:s8], $0x2800  }
0x1a6: {  	_ =	swait.ge [sflag:s20], $0x2800  }
0x1a7: {  	[sflag:s20] =	ssyncset.done $0x0  }
0x1a8: {  	[sflag:s20] =	ssyncadd.s32 $0xFFFFD800  }
0x1a9: {  	_ =	sfence.sel $0x180000  }
0x1aa: {  	[bflag:$0x0] =	sbarrier.arrive $0xFFFF  }
0x1ab: {  	_ =	strace $0x9000004D  }
0x1ac: {  	s0 =	stileid.u32;
	[bflag:$0x2] =	sbarrier.arrive $0xFFFF  }
0x1ad: {  	p0 =	sne.s32 s0, $0x0;
	s0 =	rddreg [dreg:$0x3]  }
0x1ae: {  	s0 =	sadd.s32 @!p0 $0x100000, s0  }
0x1af: {  	[sflag:s0] =	ssyncadd.tile.s32 @!p0 $0x1;
	_ =	shalt  }
.Lfunc_end2:
_tile_overlayer_lowered:
.L_overlay_start_2:
0x1b0: {  	(tag) =	ssettag $0x2  }
0x1b1: {  	s0 =	rddreg [dreg:$0x0];
	s2 =	stileid.u32  }
0x1b2: {  	s1 =	rddreg [dreg:$0x1];
	p0 =	sne.s32 s2, $0x0  }
0x1b3: {  	s3 =	rddreg [dreg:$0x2];
	[bflag:$0x3] =	sbarrier.arrive $0xFFFF;
	s2 =	simm.s32 @!p0 $0x1C02  }
0x1b4: {  	[timem:s3], [sflag:s2] =	dma.local @!p0 [hbm:s0], s1  }
0x1b5: {  	s0 =	simm.s32 @!p0 $0x2  }
0x1b6: {  	_ =	swait.ge @!p0 [sflag:s0], s1  }
0x1b7: {  	s1 =	ssub.s32 @!p0 $0x0, s1;
	[sflag:s0] =	ssyncset.done @!p0 $0x0  }
0x1b8: {  	[sflag:s0] =	ssyncadd.s32 @!p0 s1  }
0x1b9: {  	[bflag:$0x3] =	sbarrier.arrive $0xFFFF  }
0x1ba: {  	_ =	shalt  }

</sc_bundles>
